<compile_context>
chip_gen: v7x
topology: tpu7x:2x2x1
jax: 0.10.2.dev20260603
libtpu: 0.0.44.dev20260713+nightly
codegen_flags: <defaults>
</compile_context>

<pallas_src>
import functools

import jax
import jax.numpy as jnp
from jax import lax
from jax.experimental import pallas as pl
from jax.experimental.pallas import tpu as pltpu
from jax.experimental.pallas import tpu_sc as plsc

N_TASKS_K = 8
LATENT_K = 1024
OUT_K = 128
N_TOK = 8192
CH = 1024
NC = N_TOK // CH
QTR = CH // 4
SLOTS = 2

TPW = 256
NZ = 7 * TPW // 128


def _tc_body(task_hbm, x_hbm, w_hbm, bias_hbm, yc_hbm,
             wbuf, biasbuf, taskbuf, xbuf, obuf,
             sem_w, sem_bias, sem_task, sems_x, sems_o):
    def x_copy(c, h):
        slot = c % SLOTS
        return pltpu.make_async_copy(
            x_hbm.at[pl.ds(c * CH + h * QTR, QTR), :],
            xbuf.at[slot, pl.ds(h * QTR, QTR), :],
            sems_x.at[slot, h])

    def o_copy(c):
        slot = c % SLOTS
        return pltpu.make_async_copy(
            obuf.at[slot],
            yc_hbm.at[pl.ds(c * CH, CH), :],
            sems_o.at[slot])

    cw = pltpu.make_async_copy(w_hbm, wbuf, sem_w)
    cb = pltpu.make_async_copy(bias_hbm, biasbuf, sem_bias)
    ct = pltpu.make_async_copy(task_hbm, taskbuf, sem_task)
    cw.start(); cb.start(); ct.start()
    for c in range(2):
        for h in range(4):
            x_copy(c, h).start()
    cw.wait(); cb.wait(); ct.wait()
    w2d = wbuf[...].reshape(N_TASKS_K * OUT_K, LATENT_K)
    wt = jnp.transpose(w2d).astype(jnp.bfloat16)

    for c in range(NC):
        slot = c % SLOTS
        for h in range(4):
            x_copy(c, h).wait()
        if c >= 2:
            o_copy(c - 2).wait()
        xb = xbuf[slot].astype(jnp.bfloat16)
        y = jnp.dot(xb, wt, preferred_element_type=jnp.float32)
        y = y + biasbuf[...]
        tb = taskbuf[0, pl.ds(c * CH, CH)]
        acc = None
        for t in range(N_TASKS_K):
            m = (tb == t).astype(jnp.float32)[:, None]
            term = y[:, t * OUT_K:(t + 1) * OUT_K] * m
            acc = term if acc is None else acc + term
        obuf[slot] = acc
        o_copy(c).start()
        if c + 2 < NC:
            for h in range(4):
                x_copy(c + 2, h).start()
    o_copy(NC - 2).wait()
    o_copy(NC - 1).wait()


def _tc_compact(task, x, W, bias_row):
    return pl.pallas_call(
        _tc_body,
        in_specs=[pl.BlockSpec(memory_space=pl.ANY)] * 4,
        out_specs=pl.BlockSpec(memory_space=pl.ANY),
        out_shape=jax.ShapeDtypeStruct((N_TOK, OUT_K), jnp.float32),
        scratch_shapes=[
            pltpu.VMEM((N_TASKS_K, OUT_K, LATENT_K), jnp.float32),
            pltpu.VMEM((1, N_TASKS_K * OUT_K), jnp.float32),
            pltpu.VMEM((1, N_TOK), jnp.int32),
            pltpu.VMEM((SLOTS, CH, LATENT_K), jnp.float32),
            pltpu.VMEM((SLOTS, CH, OUT_K), jnp.float32),
            pltpu.SemaphoreType.DMA,
            pltpu.SemaphoreType.DMA,
            pltpu.SemaphoreType.DMA,
            pltpu.SemaphoreType.DMA((SLOTS, 4)),
            pltpu.SemaphoreType.DMA((SLOTS,)),
        ],
    )(task, x, W, bias_row)


def _sc_body(yc_hbm, task_hbm, zsrc_hbm, out_hbm,
             taskv, rowsv, zrows, didx1, didx2, zidx1, zidx2,
             sem_in, sem_sc):
    wid = lax.axis_index("s") * 2 + lax.axis_index("c")
    base = wid * TPW

    pltpu.sync_copy(task_hbm.at[pl.ds(base, TPW)], taskv)
    pltpu.sync_copy(zsrc_hbm, zrows)
    pltpu.make_async_copy(yc_hbm.at[pl.ds(base, TPW), :], rowsv, sem_in).start()

    def build_didx(g, carry):
        tv = taskv[pl.ds(g * 16, 16)]
        pos = base + g * 16 + lax.iota(jnp.int32, 16)
        didx1[pl.ds(g * 16, 16)] = tv * N_TOK + pos
        return carry
    lax.fori_loop(0, TPW // 16, build_didx, 0)

    def build_zidx(g, carry):
        tv = taskv[pl.ds(g * 16, 16)]
        pos = base + g * 16 + lax.iota(jnp.int32, 16)
        for j in range(N_TASKS_K - 1):
            tj = j + jnp.where(tv <= j, 1, 0)
            zidx1[pl.ds((g * 7 + j) * 16, 16)] = tj * N_TOK + pos
        return carry
    lax.fori_loop(0, TPW // 16, build_zidx, 0)

    for k in range(2):
        for j in range(8):
            didx2[k, pl.ds(j * 16, 16)] = didx1[pl.ds(k * 128 + j * 16, 16)]
    for k in range(NZ):
        for j in range(8):
            zidx2[k, pl.ds(j * 16, 16)] = zidx1[pl.ds(k * 128 + j * 16, 16)]

    pltpu.make_async_copy(yc_hbm.at[pl.ds(base, TPW), :], rowsv, sem_in).wait()

    scats = []
    for k in range(2):
        scats.append(pltpu.make_async_copy(
            rowsv.at[pl.ds(k * 128, 128), :],
            out_hbm.at[didx2.at[k]], sem_sc))
    for k in range(NZ):
        scats.append(pltpu.make_async_copy(
            zrows, out_hbm.at[zidx2.at[k]], sem_sc))
    for s in scats:
        s.start()
    for s in scats:
        s.wait()


_sc_scatter = functools.partial(
    pl.kernel,
    out_type=jax.ShapeDtypeStruct((N_TASKS_K * N_TOK, OUT_K), jnp.float32),
    mesh=plsc.VectorSubcoreMesh(core_axis_name="c", subcore_axis_name="s"),
    scratch_types=[
        pltpu.VMEM((TPW,), jnp.int32),
        pltpu.VMEM((TPW, OUT_K), jnp.float32),
        pltpu.VMEM((128, OUT_K), jnp.float32),
        pltpu.VMEM((TPW,), jnp.int32),
        pltpu.VMEM((2, 128), jnp.int32),
        pltpu.VMEM((NZ * 128 + 16,), jnp.int32),
        pltpu.VMEM((NZ, 128), jnp.int32),
        pltpu.SemaphoreType.DMA,
        pltpu.SemaphoreType.DMA,
    ],
)(_sc_body)


def kernel(output_latents, output_task_index, W, b):
    Bsz, T, D = output_latents.shape
    N = Bsz * T
    x = output_latents.reshape(N, D)
    task2d = output_task_index.reshape(1, N).astype(jnp.int32)
    task1d = output_task_index.reshape(N).astype(jnp.int32)
    bias_row = b.reshape(1, N_TASKS_K * OUT_K)
    zsrc = jnp.zeros((128, OUT_K), jnp.float32)

    yc = _tc_compact(task2d, x, W, bias_row)
    outflat = _sc_scatter(yc, task1d, zsrc)
    return outflat.reshape(N_TASKS_K, Bsz, T, OUT_K)

# --- scband reference (transcript-rebuilt; emitter-appended) ---
"""Pipeline reference for scband-multitask-readout-67190468379079 (READ-ONLY COPY).

The authoritative reference and input builder live on the scoring server;
editing this copy changes nothing except your own understanding.
"""

import jax, jax.numpy as jnp
import numpy as np

N_TASKS = 8
LATENT_DIM = 1024
OUT_DIM = 128
B = 2
T = 4096

def setup_inputs(seed: int = 0) -> dict:
    key = jax.random.key(seed)
    k0, k1, k2 = jax.random.split(key, 3)
    output_latents = jax.random.normal(k0, (B, T, LATENT_DIM), dtype=jnp.float32)
    output_task_index = jax.random.randint(k1, (B, T), 0, N_TASKS).astype(jnp.int64)
    # per-task Linear(latent_dim -> out_dim) weights and biases (nn.Linear layout: [out, in])
    W = jax.random.normal(k2, (N_TASKS, OUT_DIM, LATENT_DIM), dtype=jnp.float32) * 0.02
    b = jnp.zeros((N_TASKS, OUT_DIM), dtype=jnp.float32)
    return {"output_latents": output_latents, "output_task_index": output_task_index, "W": W, "b": b}

def reference(output_latents, output_task_index, W, b):
    # Faithful translation of MultitaskReadout.forward with output_values=None (inference path).
    # For each task head, project the tokens routed to it (mask = output_task_index == taskid)
    # through that task's nn.Linear. Variable-length gathered outputs are represented as
    # dense [B, T, out_dim] tensors zero-masked outside the task's tokens, stacked over tasks.
    outs = []
    for t in range(N_TASKS):
        mask = (output_task_index == t)
        proj = jnp.einsum('btd,od->bto', output_latents, W[t]) + b[t]
        proj = proj * mask[..., None].astype(proj.dtype)
        outs.append(proj)
    return jnp.stack(outs, axis=0)  # [N_TASKS, B, T, OUT_DIM]

if __name__ == "__main__":
    import jax
    _d = setup_inputs()
    print(jax.jit(kernel)(*tuple(_d.values())))

</pallas_src>

<mosaic_0001>
#map = affine_map<(d0, d1) -> (0, 0)>
#map1 = affine_map<(d0, d1) -> (0)>
module attributes {stable_mosaic.version = 14 : i64} {
  func.func @_sc_body(%arg0: i32, %arg1: i32, %arg2: memref<8192x128xf32, #tpu.memory_space<hbm>>, %arg3: memref<8192xi32, #tpu.memory_space<hbm>>, %arg4: memref<128x128xf32, #tpu.memory_space<hbm>>, %arg5: memref<65536x128xf32, #tpu.memory_space<hbm>>, %arg6: memref<256xi32, #tpu.memory_space<vmem>>, %arg7: memref<256x128xf32, #tpu.memory_space<vmem>>, %arg8: memref<128x128xf32, #tpu.memory_space<vmem>>, %arg9: memref<256xi32, #tpu.memory_space<vmem>>, %arg10: memref<2x128xi32, #tpu.memory_space<vmem>>, %arg11: memref<1808xi32, #tpu.memory_space<vmem>>, %arg12: memref<14x128xi32, #tpu.memory_space<vmem>>, %arg13: memref<!tpu.dma_semaphore, #tpu.memory_space<semaphore_mem>>, %arg14: memref<!tpu.dma_semaphore, #tpu.memory_space<semaphore_mem>>) attributes {dimension_semantics = [#tpu.dimension_semantics<core_parallel>, #tpu.dimension_semantics<subcore_parallel>], iteration_bounds = array<i64: 2, 16>, scalar_prefetch = 0 : i64, scratch_operands = 9 : i64, tpu.core_type = #tpu.core_type<sc_vector_subcore>, window_params = [{transform_indices = #map}, {transform_indices = #map1}, {transform_indices = #map}, {transform_indices = #map}]} {
    %mul3A = arith.constant 2 : i32
    %mul3A_0 = arith.muli %arg1, %mul3A : i32
    %add3A = arith.addi %mul3A_0, %arg0 : i32
    %mul3A_1 = arith.constant 256 : i32
    %mul3A_2 = arith.muli %add3A, %mul3A_1 : i32
    "tpu.region"() ({
      %run_scoped3A = tpu.sem_alloc : memref<!tpu.dma_semaphore, #tpu.memory_space<semaphore_mem>>
      %dma_start3A_1406 = tpu.memref_slice %arg3[%mul3A_2] : memref<8192xi32, #tpu.memory_space<hbm>> -> memref<256xi32, #tpu.memory_space<hbm>>
      %dma_start3A_1407 = tpu.memref_slice %arg3[%mul3A_2] : memref<8192xi32, #tpu.memory_space<hbm>> -> memref<256xi32, #tpu.memory_space<hbm>>
      tpu.enqueue_dma source(%dma_start3A_1407 : memref<256xi32, #tpu.memory_space<hbm>>) target(%arg6 : memref<256xi32, #tpu.memory_space<vmem>>) target_semaphore(%run_scoped3A : memref<!tpu.dma_semaphore, #tpu.memory_space<semaphore_mem>>)
      %dma_wait3A_1408 = tpu.memref_slice %arg3[%mul3A_2] : memref<8192xi32, #tpu.memory_space<hbm>> -> memref<256xi32, #tpu.memory_space<hbm>>
      %dma_wait3A_1409 = tpu.memref_slice %arg3[%mul3A_2] : memref<8192xi32, #tpu.memory_space<hbm>> -> memref<256xi32, #tpu.memory_space<hbm>>
      tpu.wait_dma2 semaphore(%run_scoped3A : memref<!tpu.dma_semaphore, #tpu.memory_space<semaphore_mem>>) src(%dma_wait3A_1409 : memref<256xi32, #tpu.memory_space<hbm>>) dst(%arg6 : memref<256xi32, #tpu.memory_space<vmem>>)
      tpu.yield
    }) : () -> ()
    "tpu.region"() ({
      %run_scoped3A = tpu.sem_alloc : memref<!tpu.dma_semaphore, #tpu.memory_space<semaphore_mem>>
      tpu.enqueue_dma source(%arg4 : memref<128x128xf32, #tpu.memory_space<hbm>>) target(%arg8 : memref<128x128xf32, #tpu.memory_space<vmem>>) target_semaphore(%run_scoped3A : memref<!tpu.dma_semaphore, #tpu.memory_space<semaphore_mem>>)
      tpu.wait_dma2 semaphore(%run_scoped3A : memref<!tpu.dma_semaphore, #tpu.memory_space<semaphore_mem>>) src(%arg4 : memref<128x128xf32, #tpu.memory_space<hbm>>) dst(%arg8 : memref<128x128xf32, #tpu.memory_space<vmem>>)
      tpu.yield
    }) : () -> ()
    %dma_start3A = arith.constant 0 : i32
    %dma_start3A_3 = tpu.memref_slice %arg2[%mul3A_2, %dma_start3A] : memref<8192x128xf32, #tpu.memory_space<hbm>> -> memref<256x128xf32, #tpu.memory_space<hbm>>
    %dma_start3A_4 = arith.constant 0 : i32
    %dma_start3A_5 = tpu.memref_slice %arg2[%mul3A_2, %dma_start3A_4] : memref<8192x128xf32, #tpu.memory_space<hbm>> -> memref<256x128xf32, #tpu.memory_space<hbm>>
    tpu.enqueue_dma source(%dma_start3A_5 : memref<256x128xf32, #tpu.memory_space<hbm>>) target(%arg7 : memref<256x128xf32, #tpu.memory_space<vmem>>) target_semaphore(%arg13 : memref<!tpu.dma_semaphore, #tpu.memory_space<semaphore_mem>>)
    %scan3A = arith.constant 0 : i32
    %scan3A_6 = arith.constant 0 : i32
    %scan3A_7 = arith.constant 16 : i32
    %scan3A_8 = arith.addi %scan3A_6, %scan3A_7 : i32
    %scan3A_9 = arith.constant 1 : i32
    scf.for %scan3A_1406 = %scan3A_6 to %scan3A_8 step %scan3A_9  : i32 {
      %mul3A_1407 = arith.constant 16 : i32
      %mul3A_1408 = arith.muli %scan3A_1406, %mul3A_1407 : i32
      %get3A_1409 = arith.index_cast %mul3A_1408 : i32 to index
      %get3A_1410 = tpu.vector_load %arg6[%get3A_1409] {strides = array<i32>} : memref<256xi32, #tpu.memory_space<vmem>>, vector<16xi32>,
      %get3A_1411 = vector.shape_cast %get3A_1410 : vector<16xi32> to vector<16xi32>
      %mul3A_1412 = arith.constant 16 : i32
      %mul3A_1413 = arith.muli %scan3A_1406, %mul3A_1412 : i32
      %add3A_1414 = arith.addi %mul3A_2, %mul3A_1413 : i32
      %iota3A = tpu.iota {dimensions = array<i32: 0>} : vector<16xi32>
      %add3A_1415 = vector.broadcast %add3A_1414 : i32 to vector<16xi32>
      %add3A_1416 = arith.addi %add3A_1415, %iota3A : vector<16xi32>
      %mul3A_1417 = arith.constant 8192 : i32
      %mul3A_1418 = vector.broadcast %mul3A_1417 : i32 to vector<16xi32>
      %mul3A_1419 = arith.muli %get3A_1411, %mul3A_1418 : vector<16xi32>
      %add3A_1420 = arith.addi %mul3A_1419, %add3A_1416 : vector<16xi32>
      %mul3A_1421 = arith.constant 16 : i32
      %mul3A_1422 = arith.muli %scan3A_1406, %mul3A_1421 : i32
      %swap3A_1423 = arith.index_cast %mul3A_1422 : i32 to index
      %swap3A_1424 = tpu.vector_load %arg9[%swap3A_1423] {strides = array<i32>} : memref<256xi32, #tpu.memory_space<vmem>>, vector<16xi32>,
      %swap3A_1425 = vector.shape_cast %swap3A_1424 : vector<16xi32> to vector<16xi32>
      %swap3A_1426 = vector.shape_cast %add3A_1420 : vector<16xi32> to vector<16xi32>
      tpu.vector_store %arg9[%swap3A_1423], %swap3A_1426 {strides = array<i32>} : memref<256xi32, #tpu.memory_space<vmem>>, vector<16xi32>,
    }
    %scan3A_10 = arith.constant 16 : i32
    %scan3A_11 = arith.constant 0 : i32
    %scan3A_12 = arith.constant 0 : i32
    %scan3A_13 = arith.constant 16 : i32
    %scan3A_14 = arith.addi %scan3A_12, %scan3A_13 : i32
    %scan3A_15 = arith.constant 1 : i32
    scf.for %scan3A_1406 = %scan3A_12 to %scan3A_14 step %scan3A_15  : i32 {
      %mul3A_1407 = arith.constant 16 : i32
      %mul3A_1408 = arith.muli %scan3A_1406, %mul3A_1407 : i32
      %get3A_1409 = arith.index_cast %mul3A_1408 : i32 to index
      %get3A_1410 = tpu.vector_load %arg6[%get3A_1409] {strides = array<i32>} : memref<256xi32, #tpu.memory_space<vmem>>, vector<16xi32>,
      %get3A_1411 = vector.shape_cast %get3A_1410 : vector<16xi32> to vector<16xi32>
      %mul3A_1412 = arith.constant 16 : i32
      %mul3A_1413 = arith.muli %scan3A_1406, %mul3A_1412 : i32
      %add3A_1414 = arith.addi %mul3A_2, %mul3A_1413 : i32
      %iota3A = tpu.iota {dimensions = array<i32: 0>} : vector<16xi32>
      %add3A_1415 = vector.broadcast %add3A_1414 : i32 to vector<16xi32>
      %add3A_1416 = arith.addi %add3A_1415, %iota3A : vector<16xi32>
      %le3A = arith.constant 0 : i32
      %le3A_1417 = vector.broadcast %le3A : i32 to vector<16xi32>
      %le3A_1418 = arith.cmpi sle, %get3A_1411, %le3A_1417 : vector<16xi32>
      %jit3A = arith.constant 1 : i32
      %jit3A_1419 = arith.constant 0 : i32
      %broadcast_in_dim3A = vector.broadcast %jit3A : i32 to vector<16xi32>
      %broadcast_in_dim3A_1420 = vector.broadcast %jit3A_1419 : i32 to vector<16xi32>
      %select_n3A = arith.select %le3A_1418, %broadcast_in_dim3A, %broadcast_in_dim3A_1420 : vector<16xi1>, vector<16xi32>
      %add3A_1421 = arith.constant 0 : i32
      %add3A_1422 = vector.broadcast %add3A_1421 : i32 to vector<16xi32>
      %add3A_1423 = arith.addi %add3A_1422, %select_n3A : vector<16xi32>
      %mul3A_1424 = arith.constant 8192 : i32
      %mul3A_1425 = vector.broadcast %mul3A_1424 : i32 to vector<16xi32>
      %mul3A_1426 = arith.muli %add3A_1423, %mul3A_1425 : vector<16xi32>
      %add3A_1427 = arith.addi %mul3A_1426, %add3A_1416 : vector<16xi32>
      %mul3A_1428 = arith.constant 7 : i32
      %mul3A_1429 = arith.muli %scan3A_1406, %mul3A_1428 : i32
      %add3A_1430 = arith.constant 0 : i32
      %add3A_1431 = arith.addi %mul3A_1429, %add3A_1430 : i32
      %mul3A_1432 = arith.constant 16 : i32
      %mul3A_1433 = arith.muli %add3A_1431, %mul3A_1432 : i32
      %swap3A_1434 = arith.index_cast %mul3A_1433 : i32 to index
      %swap3A_1435 = tpu.vector_load %arg11[%swap3A_1434] {strides = array<i32>} : memref<1808xi32, #tpu.memory_space<vmem>>, vector<16xi32>,
      %swap3A_1436 = vector.shape_cast %swap3A_1435 : vector<16xi32> to vector<16xi32>
      %swap3A_1437 = vector.shape_cast %add3A_1427 : vector<16xi32> to vector<16xi32>
      tpu.vector_store %arg11[%swap3A_1434], %swap3A_1437 {strides = array<i32>} : memref<1808xi32, #tpu.memory_space<vmem>>, vector<16xi32>,
      %le3A_1438 = arith.constant 1 : i32
      %le3A_1439 = vector.broadcast %le3A_1438 : i32 to vector<16xi32>
      %le3A_1440 = arith.cmpi sle, %get3A_1411, %le3A_1439 : vector<16xi32>
      %jit3A_1441 = arith.constant 1 : i32
      %jit3A_1442 = arith.constant 0 : i32
      %broadcast_in_dim3A_1443 = vector.broadcast %jit3A_1441 : i32 to vector<16xi32>
      %broadcast_in_dim3A_1444 = vector.broadcast %jit3A_1442 : i32 to vector<16xi32>
      %select_n3A_1445 = arith.select %le3A_1440, %broadcast_in_dim3A_1443, %broadcast_in_dim3A_1444 : vector<16xi1>, vector<16xi32>
      %add3A_1446 = arith.constant 1 : i32
      %add3A_1447 = vector.broadcast %add3A_1446 : i32 to vector<16xi32>
      %add3A_1448 = arith.addi %add3A_1447, %select_n3A_1445 : vector<16xi32>
      %mul3A_1449 = arith.constant 8192 : i32
      %mul3A_1450 = vector.broadcast %mul3A_1449 : i32 to vector<16xi32>
      %mul3A_1451 = arith.muli %add3A_1448, %mul3A_1450 : vector<16xi32>
      %add3A_1452 = arith.addi %mul3A_1451, %add3A_1416 : vector<16xi32>
      %mul3A_1453 = arith.constant 7 : i32
      %mul3A_1454 = arith.muli %scan3A_1406, %mul3A_1453 : i32
      %add3A_1455 = arith.constant 1 : i32
      %add3A_1456 = arith.addi %mul3A_1454, %add3A_1455 : i32
      %mul3A_1457 = arith.constant 16 : i32
      %mul3A_1458 = arith.muli %add3A_1456, %mul3A_1457 : i32
      %swap3A_1459 = arith.index_cast %mul3A_1458 : i32 to index
      %swap3A_1460 = tpu.vector_load %arg11[%swap3A_1459] {strides = array<i32>} : memref<1808xi32, #tpu.memory_space<vmem>>, vector<16xi32>,
      %swap3A_1461 = vector.shape_cast %swap3A_1460 : vector<16xi32> to vector<16xi32>
      %swap3A_1462 = vector.shape_cast %add3A_1452 : vector<16xi32> to vector<16xi32>
      tpu.vector_store %arg11[%swap3A_1459], %swap3A_1462 {strides = array<i32>} : memref<1808xi32, #tpu.memory_space<vmem>>, vector<16xi32>,
      %le3A_1463 = arith.constant 2 : i32
      %le3A_1464 = vector.broadcast %le3A_1463 : i32 to vector<16xi32>
      %le3A_1465 = arith.cmpi sle, %get3A_1411, %le3A_1464 : vector<16xi32>
      %jit3A_1466 = arith.constant 1 : i32
      %jit3A_1467 = arith.constant 0 : i32
      %broadcast_in_dim3A_1468 = vector.broadcast %jit3A_1466 : i32 to vector<16xi32>
      %broadcast_in_dim3A_1469 = vector.broadcast %jit3A_1467 : i32 to vector<16xi32>
      %select_n3A_1470 = arith.select %le3A_1465, %broadcast_in_dim3A_1468, %broadcast_in_dim3A_1469 : vector<16xi1>, vector<16xi32>
      %add3A_1471 = arith.constant 2 : i32
      %add3A_1472 = vector.broadcast %add3A_1471 : i32 to vector<16xi32>
      %add3A_1473 = arith.addi %add3A_1472, %select_n3A_1470 : vector<16xi32>
      %mul3A_1474 = arith.constant 8192 : i32
      %mul3A_1475 = vector.broadcast %mul3A_1474 : i32 to vector<16xi32>
      %mul3A_1476 = arith.muli %add3A_1473, %mul3A_1475 : vector<16xi32>
      %add3A_1477 = arith.addi %mul3A_1476, %add3A_1416 : vector<16xi32>
      %mul3A_1478 = arith.constant 7 : i32
      %mul3A_1479 = arith.muli %scan3A_1406, %mul3A_1478 : i32
      %add3A_1480 = arith.constant 2 : i32
      %add3A_1481 = arith.addi %mul3A_1479, %add3A_1480 : i32
      %mul3A_1482 = arith.constant 16 : i32
      %mul3A_1483 = arith.muli %add3A_1481, %mul3A_1482 : i32
      %swap3A_1484 = arith.index_cast %mul3A_1483 : i32 to index
      %swap3A_1485 = tpu.vector_load %arg11[%swap3A_1484] {strides = array<i32>} : memref<1808xi32, #tpu.memory_space<vmem>>, vector<16xi32>,
      %swap3A_1486 = vector.shape_cast %swap3A_1485 : vector<16xi32> to vector<16xi32>
      %swap3A_1487 = vector.shape_cast %add3A_1477 : vector<16xi32> to vector<16xi32>
      tpu.vector_store %arg11[%swap3A_1484], %swap3A_1487 {strides = array<i32>} : memref<1808xi32, #tpu.memory_space<vmem>>, vector<16xi32>,
      %le3A_1488 = arith.constant 3 : i32
      %le3A_1489 = vector.broadcast %le3A_1488 : i32 to vector<16xi32>
      %le3A_1490 = arith.cmpi sle, %get3A_1411, %le3A_1489 : vector<16xi32>
      %jit3A_1491 = arith.constant 1 : i32
      %jit3A_1492 = arith.constant 0 : i32
      %broadcast_in_dim3A_1493 = vector.broadcast %jit3A_1491 : i32 to vector<16xi32>
      %broadcast_in_dim3A_1494 = vector.broadcast %jit3A_1492 : i32 to vector<16xi32>
      %select_n3A_1495 = arith.select %le3A_1490, %broadcast_in_dim3A_1493, %broadcast_in_dim3A_1494 : vector<16xi1>, vector<16xi32>
      %add3A_1496 = arith.constant 3 : i32
      %add3A_1497 = vector.broadcast %add3A_1496 : i32 to vector<16xi32>
      %add3A_1498 = arith.addi %add3A_1497, %select_n3A_1495 : vector<16xi32>
      %mul3A_1499 = arith.constant 8192 : i32
      %mul3A_1500 = vector.broadcast %mul3A_1499 : i32 to vector<16xi32>
      %mul3A_1501 = arith.muli %add3A_1498, %mul3A_1500 : vector<16xi32>
      %add3A_1502 = arith.addi %mul3A_1501, %add3A_1416 : vector<16xi32>
      %mul3A_1503 = arith.constant 7 : i32
      %mul3A_1504 = arith.muli %scan3A_1406, %mul3A_1503 : i32
      %add3A_1505 = arith.constant 3 : i32
      %add3A_1506 = arith.addi %mul3A_1504, %add3A_1505 : i32
      %mul3A_1507 = arith.constant 16 : i32
      %mul3A_1508 = arith.muli %add3A_1506, %mul3A_1507 : i32
      %swap3A_1509 = arith.index_cast %mul3A_1508 : i32 to index
      %swap3A_1510 = tpu.vector_load %arg11[%swap3A_1509] {strides = array<i32>} : memref<1808xi32, #tpu.memory_space<vmem>>, vector<16xi32>,
      %swap3A_1511 = vector.shape_cast %swap3A_1510 : vector<16xi32> to vector<16xi32>
      %swap3A_1512 = vector.shape_cast %add3A_1502 : vector<16xi32> to vector<16xi32>
      tpu.vector_store %arg11[%swap3A_1509], %swap3A_1512 {strides = array<i32>} : memref<1808xi32, #tpu.memory_space<vmem>>, vector<16xi32>,
      %le3A_1513 = arith.constant 4 : i32
      %le3A_1514 = vector.broadcast %le3A_1513 : i32 to vector<16xi32>
      %le3A_1515 = arith.cmpi sle, %get3A_1411, %le3A_1514 : vector<16xi32>
      %jit3A_1516 = arith.constant 1 : i32
      %jit3A_1517 = arith.constant 0 : i32
      %broadcast_in_dim3A_1518 = vector.broadcast %jit3A_1516 : i32 to vector<16xi32>
      %broadcast_in_dim3A_1519 = vector.broadcast %jit3A_1517 : i32 to vector<16xi32>
      %select_n3A_1520 = arith.select %le3A_1515, %broadcast_in_dim3A_1518, %broadcast_in_dim3A_1519 : vector<16xi1>, vector<16xi32>
      %add3A_1521 = arith.constant 4 : i32
      %add3A_1522 = vector.broadcast %add3A_1521 : i32 to vector<16xi32>
      %add3A_1523 = arith.addi %add3A_1522, %select_n3A_1520 : vector<16xi32>
      %mul3A_1524 = arith.constant 8192 : i32
      %mul3A_1525 = vector.broadcast %mul3A_1524 : i32 to vector<16xi32>
      %mul3A_1526 = arith.muli %add3A_1523, %mul3A_1525 : vector<16xi32>
      %add3A_1527 = arith.addi %mul3A_1526, %add3A_1416 : vector<16xi32>
      %mul3A_1528 = arith.constant 7 : i32
      %mul3A_1529 = arith.muli %scan3A_1406, %mul3A_1528 : i32
      %add3A_1530 = arith.constant 4 : i32
      %add3A_1531 = arith.addi %mul3A_1529, %add3A_1530 : i32
      %mul3A_1532 = arith.constant 16 : i32
      %mul3A_1533 = arith.muli %add3A_1531, %mul3A_1532 : i32
      %swap3A_1534 = arith.index_cast %mul3A_1533 : i32 to index
      %swap3A_1535 = tpu.vector_load %arg11[%swap3A_1534] {strides = array<i32>} : memref<1808xi32, #tpu.memory_space<vmem>>, vector<16xi32>,
      %swap3A_1536 = vector.shape_cast %swap3A_1535 : vector<16xi32> to vector<16xi32>
      %swap3A_1537 = vector.shape_cast %add3A_1527 : vector<16xi32> to vector<16xi32>
      tpu.vector_store %arg11[%swap3A_1534], %swap3A_1537 {strides = array<i32>} : memref<1808xi32, #tpu.memory_space<vmem>>, vector<16xi32>,
      %le3A_1538 = arith.constant 5 : i32
      %le3A_1539 = vector.broadcast %le3A_1538 : i32 to vector<16xi32>
      %le3A_1540 = arith.cmpi sle, %get3A_1411, %le3A_1539 : vector<16xi32>
      %jit3A_1541 = arith.constant 1 : i32
      %jit3A_1542 = arith.constant 0 : i32
      %broadcast_in_dim3A_1543 = vector.broadcast %jit3A_1541 : i32 to vector<16xi32>
      %broadcast_in_dim3A_1544 = vector.broadcast %jit3A_1542 : i32 to vector<16xi32>
      %select_n3A_1545 = arith.select %le3A_1540, %broadcast_in_dim3A_1543, %broadcast_in_dim3A_1544 : vector<16xi1>, vector<16xi32>
      %add3A_1546 = arith.constant 5 : i32
      %add3A_1547 = vector.broadcast %add3A_1546 : i32 to vector<16xi32>
      %add3A_1548 = arith.addi %add3A_1547, %select_n3A_1545 : vector<16xi32>
      %mul3A_1549 = arith.constant 8192 : i32
      %mul3A_1550 = vector.broadcast %mul3A_1549 : i32 to vector<16xi32>
      %mul3A_1551 = arith.muli %add3A_1548, %mul3A_1550 : vector<16xi32>
      %add3A_1552 = arith.addi %mul3A_1551, %add3A_1416 : vector<16xi32>
      %mul3A_1553 = arith.constant 7 : i32
      %mul3A_1554 = arith.muli %scan3A_1406, %mul3A_1553 : i32
      %add3A_1555 = arith.constant 5 : i32
      %add3A_1556 = arith.addi %mul3A_1554, %add3A_1555 : i32
      %mul3A_1557 = arith.constant 16 : i32
      %mul3A_1558 = arith.muli %add3A_1556, %mul3A_1557 : i32
      %swap3A_1559 = arith.index_cast %mul3A_1558 : i32 to index
      %swap3A_1560 = tpu.vector_load %arg11[%swap3A_1559] {strides = array<i32>} : memref<1808xi32, #tpu.memory_space<vmem>>, vector<16xi32>,
      %swap3A_1561 = vector.shape_cast %swap3A_1560 : vector<16xi32> to vector<16xi32>
      %swap3A_1562 = vector.shape_cast %add3A_1552 : vector<16xi32> to vector<16xi32>
      tpu.vector_store %arg11[%swap3A_1559], %swap3A_1562 {strides = array<i32>} : memref<1808xi32, #tpu.memory_space<vmem>>, vector<16xi32>,
      %le3A_1563 = arith.constant 6 : i32
      %le3A_1564 = vector.broadcast %le3A_1563 : i32 to vector<16xi32>
      %le3A_1565 = arith.cmpi sle, %get3A_1411, %le3A_1564 : vector<16xi32>
      %jit3A_1566 = arith.constant 1 : i32
      %jit3A_1567 = arith.constant 0 : i32
      %broadcast_in_dim3A_1568 = vector.broadcast %jit3A_1566 : i32 to vector<16xi32>
      %broadcast_in_dim3A_1569 = vector.broadcast %jit3A_1567 : i32 to vector<16xi32>
      %select_n3A_1570 = arith.select %le3A_1565, %broadcast_in_dim3A_1568, %broadcast_in_dim3A_1569 : vector<16xi1>, vector<16xi32>
      %add3A_1571 = arith.constant 6 : i32
      %add3A_1572 = vector.broadcast %add3A_1571 : i32 to vector<16xi32>
      %add3A_1573 = arith.addi %add3A_1572, %select_n3A_1570 : vector<16xi32>
      %mul3A_1574 = arith.constant 8192 : i32
      %mul3A_1575 = vector.broadcast %mul3A_1574 : i32 to vector<16xi32>
      %mul3A_1576 = arith.muli %add3A_1573, %mul3A_1575 : vector<16xi32>
      %add3A_1577 = arith.addi %mul3A_1576, %add3A_1416 : vector<16xi32>
      %mul3A_1578 = arith.constant 7 : i32
      %mul3A_1579 = arith.muli %scan3A_1406, %mul3A_1578 : i32
      %add3A_1580 = arith.constant 6 : i32
      %add3A_1581 = arith.addi %mul3A_1579, %add3A_1580 : i32
      %mul3A_1582 = arith.constant 16 : i32
      %mul3A_1583 = arith.muli %add3A_1581, %mul3A_1582 : i32
      %swap3A_1584 = arith.index_cast %mul3A_1583 : i32 to index
      %swap3A_1585 = tpu.vector_load %arg11[%swap3A_1584] {strides = array<i32>} : memref<1808xi32, #tpu.memory_space<vmem>>, vector<16xi32>,
      %swap3A_1586 = vector.shape_cast %swap3A_1585 : vector<16xi32> to vector<16xi32>
      %swap3A_1587 = vector.shape_cast %add3A_1577 : vector<16xi32> to vector<16xi32>
      tpu.vector_store %arg11[%swap3A_1584], %swap3A_1587 {strides = array<i32>} : memref<1808xi32, #tpu.memory_space<vmem>>, vector<16xi32>,
    }
    %scan3A_16 = arith.constant 16 : i32
    %get3A = arith.constant 0 : index
    %get3A_17 = tpu.vector_load %arg9[%get3A] {strides = array<i32>} : memref<256xi32, #tpu.memory_space<vmem>>, vector<16xi32>,
    %get3A_18 = vector.shape_cast %get3A_17 : vector<16xi32> to vector<16xi32>
    %swap3A = arith.constant 0 : i32
    %swap3A_19 = arith.index_cast %swap3A : i32 to index
    %swap3A_20 = arith.constant 0 : index
    %swap3A_21 = tpu.vector_load %arg10[%swap3A_19, %swap3A_20] {strides = array<i32>} : memref<2x128xi32, #tpu.memory_space<vmem>>, vector<1x16xi32>,
    %swap3A_22 = vector.shape_cast %swap3A_21 : vector<1x16xi32> to vector<16xi32>
    %swap3A_23 = vector.shape_cast %get3A_18 : vector<16xi32> to vector<1x16xi32>
    tpu.vector_store %arg10[%swap3A_19, %swap3A_20], %swap3A_23 {strides = array<i32>} : memref<2x128xi32, #tpu.memory_space<vmem>>, vector<1x16xi32>,
    %get3A_24 = arith.constant 16 : index
    %get3A_25 = tpu.vector_load %arg9[%get3A_24] {strides = array<i32>} : memref<256xi32, #tpu.memory_space<vmem>>, vector<16xi32>,
    %get3A_26 = vector.shape_cast %get3A_25 : vector<16xi32> to vector<16xi32>
    %swap3A_27 = arith.constant 0 : i32
    %swap3A_28 = arith.index_cast %swap3A_27 : i32 to index
    %swap3A_29 = arith.constant 16 : index
    %swap3A_30 = tpu.vector_load %arg10[%swap3A_28, %swap3A_29] {strides = array<i32>} : memref<2x128xi32, #tpu.memory_space<vmem>>, vector<1x16xi32>,
    %swap3A_31 = vector.shape_cast %swap3A_30 : vector<1x16xi32> to vector<16xi32>
    %swap3A_32 = vector.shape_cast %get3A_26 : vector<16xi32> to vector<1x16xi32>
    tpu.vector_store %arg10[%swap3A_28, %swap3A_29], %swap3A_32 {strides = array<i32>} : memref<2x128xi32, #tpu.memory_space<vmem>>, vector<1x16xi32>,
    %get3A_33 = arith.constant 32 : index
    %get3A_34 = tpu.vector_load %arg9[%get3A_33] {strides = array<i32>} : memref<256xi32, #tpu.memory_space<vmem>>, vector<16xi32>,
    %get3A_35 = vector.shape_cast %get3A_34 : vector<16xi32> to vector<16xi32>
    %swap3A_36 = arith.constant 0 : i32
    %swap3A_37 = arith.index_cast %swap3A_36 : i32 to index
    %swap3A_38 = arith.constant 32 : index
    %swap3A_39 = tpu.vector_load %arg10[%swap3A_37, %swap3A_38] {strides = array<i32>} : memref<2x128xi32, #tpu.memory_space<vmem>>, vector<1x16xi32>,
    %swap3A_40 = vector.shape_cast %swap3A_39 : vector<1x16xi32> to vector<16xi32>
    %swap3A_41 = vector.shape_cast %get3A_35 : vector<16xi32> to vector<1x16xi32>
    tpu.vector_store %arg10[%swap3A_37, %swap3A_38], %swap3A_41 {strides = array<i32>} : memref<2x128xi32, #tpu.memory_space<vmem>>, vector<1x16xi32>,
    %get3A_42 = arith.constant 48 : index
    %get3A_43 = tpu.vector_load %arg9[%get3A_42] {strides = array<i32>} : memref<256xi32, #tpu.memory_space<vmem>>, vector<16xi32>,
    %get3A_44 = vector.shape_cast %get3A_43 : vector<16xi32> to vector<16xi32>
    %swap3A_45 = arith.constant 0 : i32
    %swap3A_46 = arith.index_cast %swap3A_45 : i32 to index
    %swap3A_47 = arith.constant 48 : index
    %swap3A_48 = tpu.vector_load %arg10[%swap3A_46, %swap3A_47] {strides = array<i32>} : memref<2x128xi32, #tpu.memory_space<vmem>>, vector<1x16xi32>,
    %swap3A_49 = vector.shape_cast %swap3A_48 : vector<1x16xi32> to vector<16xi32>
    %swap3A_50 = vector.shape_cast %get3A_44 : vector<16xi32> to vector<1x16xi32>
    tpu.vector_store %arg10[%swap3A_46, %swap3A_47], %swap3A_50 {strides = array<i32>} : memref<2x128xi32, #tpu.memory_space<vmem>>, vector<1x16xi32>,
    %get3A_51 = arith.constant 64 : index
    %get3A_52 = tpu.vector_load %arg9[%get3A_51] {strides = array<i32>} : memref<256xi32, #tpu.memory_space<vmem>>, vector<16xi32>,
    %get3A_53 = vector.shape_cast %get3A_52 : vector<16xi32> to vector<16xi32>
    %swap3A_54 = arith.constant 0 : i32
    %swap3A_55 = arith.index_cast %swap3A_54 : i32 to index
    %swap3A_56 = arith.constant 64 : index
    %swap3A_57 = tpu.vector_load %arg10[%swap3A_55, %swap3A_56] {strides = array<i32>} : memref<2x128xi32, #tpu.memory_space<vmem>>, vector<1x16xi32>,
    %swap3A_58 = vector.shape_cast %swap3A_57 : vector<1x16xi32> to vector<16xi32>
    %swap3A_59 = vector.shape_cast %get3A_53 : vector<16xi32> to vector<1x16xi32>
    tpu.vector_store %arg10[%swap3A_55, %swap3A_56], %swap3A_59 {strides = array<i32>} : memref<2x128xi32, #tpu.memory_space<vmem>>, vector<1x16xi32>,
    %get3A_60 = arith.constant 80 : index
    %get3A_61 = tpu.vector_load %arg9[%get3A_60] {strides = array<i32>} : memref<256xi32, #tpu.memory_space<vmem>>, vector<16xi32>,
    %get3A_62 = vector.shape_cast %get3A_61 : vector<16xi32> to vector<16xi32>
    %swap3A_63 = arith.constant 0 : i32
    %swap3A_64 = arith.index_cast %swap3A_63 : i32 to index
    %swap3A_65 = arith.constant 80 : index
    %swap3A_66 = tpu.vector_load %arg10[%swap3A_64, %swap3A_65] {strides = array<i32>} : memref<2x128xi32, #tpu.memory_space<vmem>>, vector<1x16xi32>,
    %swap3A_67 = vector.shape_cast %swap3A_66 : vector<1x16xi32> to vector<16xi32>
    %swap3A_68 = vector.shape_cast %get3A_62 : vector<16xi32> to vector<1x16xi32>
    tpu.vector_store %arg10[%swap3A_64, %swap3A_65], %swap3A_68 {strides = array<i32>} : memref<2x128xi32, #tpu.memory_space<vmem>>, vector<1x16xi32>,
    %get3A_69 = arith.constant 96 : index
    %get3A_70 = tpu.vector_load %arg9[%get3A_69] {strides = array<i32>} : memref<256xi32, #tpu.memory_space<vmem>>, vector<16xi32>,
    %get3A_71 = vector.shape_cast %get3A_70 : vector<16xi32> to vector<16xi32>
    %swap3A_72 = arith.constant 0 : i32
    %swap3A_73 = arith.index_cast %swap3A_72 : i32 to index
    %swap3A_74 = arith.constant 96 : index
    %swap3A_75 = tpu.vector_load %arg10[%swap3A_73, %swap3A_74] {strides = array<i32>} : memref<2x128xi32, #tpu.memory_space<vmem>>, vector<1x16xi32>,
    %swap3A_76 = vector.shape_cast %swap3A_75 : vector<1x16xi32> to vector<16xi32>
    %swap3A_77 = vector.shape_cast %get3A_71 : vector<16xi32> to vector<1x16xi32>
    tpu.vector_store %arg10[%swap3A_73, %swap3A_74], %swap3A_77 {strides = array<i32>} : memref<2x128xi32, #tpu.memory_space<vmem>>, vector<1x16xi32>,
    %get3A_78 = arith.constant 112 : index
    %get3A_79 = tpu.vector_load %arg9[%get3A_78] {strides = array<i32>} : memref<256xi32, #tpu.memory_space<vmem>>, vector<16xi32>,
    %get3A_80 = vector.shape_cast %get3A_79 : vector<16xi32> to vector<16xi32>
    %swap3A_81 = arith.constant 0 : i32
    %swap3A_82 = arith.index_cast %swap3A_81 : i32 to index
    %swap3A_83 = arith.constant 112 : index
    %swap3A_84 = tpu.vector_load %arg10[%swap3A_82, %swap3A_83] {strides = array<i32>} : memref<2x128xi32, #tpu.memory_space<vmem>>, vector<1x16xi32>,
    %swap3A_85 = vector.shape_cast %swap3A_84 : vector<1x16xi32> to vector<16xi32>
    %swap3A_86 = vector.shape_cast %get3A_80 : vector<16xi32> to vector<1x16xi32>
    tpu.vector_store %arg10[%swap3A_82, %swap3A_83], %swap3A_86 {strides = array<i32>} : memref<2x128xi32, #tpu.memory_space<vmem>>, vector<1x16xi32>,
    %get3A_87 = arith.constant 128 : index
    %get3A_88 = tpu.vector_load %arg9[%get3A_87] {strides = array<i32>} : memref<256xi32, #tpu.memory_space<vmem>>, vector<16xi32>,
    %get3A_89 = vector.shape_cast %get3A_88 : vector<16xi32> to vector<16xi32>
    %swap3A_90 = arith.constant 1 : i32
    %swap3A_91 = arith.index_cast %swap3A_90 : i32 to index
    %swap3A_92 = arith.constant 0 : index
    %swap3A_93 = tpu.vector_load %arg10[%swap3A_91, %swap3A_92] {strides = array<i32>} : memref<2x128xi32, #tpu.memory_space<vmem>>, vector<1x16xi32>,
    %swap3A_94 = vector.shape_cast %swap3A_93 : vector<1x16xi32> to vector<16xi32>
    %swap3A_95 = vector.shape_cast %get3A_89 : vector<16xi32> to vector<1x16xi32>
    tpu.vector_store %arg10[%swap3A_91, %swap3A_92], %swap3A_95 {strides = array<i32>} : memref<2x128xi32, #tpu.memory_space<vmem>>, vector<1x16xi32>,
    %get3A_96 = arith.constant 144 : index
    %get3A_97 = tpu.vector_load %arg9[%get3A_96] {strides = array<i32>} : memref<256xi32, #tpu.memory_space<vmem>>, vector<16xi32>,
    %get3A_98 = vector.shape_cast %get3A_97 : vector<16xi32> to vector<16xi32>
    %swap3A_99 = arith.constant 1 : i32
    %swap3A_100 = arith.index_cast %swap3A_99 : i32 to index
    %swap3A_101 = arith.constant 16 : index
    %swap3A_102 = tpu.vector_load %arg10[%swap3A_100, %swap3A_101] {strides = array<i32>} : memref<2x128xi32, #tpu.memory_space<vmem>>, vector<1x16xi32>,
    %swap3A_103 = vector.shape_cast %swap3A_102 : vector<1x16xi32> to vector<16xi32>
    %swap3A_104 = vector.shape_cast %get3A_98 : vector<16xi32> to vector<1x16xi32>
    tpu.vector_store %arg10[%swap3A_100, %swap3A_101], %swap3A_104 {strides = array<i32>} : memref<2x128xi32, #tpu.memory_space<vmem>>, vector<1x16xi32>,
    %get3A_105 = arith.constant 160 : index
    %get3A_106 = tpu.vector_load %arg9[%get3A_105] {strides = array<i32>} : memref<256xi32, #tpu.memory_space<vmem>>, vector<16xi32>,
    %get3A_107 = vector.shape_cast %get3A_106 : vector<16xi32> to vector<16xi32>
    %swap3A_108 = arith.constant 1 : i32
    %swap3A_109 = arith.index_cast %swap3A_108 : i32 to index
    %swap3A_110 = arith.constant 32 : index
    %swap3A_111 = tpu.vector_load %arg10[%swap3A_109, %swap3A_110] {strides = array<i32>} : memref<2x128xi32, #tpu.memory_space<vmem>>, vector<1x16xi32>,
    %swap3A_112 = vector.shape_cast %swap3A_111 : vector<1x16xi32> to vector<16xi32>
    %swap3A_113 = vector.shape_cast %get3A_107 : vector<16xi32> to vector<1x16xi32>
    tpu.vector_store %arg10[%swap3A_109, %swap3A_110], %swap3A_113 {strides = array<i32>} : memref<2x128xi32, #tpu.memory_space<vmem>>, vector<1x16xi32>,
    %get3A_114 = arith.constant 176 : index
    %get3A_115 = tpu.vector_load %arg9[%get3A_114] {strides = array<i32>} : memref<256xi32, #tpu.memory_space<vmem>>, vector<16xi32>,
    %get3A_116 = vector.shape_cast %get3A_115 : vector<16xi32> to vector<16xi32>
    %swap3A_117 = arith.constant 1 : i32
    %swap3A_118 = arith.index_cast %swap3A_117 : i32 to index
    %swap3A_119 = arith.constant 48 : index
    %swap3A_120 = tpu.vector_load %arg10[%swap3A_118, %swap3A_119] {strides = array<i32>} : memref<2x128xi32, #tpu.memory_space<vmem>>, vector<1x16xi32>,
    %swap3A_121 = vector.shape_cast %swap3A_120 : vector<1x16xi32> to vector<16xi32>
    %swap3A_122 = vector.shape_cast %get3A_116 : vector<16xi32> to vector<1x16xi32>
    tpu.vector_store %arg10[%swap3A_118, %swap3A_119], %swap3A_122 {strides = array<i32>} : memref<2x128xi32, #tpu.memory_space<vmem>>, vector<1x16xi32>,
    %get3A_123 = arith.constant 192 : index
    %get3A_124 = tpu.vector_load %arg9[%get3A_123] {strides = array<i32>} : memref<256xi32, #tpu.memory_space<vmem>>, vector<16xi32>,
    %get3A_125 = vector.shape_cast %get3A_124 : vector<16xi32> to vector<16xi32>
    %swap3A_126 = arith.constant 1 : i32
    %swap3A_127 = arith.index_cast %swap3A_126 : i32 to index
    %swap3A_128 = arith.constant 64 : index
    %swap3A_129 = tpu.vector_load %arg10[%swap3A_127, %swap3A_128] {strides = array<i32>} : memref<2x128xi32, #tpu.memory_space<vmem>>, vector<1x16xi32>,
    %swap3A_130 = vector.shape_cast %swap3A_129 : vector<1x16xi32> to vector<16xi32>
    %swap3A_131 = vector.shape_cast %get3A_125 : vector<16xi32> to vector<1x16xi32>
    tpu.vector_store %arg10[%swap3A_127, %swap3A_128], %swap3A_131 {strides = array<i32>} : memref<2x128xi32, #tpu.memory_space<vmem>>, vector<1x16xi32>,
    %get3A_132 = arith.constant 208 : index
    %get3A_133 = tpu.vector_load %arg9[%get3A_132] {strides = array<i32>} : memref<256xi32, #tpu.memory_space<vmem>>, vector<16xi32>,
    %get3A_134 = vector.shape_cast %get3A_133 : vector<16xi32> to vector<16xi32>
    %swap3A_135 = arith.constant 1 : i32
    %swap3A_136 = arith.index_cast %swap3A_135 : i32 to index
    %swap3A_137 = arith.constant 80 : index
    %swap3A_138 = tpu.vector_load %arg10[%swap3A_136, %swap3A_137] {strides = array<i32>} : memref<2x128xi32, #tpu.memory_space<vmem>>, vector<1x16xi32>,
    %swap3A_139 = vector.shape_cast %swap3A_138 : vector<1x16xi32> to vector<16xi32>
    %swap3A_140 = vector.shape_cast %get3A_134 : vector<16xi32> to vector<1x16xi32>
    tpu.vector_store %arg10[%swap3A_136, %swap3A_137], %swap3A_140 {strides = array<i32>} : memref<2x128xi32, #tpu.memory_space<vmem>>, vector<1x16xi32>,
    %get3A_141 = arith.constant 224 : index
    %get3A_142 = tpu.vector_load %arg9[%get3A_141] {strides = array<i32>} : memref<256xi32, #tpu.memory_space<vmem>>, vector<16xi32>,
    %get3A_143 = vector.shape_cast %get3A_142 : vector<16xi32> to vector<16xi32>
    %swap3A_144 = arith.constant 1 : i32
    %swap3A_145 = arith.index_cast %swap3A_144 : i32 to index
    %swap3A_146 = arith.constant 96 : index
    %swap3A_147 = tpu.vector_load %arg10[%swap3A_145, %swap3A_146] {strides = array<i32>} : memref<2x128xi32, #tpu.memory_space<vmem>>, vector<1x16xi32>,
    %swap3A_148 = vector.shape_cast %swap3A_147 : vector<1x16xi32> to vector<16xi32>
    %swap3A_149 = vector.shape_cast %get3A_143 : vector<16xi32> to vector<1x16xi32>
    tpu.vector_store %arg10[%swap3A_145, %swap3A_146], %swap3A_149 {strides = array<i32>} : memref<2x128xi32, #tpu.memory_space<vmem>>, vector<1x16xi32>,
    %get3A_150 = arith.constant 240 : index
    %get3A_151 = tpu.vector_load %arg9[%get3A_150] {strides = array<i32>} : memref<256xi32, #tpu.memory_space<vmem>>, vector<16xi32>,
    %get3A_152 = vector.shape_cast %get3A_151 : vector<16xi32> to vector<16xi32>
    %swap3A_153 = arith.constant 1 : i32
    %swap3A_154 = arith.index_cast %swap3A_153 : i32 to index
    %swap3A_155 = arith.constant 112 : index
    %swap3A_156 = tpu.vector_load %arg10[%swap3A_154, %swap3A_155] {strides = array<i32>} : memref<2x128xi32, #tpu.memory_space<vmem>>, vector<1x16xi32>,
    %swap3A_157 = vector.shape_cast %swap3A_156 : vector<1x16xi32> to vector<16xi32>
    %swap3A_158 = vector.shape_cast %get3A_152 : vector<16xi32> to vector<1x16xi32>
    tpu.vector_store %arg10[%swap3A_154, %swap3A_155], %swap3A_158 {strides = array<i32>} : memref<2x128xi32, #tpu.memory_space<vmem>>, vector<1x16xi32>,
    %get3A_159 = arith.constant 0 : index
    %get3A_160 = tpu.vector_load %arg11[%get3A_159] {strides = array<i32>} : memref<1808xi32, #tpu.memory_space<vmem>>, vector<16xi32>,
    %get3A_161 = vector.shape_cast %get3A_160 : vector<16xi32> to vector<16xi32>
    %swap3A_162 = arith.constant 0 : i32
    %swap3A_163 = arith.index_cast %swap3A_162 : i32 to index
    %swap3A_164 = arith.constant 0 : index
    %swap3A_165 = tpu.vector_load %arg12[%swap3A_163, %swap3A_164] {strides = array<i32>} : memref<14x128xi32, #tpu.memory_space<vmem>>, vector<1x16xi32>,
    %swap3A_166 = vector.shape_cast %swap3A_165 : vector<1x16xi32> to vector<16xi32>
    %swap3A_167 = vector.shape_cast %get3A_161 : vector<16xi32> to vector<1x16xi32>
    tpu.vector_store %arg12[%swap3A_163, %swap3A_164], %swap3A_167 {strides = array<i32>} : memref<14x128xi32, #tpu.memory_space<vmem>>, vector<1x16xi32>,
    %get3A_168 = arith.constant 16 : index
    %get3A_169 = tpu.vector_load %arg11[%get3A_168] {strides = array<i32>} : memref<1808xi32, #tpu.memory_space<vmem>>, vector<16xi32>,
    %get3A_170 = vector.shape_cast %get3A_169 : vector<16xi32> to vector<16xi32>
    %swap3A_171 = arith.constant 0 : i32
    %swap3A_172 = arith.index_cast %swap3A_171 : i32 to index
    %swap3A_173 = arith.constant 16 : index
    %swap3A_174 = tpu.vector_load %arg12[%swap3A_172, %swap3A_173] {strides = array<i32>} : memref<14x128xi32, #tpu.memory_space<vmem>>, vector<1x16xi32>,
    %swap3A_175 = vector.shape_cast %swap3A_174 : vector<1x16xi32> to vector<16xi32>
    %swap3A_176 = vector.shape_cast %get3A_170 : vector<16xi32> to vector<1x16xi32>
    tpu.vector_store %arg12[%swap3A_172, %swap3A_173], %swap3A_176 {strides = array<i32>} : memref<14x128xi32, #tpu.memory_space<vmem>>, vector<1x16xi32>,
    %get3A_177 = arith.constant 32 : index
    %get3A_178 = tpu.vector_load %arg11[%get3A_177] {strides = array<i32>} : memref<1808xi32, #tpu.memory_space<vmem>>, vector<16xi32>,
    %get3A_179 = vector.shape_cast %get3A_178 : vector<16xi32> to vector<16xi32>
    %swap3A_180 = arith.constant 0 : i32
    %swap3A_181 = arith.index_cast %swap3A_180 : i32 to index
    %swap3A_182 = arith.constant 32 : index
    %swap3A_183 = tpu.vector_load %arg12[%swap3A_181, %swap3A_182] {strides = array<i32>} : memref<14x128xi32, #tpu.memory_space<vmem>>, vector<1x16xi32>,
    %swap3A_184 = vector.shape_cast %swap3A_183 : vector<1x16xi32> to vector<16xi32>
    %swap3A_185 = vector.shape_cast %get3A_179 : vector<16xi32> to vector<1x16xi32>
    tpu.vector_store %arg12[%swap3A_181, %swap3A_182], %swap3A_185 {strides = array<i32>} : memref<14x128xi32, #tpu.memory_space<vmem>>, vector<1x16xi32>,
    %get3A_186 = arith.constant 48 : index
    %get3A_187 = tpu.vector_load %arg11[%get3A_186] {strides = array<i32>} : memref<1808xi32, #tpu.memory_space<vmem>>, vector<16xi32>,
    %get3A_188 = vector.shape_cast %get3A_187 : vector<16xi32> to vector<16xi32>
    %swap3A_189 = arith.constant 0 : i32
    %swap3A_190 = arith.index_cast %swap3A_189 : i32 to index
    %swap3A_191 = arith.constant 48 : index
    %swap3A_192 = tpu.vector_load %arg12[%swap3A_190, %swap3A_191] {strides = array<i32>} : memref<14x128xi32, #tpu.memory_space<vmem>>, vector<1x16xi32>,
    %swap3A_193 = vector.shape_cast %swap3A_192 : vector<1x16xi32> to vector<16xi32>
    %swap3A_194 = vector.shape_cast %get3A_188 : vector<16xi32> to vector<1x16xi32>
    tpu.vector_store %arg12[%swap3A_190, %swap3A_191], %swap3A_194 {strides = array<i32>} : memref<14x128xi32, #tpu.memory_space<vmem>>, vector<1x16xi32>,
    %get3A_195 = arith.constant 64 : index
    %get3A_196 = tpu.vector_load %arg11[%get3A_195] {strides = array<i32>} : memref<1808xi32, #tpu.memory_space<vmem>>, vector<16xi32>,
    %get3A_197 = vector.shape_cast %get3A_196 : vector<16xi32> to vector<16xi32>
    %swap3A_198 = arith.constant 0 : i32
    %swap3A_199 = arith.index_cast %swap3A_198 : i32 to index
    %swap3A_200 = arith.constant 64 : index
    %swap3A_201 = tpu.vector_load %arg12[%swap3A_199, %swap3A_200] {strides = array<i32>} : memref<14x128xi32, #tpu.memory_space<vmem>>, vector<1x16xi32>,
    %swap3A_202 = vector.shape_cast %swap3A_201 : vector<1x16xi32> to vector<16xi32>
    %swap3A_203 = vector.shape_cast %get3A_197 : vector<16xi32> to vector<1x16xi32>
    tpu.vector_store %arg12[%swap3A_199, %swap3A_200], %swap3A_203 {strides = array<i32>} : memref<14x128xi32, #tpu.memory_space<vmem>>, vector<1x16xi32>,
    %get3A_204 = arith.constant 80 : index
    %get3A_205 = tpu.vector_load %arg11[%get3A_204] {strides = array<i32>} : memref<1808xi32, #tpu.memory_space<vmem>>, vector<16xi32>,
    %get3A_206 = vector.shape_cast %get3A_205 : vector<16xi32> to vector<16xi32>
    %swap3A_207 = arith.constant 0 : i32
    %swap3A_208 = arith.index_cast %swap3A_207 : i32 to index
    %swap3A_209 = arith.constant 80 : index
    %swap3A_210 = tpu.vector_load %arg12[%swap3A_208, %swap3A_209] {strides = array<i32>} : memref<14x128xi32, #tpu.memory_space<vmem>>, vector<1x16xi32>,
    %swap3A_211 = vector.shape_cast %swap3A_210 : vector<1x16xi32> to vector<16xi32>
    %swap3A_212 = vector.shape_cast %get3A_206 : vector<16xi32> to vector<1x16xi32>
    tpu.vector_store %arg12[%swap3A_208, %swap3A_209], %swap3A_212 {strides = array<i32>} : memref<14x128xi32, #tpu.memory_space<vmem>>, vector<1x16xi32>,
    %get3A_213 = arith.constant 96 : index
    %get3A_214 = tpu.vector_load %arg11[%get3A_213] {strides = array<i32>} : memref<1808xi32, #tpu.memory_space<vmem>>, vector<16xi32>,
    %get3A_215 = vector.shape_cast %get3A_214 : vector<16xi32> to vector<16xi32>
    %swap3A_216 = arith.constant 0 : i32
    %swap3A_217 = arith.index_cast %swap3A_216 : i32 to index
    %swap3A_218 = arith.constant 96 : index
    %swap3A_219 = tpu.vector_load %arg12[%swap3A_217, %swap3A_218] {strides = array<i32>} : memref<14x128xi32, #tpu.memory_space<vmem>>, vector<1x16xi32>,
    %swap3A_220 = vector.shape_cast %swap3A_219 : vector<1x16xi32> to vector<16xi32>
    %swap3A_221 = vector.shape_cast %get3A_215 : vector<16xi32> to vector<1x16xi32>
    tpu.vector_store %arg12[%swap3A_217, %swap3A_218], %swap3A_221 {strides = array<i32>} : memref<14x128xi32, #tpu.memory_space<vmem>>, vector<1x16xi32>,
    %get3A_222 = arith.constant 112 : index
    %get3A_223 = tpu.vector_load %arg11[%get3A_222] {strides = array<i32>} : memref<1808xi32, #tpu.memory_space<vmem>>, vector<16xi32>,
    %get3A_224 = vector.shape_cast %get3A_223 : vector<16xi32> to vector<16xi32>
    %swap3A_225 = arith.constant 0 : i32
    %swap3A_226 = arith.index_cast %swap3A_225 : i32 to index
    %swap3A_227 = arith.constant 112 : index
    %swap3A_228 = tpu.vector_load %arg12[%swap3A_226, %swap3A_227] {strides = array<i32>} : memref<14x128xi32, #tpu.memory_space<vmem>>, vector<1x16xi32>,
    %swap3A_229 = vector.shape_cast %swap3A_228 : vector<1x16xi32> to vector<16xi32>
    %swap3A_230 = vector.shape_cast %get3A_224 : vector<16xi32> to vector<1x16xi32>
    tpu.vector_store %arg12[%swap3A_226, %swap3A_227], %swap3A_230 {strides = array<i32>} : memref<14x128xi32, #tpu.memory_space<vmem>>, vector<1x16xi32>,
    %get3A_231 = arith.constant 128 : index
    %get3A_232 = tpu.vector_load %arg11[%get3A_231] {strides = array<i32>} : memref<1808xi32, #tpu.memory_space<vmem>>, vector<16xi32>,
    %get3A_233 = vector.shape_cast %get3A_232 : vector<16xi32> to vector<16xi32>
    %swap3A_234 = arith.constant 1 : i32
    %swap3A_235 = arith.index_cast %swap3A_234 : i32 to index
    %swap3A_236 = arith.constant 0 : index
    %swap3A_237 = tpu.vector_load %arg12[%swap3A_235, %swap3A_236] {strides = array<i32>} : memref<14x128xi32, #tpu.memory_space<vmem>>, vector<1x16xi32>,
    %swap3A_238 = vector.shape_cast %swap3A_237 : vector<1x16xi32> to vector<16xi32>
    %swap3A_239 = vector.shape_cast %get3A_233 : vector<16xi32> to vector<1x16xi32>
    tpu.vector_store %arg12[%swap3A_235, %swap3A_236], %swap3A_239 {strides = array<i32>} : memref<14x128xi32, #tpu.memory_space<vmem>>, vector<1x16xi32>,
    %get3A_240 = arith.constant 144 : index
    %get3A_241 = tpu.vector_load %arg11[%get3A_240] {strides = array<i32>} : memref<1808xi32, #tpu.memory_space<vmem>>, vector<16xi32>,
    %get3A_242 = vector.shape_cast %get3A_241 : vector<16xi32> to vector<16xi32>
    %swap3A_243 = arith.constant 1 : i32
    %swap3A_244 = arith.index_cast %swap3A_243 : i32 to index
    %swap3A_245 = arith.constant 16 : index
    %swap3A_246 = tpu.vector_load %arg12[%swap3A_244, %swap3A_245] {strides = array<i32>} : memref<14x128xi32, #tpu.memory_space<vmem>>, vector<1x16xi32>,
    %swap3A_247 = vector.shape_cast %swap3A_246 : vector<1x16xi32> to vector<16xi32>
    %swap3A_248 = vector.shape_cast %get3A_242 : vector<16xi32> to vector<1x16xi32>
    tpu.vector_store %arg12[%swap3A_244, %swap3A_245], %swap3A_248 {strides = array<i32>} : memref<14x128xi32, #tpu.memory_space<vmem>>, vector<1x16xi32>,
    %get3A_249 = arith.constant 160 : index
    %get3A_250 = tpu.vector_load %arg11[%get3A_249] {strides = array<i32>} : memref<1808xi32, #tpu.memory_space<vmem>>, vector<16xi32>,
    %get3A_251 = vector.shape_cast %get3A_250 : vector<16xi32> to vector<16xi32>
    %swap3A_252 = arith.constant 1 : i32
    %swap3A_253 = arith.index_cast %swap3A_252 : i32 to index
    %swap3A_254 = arith.constant 32 : index
    %swap3A_255 = tpu.vector_load %arg12[%swap3A_253, %swap3A_254] {strides = array<i32>} : memref<14x128xi32, #tpu.memory_space<vmem>>, vector<1x16xi32>,
    %swap3A_256 = vector.shape_cast %swap3A_255 : vector<1x16xi32> to vector<16xi32>
    %swap3A_257 = vector.shape_cast %get3A_251 : vector<16xi32> to vector<1x16xi32>
    tpu.vector_store %arg12[%swap3A_253, %swap3A_254], %swap3A_257 {strides = array<i32>} : memref<14x128xi32, #tpu.memory_space<vmem>>, vector<1x16xi32>,
    %get3A_258 = arith.constant 176 : index
    %get3A_259 = tpu.vector_load %arg11[%get3A_258] {strides = array<i32>} : memref<1808xi32, #tpu.memory_space<vmem>>, vector<16xi32>,
    %get3A_260 = vector.shape_cast %get3A_259 : vector<16xi32> to vector<16xi32>
    %swap3A_261 = arith.constant 1 : i32
    %swap3A_262 = arith.index_cast %swap3A_261 : i32 to index
    %swap3A_263 = arith.constant 48 : index
    %swap3A_264 = tpu.vector_load %arg12[%swap3A_262, %swap3A_263] {strides = array<i32>} : memref<14x128xi32, #tpu.memory_space<vmem>>, vector<1x16xi32>,
    %swap3A_265 = vector.shape_cast %swap3A_264 : vector<1x16xi32> to vector<16xi32>
    %swap3A_266 = vector.shape_cast %get3A_260 : vector<16xi32> to vector<1x16xi32>
    tpu.vector_store %arg12[%swap3A_262, %swap3A_263], %swap3A_266 {strides = array<i32>} : memref<14x128xi32, #tpu.memory_space<vmem>>, vector<1x16xi32>,
    %get3A_267 = arith.constant 192 : index
    %get3A_268 = tpu.vector_load %arg11[%get3A_267] {strides = array<i32>} : memref<1808xi32, #tpu.memory_space<vmem>>, vector<16xi32>,
    %get3A_269 = vector.shape_cast %get3A_268 : vector<16xi32> to vector<16xi32>
    %swap3A_270 = arith.constant 1 : i32
    %swap3A_271 = arith.index_cast %swap3A_270 : i32 to index
    %swap3A_272 = arith.constant 64 : index
    %swap3A_273 = tpu.vector_load %arg12[%swap3A_271, %swap3A_272] {strides = array<i32>} : memref<14x128xi32, #tpu.memory_space<vmem>>, vector<1x16xi32>,
    %swap3A_274 = vector.shape_cast %swap3A_273 : vector<1x16xi32> to vector<16xi32>
    %swap3A_275 = vector.shape_cast %get3A_269 : vector<16xi32> to vector<1x16xi32>
    tpu.vector_store %arg12[%swap3A_271, %swap3A_272], %swap3A_275 {strides = array<i32>} : memref<14x128xi32, #tpu.memory_space<vmem>>, vector<1x16xi32>,
    %get3A_276 = arith.constant 208 : index
    %get3A_277 = tpu.vector_load %arg11[%get3A_276] {strides = array<i32>} : memref<1808xi32, #tpu.memory_space<vmem>>, vector<16xi32>,
    %get3A_278 = vector.shape_cast %get3A_277 : vector<16xi32> to vector<16xi32>
    %swap3A_279 = arith.constant 1 : i32
    %swap3A_280 = arith.index_cast %swap3A_279 : i32 to index
    %swap3A_281 = arith.constant 80 : index
    %swap3A_282 = tpu.vector_load %arg12[%swap3A_280, %swap3A_281] {strides = array<i32>} : memref<14x128xi32, #tpu.memory_space<vmem>>, vector<1x16xi32>,
    %swap3A_283 = vector.shape_cast %swap3A_282 : vector<1x16xi32> to vector<16xi32>
    %swap3A_284 = vector.shape_cast %get3A_278 : vector<16xi32> to vector<1x16xi32>
    tpu.vector_store %arg12[%swap3A_280, %swap3A_281], %swap3A_284 {strides = array<i32>} : memref<14x128xi32, #tpu.memory_space<vmem>>, vector<1x16xi32>,
    %get3A_285 = arith.constant 224 : index
    %get3A_286 = tpu.vector_load %arg11[%get3A_285] {strides = array<i32>} : memref<1808xi32, #tpu.memory_space<vmem>>, vector<16xi32>,
    %get3A_287 = vector.shape_cast %get3A_286 : vector<16xi32> to vector<16xi32>
    %swap3A_288 = arith.constant 1 : i32
    %swap3A_289 = arith.index_cast %swap3A_288 : i32 to index
    %swap3A_290 = arith.constant 96 : index
    %swap3A_291 = tpu.vector_load %arg12[%swap3A_289, %swap3A_290] {strides = array<i32>} : memref<14x128xi32, #tpu.memory_space<vmem>>, vector<1x16xi32>,
    %swap3A_292 = vector.shape_cast %swap3A_291 : vector<1x16xi32> to vector<16xi32>
    %swap3A_293 = vector.shape_cast %get3A_287 : vector<16xi32> to vector<1x16xi32>
    tpu.vector_store %arg12[%swap3A_289, %swap3A_290], %swap3A_293 {strides = array<i32>} : memref<14x128xi32, #tpu.memory_space<vmem>>, vector<1x16xi32>,
    %get3A_294 = arith.constant 240 : index
    %get3A_295 = tpu.vector_load %arg11[%get3A_294] {strides = array<i32>} : memref<1808xi32, #tpu.memory_space<vmem>>, vector<16xi32>,
    %get3A_296 = vector.shape_cast %get3A_295 : vector<16xi32> to vector<16xi32>
    %swap3A_297 = arith.constant 1 : i32
    %swap3A_298 = arith.index_cast %swap3A_297 : i32 to index
    %swap3A_299 = arith.constant 112 : index
    %swap3A_300 = tpu.vector_load %arg12[%swap3A_298, %swap3A_299] {strides = array<i32>} : memref<14x128xi32, #tpu.memory_space<vmem>>, vector<1x16xi32>,
    %swap3A_301 = vector.shape_cast %swap3A_300 : vector<1x16xi32> to vector<16xi32>
    %swap3A_302 = vector.shape_cast %get3A_296 : vector<16xi32> to vector<1x16xi32>
    tpu.vector_store %arg12[%swap3A_298, %swap3A_299], %swap3A_302 {strides = array<i32>} : memref<14x128xi32, #tpu.memory_space<vmem>>, vector<1x16xi32>,
    %get3A_303 = arith.constant 256 : index
    %get3A_304 = tpu.vector_load %arg11[%get3A_303] {strides = array<i32>} : memref<1808xi32, #tpu.memory_space<vmem>>, vector<16xi32>,
    %get3A_305 = vector.shape_cast %get3A_304 : vector<16xi32> to vector<16xi32>
    %swap3A_306 = arith.constant 2 : i32
    %swap3A_307 = arith.index_cast %swap3A_306 : i32 to index
    %swap3A_308 = arith.constant 0 : index
    %swap3A_309 = tpu.vector_load %arg12[%swap3A_307, %swap3A_308] {strides = array<i32>} : memref<14x128xi32, #tpu.memory_space<vmem>>, vector<1x16xi32>,
    %swap3A_310 = vector.shape_cast %swap3A_309 : vector<1x16xi32> to vector<16xi32>
    %swap3A_311 = vector.shape_cast %get3A_305 : vector<16xi32> to vector<1x16xi32>
    tpu.vector_store %arg12[%swap3A_307, %swap3A_308], %swap3A_311 {strides = array<i32>} : memref<14x128xi32, #tpu.memory_space<vmem>>, vector<1x16xi32>,
    %get3A_312 = arith.constant 272 : index
    %get3A_313 = tpu.vector_load %arg11[%get3A_312] {strides = array<i32>} : memref<1808xi32, #tpu.memory_space<vmem>>, vector<16xi32>,
    %get3A_314 = vector.shape_cast %get3A_313 : vector<16xi32> to vector<16xi32>
    %swap3A_315 = arith.constant 2 : i32
    %swap3A_316 = arith.index_cast %swap3A_315 : i32 to index
    %swap3A_317 = arith.constant 16 : index
    %swap3A_318 = tpu.vector_load %arg12[%swap3A_316, %swap3A_317] {strides = array<i32>} : memref<14x128xi32, #tpu.memory_space<vmem>>, vector<1x16xi32>,
    %swap3A_319 = vector.shape_cast %swap3A_318 : vector<1x16xi32> to vector<16xi32>
    %swap3A_320 = vector.shape_cast %get3A_314 : vector<16xi32> to vector<1x16xi32>
    tpu.vector_store %arg12[%swap3A_316, %swap3A_317], %swap3A_320 {strides = array<i32>} : memref<14x128xi32, #tpu.memory_space<vmem>>, vector<1x16xi32>,
    %get3A_321 = arith.constant 288 : index
    %get3A_322 = tpu.vector_load %arg11[%get3A_321] {strides = array<i32>} : memref<1808xi32, #tpu.memory_space<vmem>>, vector<16xi32>,
    %get3A_323 = vector.shape_cast %get3A_322 : vector<16xi32> to vector<16xi32>
    %swap3A_324 = arith.constant 2 : i32
    %swap3A_325 = arith.index_cast %swap3A_324 : i32 to index
    %swap3A_326 = arith.constant 32 : index
    %swap3A_327 = tpu.vector_load %arg12[%swap3A_325, %swap3A_326] {strides = array<i32>} : memref<14x128xi32, #tpu.memory_space<vmem>>, vector<1x16xi32>,
    %swap3A_328 = vector.shape_cast %swap3A_327 : vector<1x16xi32> to vector<16xi32>
    %swap3A_329 = vector.shape_cast %get3A_323 : vector<16xi32> to vector<1x16xi32>
    tpu.vector_store %arg12[%swap3A_325, %swap3A_326], %swap3A_329 {strides = array<i32>} : memref<14x128xi32, #tpu.memory_space<vmem>>, vector<1x16xi32>,
    %get3A_330 = arith.constant 304 : index
    %get3A_331 = tpu.vector_load %arg11[%get3A_330] {strides = array<i32>} : memref<1808xi32, #tpu.memory_space<vmem>>, vector<16xi32>,
    %get3A_332 = vector.shape_cast %get3A_331 : vector<16xi32> to vector<16xi32>
    %swap3A_333 = arith.constant 2 : i32
    %swap3A_334 = arith.index_cast %swap3A_333 : i32 to index
    %swap3A_335 = arith.constant 48 : index
    %swap3A_336 = tpu.vector_load %arg12[%swap3A_334, %swap3A_335] {strides = array<i32>} : memref<14x128xi32, #tpu.memory_space<vmem>>, vector<1x16xi32>,
    %swap3A_337 = vector.shape_cast %swap3A_336 : vector<1x16xi32> to vector<16xi32>
    %swap3A_338 = vector.shape_cast %get3A_332 : vector<16xi32> to vector<1x16xi32>
    tpu.vector_store %arg12[%swap3A_334, %swap3A_335], %swap3A_338 {strides = array<i32>} : memref<14x128xi32, #tpu.memory_space<vmem>>, vector<1x16xi32>,
    %get3A_339 = arith.constant 320 : index
    %get3A_340 = tpu.vector_load %arg11[%get3A_339] {strides = array<i32>} : memref<1808xi32, #tpu.memory_space<vmem>>, vector<16xi32>,
    %get3A_341 = vector.shape_cast %get3A_340 : vector<16xi32> to vector<16xi32>
    %swap3A_342 = arith.constant 2 : i32
    %swap3A_343 = arith.index_cast %swap3A_342 : i32 to index
    %swap3A_344 = arith.constant 64 : index
    %swap3A_345 = tpu.vector_load %arg12[%swap3A_343, %swap3A_344] {strides = array<i32>} : memref<14x128xi32, #tpu.memory_space<vmem>>, vector<1x16xi32>,
    %swap3A_346 = vector.shape_cast %swap3A_345 : vector<1x16xi32> to vector<16xi32>
    %swap3A_347 = vector.shape_cast %get3A_341 : vector<16xi32> to vector<1x16xi32>
    tpu.vector_store %arg12[%swap3A_343, %swap3A_344], %swap3A_347 {strides = array<i32>} : memref<14x128xi32, #tpu.memory_space<vmem>>, vector<1x16xi32>,
    %get3A_348 = arith.constant 336 : index
    %get3A_349 = tpu.vector_load %arg11[%get3A_348] {strides = array<i32>} : memref<1808xi32, #tpu.memory_space<vmem>>, vector<16xi32>,
    %get3A_350 = vector.shape_cast %get3A_349 : vector<16xi32> to vector<16xi32>
    %swap3A_351 = arith.constant 2 : i32
    %swap3A_352 = arith.index_cast %swap3A_351 : i32 to index
    %swap3A_353 = arith.constant 80 : index
    %swap3A_354 = tpu.vector_load %arg12[%swap3A_352, %swap3A_353] {strides = array<i32>} : memref<14x128xi32, #tpu.memory_space<vmem>>, vector<1x16xi32>,
    %swap3A_355 = vector.shape_cast %swap3A_354 : vector<1x16xi32> to vector<16xi32>
    %swap3A_356 = vector.shape_cast %get3A_350 : vector<16xi32> to vector<1x16xi32>
    tpu.vector_store %arg12[%swap3A_352, %swap3A_353], %swap3A_356 {strides = array<i32>} : memref<14x128xi32, #tpu.memory_space<vmem>>, vector<1x16xi32>,
    %get3A_357 = arith.constant 352 : index
    %get3A_358 = tpu.vector_load %arg11[%get3A_357] {strides = array<i32>} : memref<1808xi32, #tpu.memory_space<vmem>>, vector<16xi32>,
    %get3A_359 = vector.shape_cast %get3A_358 : vector<16xi32> to vector<16xi32>
    %swap3A_360 = arith.constant 2 : i32
    %swap3A_361 = arith.index_cast %swap3A_360 : i32 to index
    %swap3A_362 = arith.constant 96 : index
    %swap3A_363 = tpu.vector_load %arg12[%swap3A_361, %swap3A_362] {strides = array<i32>} : memref<14x128xi32, #tpu.memory_space<vmem>>, vector<1x16xi32>,
    %swap3A_364 = vector.shape_cast %swap3A_363 : vector<1x16xi32> to vector<16xi32>
    %swap3A_365 = vector.shape_cast %get3A_359 : vector<16xi32> to vector<1x16xi32>
    tpu.vector_store %arg12[%swap3A_361, %swap3A_362], %swap3A_365 {strides = array<i32>} : memref<14x128xi32, #tpu.memory_space<vmem>>, vector<1x16xi32>,
    %get3A_366 = arith.constant 368 : index
    %get3A_367 = tpu.vector_load %arg11[%get3A_366] {strides = array<i32>} : memref<1808xi32, #tpu.memory_space<vmem>>, vector<16xi32>,
    %get3A_368 = vector.shape_cast %get3A_367 : vector<16xi32> to vector<16xi32>
    %swap3A_369 = arith.constant 2 : i32
    %swap3A_370 = arith.index_cast %swap3A_369 : i32 to index
    %swap3A_371 = arith.constant 112 : index
    %swap3A_372 = tpu.vector_load %arg12[%swap3A_370, %swap3A_371] {strides = array<i32>} : memref<14x128xi32, #tpu.memory_space<vmem>>, vector<1x16xi32>,
    %swap3A_373 = vector.shape_cast %swap3A_372 : vector<1x16xi32> to vector<16xi32>
    %swap3A_374 = vector.shape_cast %get3A_368 : vector<16xi32> to vector<1x16xi32>
    tpu.vector_store %arg12[%swap3A_370, %swap3A_371], %swap3A_374 {strides = array<i32>} : memref<14x128xi32, #tpu.memory_space<vmem>>, vector<1x16xi32>,
    %get3A_375 = arith.constant 384 : index
    %get3A_376 = tpu.vector_load %arg11[%get3A_375] {strides = array<i32>} : memref<1808xi32, #tpu.memory_space<vmem>>, vector<16xi32>,
    %get3A_377 = vector.shape_cast %get3A_376 : vector<16xi32> to vector<16xi32>
    %swap3A_378 = arith.constant 3 : i32
    %swap3A_379 = arith.index_cast %swap3A_378 : i32 to index
    %swap3A_380 = arith.constant 0 : index
    %swap3A_381 = tpu.vector_load %arg12[%swap3A_379, %swap3A_380] {strides = array<i32>} : memref<14x128xi32, #tpu.memory_space<vmem>>, vector<1x16xi32>,
    %swap3A_382 = vector.shape_cast %swap3A_381 : vector<1x16xi32> to vector<16xi32>
    %swap3A_383 = vector.shape_cast %get3A_377 : vector<16xi32> to vector<1x16xi32>
    tpu.vector_store %arg12[%swap3A_379, %swap3A_380], %swap3A_383 {strides = array<i32>} : memref<14x128xi32, #tpu.memory_space<vmem>>, vector<1x16xi32>,
    %get3A_384 = arith.constant 400 : index
    %get3A_385 = tpu.vector_load %arg11[%get3A_384] {strides = array<i32>} : memref<1808xi32, #tpu.memory_space<vmem>>, vector<16xi32>,
    %get3A_386 = vector.shape_cast %get3A_385 : vector<16xi32> to vector<16xi32>
    %swap3A_387 = arith.constant 3 : i32
    %swap3A_388 = arith.index_cast %swap3A_387 : i32 to index
    %swap3A_389 = arith.constant 16 : index
    %swap3A_390 = tpu.vector_load %arg12[%swap3A_388, %swap3A_389] {strides = array<i32>} : memref<14x128xi32, #tpu.memory_space<vmem>>, vector<1x16xi32>,
    %swap3A_391 = vector.shape_cast %swap3A_390 : vector<1x16xi32> to vector<16xi32>
    %swap3A_392 = vector.shape_cast %get3A_386 : vector<16xi32> to vector<1x16xi32>
    tpu.vector_store %arg12[%swap3A_388, %swap3A_389], %swap3A_392 {strides = array<i32>} : memref<14x128xi32, #tpu.memory_space<vmem>>, vector<1x16xi32>,
    %get3A_393 = arith.constant 416 : index
    %get3A_394 = tpu.vector_load %arg11[%get3A_393] {strides = array<i32>} : memref<1808xi32, #tpu.memory_space<vmem>>, vector<16xi32>,
    %get3A_395 = vector.shape_cast %get3A_394 : vector<16xi32> to vector<16xi32>
    %swap3A_396 = arith.constant 3 : i32
    %swap3A_397 = arith.index_cast %swap3A_396 : i32 to index
    %swap3A_398 = arith.constant 32 : index
    %swap3A_399 = tpu.vector_load %arg12[%swap3A_397, %swap3A_398] {strides = array<i32>} : memref<14x128xi32, #tpu.memory_space<vmem>>, vector<1x16xi32>,
    %swap3A_400 = vector.shape_cast %swap3A_399 : vector<1x16xi32> to vector<16xi32>
    %swap3A_401 = vector.shape_cast %get3A_395 : vector<16xi32> to vector<1x16xi32>
    tpu.vector_store %arg12[%swap3A_397, %swap3A_398], %swap3A_401 {strides = array<i32>} : memref<14x128xi32, #tpu.memory_space<vmem>>, vector<1x16xi32>,
    %get3A_402 = arith.constant 432 : index
    %get3A_403 = tpu.vector_load %arg11[%get3A_402] {strides = array<i32>} : memref<1808xi32, #tpu.memory_space<vmem>>, vector<16xi32>,
    %get3A_404 = vector.shape_cast %get3A_403 : vector<16xi32> to vector<16xi32>
    %swap3A_405 = arith.constant 3 : i32
    %swap3A_406 = arith.index_cast %swap3A_405 : i32 to index
    %swap3A_407 = arith.constant 48 : index
    %swap3A_408 = tpu.vector_load %arg12[%swap3A_406, %swap3A_407] {strides = array<i32>} : memref<14x128xi32, #tpu.memory_space<vmem>>, vector<1x16xi32>,
    %swap3A_409 = vector.shape_cast %swap3A_408 : vector<1x16xi32> to vector<16xi32>
    %swap3A_410 = vector.shape_cast %get3A_404 : vector<16xi32> to vector<1x16xi32>
    tpu.vector_store %arg12[%swap3A_406, %swap3A_407], %swap3A_410 {strides = array<i32>} : memref<14x128xi32, #tpu.memory_space<vmem>>, vector<1x16xi32>,
    %get3A_411 = arith.constant 448 : index
    %get3A_412 = tpu.vector_load %arg11[%get3A_411] {strides = array<i32>} : memref<1808xi32, #tpu.memory_space<vmem>>, vector<16xi32>,
    %get3A_413 = vector.shape_cast %get3A_412 : vector<16xi32> to vector<16xi32>
    %swap3A_414 = arith.constant 3 : i32
    %swap3A_415 = arith.index_cast %swap3A_414 : i32 to index
    %swap3A_416 = arith.constant 64 : index
    %swap3A_417 = tpu.vector_load %arg12[%swap3A_415, %swap3A_416] {strides = array<i32>} : memref<14x128xi32, #tpu.memory_space<vmem>>, vector<1x16xi32>,
    %swap3A_418 = vector.shape_cast %swap3A_417 : vector<1x16xi32> to vector<16xi32>
    %swap3A_419 = vector.shape_cast %get3A_413 : vector<16xi32> to vector<1x16xi32>
    tpu.vector_store %arg12[%swap3A_415, %swap3A_416], %swap3A_419 {strides = array<i32>} : memref<14x128xi32, #tpu.memory_space<vmem>>, vector<1x16xi32>,
    %get3A_420 = arith.constant 464 : index
    %get3A_421 = tpu.vector_load %arg11[%get3A_420] {strides = array<i32>} : memref<1808xi32, #tpu.memory_space<vmem>>, vector<16xi32>,
    %get3A_422 = vector.shape_cast %get3A_421 : vector<16xi32> to vector<16xi32>
    %swap3A_423 = arith.constant 3 : i32
    %swap3A_424 = arith.index_cast %swap3A_423 : i32 to index
    %swap3A_425 = arith.constant 80 : index
    %swap3A_426 = tpu.vector_load %arg12[%swap3A_424, %swap3A_425] {strides = array<i32>} : memref<14x128xi32, #tpu.memory_space<vmem>>, vector<1x16xi32>,
    %swap3A_427 = vector.shape_cast %swap3A_426 : vector<1x16xi32> to vector<16xi32>
    %swap3A_428 = vector.shape_cast %get3A_422 : vector<16xi32> to vector<1x16xi32>
    tpu.vector_store %arg12[%swap3A_424, %swap3A_425], %swap3A_428 {strides = array<i32>} : memref<14x128xi32, #tpu.memory_space<vmem>>, vector<1x16xi32>,
    %get3A_429 = arith.constant 480 : index
    %get3A_430 = tpu.vector_load %arg11[%get3A_429] {strides = array<i32>} : memref<1808xi32, #tpu.memory_space<vmem>>, vector<16xi32>,
    %get3A_431 = vector.shape_cast %get3A_430 : vector<16xi32> to vector<16xi32>
    %swap3A_432 = arith.constant 3 : i32
    %swap3A_433 = arith.index_cast %swap3A_432 : i32 to index
    %swap3A_434 = arith.constant 96 : index
    %swap3A_435 = tpu.vector_load %arg12[%swap3A_433, %swap3A_434] {strides = array<i32>} : memref<14x128xi32, #tpu.memory_space<vmem>>, vector<1x16xi32>,
    %swap3A_436 = vector.shape_cast %swap3A_435 : vector<1x16xi32> to vector<16xi32>
    %swap3A_437 = vector.shape_cast %get3A_431 : vector<16xi32> to vector<1x16xi32>
    tpu.vector_store %arg12[%swap3A_433, %swap3A_434], %swap3A_437 {strides = array<i32>} : memref<14x128xi32, #tpu.memory_space<vmem>>, vector<1x16xi32>,
    %get3A_438 = arith.constant 496 : index
    %get3A_439 = tpu.vector_load %arg11[%get3A_438] {strides = array<i32>} : memref<1808xi32, #tpu.memory_space<vmem>>, vector<16xi32>,
    %get3A_440 = vector.shape_cast %get3A_439 : vector<16xi32> to vector<16xi32>
    %swap3A_441 = arith.constant 3 : i32
    %swap3A_442 = arith.index_cast %swap3A_441 : i32 to index
    %swap3A_443 = arith.constant 112 : index
    %swap3A_444 = tpu.vector_load %arg12[%swap3A_442, %swap3A_443] {strides = array<i32>} : memref<14x128xi32, #tpu.memory_space<vmem>>, vector<1x16xi32>,
    %swap3A_445 = vector.shape_cast %swap3A_444 : vector<1x16xi32> to vector<16xi32>
    %swap3A_446 = vector.shape_cast %get3A_440 : vector<16xi32> to vector<1x16xi32>
    tpu.vector_store %arg12[%swap3A_442, %swap3A_443], %swap3A_446 {strides = array<i32>} : memref<14x128xi32, #tpu.memory_space<vmem>>, vector<1x16xi32>,
    %get3A_447 = arith.constant 512 : index
    %get3A_448 = tpu.vector_load %arg11[%get3A_447] {strides = array<i32>} : memref<1808xi32, #tpu.memory_space<vmem>>, vector<16xi32>,
    %get3A_449 = vector.shape_cast %get3A_448 : vector<16xi32> to vector<16xi32>
    %swap3A_450 = arith.constant 4 : i32
    %swap3A_451 = arith.index_cast %swap3A_450 : i32 to index
    %swap3A_452 = arith.constant 0 : index
    %swap3A_453 = tpu.vector_load %arg12[%swap3A_451, %swap3A_452] {strides = array<i32>} : memref<14x128xi32, #tpu.memory_space<vmem>>, vector<1x16xi32>,
    %swap3A_454 = vector.shape_cast %swap3A_453 : vector<1x16xi32> to vector<16xi32>
    %swap3A_455 = vector.shape_cast %get3A_449 : vector<16xi32> to vector<1x16xi32>
    tpu.vector_store %arg12[%swap3A_451, %swap3A_452], %swap3A_455 {strides = array<i32>} : memref<14x128xi32, #tpu.memory_space<vmem>>, vector<1x16xi32>,
    %get3A_456 = arith.constant 528 : index
    %get3A_457 = tpu.vector_load %arg11[%get3A_456] {strides = array<i32>} : memref<1808xi32, #tpu.memory_space<vmem>>, vector<16xi32>,
    %get3A_458 = vector.shape_cast %get3A_457 : vector<16xi32> to vector<16xi32>
    %swap3A_459 = arith.constant 4 : i32
    %swap3A_460 = arith.index_cast %swap3A_459 : i32 to index
    %swap3A_461 = arith.constant 16 : index
    %swap3A_462 = tpu.vector_load %arg12[%swap3A_460, %swap3A_461] {strides = array<i32>} : memref<14x128xi32, #tpu.memory_space<vmem>>, vector<1x16xi32>,
    %swap3A_463 = vector.shape_cast %swap3A_462 : vector<1x16xi32> to vector<16xi32>
    %swap3A_464 = vector.shape_cast %get3A_458 : vector<16xi32> to vector<1x16xi32>
    tpu.vector_store %arg12[%swap3A_460, %swap3A_461], %swap3A_464 {strides = array<i32>} : memref<14x128xi32, #tpu.memory_space<vmem>>, vector<1x16xi32>,
    %get3A_465 = arith.constant 544 : index
    %get3A_466 = tpu.vector_load %arg11[%get3A_465] {strides = array<i32>} : memref<1808xi32, #tpu.memory_space<vmem>>, vector<16xi32>,
    %get3A_467 = vector.shape_cast %get3A_466 : vector<16xi32> to vector<16xi32>
    %swap3A_468 = arith.constant 4 : i32
    %swap3A_469 = arith.index_cast %swap3A_468 : i32 to index
    %swap3A_470 = arith.constant 32 : index
    %swap3A_471 = tpu.vector_load %arg12[%swap3A_469, %swap3A_470] {strides = array<i32>} : memref<14x128xi32, #tpu.memory_space<vmem>>, vector<1x16xi32>,
    %swap3A_472 = vector.shape_cast %swap3A_471 : vector<1x16xi32> to vector<16xi32>
    %swap3A_473 = vector.shape_cast %get3A_467 : vector<16xi32> to vector<1x16xi32>
    tpu.vector_store %arg12[%swap3A_469, %swap3A_470], %swap3A_473 {strides = array<i32>} : memref<14x128xi32, #tpu.memory_space<vmem>>, vector<1x16xi32>,
    %get3A_474 = arith.constant 560 : index
    %get3A_475 = tpu.vector_load %arg11[%get3A_474] {strides = array<i32>} : memref<1808xi32, #tpu.memory_space<vmem>>, vector<16xi32>,
    %get3A_476 = vector.shape_cast %get3A_475 : vector<16xi32> to vector<16xi32>
    %swap3A_477 = arith.constant 4 : i32
    %swap3A_478 = arith.index_cast %swap3A_477 : i32 to index
    %swap3A_479 = arith.constant 48 : index
    %swap3A_480 = tpu.vector_load %arg12[%swap3A_478, %swap3A_479] {strides = array<i32>} : memref<14x128xi32, #tpu.memory_space<vmem>>, vector<1x16xi32>,
    %swap3A_481 = vector.shape_cast %swap3A_480 : vector<1x16xi32> to vector<16xi32>
    %swap3A_482 = vector.shape_cast %get3A_476 : vector<16xi32> to vector<1x16xi32>
    tpu.vector_store %arg12[%swap3A_478, %swap3A_479], %swap3A_482 {strides = array<i32>} : memref<14x128xi32, #tpu.memory_space<vmem>>, vector<1x16xi32>,
    %get3A_483 = arith.constant 576 : index
    %get3A_484 = tpu.vector_load %arg11[%get3A_483] {strides = array<i32>} : memref<1808xi32, #tpu.memory_space<vmem>>, vector<16xi32>,
    %get3A_485 = vector.shape_cast %get3A_484 : vector<16xi32> to vector<16xi32>
    %swap3A_486 = arith.constant 4 : i32
    %swap3A_487 = arith.index_cast %swap3A_486 : i32 to index
    %swap3A_488 = arith.constant 64 : index
    %swap3A_489 = tpu.vector_load %arg12[%swap3A_487, %swap3A_488] {strides = array<i32>} : memref<14x128xi32, #tpu.memory_space<vmem>>, vector<1x16xi32>,
    %swap3A_490 = vector.shape_cast %swap3A_489 : vector<1x16xi32> to vector<16xi32>
    %swap3A_491 = vector.shape_cast %get3A_485 : vector<16xi32> to vector<1x16xi32>
    tpu.vector_store %arg12[%swap3A_487, %swap3A_488], %swap3A_491 {strides = array<i32>} : memref<14x128xi32, #tpu.memory_space<vmem>>, vector<1x16xi32>,
    %get3A_492 = arith.constant 592 : index
    %get3A_493 = tpu.vector_load %arg11[%get3A_492] {strides = array<i32>} : memref<1808xi32, #tpu.memory_space<vmem>>, vector<16xi32>,
    %get3A_494 = vector.shape_cast %get3A_493 : vector<16xi32> to vector<16xi32>
    %swap3A_495 = arith.constant 4 : i32
    %swap3A_496 = arith.index_cast %swap3A_495 : i32 to index
    %swap3A_497 = arith.constant 80 : index
    %swap3A_498 = tpu.vector_load %arg12[%swap3A_496, %swap3A_497] {strides = array<i32>} : memref<14x128xi32, #tpu.memory_space<vmem>>, vector<1x16xi32>,
    %swap3A_499 = vector.shape_cast %swap3A_498 : vector<1x16xi32> to vector<16xi32>
    %swap3A_500 = vector.shape_cast %get3A_494 : vector<16xi32> to vector<1x16xi32>
    tpu.vector_store %arg12[%swap3A_496, %swap3A_497], %swap3A_500 {strides = array<i32>} : memref<14x128xi32, #tpu.memory_space<vmem>>, vector<1x16xi32>,
    %get3A_501 = arith.constant 608 : index
    %get3A_502 = tpu.vector_load %arg11[%get3A_501] {strides = array<i32>} : memref<1808xi32, #tpu.memory_space<vmem>>, vector<16xi32>,
    %get3A_503 = vector.shape_cast %get3A_502 : vector<16xi32> to vector<16xi32>
    %swap3A_504 = arith.constant 4 : i32
    %swap3A_505 = arith.index_cast %swap3A_504 : i32 to index
    %swap3A_506 = arith.constant 96 : index
    %swap3A_507 = tpu.vector_load %arg12[%swap3A_505, %swap3A_506] {strides = array<i32>} : memref<14x128xi32, #tpu.memory_space<vmem>>, vector<1x16xi32>,
    %swap3A_508 = vector.shape_cast %swap3A_507 : vector<1x16xi32> to vector<16xi32>
    %swap3A_509 = vector.shape_cast %get3A_503 : vector<16xi32> to vector<1x16xi32>
    tpu.vector_store %arg12[%swap3A_505, %swap3A_506], %swap3A_509 {strides = array<i32>} : memref<14x128xi32, #tpu.memory_space<vmem>>, vector<1x16xi32>,
    %get3A_510 = arith.constant 624 : index
    %get3A_511 = tpu.vector_load %arg11[%get3A_510] {strides = array<i32>} : memref<1808xi32, #tpu.memory_space<vmem>>, vector<16xi32>,
    %get3A_512 = vector.shape_cast %get3A_511 : vector<16xi32> to vector<16xi32>
    %swap3A_513 = arith.constant 4 : i32
    %swap3A_514 = arith.index_cast %swap3A_513 : i32 to index
    %swap3A_515 = arith.constant 112 : index
    %swap3A_516 = tpu.vector_load %arg12[%swap3A_514, %swap3A_515] {strides = array<i32>} : memref<14x128xi32, #tpu.memory_space<vmem>>, vector<1x16xi32>,
    %swap3A_517 = vector.shape_cast %swap3A_516 : vector<1x16xi32> to vector<16xi32>
    %swap3A_518 = vector.shape_cast %get3A_512 : vector<16xi32> to vector<1x16xi32>
    tpu.vector_store %arg12[%swap3A_514, %swap3A_515], %swap3A_518 {strides = array<i32>} : memref<14x128xi32, #tpu.memory_space<vmem>>, vector<1x16xi32>,
    %get3A_519 = arith.constant 640 : index
    %get3A_520 = tpu.vector_load %arg11[%get3A_519] {strides = array<i32>} : memref<1808xi32, #tpu.memory_space<vmem>>, vector<16xi32>,
    %get3A_521 = vector.shape_cast %get3A_520 : vector<16xi32> to vector<16xi32>
    %swap3A_522 = arith.constant 5 : i32
    %swap3A_523 = arith.index_cast %swap3A_522 : i32 to index
    %swap3A_524 = arith.constant 0 : index
    %swap3A_525 = tpu.vector_load %arg12[%swap3A_523, %swap3A_524] {strides = array<i32>} : memref<14x128xi32, #tpu.memory_space<vmem>>, vector<1x16xi32>,
    %swap3A_526 = vector.shape_cast %swap3A_525 : vector<1x16xi32> to vector<16xi32>
    %swap3A_527 = vector.shape_cast %get3A_521 : vector<16xi32> to vector<1x16xi32>
    tpu.vector_store %arg12[%swap3A_523, %swap3A_524], %swap3A_527 {strides = array<i32>} : memref<14x128xi32, #tpu.memory_space<vmem>>, vector<1x16xi32>,
    %get3A_528 = arith.constant 656 : index
    %get3A_529 = tpu.vector_load %arg11[%get3A_528] {strides = array<i32>} : memref<1808xi32, #tpu.memory_space<vmem>>, vector<16xi32>,
    %get3A_530 = vector.shape_cast %get3A_529 : vector<16xi32> to vector<16xi32>
    %swap3A_531 = arith.constant 5 : i32
    %swap3A_532 = arith.index_cast %swap3A_531 : i32 to index
    %swap3A_533 = arith.constant 16 : index
    %swap3A_534 = tpu.vector_load %arg12[%swap3A_532, %swap3A_533] {strides = array<i32>} : memref<14x128xi32, #tpu.memory_space<vmem>>, vector<1x16xi32>,
    %swap3A_535 = vector.shape_cast %swap3A_534 : vector<1x16xi32> to vector<16xi32>
    %swap3A_536 = vector.shape_cast %get3A_530 : vector<16xi32> to vector<1x16xi32>
    tpu.vector_store %arg12[%swap3A_532, %swap3A_533], %swap3A_536 {strides = array<i32>} : memref<14x128xi32, #tpu.memory_space<vmem>>, vector<1x16xi32>,
    %get3A_537 = arith.constant 672 : index
    %get3A_538 = tpu.vector_load %arg11[%get3A_537] {strides = array<i32>} : memref<1808xi32, #tpu.memory_space<vmem>>, vector<16xi32>,
    %get3A_539 = vector.shape_cast %get3A_538 : vector<16xi32> to vector<16xi32>
    %swap3A_540 = arith.constant 5 : i32
    %swap3A_541 = arith.index_cast %swap3A_540 : i32 to index
    %swap3A_542 = arith.constant 32 : index
    %swap3A_543 = tpu.vector_load %arg12[%swap3A_541, %swap3A_542] {strides = array<i32>} : memref<14x128xi32, #tpu.memory_space<vmem>>, vector<1x16xi32>,
    %swap3A_544 = vector.shape_cast %swap3A_543 : vector<1x16xi32> to vector<16xi32>
    %swap3A_545 = vector.shape_cast %get3A_539 : vector<16xi32> to vector<1x16xi32>
    tpu.vector_store %arg12[%swap3A_541, %swap3A_542], %swap3A_545 {strides = array<i32>} : memref<14x128xi32, #tpu.memory_space<vmem>>, vector<1x16xi32>,
    %get3A_546 = arith.constant 688 : index
    %get3A_547 = tpu.vector_load %arg11[%get3A_546] {strides = array<i32>} : memref<1808xi32, #tpu.memory_space<vmem>>, vector<16xi32>,
    %get3A_548 = vector.shape_cast %get3A_547 : vector<16xi32> to vector<16xi32>
    %swap3A_549 = arith.constant 5 : i32
    %swap3A_550 = arith.index_cast %swap3A_549 : i32 to index
    %swap3A_551 = arith.constant 48 : index
    %swap3A_552 = tpu.vector_load %arg12[%swap3A_550, %swap3A_551] {strides = array<i32>} : memref<14x128xi32, #tpu.memory_space<vmem>>, vector<1x16xi32>,
    %swap3A_553 = vector.shape_cast %swap3A_552 : vector<1x16xi32> to vector<16xi32>
    %swap3A_554 = vector.shape_cast %get3A_548 : vector<16xi32> to vector<1x16xi32>
    tpu.vector_store %arg12[%swap3A_550, %swap3A_551], %swap3A_554 {strides = array<i32>} : memref<14x128xi32, #tpu.memory_space<vmem>>, vector<1x16xi32>,
    %get3A_555 = arith.constant 704 : index
    %get3A_556 = tpu.vector_load %arg11[%get3A_555] {strides = array<i32>} : memref<1808xi32, #tpu.memory_space<vmem>>, vector<16xi32>,
    %get3A_557 = vector.shape_cast %get3A_556 : vector<16xi32> to vector<16xi32>
    %swap3A_558 = arith.constant 5 : i32
    %swap3A_559 = arith.index_cast %swap3A_558 : i32 to index
    %swap3A_560 = arith.constant 64 : index
    %swap3A_561 = tpu.vector_load %arg12[%swap3A_559, %swap3A_560] {strides = array<i32>} : memref<14x128xi32, #tpu.memory_space<vmem>>, vector<1x16xi32>,
    %swap3A_562 = vector.shape_cast %swap3A_561 : vector<1x16xi32> to vector<16xi32>
    %swap3A_563 = vector.shape_cast %get3A_557 : vector<16xi32> to vector<1x16xi32>
    tpu.vector_store %arg12[%swap3A_559, %swap3A_560], %swap3A_563 {strides = array<i32>} : memref<14x128xi32, #tpu.memory_space<vmem>>, vector<1x16xi32>,
    %get3A_564 = arith.constant 720 : index
    %get3A_565 = tpu.vector_load %arg11[%get3A_564] {strides = array<i32>} : memref<1808xi32, #tpu.memory_space<vmem>>, vector<16xi32>,
    %get3A_566 = vector.shape_cast %get3A_565 : vector<16xi32> to vector<16xi32>
    %swap3A_567 = arith.constant 5 : i32
    %swap3A_568 = arith.index_cast %swap3A_567 : i32 to index
    %swap3A_569 = arith.constant 80 : index
    %swap3A_570 = tpu.vector_load %arg12[%swap3A_568, %swap3A_569] {strides = array<i32>} : memref<14x128xi32, #tpu.memory_space<vmem>>, vector<1x16xi32>,
    %swap3A_571 = vector.shape_cast %swap3A_570 : vector<1x16xi32> to vector<16xi32>
    %swap3A_572 = vector.shape_cast %get3A_566 : vector<16xi32> to vector<1x16xi32>
    tpu.vector_store %arg12[%swap3A_568, %swap3A_569], %swap3A_572 {strides = array<i32>} : memref<14x128xi32, #tpu.memory_space<vmem>>, vector<1x16xi32>,
    %get3A_573 = arith.constant 736 : index
    %get3A_574 = tpu.vector_load %arg11[%get3A_573] {strides = array<i32>} : memref<1808xi32, #tpu.memory_space<vmem>>, vector<16xi32>,
    %get3A_575 = vector.shape_cast %get3A_574 : vector<16xi32> to vector<16xi32>
    %swap3A_576 = arith.constant 5 : i32
    %swap3A_577 = arith.index_cast %swap3A_576 : i32 to index
    %swap3A_578 = arith.constant 96 : index
    %swap3A_579 = tpu.vector_load %arg12[%swap3A_577, %swap3A_578] {strides = array<i32>} : memref<14x128xi32, #tpu.memory_space<vmem>>, vector<1x16xi32>,
    %swap3A_580 = vector.shape_cast %swap3A_579 : vector<1x16xi32> to vector<16xi32>
    %swap3A_581 = vector.shape_cast %get3A_575 : vector<16xi32> to vector<1x16xi32>
    tpu.vector_store %arg12[%swap3A_577, %swap3A_578], %swap3A_581 {strides = array<i32>} : memref<14x128xi32, #tpu.memory_space<vmem>>, vector<1x16xi32>,
    %get3A_582 = arith.constant 752 : index
    %get3A_583 = tpu.vector_load %arg11[%get3A_582] {strides = array<i32>} : memref<1808xi32, #tpu.memory_space<vmem>>, vector<16xi32>,
    %get3A_584 = vector.shape_cast %get3A_583 : vector<16xi32> to vector<16xi32>
    %swap3A_585 = arith.constant 5 : i32
    %swap3A_586 = arith.index_cast %swap3A_585 : i32 to index
    %swap3A_587 = arith.constant 112 : index
    %swap3A_588 = tpu.vector_load %arg12[%swap3A_586, %swap3A_587] {strides = array<i32>} : memref<14x128xi32, #tpu.memory_space<vmem>>, vector<1x16xi32>,
    %swap3A_589 = vector.shape_cast %swap3A_588 : vector<1x16xi32> to vector<16xi32>
    %swap3A_590 = vector.shape_cast %get3A_584 : vector<16xi32> to vector<1x16xi32>
    tpu.vector_store %arg12[%swap3A_586, %swap3A_587], %swap3A_590 {strides = array<i32>} : memref<14x128xi32, #tpu.memory_space<vmem>>, vector<1x16xi32>,
    %get3A_591 = arith.constant 768 : index
    %get3A_592 = tpu.vector_load %arg11[%get3A_591] {strides = array<i32>} : memref<1808xi32, #tpu.memory_space<vmem>>, vector<16xi32>,
    %get3A_593 = vector.shape_cast %get3A_592 : vector<16xi32> to vector<16xi32>
    %swap3A_594 = arith.constant 6 : i32
    %swap3A_595 = arith.index_cast %swap3A_594 : i32 to index
    %swap3A_596 = arith.constant 0 : index
    %swap3A_597 = tpu.vector_load %arg12[%swap3A_595, %swap3A_596] {strides = array<i32>} : memref<14x128xi32, #tpu.memory_space<vmem>>, vector<1x16xi32>,
    %swap3A_598 = vector.shape_cast %swap3A_597 : vector<1x16xi32> to vector<16xi32>
    %swap3A_599 = vector.shape_cast %get3A_593 : vector<16xi32> to vector<1x16xi32>
    tpu.vector_store %arg12[%swap3A_595, %swap3A_596], %swap3A_599 {strides = array<i32>} : memref<14x128xi32, #tpu.memory_space<vmem>>, vector<1x16xi32>,
    %get3A_600 = arith.constant 784 : index
    %get3A_601 = tpu.vector_load %arg11[%get3A_600] {strides = array<i32>} : memref<1808xi32, #tpu.memory_space<vmem>>, vector<16xi32>,
    %get3A_602 = vector.shape_cast %get3A_601 : vector<16xi32> to vector<16xi32>
    %swap3A_603 = arith.constant 6 : i32
    %swap3A_604 = arith.index_cast %swap3A_603 : i32 to index
    %swap3A_605 = arith.constant 16 : index
    %swap3A_606 = tpu.vector_load %arg12[%swap3A_604, %swap3A_605] {strides = array<i32>} : memref<14x128xi32, #tpu.memory_space<vmem>>, vector<1x16xi32>,
    %swap3A_607 = vector.shape_cast %swap3A_606 : vector<1x16xi32> to vector<16xi32>
    %swap3A_608 = vector.shape_cast %get3A_602 : vector<16xi32> to vector<1x16xi32>
    tpu.vector_store %arg12[%swap3A_604, %swap3A_605], %swap3A_608 {strides = array<i32>} : memref<14x128xi32, #tpu.memory_space<vmem>>, vector<1x16xi32>,
    %get3A_609 = arith.constant 800 : index
    %get3A_610 = tpu.vector_load %arg11[%get3A_609] {strides = array<i32>} : memref<1808xi32, #tpu.memory_space<vmem>>, vector<16xi32>,
    %get3A_611 = vector.shape_cast %get3A_610 : vector<16xi32> to vector<16xi32>
    %swap3A_612 = arith.constant 6 : i32
    %swap3A_613 = arith.index_cast %swap3A_612 : i32 to index
    %swap3A_614 = arith.constant 32 : index
    %swap3A_615 = tpu.vector_load %arg12[%swap3A_613, %swap3A_614] {strides = array<i32>} : memref<14x128xi32, #tpu.memory_space<vmem>>, vector<1x16xi32>,
    %swap3A_616 = vector.shape_cast %swap3A_615 : vector<1x16xi32> to vector<16xi32>
    %swap3A_617 = vector.shape_cast %get3A_611 : vector<16xi32> to vector<1x16xi32>
    tpu.vector_store %arg12[%swap3A_613, %swap3A_614], %swap3A_617 {strides = array<i32>} : memref<14x128xi32, #tpu.memory_space<vmem>>, vector<1x16xi32>,
    %get3A_618 = arith.constant 816 : index
    %get3A_619 = tpu.vector_load %arg11[%get3A_618] {strides = array<i32>} : memref<1808xi32, #tpu.memory_space<vmem>>, vector<16xi32>,
    %get3A_620 = vector.shape_cast %get3A_619 : vector<16xi32> to vector<16xi32>
    %swap3A_621 = arith.constant 6 : i32
    %swap3A_622 = arith.index_cast %swap3A_621 : i32 to index
    %swap3A_623 = arith.constant 48 : index
    %swap3A_624 = tpu.vector_load %arg12[%swap3A_622, %swap3A_623] {strides = array<i32>} : memref<14x128xi32, #tpu.memory_space<vmem>>, vector<1x16xi32>,
    %swap3A_625 = vector.shape_cast %swap3A_624 : vector<1x16xi32> to vector<16xi32>
    %swap3A_626 = vector.shape_cast %get3A_620 : vector<16xi32> to vector<1x16xi32>
    tpu.vector_store %arg12[%swap3A_622, %swap3A_623], %swap3A_626 {strides = array<i32>} : memref<14x128xi32, #tpu.memory_space<vmem>>, vector<1x16xi32>,
    %get3A_627 = arith.constant 832 : index
    %get3A_628 = tpu.vector_load %arg11[%get3A_627] {strides = array<i32>} : memref<1808xi32, #tpu.memory_space<vmem>>, vector<16xi32>,
    %get3A_629 = vector.shape_cast %get3A_628 : vector<16xi32> to vector<16xi32>
    %swap3A_630 = arith.constant 6 : i32
    %swap3A_631 = arith.index_cast %swap3A_630 : i32 to index
    %swap3A_632 = arith.constant 64 : index
    %swap3A_633 = tpu.vector_load %arg12[%swap3A_631, %swap3A_632] {strides = array<i32>} : memref<14x128xi32, #tpu.memory_space<vmem>>, vector<1x16xi32>,
    %swap3A_634 = vector.shape_cast %swap3A_633 : vector<1x16xi32> to vector<16xi32>
    %swap3A_635 = vector.shape_cast %get3A_629 : vector<16xi32> to vector<1x16xi32>
    tpu.vector_store %arg12[%swap3A_631, %swap3A_632], %swap3A_635 {strides = array<i32>} : memref<14x128xi32, #tpu.memory_space<vmem>>, vector<1x16xi32>,
    %get3A_636 = arith.constant 848 : index
    %get3A_637 = tpu.vector_load %arg11[%get3A_636] {strides = array<i32>} : memref<1808xi32, #tpu.memory_space<vmem>>, vector<16xi32>,
    %get3A_638 = vector.shape_cast %get3A_637 : vector<16xi32> to vector<16xi32>
    %swap3A_639 = arith.constant 6 : i32
    %swap3A_640 = arith.index_cast %swap3A_639 : i32 to index
    %swap3A_641 = arith.constant 80 : index
    %swap3A_642 = tpu.vector_load %arg12[%swap3A_640, %swap3A_641] {strides = array<i32>} : memref<14x128xi32, #tpu.memory_space<vmem>>, vector<1x16xi32>,
    %swap3A_643 = vector.shape_cast %swap3A_642 : vector<1x16xi32> to vector<16xi32>
    %swap3A_644 = vector.shape_cast %get3A_638 : vector<16xi32> to vector<1x16xi32>
    tpu.vector_store %arg12[%swap3A_640, %swap3A_641], %swap3A_644 {strides = array<i32>} : memref<14x128xi32, #tpu.memory_space<vmem>>, vector<1x16xi32>,
    %get3A_645 = arith.constant 864 : index
    %get3A_646 = tpu.vector_load %arg11[%get3A_645] {strides = array<i32>} : memref<1808xi32, #tpu.memory_space<vmem>>, vector<16xi32>,
    %get3A_647 = vector.shape_cast %get3A_646 : vector<16xi32> to vector<16xi32>
    %swap3A_648 = arith.constant 6 : i32
    %swap3A_649 = arith.index_cast %swap3A_648 : i32 to index
    %swap3A_650 = arith.constant 96 : index
    %swap3A_651 = tpu.vector_load %arg12[%swap3A_649, %swap3A_650] {strides = array<i32>} : memref<14x128xi32, #tpu.memory_space<vmem>>, vector<1x16xi32>,
    %swap3A_652 = vector.shape_cast %swap3A_651 : vector<1x16xi32> to vector<16xi32>
    %swap3A_653 = vector.shape_cast %get3A_647 : vector<16xi32> to vector<1x16xi32>
    tpu.vector_store %arg12[%swap3A_649, %swap3A_650], %swap3A_653 {strides = array<i32>} : memref<14x128xi32, #tpu.memory_space<vmem>>, vector<1x16xi32>,
    %get3A_654 = arith.constant 880 : index
    %get3A_655 = tpu.vector_load %arg11[%get3A_654] {strides = array<i32>} : memref<1808xi32, #tpu.memory_space<vmem>>, vector<16xi32>,
    %get3A_656 = vector.shape_cast %get3A_655 : vector<16xi32> to vector<16xi32>
    %swap3A_657 = arith.constant 6 : i32
    %swap3A_658 = arith.index_cast %swap3A_657 : i32 to index
    %swap3A_659 = arith.constant 112 : index
    %swap3A_660 = tpu.vector_load %arg12[%swap3A_658, %swap3A_659] {strides = array<i32>} : memref<14x128xi32, #tpu.memory_space<vmem>>, vector<1x16xi32>,
    %swap3A_661 = vector.shape_cast %swap3A_660 : vector<1x16xi32> to vector<16xi32>
    %swap3A_662 = vector.shape_cast %get3A_656 : vector<16xi32> to vector<1x16xi32>
    tpu.vector_store %arg12[%swap3A_658, %swap3A_659], %swap3A_662 {strides = array<i32>} : memref<14x128xi32, #tpu.memory_space<vmem>>, vector<1x16xi32>,
    %get3A_663 = arith.constant 896 : index
    %get3A_664 = tpu.vector_load %arg11[%get3A_663] {strides = array<i32>} : memref<1808xi32, #tpu.memory_space<vmem>>, vector<16xi32>,
    %get3A_665 = vector.shape_cast %get3A_664 : vector<16xi32> to vector<16xi32>
    %swap3A_666 = arith.constant 7 : i32
    %swap3A_667 = arith.index_cast %swap3A_666 : i32 to index
    %swap3A_668 = arith.constant 0 : index
    %swap3A_669 = tpu.vector_load %arg12[%swap3A_667, %swap3A_668] {strides = array<i32>} : memref<14x128xi32, #tpu.memory_space<vmem>>, vector<1x16xi32>,
    %swap3A_670 = vector.shape_cast %swap3A_669 : vector<1x16xi32> to vector<16xi32>
    %swap3A_671 = vector.shape_cast %get3A_665 : vector<16xi32> to vector<1x16xi32>
    tpu.vector_store %arg12[%swap3A_667, %swap3A_668], %swap3A_671 {strides = array<i32>} : memref<14x128xi32, #tpu.memory_space<vmem>>, vector<1x16xi32>,
    %get3A_672 = arith.constant 912 : index
    %get3A_673 = tpu.vector_load %arg11[%get3A_672] {strides = array<i32>} : memref<1808xi32, #tpu.memory_space<vmem>>, vector<16xi32>,
    %get3A_674 = vector.shape_cast %get3A_673 : vector<16xi32> to vector<16xi32>
    %swap3A_675 = arith.constant 7 : i32
    %swap3A_676 = arith.index_cast %swap3A_675 : i32 to index
    %swap3A_677 = arith.constant 16 : index
    %swap3A_678 = tpu.vector_load %arg12[%swap3A_676, %swap3A_677] {strides = array<i32>} : memref<14x128xi32, #tpu.memory_space<vmem>>, vector<1x16xi32>,
    %swap3A_679 = vector.shape_cast %swap3A_678 : vector<1x16xi32> to vector<16xi32>
    %swap3A_680 = vector.shape_cast %get3A_674 : vector<16xi32> to vector<1x16xi32>
    tpu.vector_store %arg12[%swap3A_676, %swap3A_677], %swap3A_680 {strides = array<i32>} : memref<14x128xi32, #tpu.memory_space<vmem>>, vector<1x16xi32>,
    %get3A_681 = arith.constant 928 : index
    %get3A_682 = tpu.vector_load %arg11[%get3A_681] {strides = array<i32>} : memref<1808xi32, #tpu.memory_space<vmem>>, vector<16xi32>,
    %get3A_683 = vector.shape_cast %get3A_682 : vector<16xi32> to vector<16xi32>
    %swap3A_684 = arith.constant 7 : i32
    %swap3A_685 = arith.index_cast %swap3A_684 : i32 to index
    %swap3A_686 = arith.constant 32 : index
    %swap3A_687 = tpu.vector_load %arg12[%swap3A_685, %swap3A_686] {strides = array<i32>} : memref<14x128xi32, #tpu.memory_space<vmem>>, vector<1x16xi32>,
    %swap3A_688 = vector.shape_cast %swap3A_687 : vector<1x16xi32> to vector<16xi32>
    %swap3A_689 = vector.shape_cast %get3A_683 : vector<16xi32> to vector<1x16xi32>
    tpu.vector_store %arg12[%swap3A_685, %swap3A_686], %swap3A_689 {strides = array<i32>} : memref<14x128xi32, #tpu.memory_space<vmem>>, vector<1x16xi32>,
    %get3A_690 = arith.constant 944 : index
    %get3A_691 = tpu.vector_load %arg11[%get3A_690] {strides = array<i32>} : memref<1808xi32, #tpu.memory_space<vmem>>, vector<16xi32>,
    %get3A_692 = vector.shape_cast %get3A_691 : vector<16xi32> to vector<16xi32>
    %swap3A_693 = arith.constant 7 : i32
    %swap3A_694 = arith.index_cast %swap3A_693 : i32 to index
    %swap3A_695 = arith.constant 48 : index
    %swap3A_696 = tpu.vector_load %arg12[%swap3A_694, %swap3A_695] {strides = array<i32>} : memref<14x128xi32, #tpu.memory_space<vmem>>, vector<1x16xi32>,
    %swap3A_697 = vector.shape_cast %swap3A_696 : vector<1x16xi32> to vector<16xi32>
    %swap3A_698 = vector.shape_cast %get3A_692 : vector<16xi32> to vector<1x16xi32>
    tpu.vector_store %arg12[%swap3A_694, %swap3A_695], %swap3A_698 {strides = array<i32>} : memref<14x128xi32, #tpu.memory_space<vmem>>, vector<1x16xi32>,
    %get3A_699 = arith.constant 960 : index
    %get3A_700 = tpu.vector_load %arg11[%get3A_699] {strides = array<i32>} : memref<1808xi32, #tpu.memory_space<vmem>>, vector<16xi32>,
    %get3A_701 = vector.shape_cast %get3A_700 : vector<16xi32> to vector<16xi32>
    %swap3A_702 = arith.constant 7 : i32
    %swap3A_703 = arith.index_cast %swap3A_702 : i32 to index
    %swap3A_704 = arith.constant 64 : index
    %swap3A_705 = tpu.vector_load %arg12[%swap3A_703, %swap3A_704] {strides = array<i32>} : memref<14x128xi32, #tpu.memory_space<vmem>>, vector<1x16xi32>,
    %swap3A_706 = vector.shape_cast %swap3A_705 : vector<1x16xi32> to vector<16xi32>
    %swap3A_707 = vector.shape_cast %get3A_701 : vector<16xi32> to vector<1x16xi32>
    tpu.vector_store %arg12[%swap3A_703, %swap3A_704], %swap3A_707 {strides = array<i32>} : memref<14x128xi32, #tpu.memory_space<vmem>>, vector<1x16xi32>,
    %get3A_708 = arith.constant 976 : index
    %get3A_709 = tpu.vector_load %arg11[%get3A_708] {strides = array<i32>} : memref<1808xi32, #tpu.memory_space<vmem>>, vector<16xi32>,
    %get3A_710 = vector.shape_cast %get3A_709 : vector<16xi32> to vector<16xi32>
    %swap3A_711 = arith.constant 7 : i32
    %swap3A_712 = arith.index_cast %swap3A_711 : i32 to index
    %swap3A_713 = arith.constant 80 : index
    %swap3A_714 = tpu.vector_load %arg12[%swap3A_712, %swap3A_713] {strides = array<i32>} : memref<14x128xi32, #tpu.memory_space<vmem>>, vector<1x16xi32>,
    %swap3A_715 = vector.shape_cast %swap3A_714 : vector<1x16xi32> to vector<16xi32>
    %swap3A_716 = vector.shape_cast %get3A_710 : vector<16xi32> to vector<1x16xi32>
    tpu.vector_store %arg12[%swap3A_712, %swap3A_713], %swap3A_716 {strides = array<i32>} : memref<14x128xi32, #tpu.memory_space<vmem>>, vector<1x16xi32>,
    %get3A_717 = arith.constant 992 : index
    %get3A_718 = tpu.vector_load %arg11[%get3A_717] {strides = array<i32>} : memref<1808xi32, #tpu.memory_space<vmem>>, vector<16xi32>,
    %get3A_719 = vector.shape_cast %get3A_718 : vector<16xi32> to vector<16xi32>
    %swap3A_720 = arith.constant 7 : i32
    %swap3A_721 = arith.index_cast %swap3A_720 : i32 to index
    %swap3A_722 = arith.constant 96 : index
    %swap3A_723 = tpu.vector_load %arg12[%swap3A_721, %swap3A_722] {strides = array<i32>} : memref<14x128xi32, #tpu.memory_space<vmem>>, vector<1x16xi32>,
    %swap3A_724 = vector.shape_cast %swap3A_723 : vector<1x16xi32> to vector<16xi32>
    %swap3A_725 = vector.shape_cast %get3A_719 : vector<16xi32> to vector<1x16xi32>
    tpu.vector_store %arg12[%swap3A_721, %swap3A_722], %swap3A_725 {strides = array<i32>} : memref<14x128xi32, #tpu.memory_space<vmem>>, vector<1x16xi32>,
    %get3A_726 = arith.constant 1008 : index
    %get3A_727 = tpu.vector_load %arg11[%get3A_726] {strides = array<i32>} : memref<1808xi32, #tpu.memory_space<vmem>>, vector<16xi32>,
    %get3A_728 = vector.shape_cast %get3A_727 : vector<16xi32> to vector<16xi32>
    %swap3A_729 = arith.constant 7 : i32
    %swap3A_730 = arith.index_cast %swap3A_729 : i32 to index
    %swap3A_731 = arith.constant 112 : index
    %swap3A_732 = tpu.vector_load %arg12[%swap3A_730, %swap3A_731] {strides = array<i32>} : memref<14x128xi32, #tpu.memory_space<vmem>>, vector<1x16xi32>,
    %swap3A_733 = vector.shape_cast %swap3A_732 : vector<1x16xi32> to vector<16xi32>
    %swap3A_734 = vector.shape_cast %get3A_728 : vector<16xi32> to vector<1x16xi32>
    tpu.vector_store %arg12[%swap3A_730, %swap3A_731], %swap3A_734 {strides = array<i32>} : memref<14x128xi32, #tpu.memory_space<vmem>>, vector<1x16xi32>,
    %get3A_735 = arith.constant 1024 : index
    %get3A_736 = tpu.vector_load %arg11[%get3A_735] {strides = array<i32>} : memref<1808xi32, #tpu.memory_space<vmem>>, vector<16xi32>,
    %get3A_737 = vector.shape_cast %get3A_736 : vector<16xi32> to vector<16xi32>
    %swap3A_738 = arith.constant 8 : i32
    %swap3A_739 = arith.index_cast %swap3A_738 : i32 to index
    %swap3A_740 = arith.constant 0 : index
    %swap3A_741 = tpu.vector_load %arg12[%swap3A_739, %swap3A_740] {strides = array<i32>} : memref<14x128xi32, #tpu.memory_space<vmem>>, vector<1x16xi32>,
    %swap3A_742 = vector.shape_cast %swap3A_741 : vector<1x16xi32> to vector<16xi32>
    %swap3A_743 = vector.shape_cast %get3A_737 : vector<16xi32> to vector<1x16xi32>
    tpu.vector_store %arg12[%swap3A_739, %swap3A_740], %swap3A_743 {strides = array<i32>} : memref<14x128xi32, #tpu.memory_space<vmem>>, vector<1x16xi32>,
    %get3A_744 = arith.constant 1040 : index
    %get3A_745 = tpu.vector_load %arg11[%get3A_744] {strides = array<i32>} : memref<1808xi32, #tpu.memory_space<vmem>>, vector<16xi32>,
    %get3A_746 = vector.shape_cast %get3A_745 : vector<16xi32> to vector<16xi32>
    %swap3A_747 = arith.constant 8 : i32
    %swap3A_748 = arith.index_cast %swap3A_747 : i32 to index
    %swap3A_749 = arith.constant 16 : index
    %swap3A_750 = tpu.vector_load %arg12[%swap3A_748, %swap3A_749] {strides = array<i32>} : memref<14x128xi32, #tpu.memory_space<vmem>>, vector<1x16xi32>,
    %swap3A_751 = vector.shape_cast %swap3A_750 : vector<1x16xi32> to vector<16xi32>
    %swap3A_752 = vector.shape_cast %get3A_746 : vector<16xi32> to vector<1x16xi32>
    tpu.vector_store %arg12[%swap3A_748, %swap3A_749], %swap3A_752 {strides = array<i32>} : memref<14x128xi32, #tpu.memory_space<vmem>>, vector<1x16xi32>,
    %get3A_753 = arith.constant 1056 : index
    %get3A_754 = tpu.vector_load %arg11[%get3A_753] {strides = array<i32>} : memref<1808xi32, #tpu.memory_space<vmem>>, vector<16xi32>,
    %get3A_755 = vector.shape_cast %get3A_754 : vector<16xi32> to vector<16xi32>
    %swap3A_756 = arith.constant 8 : i32
    %swap3A_757 = arith.index_cast %swap3A_756 : i32 to index
    %swap3A_758 = arith.constant 32 : index
    %swap3A_759 = tpu.vector_load %arg12[%swap3A_757, %swap3A_758] {strides = array<i32>} : memref<14x128xi32, #tpu.memory_space<vmem>>, vector<1x16xi32>,
    %swap3A_760 = vector.shape_cast %swap3A_759 : vector<1x16xi32> to vector<16xi32>
    %swap3A_761 = vector.shape_cast %get3A_755 : vector<16xi32> to vector<1x16xi32>
    tpu.vector_store %arg12[%swap3A_757, %swap3A_758], %swap3A_761 {strides = array<i32>} : memref<14x128xi32, #tpu.memory_space<vmem>>, vector<1x16xi32>,
    %get3A_762 = arith.constant 1072 : index
    %get3A_763 = tpu.vector_load %arg11[%get3A_762] {strides = array<i32>} : memref<1808xi32, #tpu.memory_space<vmem>>, vector<16xi32>,
    %get3A_764 = vector.shape_cast %get3A_763 : vector<16xi32> to vector<16xi32>
    %swap3A_765 = arith.constant 8 : i32
    %swap3A_766 = arith.index_cast %swap3A_765 : i32 to index
    %swap3A_767 = arith.constant 48 : index
    %swap3A_768 = tpu.vector_load %arg12[%swap3A_766, %swap3A_767] {strides = array<i32>} : memref<14x128xi32, #tpu.memory_space<vmem>>, vector<1x16xi32>,
    %swap3A_769 = vector.shape_cast %swap3A_768 : vector<1x16xi32> to vector<16xi32>
    %swap3A_770 = vector.shape_cast %get3A_764 : vector<16xi32> to vector<1x16xi32>
    tpu.vector_store %arg12[%swap3A_766, %swap3A_767], %swap3A_770 {strides = array<i32>} : memref<14x128xi32, #tpu.memory_space<vmem>>, vector<1x16xi32>,
    %get3A_771 = arith.constant 1088 : index
    %get3A_772 = tpu.vector_load %arg11[%get3A_771] {strides = array<i32>} : memref<1808xi32, #tpu.memory_space<vmem>>, vector<16xi32>,
    %get3A_773 = vector.shape_cast %get3A_772 : vector<16xi32> to vector<16xi32>
    %swap3A_774 = arith.constant 8 : i32
    %swap3A_775 = arith.index_cast %swap3A_774 : i32 to index
    %swap3A_776 = arith.constant 64 : index
    %swap3A_777 = tpu.vector_load %arg12[%swap3A_775, %swap3A_776] {strides = array<i32>} : memref<14x128xi32, #tpu.memory_space<vmem>>, vector<1x16xi32>,
    %swap3A_778 = vector.shape_cast %swap3A_777 : vector<1x16xi32> to vector<16xi32>
    %swap3A_779 = vector.shape_cast %get3A_773 : vector<16xi32> to vector<1x16xi32>
    tpu.vector_store %arg12[%swap3A_775, %swap3A_776], %swap3A_779 {strides = array<i32>} : memref<14x128xi32, #tpu.memory_space<vmem>>, vector<1x16xi32>,
    %get3A_780 = arith.constant 1104 : index
    %get3A_781 = tpu.vector_load %arg11[%get3A_780] {strides = array<i32>} : memref<1808xi32, #tpu.memory_space<vmem>>, vector<16xi32>,
    %get3A_782 = vector.shape_cast %get3A_781 : vector<16xi32> to vector<16xi32>
    %swap3A_783 = arith.constant 8 : i32
    %swap3A_784 = arith.index_cast %swap3A_783 : i32 to index
    %swap3A_785 = arith.constant 80 : index
    %swap3A_786 = tpu.vector_load %arg12[%swap3A_784, %swap3A_785] {strides = array<i32>} : memref<14x128xi32, #tpu.memory_space<vmem>>, vector<1x16xi32>,
    %swap3A_787 = vector.shape_cast %swap3A_786 : vector<1x16xi32> to vector<16xi32>
    %swap3A_788 = vector.shape_cast %get3A_782 : vector<16xi32> to vector<1x16xi32>
    tpu.vector_store %arg12[%swap3A_784, %swap3A_785], %swap3A_788 {strides = array<i32>} : memref<14x128xi32, #tpu.memory_space<vmem>>, vector<1x16xi32>,
    %get3A_789 = arith.constant 1120 : index
    %get3A_790 = tpu.vector_load %arg11[%get3A_789] {strides = array<i32>} : memref<1808xi32, #tpu.memory_space<vmem>>, vector<16xi32>,
    %get3A_791 = vector.shape_cast %get3A_790 : vector<16xi32> to vector<16xi32>
    %swap3A_792 = arith.constant 8 : i32
    %swap3A_793 = arith.index_cast %swap3A_792 : i32 to index
    %swap3A_794 = arith.constant 96 : index
    %swap3A_795 = tpu.vector_load %arg12[%swap3A_793, %swap3A_794] {strides = array<i32>} : memref<14x128xi32, #tpu.memory_space<vmem>>, vector<1x16xi32>,
    %swap3A_796 = vector.shape_cast %swap3A_795 : vector<1x16xi32> to vector<16xi32>
    %swap3A_797 = vector.shape_cast %get3A_791 : vector<16xi32> to vector<1x16xi32>
    tpu.vector_store %arg12[%swap3A_793, %swap3A_794], %swap3A_797 {strides = array<i32>} : memref<14x128xi32, #tpu.memory_space<vmem>>, vector<1x16xi32>,
    %get3A_798 = arith.constant 1136 : index
    %get3A_799 = tpu.vector_load %arg11[%get3A_798] {strides = array<i32>} : memref<1808xi32, #tpu.memory_space<vmem>>, vector<16xi32>,
    %get3A_800 = vector.shape_cast %get3A_799 : vector<16xi32> to vector<16xi32>
    %swap3A_801 = arith.constant 8 : i32
    %swap3A_802 = arith.index_cast %swap3A_801 : i32 to index
    %swap3A_803 = arith.constant 112 : index
    %swap3A_804 = tpu.vector_load %arg12[%swap3A_802, %swap3A_803] {strides = array<i32>} : memref<14x128xi32, #tpu.memory_space<vmem>>, vector<1x16xi32>,
    %swap3A_805 = vector.shape_cast %swap3A_804 : vector<1x16xi32> to vector<16xi32>
    %swap3A_806 = vector.shape_cast %get3A_800 : vector<16xi32> to vector<1x16xi32>
    tpu.vector_store %arg12[%swap3A_802, %swap3A_803], %swap3A_806 {strides = array<i32>} : memref<14x128xi32, #tpu.memory_space<vmem>>, vector<1x16xi32>,
    %get3A_807 = arith.constant 1152 : index
    %get3A_808 = tpu.vector_load %arg11[%get3A_807] {strides = array<i32>} : memref<1808xi32, #tpu.memory_space<vmem>>, vector<16xi32>,
    %get3A_809 = vector.shape_cast %get3A_808 : vector<16xi32> to vector<16xi32>
    %swap3A_810 = arith.constant 9 : i32
    %swap3A_811 = arith.index_cast %swap3A_810 : i32 to index
    %swap3A_812 = arith.constant 0 : index
    %swap3A_813 = tpu.vector_load %arg12[%swap3A_811, %swap3A_812] {strides = array<i32>} : memref<14x128xi32, #tpu.memory_space<vmem>>, vector<1x16xi32>,
    %swap3A_814 = vector.shape_cast %swap3A_813 : vector<1x16xi32> to vector<16xi32>
    %swap3A_815 = vector.shape_cast %get3A_809 : vector<16xi32> to vector<1x16xi32>
    tpu.vector_store %arg12[%swap3A_811, %swap3A_812], %swap3A_815 {strides = array<i32>} : memref<14x128xi32, #tpu.memory_space<vmem>>, vector<1x16xi32>,
    %get3A_816 = arith.constant 1168 : index
    %get3A_817 = tpu.vector_load %arg11[%get3A_816] {strides = array<i32>} : memref<1808xi32, #tpu.memory_space<vmem>>, vector<16xi32>,
    %get3A_818 = vector.shape_cast %get3A_817 : vector<16xi32> to vector<16xi32>
    %swap3A_819 = arith.constant 9 : i32
    %swap3A_820 = arith.index_cast %swap3A_819 : i32 to index
    %swap3A_821 = arith.constant 16 : index
    %swap3A_822 = tpu.vector_load %arg12[%swap3A_820, %swap3A_821] {strides = array<i32>} : memref<14x128xi32, #tpu.memory_space<vmem>>, vector<1x16xi32>,
    %swap3A_823 = vector.shape_cast %swap3A_822 : vector<1x16xi32> to vector<16xi32>
    %swap3A_824 = vector.shape_cast %get3A_818 : vector<16xi32> to vector<1x16xi32>
    tpu.vector_store %arg12[%swap3A_820, %swap3A_821], %swap3A_824 {strides = array<i32>} : memref<14x128xi32, #tpu.memory_space<vmem>>, vector<1x16xi32>,
    %get3A_825 = arith.constant 1184 : index
    %get3A_826 = tpu.vector_load %arg11[%get3A_825] {strides = array<i32>} : memref<1808xi32, #tpu.memory_space<vmem>>, vector<16xi32>,
    %get3A_827 = vector.shape_cast %get3A_826 : vector<16xi32> to vector<16xi32>
    %swap3A_828 = arith.constant 9 : i32
    %swap3A_829 = arith.index_cast %swap3A_828 : i32 to index
    %swap3A_830 = arith.constant 32 : index
    %swap3A_831 = tpu.vector_load %arg12[%swap3A_829, %swap3A_830] {strides = array<i32>} : memref<14x128xi32, #tpu.memory_space<vmem>>, vector<1x16xi32>,
    %swap3A_832 = vector.shape_cast %swap3A_831 : vector<1x16xi32> to vector<16xi32>
    %swap3A_833 = vector.shape_cast %get3A_827 : vector<16xi32> to vector<1x16xi32>
    tpu.vector_store %arg12[%swap3A_829, %swap3A_830], %swap3A_833 {strides = array<i32>} : memref<14x128xi32, #tpu.memory_space<vmem>>, vector<1x16xi32>,
    %get3A_834 = arith.constant 1200 : index
    %get3A_835 = tpu.vector_load %arg11[%get3A_834] {strides = array<i32>} : memref<1808xi32, #tpu.memory_space<vmem>>, vector<16xi32>,
    %get3A_836 = vector.shape_cast %get3A_835 : vector<16xi32> to vector<16xi32>
    %swap3A_837 = arith.constant 9 : i32
    %swap3A_838 = arith.index_cast %swap3A_837 : i32 to index
    %swap3A_839 = arith.constant 48 : index
    %swap3A_840 = tpu.vector_load %arg12[%swap3A_838, %swap3A_839] {strides = array<i32>} : memref<14x128xi32, #tpu.memory_space<vmem>>, vector<1x16xi32>,
    %swap3A_841 = vector.shape_cast %swap3A_840 : vector<1x16xi32> to vector<16xi32>
    %swap3A_842 = vector.shape_cast %get3A_836 : vector<16xi32> to vector<1x16xi32>
    tpu.vector_store %arg12[%swap3A_838, %swap3A_839], %swap3A_842 {strides = array<i32>} : memref<14x128xi32, #tpu.memory_space<vmem>>, vector<1x16xi32>,
    %get3A_843 = arith.constant 1216 : index
    %get3A_844 = tpu.vector_load %arg11[%get3A_843] {strides = array<i32>} : memref<1808xi32, #tpu.memory_space<vmem>>, vector<16xi32>,
    %get3A_845 = vector.shape_cast %get3A_844 : vector<16xi32> to vector<16xi32>
    %swap3A_846 = arith.constant 9 : i32
    %swap3A_847 = arith.index_cast %swap3A_846 : i32 to index
    %swap3A_848 = arith.constant 64 : index
    %swap3A_849 = tpu.vector_load %arg12[%swap3A_847, %swap3A_848] {strides = array<i32>} : memref<14x128xi32, #tpu.memory_space<vmem>>, vector<1x16xi32>,
    %swap3A_850 = vector.shape_cast %swap3A_849 : vector<1x16xi32> to vector<16xi32>
    %swap3A_851 = vector.shape_cast %get3A_845 : vector<16xi32> to vector<1x16xi32>
    tpu.vector_store %arg12[%swap3A_847, %swap3A_848], %swap3A_851 {strides = array<i32>} : memref<14x128xi32, #tpu.memory_space<vmem>>, vector<1x16xi32>,
    %get3A_852 = arith.constant 1232 : index
    %get3A_853 = tpu.vector_load %arg11[%get3A_852] {strides = array<i32>} : memref<1808xi32, #tpu.memory_space<vmem>>, vector<16xi32>,
    %get3A_854 = vector.shape_cast %get3A_853 : vector<16xi32> to vector<16xi32>
    %swap3A_855 = arith.constant 9 : i32
    %swap3A_856 = arith.index_cast %swap3A_855 : i32 to index
    %swap3A_857 = arith.constant 80 : index
    %swap3A_858 = tpu.vector_load %arg12[%swap3A_856, %swap3A_857] {strides = array<i32>} : memref<14x128xi32, #tpu.memory_space<vmem>>, vector<1x16xi32>,
    %swap3A_859 = vector.shape_cast %swap3A_858 : vector<1x16xi32> to vector<16xi32>
    %swap3A_860 = vector.shape_cast %get3A_854 : vector<16xi32> to vector<1x16xi32>
    tpu.vector_store %arg12[%swap3A_856, %swap3A_857], %swap3A_860 {strides = array<i32>} : memref<14x128xi32, #tpu.memory_space<vmem>>, vector<1x16xi32>,
    %get3A_861 = arith.constant 1248 : index
    %get3A_862 = tpu.vector_load %arg11[%get3A_861] {strides = array<i32>} : memref<1808xi32, #tpu.memory_space<vmem>>, vector<16xi32>,
    %get3A_863 = vector.shape_cast %get3A_862 : vector<16xi32> to vector<16xi32>
    %swap3A_864 = arith.constant 9 : i32
    %swap3A_865 = arith.index_cast %swap3A_864 : i32 to index
    %swap3A_866 = arith.constant 96 : index
    %swap3A_867 = tpu.vector_load %arg12[%swap3A_865, %swap3A_866] {strides = array<i32>} : memref<14x128xi32, #tpu.memory_space<vmem>>, vector<1x16xi32>,
    %swap3A_868 = vector.shape_cast %swap3A_867 : vector<1x16xi32> to vector<16xi32>
    %swap3A_869 = vector.shape_cast %get3A_863 : vector<16xi32> to vector<1x16xi32>
    tpu.vector_store %arg12[%swap3A_865, %swap3A_866], %swap3A_869 {strides = array<i32>} : memref<14x128xi32, #tpu.memory_space<vmem>>, vector<1x16xi32>,
    %get3A_870 = arith.constant 1264 : index
    %get3A_871 = tpu.vector_load %arg11[%get3A_870] {strides = array<i32>} : memref<1808xi32, #tpu.memory_space<vmem>>, vector<16xi32>,
    %get3A_872 = vector.shape_cast %get3A_871 : vector<16xi32> to vector<16xi32>
    %swap3A_873 = arith.constant 9 : i32
    %swap3A_874 = arith.index_cast %swap3A_873 : i32 to index
    %swap3A_875 = arith.constant 112 : index
    %swap3A_876 = tpu.vector_load %arg12[%swap3A_874, %swap3A_875] {strides = array<i32>} : memref<14x128xi32, #tpu.memory_space<vmem>>, vector<1x16xi32>,
    %swap3A_877 = vector.shape_cast %swap3A_876 : vector<1x16xi32> to vector<16xi32>
    %swap3A_878 = vector.shape_cast %get3A_872 : vector<16xi32> to vector<1x16xi32>
    tpu.vector_store %arg12[%swap3A_874, %swap3A_875], %swap3A_878 {strides = array<i32>} : memref<14x128xi32, #tpu.memory_space<vmem>>, vector<1x16xi32>,
    %get3A_879 = arith.constant 1280 : index
    %get3A_880 = tpu.vector_load %arg11[%get3A_879] {strides = array<i32>} : memref<1808xi32, #tpu.memory_space<vmem>>, vector<16xi32>,
    %get3A_881 = vector.shape_cast %get3A_880 : vector<16xi32> to vector<16xi32>
    %swap3A_882 = arith.constant 10 : i32
    %swap3A_883 = arith.index_cast %swap3A_882 : i32 to index
    %swap3A_884 = arith.constant 0 : index
    %swap3A_885 = tpu.vector_load %arg12[%swap3A_883, %swap3A_884] {strides = array<i32>} : memref<14x128xi32, #tpu.memory_space<vmem>>, vector<1x16xi32>,
    %swap3A_886 = vector.shape_cast %swap3A_885 : vector<1x16xi32> to vector<16xi32>
    %swap3A_887 = vector.shape_cast %get3A_881 : vector<16xi32> to vector<1x16xi32>
    tpu.vector_store %arg12[%swap3A_883, %swap3A_884], %swap3A_887 {strides = array<i32>} : memref<14x128xi32, #tpu.memory_space<vmem>>, vector<1x16xi32>,
    %get3A_888 = arith.constant 1296 : index
    %get3A_889 = tpu.vector_load %arg11[%get3A_888] {strides = array<i32>} : memref<1808xi32, #tpu.memory_space<vmem>>, vector<16xi32>,
    %get3A_890 = vector.shape_cast %get3A_889 : vector<16xi32> to vector<16xi32>
    %swap3A_891 = arith.constant 10 : i32
    %swap3A_892 = arith.index_cast %swap3A_891 : i32 to index
    %swap3A_893 = arith.constant 16 : index
    %swap3A_894 = tpu.vector_load %arg12[%swap3A_892, %swap3A_893] {strides = array<i32>} : memref<14x128xi32, #tpu.memory_space<vmem>>, vector<1x16xi32>,
    %swap3A_895 = vector.shape_cast %swap3A_894 : vector<1x16xi32> to vector<16xi32>
    %swap3A_896 = vector.shape_cast %get3A_890 : vector<16xi32> to vector<1x16xi32>
    tpu.vector_store %arg12[%swap3A_892, %swap3A_893], %swap3A_896 {strides = array<i32>} : memref<14x128xi32, #tpu.memory_space<vmem>>, vector<1x16xi32>,
    %get3A_897 = arith.constant 1312 : index
    %get3A_898 = tpu.vector_load %arg11[%get3A_897] {strides = array<i32>} : memref<1808xi32, #tpu.memory_space<vmem>>, vector<16xi32>,
    %get3A_899 = vector.shape_cast %get3A_898 : vector<16xi32> to vector<16xi32>
    %swap3A_900 = arith.constant 10 : i32
    %swap3A_901 = arith.index_cast %swap3A_900 : i32 to index
    %swap3A_902 = arith.constant 32 : index
    %swap3A_903 = tpu.vector_load %arg12[%swap3A_901, %swap3A_902] {strides = array<i32>} : memref<14x128xi32, #tpu.memory_space<vmem>>, vector<1x16xi32>,
    %swap3A_904 = vector.shape_cast %swap3A_903 : vector<1x16xi32> to vector<16xi32>
    %swap3A_905 = vector.shape_cast %get3A_899 : vector<16xi32> to vector<1x16xi32>
    tpu.vector_store %arg12[%swap3A_901, %swap3A_902], %swap3A_905 {strides = array<i32>} : memref<14x128xi32, #tpu.memory_space<vmem>>, vector<1x16xi32>,
    %get3A_906 = arith.constant 1328 : index
    %get3A_907 = tpu.vector_load %arg11[%get3A_906] {strides = array<i32>} : memref<1808xi32, #tpu.memory_space<vmem>>, vector<16xi32>,
    %get3A_908 = vector.shape_cast %get3A_907 : vector<16xi32> to vector<16xi32>
    %swap3A_909 = arith.constant 10 : i32
    %swap3A_910 = arith.index_cast %swap3A_909 : i32 to index
    %swap3A_911 = arith.constant 48 : index
    %swap3A_912 = tpu.vector_load %arg12[%swap3A_910, %swap3A_911] {strides = array<i32>} : memref<14x128xi32, #tpu.memory_space<vmem>>, vector<1x16xi32>,
    %swap3A_913 = vector.shape_cast %swap3A_912 : vector<1x16xi32> to vector<16xi32>
    %swap3A_914 = vector.shape_cast %get3A_908 : vector<16xi32> to vector<1x16xi32>
    tpu.vector_store %arg12[%swap3A_910, %swap3A_911], %swap3A_914 {strides = array<i32>} : memref<14x128xi32, #tpu.memory_space<vmem>>, vector<1x16xi32>,
    %get3A_915 = arith.constant 1344 : index
    %get3A_916 = tpu.vector_load %arg11[%get3A_915] {strides = array<i32>} : memref<1808xi32, #tpu.memory_space<vmem>>, vector<16xi32>,
    %get3A_917 = vector.shape_cast %get3A_916 : vector<16xi32> to vector<16xi32>
    %swap3A_918 = arith.constant 10 : i32
    %swap3A_919 = arith.index_cast %swap3A_918 : i32 to index
    %swap3A_920 = arith.constant 64 : index
    %swap3A_921 = tpu.vector_load %arg12[%swap3A_919, %swap3A_920] {strides = array<i32>} : memref<14x128xi32, #tpu.memory_space<vmem>>, vector<1x16xi32>,
    %swap3A_922 = vector.shape_cast %swap3A_921 : vector<1x16xi32> to vector<16xi32>
    %swap3A_923 = vector.shape_cast %get3A_917 : vector<16xi32> to vector<1x16xi32>
    tpu.vector_store %arg12[%swap3A_919, %swap3A_920], %swap3A_923 {strides = array<i32>} : memref<14x128xi32, #tpu.memory_space<vmem>>, vector<1x16xi32>,
    %get3A_924 = arith.constant 1360 : index
    %get3A_925 = tpu.vector_load %arg11[%get3A_924] {strides = array<i32>} : memref<1808xi32, #tpu.memory_space<vmem>>, vector<16xi32>,
    %get3A_926 = vector.shape_cast %get3A_925 : vector<16xi32> to vector<16xi32>
    %swap3A_927 = arith.constant 10 : i32
    %swap3A_928 = arith.index_cast %swap3A_927 : i32 to index
    %swap3A_929 = arith.constant 80 : index
    %swap3A_930 = tpu.vector_load %arg12[%swap3A_928, %swap3A_929] {strides = array<i32>} : memref<14x128xi32, #tpu.memory_space<vmem>>, vector<1x16xi32>,
    %swap3A_931 = vector.shape_cast %swap3A_930 : vector<1x16xi32> to vector<16xi32>
    %swap3A_932 = vector.shape_cast %get3A_926 : vector<16xi32> to vector<1x16xi32>
    tpu.vector_store %arg12[%swap3A_928, %swap3A_929], %swap3A_932 {strides = array<i32>} : memref<14x128xi32, #tpu.memory_space<vmem>>, vector<1x16xi32>,
    %get3A_933 = arith.constant 1376 : index
    %get3A_934 = tpu.vector_load %arg11[%get3A_933] {strides = array<i32>} : memref<1808xi32, #tpu.memory_space<vmem>>, vector<16xi32>,
    %get3A_935 = vector.shape_cast %get3A_934 : vector<16xi32> to vector<16xi32>
    %swap3A_936 = arith.constant 10 : i32
    %swap3A_937 = arith.index_cast %swap3A_936 : i32 to index
    %swap3A_938 = arith.constant 96 : index
    %swap3A_939 = tpu.vector_load %arg12[%swap3A_937, %swap3A_938] {strides = array<i32>} : memref<14x128xi32, #tpu.memory_space<vmem>>, vector<1x16xi32>,
    %swap3A_940 = vector.shape_cast %swap3A_939 : vector<1x16xi32> to vector<16xi32>
    %swap3A_941 = vector.shape_cast %get3A_935 : vector<16xi32> to vector<1x16xi32>
    tpu.vector_store %arg12[%swap3A_937, %swap3A_938], %swap3A_941 {strides = array<i32>} : memref<14x128xi32, #tpu.memory_space<vmem>>, vector<1x16xi32>,
    %get3A_942 = arith.constant 1392 : index
    %get3A_943 = tpu.vector_load %arg11[%get3A_942] {strides = array<i32>} : memref<1808xi32, #tpu.memory_space<vmem>>, vector<16xi32>,
    %get3A_944 = vector.shape_cast %get3A_943 : vector<16xi32> to vector<16xi32>
    %swap3A_945 = arith.constant 10 : i32
    %swap3A_946 = arith.index_cast %swap3A_945 : i32 to index
    %swap3A_947 = arith.constant 112 : index
    %swap3A_948 = tpu.vector_load %arg12[%swap3A_946, %swap3A_947] {strides = array<i32>} : memref<14x128xi32, #tpu.memory_space<vmem>>, vector<1x16xi32>,
    %swap3A_949 = vector.shape_cast %swap3A_948 : vector<1x16xi32> to vector<16xi32>
    %swap3A_950 = vector.shape_cast %get3A_944 : vector<16xi32> to vector<1x16xi32>
    tpu.vector_store %arg12[%swap3A_946, %swap3A_947], %swap3A_950 {strides = array<i32>} : memref<14x128xi32, #tpu.memory_space<vmem>>, vector<1x16xi32>,
    %get3A_951 = arith.constant 1408 : index
    %get3A_952 = tpu.vector_load %arg11[%get3A_951] {strides = array<i32>} : memref<1808xi32, #tpu.memory_space<vmem>>, vector<16xi32>,
    %get3A_953 = vector.shape_cast %get3A_952 : vector<16xi32> to vector<16xi32>
    %swap3A_954 = arith.constant 11 : i32
    %swap3A_955 = arith.index_cast %swap3A_954 : i32 to index
    %swap3A_956 = arith.constant 0 : index
    %swap3A_957 = tpu.vector_load %arg12[%swap3A_955, %swap3A_956] {strides = array<i32>} : memref<14x128xi32, #tpu.memory_space<vmem>>, vector<1x16xi32>,
    %swap3A_958 = vector.shape_cast %swap3A_957 : vector<1x16xi32> to vector<16xi32>
    %swap3A_959 = vector.shape_cast %get3A_953 : vector<16xi32> to vector<1x16xi32>
    tpu.vector_store %arg12[%swap3A_955, %swap3A_956], %swap3A_959 {strides = array<i32>} : memref<14x128xi32, #tpu.memory_space<vmem>>, vector<1x16xi32>,
    %get3A_960 = arith.constant 1424 : index
    %get3A_961 = tpu.vector_load %arg11[%get3A_960] {strides = array<i32>} : memref<1808xi32, #tpu.memory_space<vmem>>, vector<16xi32>,
    %get3A_962 = vector.shape_cast %get3A_961 : vector<16xi32> to vector<16xi32>
    %swap3A_963 = arith.constant 11 : i32
    %swap3A_964 = arith.index_cast %swap3A_963 : i32 to index
    %swap3A_965 = arith.constant 16 : index
    %swap3A_966 = tpu.vector_load %arg12[%swap3A_964, %swap3A_965] {strides = array<i32>} : memref<14x128xi32, #tpu.memory_space<vmem>>, vector<1x16xi32>,
    %swap3A_967 = vector.shape_cast %swap3A_966 : vector<1x16xi32> to vector<16xi32>
    %swap3A_968 = vector.shape_cast %get3A_962 : vector<16xi32> to vector<1x16xi32>
    tpu.vector_store %arg12[%swap3A_964, %swap3A_965], %swap3A_968 {strides = array<i32>} : memref<14x128xi32, #tpu.memory_space<vmem>>, vector<1x16xi32>,
    %get3A_969 = arith.constant 1440 : index
    %get3A_970 = tpu.vector_load %arg11[%get3A_969] {strides = array<i32>} : memref<1808xi32, #tpu.memory_space<vmem>>, vector<16xi32>,
    %get3A_971 = vector.shape_cast %get3A_970 : vector<16xi32> to vector<16xi32>
    %swap3A_972 = arith.constant 11 : i32
    %swap3A_973 = arith.index_cast %swap3A_972 : i32 to index
    %swap3A_974 = arith.constant 32 : index
    %swap3A_975 = tpu.vector_load %arg12[%swap3A_973, %swap3A_974] {strides = array<i32>} : memref<14x128xi32, #tpu.memory_space<vmem>>, vector<1x16xi32>,
    %swap3A_976 = vector.shape_cast %swap3A_975 : vector<1x16xi32> to vector<16xi32>
    %swap3A_977 = vector.shape_cast %get3A_971 : vector<16xi32> to vector<1x16xi32>
    tpu.vector_store %arg12[%swap3A_973, %swap3A_974], %swap3A_977 {strides = array<i32>} : memref<14x128xi32, #tpu.memory_space<vmem>>, vector<1x16xi32>,
    %get3A_978 = arith.constant 1456 : index
    %get3A_979 = tpu.vector_load %arg11[%get3A_978] {strides = array<i32>} : memref<1808xi32, #tpu.memory_space<vmem>>, vector<16xi32>,
    %get3A_980 = vector.shape_cast %get3A_979 : vector<16xi32> to vector<16xi32>
    %swap3A_981 = arith.constant 11 : i32
    %swap3A_982 = arith.index_cast %swap3A_981 : i32 to index
    %swap3A_983 = arith.constant 48 : index
    %swap3A_984 = tpu.vector_load %arg12[%swap3A_982, %swap3A_983] {strides = array<i32>} : memref<14x128xi32, #tpu.memory_space<vmem>>, vector<1x16xi32>,
    %swap3A_985 = vector.shape_cast %swap3A_984 : vector<1x16xi32> to vector<16xi32>
    %swap3A_986 = vector.shape_cast %get3A_980 : vector<16xi32> to vector<1x16xi32>
    tpu.vector_store %arg12[%swap3A_982, %swap3A_983], %swap3A_986 {strides = array<i32>} : memref<14x128xi32, #tpu.memory_space<vmem>>, vector<1x16xi32>,
    %get3A_987 = arith.constant 1472 : index
    %get3A_988 = tpu.vector_load %arg11[%get3A_987] {strides = array<i32>} : memref<1808xi32, #tpu.memory_space<vmem>>, vector<16xi32>,
    %get3A_989 = vector.shape_cast %get3A_988 : vector<16xi32> to vector<16xi32>
    %swap3A_990 = arith.constant 11 : i32
    %swap3A_991 = arith.index_cast %swap3A_990 : i32 to index
    %swap3A_992 = arith.constant 64 : index
    %swap3A_993 = tpu.vector_load %arg12[%swap3A_991, %swap3A_992] {strides = array<i32>} : memref<14x128xi32, #tpu.memory_space<vmem>>, vector<1x16xi32>,
    %swap3A_994 = vector.shape_cast %swap3A_993 : vector<1x16xi32> to vector<16xi32>
    %swap3A_995 = vector.shape_cast %get3A_989 : vector<16xi32> to vector<1x16xi32>
    tpu.vector_store %arg12[%swap3A_991, %swap3A_992], %swap3A_995 {strides = array<i32>} : memref<14x128xi32, #tpu.memory_space<vmem>>, vector<1x16xi32>,
    %get3A_996 = arith.constant 1488 : index
    %get3A_997 = tpu.vector_load %arg11[%get3A_996] {strides = array<i32>} : memref<1808xi32, #tpu.memory_space<vmem>>, vector<16xi32>,
    %get3A_998 = vector.shape_cast %get3A_997 : vector<16xi32> to vector<16xi32>
    %swap3A_999 = arith.constant 11 : i32
    %swap3A_1000 = arith.index_cast %swap3A_999 : i32 to index
    %swap3A_1001 = arith.constant 80 : index
    %swap3A_1002 = tpu.vector_load %arg12[%swap3A_1000, %swap3A_1001] {strides = array<i32>} : memref<14x128xi32, #tpu.memory_space<vmem>>, vector<1x16xi32>,
    %swap3A_1003 = vector.shape_cast %swap3A_1002 : vector<1x16xi32> to vector<16xi32>
    %swap3A_1004 = vector.shape_cast %get3A_998 : vector<16xi32> to vector<1x16xi32>
    tpu.vector_store %arg12[%swap3A_1000, %swap3A_1001], %swap3A_1004 {strides = array<i32>} : memref<14x128xi32, #tpu.memory_space<vmem>>, vector<1x16xi32>,
    %get3A_1005 = arith.constant 1504 : index
    %get3A_1006 = tpu.vector_load %arg11[%get3A_1005] {strides = array<i32>} : memref<1808xi32, #tpu.memory_space<vmem>>, vector<16xi32>,
    %get3A_1007 = vector.shape_cast %get3A_1006 : vector<16xi32> to vector<16xi32>
    %swap3A_1008 = arith.constant 11 : i32
    %swap3A_1009 = arith.index_cast %swap3A_1008 : i32 to index
    %swap3A_1010 = arith.constant 96 : index
    %swap3A_1011 = tpu.vector_load %arg12[%swap3A_1009, %swap3A_1010] {strides = array<i32>} : memref<14x128xi32, #tpu.memory_space<vmem>>, vector<1x16xi32>,
    %swap3A_1012 = vector.shape_cast %swap3A_1011 : vector<1x16xi32> to vector<16xi32>
    %swap3A_1013 = vector.shape_cast %get3A_1007 : vector<16xi32> to vector<1x16xi32>
    tpu.vector_store %arg12[%swap3A_1009, %swap3A_1010], %swap3A_1013 {strides = array<i32>} : memref<14x128xi32, #tpu.memory_space<vmem>>, vector<1x16xi32>,
    %get3A_1014 = arith.constant 1520 : index
    %get3A_1015 = tpu.vector_load %arg11[%get3A_1014] {strides = array<i32>} : memref<1808xi32, #tpu.memory_space<vmem>>, vector<16xi32>,
    %get3A_1016 = vector.shape_cast %get3A_1015 : vector<16xi32> to vector<16xi32>
    %swap3A_1017 = arith.constant 11 : i32
    %swap3A_1018 = arith.index_cast %swap3A_1017 : i32 to index
    %swap3A_1019 = arith.constant 112 : index
    %swap3A_1020 = tpu.vector_load %arg12[%swap3A_1018, %swap3A_1019] {strides = array<i32>} : memref<14x128xi32, #tpu.memory_space<vmem>>, vector<1x16xi32>,
    %swap3A_1021 = vector.shape_cast %swap3A_1020 : vector<1x16xi32> to vector<16xi32>
    %swap3A_1022 = vector.shape_cast %get3A_1016 : vector<16xi32> to vector<1x16xi32>
    tpu.vector_store %arg12[%swap3A_1018, %swap3A_1019], %swap3A_1022 {strides = array<i32>} : memref<14x128xi32, #tpu.memory_space<vmem>>, vector<1x16xi32>,
    %get3A_1023 = arith.constant 1536 : index
    %get3A_1024 = tpu.vector_load %arg11[%get3A_1023] {strides = array<i32>} : memref<1808xi32, #tpu.memory_space<vmem>>, vector<16xi32>,
    %get3A_1025 = vector.shape_cast %get3A_1024 : vector<16xi32> to vector<16xi32>
    %swap3A_1026 = arith.constant 12 : i32
    %swap3A_1027 = arith.index_cast %swap3A_1026 : i32 to index
    %swap3A_1028 = arith.constant 0 : index
    %swap3A_1029 = tpu.vector_load %arg12[%swap3A_1027, %swap3A_1028] {strides = array<i32>} : memref<14x128xi32, #tpu.memory_space<vmem>>, vector<1x16xi32>,
    %swap3A_1030 = vector.shape_cast %swap3A_1029 : vector<1x16xi32> to vector<16xi32>
    %swap3A_1031 = vector.shape_cast %get3A_1025 : vector<16xi32> to vector<1x16xi32>
    tpu.vector_store %arg12[%swap3A_1027, %swap3A_1028], %swap3A_1031 {strides = array<i32>} : memref<14x128xi32, #tpu.memory_space<vmem>>, vector<1x16xi32>,
    %get3A_1032 = arith.constant 1552 : index
    %get3A_1033 = tpu.vector_load %arg11[%get3A_1032] {strides = array<i32>} : memref<1808xi32, #tpu.memory_space<vmem>>, vector<16xi32>,
    %get3A_1034 = vector.shape_cast %get3A_1033 : vector<16xi32> to vector<16xi32>
    %swap3A_1035 = arith.constant 12 : i32
    %swap3A_1036 = arith.index_cast %swap3A_1035 : i32 to index
    %swap3A_1037 = arith.constant 16 : index
    %swap3A_1038 = tpu.vector_load %arg12[%swap3A_1036, %swap3A_1037] {strides = array<i32>} : memref<14x128xi32, #tpu.memory_space<vmem>>, vector<1x16xi32>,
    %swap3A_1039 = vector.shape_cast %swap3A_1038 : vector<1x16xi32> to vector<16xi32>
    %swap3A_1040 = vector.shape_cast %get3A_1034 : vector<16xi32> to vector<1x16xi32>
    tpu.vector_store %arg12[%swap3A_1036, %swap3A_1037], %swap3A_1040 {strides = array<i32>} : memref<14x128xi32, #tpu.memory_space<vmem>>, vector<1x16xi32>,
    %get3A_1041 = arith.constant 1568 : index
    %get3A_1042 = tpu.vector_load %arg11[%get3A_1041] {strides = array<i32>} : memref<1808xi32, #tpu.memory_space<vmem>>, vector<16xi32>,
    %get3A_1043 = vector.shape_cast %get3A_1042 : vector<16xi32> to vector<16xi32>
    %swap3A_1044 = arith.constant 12 : i32
    %swap3A_1045 = arith.index_cast %swap3A_1044 : i32 to index
    %swap3A_1046 = arith.constant 32 : index
    %swap3A_1047 = tpu.vector_load %arg12[%swap3A_1045, %swap3A_1046] {strides = array<i32>} : memref<14x128xi32, #tpu.memory_space<vmem>>, vector<1x16xi32>,
    %swap3A_1048 = vector.shape_cast %swap3A_1047 : vector<1x16xi32> to vector<16xi32>
    %swap3A_1049 = vector.shape_cast %get3A_1043 : vector<16xi32> to vector<1x16xi32>
    tpu.vector_store %arg12[%swap3A_1045, %swap3A_1046], %swap3A_1049 {strides = array<i32>} : memref<14x128xi32, #tpu.memory_space<vmem>>, vector<1x16xi32>,
    %get3A_1050 = arith.constant 1584 : index
    %get3A_1051 = tpu.vector_load %arg11[%get3A_1050] {strides = array<i32>} : memref<1808xi32, #tpu.memory_space<vmem>>, vector<16xi32>,
    %get3A_1052 = vector.shape_cast %get3A_1051 : vector<16xi32> to vector<16xi32>
    %swap3A_1053 = arith.constant 12 : i32
    %swap3A_1054 = arith.index_cast %swap3A_1053 : i32 to index
    %swap3A_1055 = arith.constant 48 : index
    %swap3A_1056 = tpu.vector_load %arg12[%swap3A_1054, %swap3A_1055] {strides = array<i32>} : memref<14x128xi32, #tpu.memory_space<vmem>>, vector<1x16xi32>,
    %swap3A_1057 = vector.shape_cast %swap3A_1056 : vector<1x16xi32> to vector<16xi32>
    %swap3A_1058 = vector.shape_cast %get3A_1052 : vector<16xi32> to vector<1x16xi32>
    tpu.vector_store %arg12[%swap3A_1054, %swap3A_1055], %swap3A_1058 {strides = array<i32>} : memref<14x128xi32, #tpu.memory_space<vmem>>, vector<1x16xi32>,
    %get3A_1059 = arith.constant 1600 : index
    %get3A_1060 = tpu.vector_load %arg11[%get3A_1059] {strides = array<i32>} : memref<1808xi32, #tpu.memory_space<vmem>>, vector<16xi32>,
    %get3A_1061 = vector.shape_cast %get3A_1060 : vector<16xi32> to vector<16xi32>
    %swap3A_1062 = arith.constant 12 : i32
    %swap3A_1063 = arith.index_cast %swap3A_1062 : i32 to index
    %swap3A_1064 = arith.constant 64 : index
    %swap3A_1065 = tpu.vector_load %arg12[%swap3A_1063, %swap3A_1064] {strides = array<i32>} : memref<14x128xi32, #tpu.memory_space<vmem>>, vector<1x16xi32>,
    %swap3A_1066 = vector.shape_cast %swap3A_1065 : vector<1x16xi32> to vector<16xi32>
    %swap3A_1067 = vector.shape_cast %get3A_1061 : vector<16xi32> to vector<1x16xi32>
    tpu.vector_store %arg12[%swap3A_1063, %swap3A_1064], %swap3A_1067 {strides = array<i32>} : memref<14x128xi32, #tpu.memory_space<vmem>>, vector<1x16xi32>,
    %get3A_1068 = arith.constant 1616 : index
    %get3A_1069 = tpu.vector_load %arg11[%get3A_1068] {strides = array<i32>} : memref<1808xi32, #tpu.memory_space<vmem>>, vector<16xi32>,
    %get3A_1070 = vector.shape_cast %get3A_1069 : vector<16xi32> to vector<16xi32>
    %swap3A_1071 = arith.constant 12 : i32
    %swap3A_1072 = arith.index_cast %swap3A_1071 : i32 to index
    %swap3A_1073 = arith.constant 80 : index
    %swap3A_1074 = tpu.vector_load %arg12[%swap3A_1072, %swap3A_1073] {strides = array<i32>} : memref<14x128xi32, #tpu.memory_space<vmem>>, vector<1x16xi32>,
    %swap3A_1075 = vector.shape_cast %swap3A_1074 : vector<1x16xi32> to vector<16xi32>
    %swap3A_1076 = vector.shape_cast %get3A_1070 : vector<16xi32> to vector<1x16xi32>
    tpu.vector_store %arg12[%swap3A_1072, %swap3A_1073], %swap3A_1076 {strides = array<i32>} : memref<14x128xi32, #tpu.memory_space<vmem>>, vector<1x16xi32>,
    %get3A_1077 = arith.constant 1632 : index
    %get3A_1078 = tpu.vector_load %arg11[%get3A_1077] {strides = array<i32>} : memref<1808xi32, #tpu.memory_space<vmem>>, vector<16xi32>,
    %get3A_1079 = vector.shape_cast %get3A_1078 : vector<16xi32> to vector<16xi32>
    %swap3A_1080 = arith.constant 12 : i32
    %swap3A_1081 = arith.index_cast %swap3A_1080 : i32 to index
    %swap3A_1082 = arith.constant 96 : index
    %swap3A_1083 = tpu.vector_load %arg12[%swap3A_1081, %swap3A_1082] {strides = array<i32>} : memref<14x128xi32, #tpu.memory_space<vmem>>, vector<1x16xi32>,
    %swap3A_1084 = vector.shape_cast %swap3A_1083 : vector<1x16xi32> to vector<16xi32>
    %swap3A_1085 = vector.shape_cast %get3A_1079 : vector<16xi32> to vector<1x16xi32>
    tpu.vector_store %arg12[%swap3A_1081, %swap3A_1082], %swap3A_1085 {strides = array<i32>} : memref<14x128xi32, #tpu.memory_space<vmem>>, vector<1x16xi32>,
    %get3A_1086 = arith.constant 1648 : index
    %get3A_1087 = tpu.vector_load %arg11[%get3A_1086] {strides = array<i32>} : memref<1808xi32, #tpu.memory_space<vmem>>, vector<16xi32>,
    %get3A_1088 = vector.shape_cast %get3A_1087 : vector<16xi32> to vector<16xi32>
    %swap3A_1089 = arith.constant 12 : i32
    %swap3A_1090 = arith.index_cast %swap3A_1089 : i32 to index
    %swap3A_1091 = arith.constant 112 : index
    %swap3A_1092 = tpu.vector_load %arg12[%swap3A_1090, %swap3A_1091] {strides = array<i32>} : memref<14x128xi32, #tpu.memory_space<vmem>>, vector<1x16xi32>,
    %swap3A_1093 = vector.shape_cast %swap3A_1092 : vector<1x16xi32> to vector<16xi32>
    %swap3A_1094 = vector.shape_cast %get3A_1088 : vector<16xi32> to vector<1x16xi32>
    tpu.vector_store %arg12[%swap3A_1090, %swap3A_1091], %swap3A_1094 {strides = array<i32>} : memref<14x128xi32, #tpu.memory_space<vmem>>, vector<1x16xi32>,
    %get3A_1095 = arith.constant 1664 : index
    %get3A_1096 = tpu.vector_load %arg11[%get3A_1095] {strides = array<i32>} : memref<1808xi32, #tpu.memory_space<vmem>>, vector<16xi32>,
    %get3A_1097 = vector.shape_cast %get3A_1096 : vector<16xi32> to vector<16xi32>
    %swap3A_1098 = arith.constant 13 : i32
    %swap3A_1099 = arith.index_cast %swap3A_1098 : i32 to index
    %swap3A_1100 = arith.constant 0 : index
    %swap3A_1101 = tpu.vector_load %arg12[%swap3A_1099, %swap3A_1100] {strides = array<i32>} : memref<14x128xi32, #tpu.memory_space<vmem>>, vector<1x16xi32>,
    %swap3A_1102 = vector.shape_cast %swap3A_1101 : vector<1x16xi32> to vector<16xi32>
    %swap3A_1103 = vector.shape_cast %get3A_1097 : vector<16xi32> to vector<1x16xi32>
    tpu.vector_store %arg12[%swap3A_1099, %swap3A_1100], %swap3A_1103 {strides = array<i32>} : memref<14x128xi32, #tpu.memory_space<vmem>>, vector<1x16xi32>,
    %get3A_1104 = arith.constant 1680 : index
    %get3A_1105 = tpu.vector_load %arg11[%get3A_1104] {strides = array<i32>} : memref<1808xi32, #tpu.memory_space<vmem>>, vector<16xi32>,
    %get3A_1106 = vector.shape_cast %get3A_1105 : vector<16xi32> to vector<16xi32>
    %swap3A_1107 = arith.constant 13 : i32
    %swap3A_1108 = arith.index_cast %swap3A_1107 : i32 to index
    %swap3A_1109 = arith.constant 16 : index
    %swap3A_1110 = tpu.vector_load %arg12[%swap3A_1108, %swap3A_1109] {strides = array<i32>} : memref<14x128xi32, #tpu.memory_space<vmem>>, vector<1x16xi32>,
    %swap3A_1111 = vector.shape_cast %swap3A_1110 : vector<1x16xi32> to vector<16xi32>
    %swap3A_1112 = vector.shape_cast %get3A_1106 : vector<16xi32> to vector<1x16xi32>
    tpu.vector_store %arg12[%swap3A_1108, %swap3A_1109], %swap3A_1112 {strides = array<i32>} : memref<14x128xi32, #tpu.memory_space<vmem>>, vector<1x16xi32>,
    %get3A_1113 = arith.constant 1696 : index
    %get3A_1114 = tpu.vector_load %arg11[%get3A_1113] {strides = array<i32>} : memref<1808xi32, #tpu.memory_space<vmem>>, vector<16xi32>,
    %get3A_1115 = vector.shape_cast %get3A_1114 : vector<16xi32> to vector<16xi32>
    %swap3A_1116 = arith.constant 13 : i32
    %swap3A_1117 = arith.index_cast %swap3A_1116 : i32 to index
    %swap3A_1118 = arith.constant 32 : index
    %swap3A_1119 = tpu.vector_load %arg12[%swap3A_1117, %swap3A_1118] {strides = array<i32>} : memref<14x128xi32, #tpu.memory_space<vmem>>, vector<1x16xi32>,
    %swap3A_1120 = vector.shape_cast %swap3A_1119 : vector<1x16xi32> to vector<16xi32>
    %swap3A_1121 = vector.shape_cast %get3A_1115 : vector<16xi32> to vector<1x16xi32>
    tpu.vector_store %arg12[%swap3A_1117, %swap3A_1118], %swap3A_1121 {strides = array<i32>} : memref<14x128xi32, #tpu.memory_space<vmem>>, vector<1x16xi32>,
    %get3A_1122 = arith.constant 1712 : index
    %get3A_1123 = tpu.vector_load %arg11[%get3A_1122] {strides = array<i32>} : memref<1808xi32, #tpu.memory_space<vmem>>, vector<16xi32>,
    %get3A_1124 = vector.shape_cast %get3A_1123 : vector<16xi32> to vector<16xi32>
    %swap3A_1125 = arith.constant 13 : i32
    %swap3A_1126 = arith.index_cast %swap3A_1125 : i32 to index
    %swap3A_1127 = arith.constant 48 : index
    %swap3A_1128 = tpu.vector_load %arg12[%swap3A_1126, %swap3A_1127] {strides = array<i32>} : memref<14x128xi32, #tpu.memory_space<vmem>>, vector<1x16xi32>,
    %swap3A_1129 = vector.shape_cast %swap3A_1128 : vector<1x16xi32> to vector<16xi32>
    %swap3A_1130 = vector.shape_cast %get3A_1124 : vector<16xi32> to vector<1x16xi32>
    tpu.vector_store %arg12[%swap3A_1126, %swap3A_1127], %swap3A_1130 {strides = array<i32>} : memref<14x128xi32, #tpu.memory_space<vmem>>, vector<1x16xi32>,
    %get3A_1131 = arith.constant 1728 : index
    %get3A_1132 = tpu.vector_load %arg11[%get3A_1131] {strides = array<i32>} : memref<1808xi32, #tpu.memory_space<vmem>>, vector<16xi32>,
    %get3A_1133 = vector.shape_cast %get3A_1132 : vector<16xi32> to vector<16xi32>
    %swap3A_1134 = arith.constant 13 : i32
    %swap3A_1135 = arith.index_cast %swap3A_1134 : i32 to index
    %swap3A_1136 = arith.constant 64 : index
    %swap3A_1137 = tpu.vector_load %arg12[%swap3A_1135, %swap3A_1136] {strides = array<i32>} : memref<14x128xi32, #tpu.memory_space<vmem>>, vector<1x16xi32>,
    %swap3A_1138 = vector.shape_cast %swap3A_1137 : vector<1x16xi32> to vector<16xi32>
    %swap3A_1139 = vector.shape_cast %get3A_1133 : vector<16xi32> to vector<1x16xi32>
    tpu.vector_store %arg12[%swap3A_1135, %swap3A_1136], %swap3A_1139 {strides = array<i32>} : memref<14x128xi32, #tpu.memory_space<vmem>>, vector<1x16xi32>,
    %get3A_1140 = arith.constant 1744 : index
    %get3A_1141 = tpu.vector_load %arg11[%get3A_1140] {strides = array<i32>} : memref<1808xi32, #tpu.memory_space<vmem>>, vector<16xi32>,
    %get3A_1142 = vector.shape_cast %get3A_1141 : vector<16xi32> to vector<16xi32>
    %swap3A_1143 = arith.constant 13 : i32
    %swap3A_1144 = arith.index_cast %swap3A_1143 : i32 to index
    %swap3A_1145 = arith.constant 80 : index
    %swap3A_1146 = tpu.vector_load %arg12[%swap3A_1144, %swap3A_1145] {strides = array<i32>} : memref<14x128xi32, #tpu.memory_space<vmem>>, vector<1x16xi32>,
    %swap3A_1147 = vector.shape_cast %swap3A_1146 : vector<1x16xi32> to vector<16xi32>
    %swap3A_1148 = vector.shape_cast %get3A_1142 : vector<16xi32> to vector<1x16xi32>
    tpu.vector_store %arg12[%swap3A_1144, %swap3A_1145], %swap3A_1148 {strides = array<i32>} : memref<14x128xi32, #tpu.memory_space<vmem>>, vector<1x16xi32>,
    %get3A_1149 = arith.constant 1760 : index
    %get3A_1150 = tpu.vector_load %arg11[%get3A_1149] {strides = array<i32>} : memref<1808xi32, #tpu.memory_space<vmem>>, vector<16xi32>,
    %get3A_1151 = vector.shape_cast %get3A_1150 : vector<16xi32> to vector<16xi32>
    %swap3A_1152 = arith.constant 13 : i32
    %swap3A_1153 = arith.index_cast %swap3A_1152 : i32 to index
    %swap3A_1154 = arith.constant 96 : index
    %swap3A_1155 = tpu.vector_load %arg12[%swap3A_1153, %swap3A_1154] {strides = array<i32>} : memref<14x128xi32, #tpu.memory_space<vmem>>, vector<1x16xi32>,
    %swap3A_1156 = vector.shape_cast %swap3A_1155 : vector<1x16xi32> to vector<16xi32>
    %swap3A_1157 = vector.shape_cast %get3A_1151 : vector<16xi32> to vector<1x16xi32>
    tpu.vector_store %arg12[%swap3A_1153, %swap3A_1154], %swap3A_1157 {strides = array<i32>} : memref<14x128xi32, #tpu.memory_space<vmem>>, vector<1x16xi32>,
    %get3A_1158 = arith.constant 1776 : index
    %get3A_1159 = tpu.vector_load %arg11[%get3A_1158] {strides = array<i32>} : memref<1808xi32, #tpu.memory_space<vmem>>, vector<16xi32>,
    %get3A_1160 = vector.shape_cast %get3A_1159 : vector<16xi32> to vector<16xi32>
    %swap3A_1161 = arith.constant 13 : i32
    %swap3A_1162 = arith.index_cast %swap3A_1161 : i32 to index
    %swap3A_1163 = arith.constant 112 : index
    %swap3A_1164 = tpu.vector_load %arg12[%swap3A_1162, %swap3A_1163] {strides = array<i32>} : memref<14x128xi32, #tpu.memory_space<vmem>>, vector<1x16xi32>,
    %swap3A_1165 = vector.shape_cast %swap3A_1164 : vector<1x16xi32> to vector<16xi32>
    %swap3A_1166 = vector.shape_cast %get3A_1160 : vector<16xi32> to vector<1x16xi32>
    tpu.vector_store %arg12[%swap3A_1162, %swap3A_1163], %swap3A_1166 {strides = array<i32>} : memref<14x128xi32, #tpu.memory_space<vmem>>, vector<1x16xi32>,
    %dma_wait3A = arith.constant 0 : i32
    %dma_wait3A_1167 = tpu.memref_slice %arg2[%mul3A_2, %dma_wait3A] : memref<8192x128xf32, #tpu.memory_space<hbm>> -> memref<256x128xf32, #tpu.memory_space<hbm>>
    %dma_wait3A_1168 = arith.constant 0 : i32
    %dma_wait3A_1169 = tpu.memref_slice %arg2[%mul3A_2, %dma_wait3A_1168] : memref<8192x128xf32, #tpu.memory_space<hbm>> -> memref<256x128xf32, #tpu.memory_space<hbm>>
    tpu.wait_dma2 semaphore(%arg13 : memref<!tpu.dma_semaphore, #tpu.memory_space<semaphore_mem>>) src(%dma_wait3A_1169 : memref<256x128xf32, #tpu.memory_space<hbm>>) dst(%arg7 : memref<256x128xf32, #tpu.memory_space<vmem>>)
    %dma_start3A_1170 = arith.constant 0 : i32
    %dma_start3A_1171 = arith.constant 0 : i32
    %dma_start3A_1172 = arith.constant 0 : i32
    %dma_start3A_1173 = tpu.memref_slice %arg7[%dma_start3A_1171, %dma_start3A_1172] : memref<256x128xf32, #tpu.memory_space<vmem>> -> memref<128x128xf32, #tpu.memory_space<vmem>>
    %dma_start3A_1174 = arith.constant 0 : i32
    %dma_start3A_1175 = tpu.memref_slice %arg10[%dma_start3A_1170, %dma_start3A_1174] : memref<2x128xi32, #tpu.memory_space<vmem>> -> memref<1x128xi32, #tpu.memory_space<vmem>>
    %dma_start3A_1176 = tpu.memref_squeeze %dma_start3A_1175 : memref<1x128xi32, #tpu.memory_space<vmem>> -> memref<128xi32, #tpu.memory_space<vmem>>
    %dma_start3A_1177 = arith.constant 0 : i32
    %dma_start3A_1178 = arith.constant 0 : i32
    %dma_start3A_1179 = tpu.memref_slice %arg5[%dma_start3A_1177, %dma_start3A_1178] : memref<65536x128xf32, #tpu.memory_space<hbm>> -> memref<65536x128xf32, #tpu.memory_space<hbm>>
    tpu.enqueue_indirect_dma source(%dma_start3A_1173 : memref<128x128xf32, #tpu.memory_space<vmem>>) target(%dma_start3A_1179 : memref<65536x128xf32, #tpu.memory_space<hbm>>) offsets(%dma_start3A_1176 : memref<128xi32, #tpu.memory_space<vmem>>) semaphore(%arg14 : memref<!tpu.dma_semaphore, #tpu.memory_space<semaphore_mem>>)
    %dma_start3A_1180 = arith.constant 1 : i32
    %dma_start3A_1181 = arith.constant 128 : i32
    %dma_start3A_1182 = arith.constant 0 : i32
    %dma_start3A_1183 = tpu.memref_slice %arg7[%dma_start3A_1181, %dma_start3A_1182] : memref<256x128xf32, #tpu.memory_space<vmem>> -> memref<128x128xf32, #tpu.memory_space<vmem>>
    %dma_start3A_1184 = arith.constant 0 : i32
    %dma_start3A_1185 = tpu.memref_slice %arg10[%dma_start3A_1180, %dma_start3A_1184] : memref<2x128xi32, #tpu.memory_space<vmem>> -> memref<1x128xi32, #tpu.memory_space<vmem>>
    %dma_start3A_1186 = tpu.memref_squeeze %dma_start3A_1185 : memref<1x128xi32, #tpu.memory_space<vmem>> -> memref<128xi32, #tpu.memory_space<vmem>>
    %dma_start3A_1187 = arith.constant 0 : i32
    %dma_start3A_1188 = arith.constant 0 : i32
    %dma_start3A_1189 = tpu.memref_slice %arg5[%dma_start3A_1187, %dma_start3A_1188] : memref<65536x128xf32, #tpu.memory_space<hbm>> -> memref<65536x128xf32, #tpu.memory_space<hbm>>
    tpu.enqueue_indirect_dma source(%dma_start3A_1183 : memref<128x128xf32, #tpu.memory_space<vmem>>) target(%dma_start3A_1189 : memref<65536x128xf32, #tpu.memory_space<hbm>>) offsets(%dma_start3A_1186 : memref<128xi32, #tpu.memory_space<vmem>>) semaphore(%arg14 : memref<!tpu.dma_semaphore, #tpu.memory_space<semaphore_mem>>)
    %dma_start3A_1190 = arith.constant 0 : i32
    %dma_start3A_1191 = arith.constant 0 : i32
    %dma_start3A_1192 = tpu.memref_slice %arg12[%dma_start3A_1190, %dma_start3A_1191] : memref<14x128xi32, #tpu.memory_space<vmem>> -> memref<1x128xi32, #tpu.memory_space<vmem>>
    %dma_start3A_1193 = tpu.memref_squeeze %dma_start3A_1192 : memref<1x128xi32, #tpu.memory_space<vmem>> -> memref<128xi32, #tpu.memory_space<vmem>>
    %dma_start3A_1194 = arith.constant 0 : i32
    %dma_start3A_1195 = arith.constant 0 : i32
    %dma_start3A_1196 = tpu.memref_slice %arg5[%dma_start3A_1194, %dma_start3A_1195] : memref<65536x128xf32, #tpu.memory_space<hbm>> -> memref<65536x128xf32, #tpu.memory_space<hbm>>
    tpu.enqueue_indirect_dma source(%arg8 : memref<128x128xf32, #tpu.memory_space<vmem>>) target(%dma_start3A_1196 : memref<65536x128xf32, #tpu.memory_space<hbm>>) offsets(%dma_start3A_1193 : memref<128xi32, #tpu.memory_space<vmem>>) semaphore(%arg14 : memref<!tpu.dma_semaphore, #tpu.memory_space<semaphore_mem>>)
    %dma_start3A_1197 = arith.constant 1 : i32
    %dma_start3A_1198 = arith.constant 0 : i32
    %dma_start3A_1199 = tpu.memref_slice %arg12[%dma_start3A_1197, %dma_start3A_1198] : memref<14x128xi32, #tpu.memory_space<vmem>> -> memref<1x128xi32, #tpu.memory_space<vmem>>
    %dma_start3A_1200 = tpu.memref_squeeze %dma_start3A_1199 : memref<1x128xi32, #tpu.memory_space<vmem>> -> memref<128xi32, #tpu.memory_space<vmem>>
    %dma_start3A_1201 = arith.constant 0 : i32
    %dma_start3A_1202 = arith.constant 0 : i32
    %dma_start3A_1203 = tpu.memref_slice %arg5[%dma_start3A_1201, %dma_start3A_1202] : memref<65536x128xf32, #tpu.memory_space<hbm>> -> memref<65536x128xf32, #tpu.memory_space<hbm>>
    tpu.enqueue_indirect_dma source(%arg8 : memref<128x128xf32, #tpu.memory_space<vmem>>) target(%dma_start3A_1203 : memref<65536x128xf32, #tpu.memory_space<hbm>>) offsets(%dma_start3A_1200 : memref<128xi32, #tpu.memory_space<vmem>>) semaphore(%arg14 : memref<!tpu.dma_semaphore, #tpu.memory_space<semaphore_mem>>)
    %dma_start3A_1204 = arith.constant 2 : i32
    %dma_start3A_1205 = arith.constant 0 : i32
    %dma_start3A_1206 = tpu.memref_slice %arg12[%dma_start3A_1204, %dma_start3A_1205] : memref<14x128xi32, #tpu.memory_space<vmem>> -> memref<1x128xi32, #tpu.memory_space<vmem>>
    %dma_start3A_1207 = tpu.memref_squeeze %dma_start3A_1206 : memref<1x128xi32, #tpu.memory_space<vmem>> -> memref<128xi32, #tpu.memory_space<vmem>>
    %dma_start3A_1208 = arith.constant 0 : i32
    %dma_start3A_1209 = arith.constant 0 : i32
    %dma_start3A_1210 = tpu.memref_slice %arg5[%dma_start3A_1208, %dma_start3A_1209] : memref<65536x128xf32, #tpu.memory_space<hbm>> -> memref<65536x128xf32, #tpu.memory_space<hbm>>
    tpu.enqueue_indirect_dma source(%arg8 : memref<128x128xf32, #tpu.memory_space<vmem>>) target(%dma_start3A_1210 : memref<65536x128xf32, #tpu.memory_space<hbm>>) offsets(%dma_start3A_1207 : memref<128xi32, #tpu.memory_space<vmem>>) semaphore(%arg14 : memref<!tpu.dma_semaphore, #tpu.memory_space<semaphore_mem>>)
    %dma_start3A_1211 = arith.constant 3 : i32
    %dma_start3A_1212 = arith.constant 0 : i32
    %dma_start3A_1213 = tpu.memref_slice %arg12[%dma_start3A_1211, %dma_start3A_1212] : memref<14x128xi32, #tpu.memory_space<vmem>> -> memref<1x128xi32, #tpu.memory_space<vmem>>
    %dma_start3A_1214 = tpu.memref_squeeze %dma_start3A_1213 : memref<1x128xi32, #tpu.memory_space<vmem>> -> memref<128xi32, #tpu.memory_space<vmem>>
    %dma_start3A_1215 = arith.constant 0 : i32
    %dma_start3A_1216 = arith.constant 0 : i32
    %dma_start3A_1217 = tpu.memref_slice %arg5[%dma_start3A_1215, %dma_start3A_1216] : memref<65536x128xf32, #tpu.memory_space<hbm>> -> memref<65536x128xf32, #tpu.memory_space<hbm>>
    tpu.enqueue_indirect_dma source(%arg8 : memref<128x128xf32, #tpu.memory_space<vmem>>) target(%dma_start3A_1217 : memref<65536x128xf32, #tpu.memory_space<hbm>>) offsets(%dma_start3A_1214 : memref<128xi32, #tpu.memory_space<vmem>>) semaphore(%arg14 : memref<!tpu.dma_semaphore, #tpu.memory_space<semaphore_mem>>)
    %dma_start3A_1218 = arith.constant 4 : i32
    %dma_start3A_1219 = arith.constant 0 : i32
    %dma_start3A_1220 = tpu.memref_slice %arg12[%dma_start3A_1218, %dma_start3A_1219] : memref<14x128xi32, #tpu.memory_space<vmem>> -> memref<1x128xi32, #tpu.memory_space<vmem>>
    %dma_start3A_1221 = tpu.memref_squeeze %dma_start3A_1220 : memref<1x128xi32, #tpu.memory_space<vmem>> -> memref<128xi32, #tpu.memory_space<vmem>>
    %dma_start3A_1222 = arith.constant 0 : i32
    %dma_start3A_1223 = arith.constant 0 : i32
    %dma_start3A_1224 = tpu.memref_slice %arg5[%dma_start3A_1222, %dma_start3A_1223] : memref<65536x128xf32, #tpu.memory_space<hbm>> -> memref<65536x128xf32, #tpu.memory_space<hbm>>
    tpu.enqueue_indirect_dma source(%arg8 : memref<128x128xf32, #tpu.memory_space<vmem>>) target(%dma_start3A_1224 : memref<65536x128xf32, #tpu.memory_space<hbm>>) offsets(%dma_start3A_1221 : memref<128xi32, #tpu.memory_space<vmem>>) semaphore(%arg14 : memref<!tpu.dma_semaphore, #tpu.memory_space<semaphore_mem>>)
    %dma_start3A_1225 = arith.constant 5 : i32
    %dma_start3A_1226 = arith.constant 0 : i32
    %dma_start3A_1227 = tpu.memref_slice %arg12[%dma_start3A_1225, %dma_start3A_1226] : memref<14x128xi32, #tpu.memory_space<vmem>> -> memref<1x128xi32, #tpu.memory_space<vmem>>
    %dma_start3A_1228 = tpu.memref_squeeze %dma_start3A_1227 : memref<1x128xi32, #tpu.memory_space<vmem>> -> memref<128xi32, #tpu.memory_space<vmem>>
    %dma_start3A_1229 = arith.constant 0 : i32
    %dma_start3A_1230 = arith.constant 0 : i32
    %dma_start3A_1231 = tpu.memref_slice %arg5[%dma_start3A_1229, %dma_start3A_1230] : memref<65536x128xf32, #tpu.memory_space<hbm>> -> memref<65536x128xf32, #tpu.memory_space<hbm>>
    tpu.enqueue_indirect_dma source(%arg8 : memref<128x128xf32, #tpu.memory_space<vmem>>) target(%dma_start3A_1231 : memref<65536x128xf32, #tpu.memory_space<hbm>>) offsets(%dma_start3A_1228 : memref<128xi32, #tpu.memory_space<vmem>>) semaphore(%arg14 : memref<!tpu.dma_semaphore, #tpu.memory_space<semaphore_mem>>)
    %dma_start3A_1232 = arith.constant 6 : i32
    %dma_start3A_1233 = arith.constant 0 : i32
    %dma_start3A_1234 = tpu.memref_slice %arg12[%dma_start3A_1232, %dma_start3A_1233] : memref<14x128xi32, #tpu.memory_space<vmem>> -> memref<1x128xi32, #tpu.memory_space<vmem>>
    %dma_start3A_1235 = tpu.memref_squeeze %dma_start3A_1234 : memref<1x128xi32, #tpu.memory_space<vmem>> -> memref<128xi32, #tpu.memory_space<vmem>>
    %dma_start3A_1236 = arith.constant 0 : i32
    %dma_start3A_1237 = arith.constant 0 : i32
    %dma_start3A_1238 = tpu.memref_slice %arg5[%dma_start3A_1236, %dma_start3A_1237] : memref<65536x128xf32, #tpu.memory_space<hbm>> -> memref<65536x128xf32, #tpu.memory_space<hbm>>
    tpu.enqueue_indirect_dma source(%arg8 : memref<128x128xf32, #tpu.memory_space<vmem>>) target(%dma_start3A_1238 : memref<65536x128xf32, #tpu.memory_space<hbm>>) offsets(%dma_start3A_1235 : memref<128xi32, #tpu.memory_space<vmem>>) semaphore(%arg14 : memref<!tpu.dma_semaphore, #tpu.memory_space<semaphore_mem>>)
    %dma_start3A_1239 = arith.constant 7 : i32
    %dma_start3A_1240 = arith.constant 0 : i32
    %dma_start3A_1241 = tpu.memref_slice %arg12[%dma_start3A_1239, %dma_start3A_1240] : memref<14x128xi32, #tpu.memory_space<vmem>> -> memref<1x128xi32, #tpu.memory_space<vmem>>
    %dma_start3A_1242 = tpu.memref_squeeze %dma_start3A_1241 : memref<1x128xi32, #tpu.memory_space<vmem>> -> memref<128xi32, #tpu.memory_space<vmem>>
    %dma_start3A_1243 = arith.constant 0 : i32
    %dma_start3A_1244 = arith.constant 0 : i32
    %dma_start3A_1245 = tpu.memref_slice %arg5[%dma_start3A_1243, %dma_start3A_1244] : memref<65536x128xf32, #tpu.memory_space<hbm>> -> memref<65536x128xf32, #tpu.memory_space<hbm>>
    tpu.enqueue_indirect_dma source(%arg8 : memref<128x128xf32, #tpu.memory_space<vmem>>) target(%dma_start3A_1245 : memref<65536x128xf32, #tpu.memory_space<hbm>>) offsets(%dma_start3A_1242 : memref<128xi32, #tpu.memory_space<vmem>>) semaphore(%arg14 : memref<!tpu.dma_semaphore, #tpu.memory_space<semaphore_mem>>)
    %dma_start3A_1246 = arith.constant 8 : i32
    %dma_start3A_1247 = arith.constant 0 : i32
    %dma_start3A_1248 = tpu.memref_slice %arg12[%dma_start3A_1246, %dma_start3A_1247] : memref<14x128xi32, #tpu.memory_space<vmem>> -> memref<1x128xi32, #tpu.memory_space<vmem>>
    %dma_start3A_1249 = tpu.memref_squeeze %dma_start3A_1248 : memref<1x128xi32, #tpu.memory_space<vmem>> -> memref<128xi32, #tpu.memory_space<vmem>>
    %dma_start3A_1250 = arith.constant 0 : i32
    %dma_start3A_1251 = arith.constant 0 : i32
    %dma_start3A_1252 = tpu.memref_slice %arg5[%dma_start3A_1250, %dma_start3A_1251] : memref<65536x128xf32, #tpu.memory_space<hbm>> -> memref<65536x128xf32, #tpu.memory_space<hbm>>
    tpu.enqueue_indirect_dma source(%arg8 : memref<128x128xf32, #tpu.memory_space<vmem>>) target(%dma_start3A_1252 : memref<65536x128xf32, #tpu.memory_space<hbm>>) offsets(%dma_start3A_1249 : memref<128xi32, #tpu.memory_space<vmem>>) semaphore(%arg14 : memref<!tpu.dma_semaphore, #tpu.memory_space<semaphore_mem>>)
    %dma_start3A_1253 = arith.constant 9 : i32
    %dma_start3A_1254 = arith.constant 0 : i32
    %dma_start3A_1255 = tpu.memref_slice %arg12[%dma_start3A_1253, %dma_start3A_1254] : memref<14x128xi32, #tpu.memory_space<vmem>> -> memref<1x128xi32, #tpu.memory_space<vmem>>
    %dma_start3A_1256 = tpu.memref_squeeze %dma_start3A_1255 : memref<1x128xi32, #tpu.memory_space<vmem>> -> memref<128xi32, #tpu.memory_space<vmem>>
    %dma_start3A_1257 = arith.constant 0 : i32
    %dma_start3A_1258 = arith.constant 0 : i32
    %dma_start3A_1259 = tpu.memref_slice %arg5[%dma_start3A_1257, %dma_start3A_1258] : memref<65536x128xf32, #tpu.memory_space<hbm>> -> memref<65536x128xf32, #tpu.memory_space<hbm>>
    tpu.enqueue_indirect_dma source(%arg8 : memref<128x128xf32, #tpu.memory_space<vmem>>) target(%dma_start3A_1259 : memref<65536x128xf32, #tpu.memory_space<hbm>>) offsets(%dma_start3A_1256 : memref<128xi32, #tpu.memory_space<vmem>>) semaphore(%arg14 : memref<!tpu.dma_semaphore, #tpu.memory_space<semaphore_mem>>)
    %dma_start3A_1260 = arith.constant 10 : i32
    %dma_start3A_1261 = arith.constant 0 : i32
    %dma_start3A_1262 = tpu.memref_slice %arg12[%dma_start3A_1260, %dma_start3A_1261] : memref<14x128xi32, #tpu.memory_space<vmem>> -> memref<1x128xi32, #tpu.memory_space<vmem>>
    %dma_start3A_1263 = tpu.memref_squeeze %dma_start3A_1262 : memref<1x128xi32, #tpu.memory_space<vmem>> -> memref<128xi32, #tpu.memory_space<vmem>>
    %dma_start3A_1264 = arith.constant 0 : i32
    %dma_start3A_1265 = arith.constant 0 : i32
    %dma_start3A_1266 = tpu.memref_slice %arg5[%dma_start3A_1264, %dma_start3A_1265] : memref<65536x128xf32, #tpu.memory_space<hbm>> -> memref<65536x128xf32, #tpu.memory_space<hbm>>
    tpu.enqueue_indirect_dma source(%arg8 : memref<128x128xf32, #tpu.memory_space<vmem>>) target(%dma_start3A_1266 : memref<65536x128xf32, #tpu.memory_space<hbm>>) offsets(%dma_start3A_1263 : memref<128xi32, #tpu.memory_space<vmem>>) semaphore(%arg14 : memref<!tpu.dma_semaphore, #tpu.memory_space<semaphore_mem>>)
    %dma_start3A_1267 = arith.constant 11 : i32
    %dma_start3A_1268 = arith.constant 0 : i32
    %dma_start3A_1269 = tpu.memref_slice %arg12[%dma_start3A_1267, %dma_start3A_1268] : memref<14x128xi32, #tpu.memory_space<vmem>> -> memref<1x128xi32, #tpu.memory_space<vmem>>
    %dma_start3A_1270 = tpu.memref_squeeze %dma_start3A_1269 : memref<1x128xi32, #tpu.memory_space<vmem>> -> memref<128xi32, #tpu.memory_space<vmem>>
    %dma_start3A_1271 = arith.constant 0 : i32
    %dma_start3A_1272 = arith.constant 0 : i32
    %dma_start3A_1273 = tpu.memref_slice %arg5[%dma_start3A_1271, %dma_start3A_1272] : memref<65536x128xf32, #tpu.memory_space<hbm>> -> memref<65536x128xf32, #tpu.memory_space<hbm>>
    tpu.enqueue_indirect_dma source(%arg8 : memref<128x128xf32, #tpu.memory_space<vmem>>) target(%dma_start3A_1273 : memref<65536x128xf32, #tpu.memory_space<hbm>>) offsets(%dma_start3A_1270 : memref<128xi32, #tpu.memory_space<vmem>>) semaphore(%arg14 : memref<!tpu.dma_semaphore, #tpu.memory_space<semaphore_mem>>)
    %dma_start3A_1274 = arith.constant 12 : i32
    %dma_start3A_1275 = arith.constant 0 : i32
    %dma_start3A_1276 = tpu.memref_slice %arg12[%dma_start3A_1274, %dma_start3A_1275] : memref<14x128xi32, #tpu.memory_space<vmem>> -> memref<1x128xi32, #tpu.memory_space<vmem>>
    %dma_start3A_1277 = tpu.memref_squeeze %dma_start3A_1276 : memref<1x128xi32, #tpu.memory_space<vmem>> -> memref<128xi32, #tpu.memory_space<vmem>>
    %dma_start3A_1278 = arith.constant 0 : i32
    %dma_start3A_1279 = arith.constant 0 : i32
    %dma_start3A_1280 = tpu.memref_slice %arg5[%dma_start3A_1278, %dma_start3A_1279] : memref<65536x128xf32, #tpu.memory_space<hbm>> -> memref<65536x128xf32, #tpu.memory_space<hbm>>
    tpu.enqueue_indirect_dma source(%arg8 : memref<128x128xf32, #tpu.memory_space<vmem>>) target(%dma_start3A_1280 : memref<65536x128xf32, #tpu.memory_space<hbm>>) offsets(%dma_start3A_1277 : memref<128xi32, #tpu.memory_space<vmem>>) semaphore(%arg14 : memref<!tpu.dma_semaphore, #tpu.memory_space<semaphore_mem>>)
    %dma_start3A_1281 = arith.constant 13 : i32
    %dma_start3A_1282 = arith.constant 0 : i32
    %dma_start3A_1283 = tpu.memref_slice %arg12[%dma_start3A_1281, %dma_start3A_1282] : memref<14x128xi32, #tpu.memory_space<vmem>> -> memref<1x128xi32, #tpu.memory_space<vmem>>
    %dma_start3A_1284 = tpu.memref_squeeze %dma_start3A_1283 : memref<1x128xi32, #tpu.memory_space<vmem>> -> memref<128xi32, #tpu.memory_space<vmem>>
    %dma_start3A_1285 = arith.constant 0 : i32
    %dma_start3A_1286 = arith.constant 0 : i32
    %dma_start3A_1287 = tpu.memref_slice %arg5[%dma_start3A_1285, %dma_start3A_1286] : memref<65536x128xf32, #tpu.memory_space<hbm>> -> memref<65536x128xf32, #tpu.memory_space<hbm>>
    tpu.enqueue_indirect_dma source(%arg8 : memref<128x128xf32, #tpu.memory_space<vmem>>) target(%dma_start3A_1287 : memref<65536x128xf32, #tpu.memory_space<hbm>>) offsets(%dma_start3A_1284 : memref<128xi32, #tpu.memory_space<vmem>>) semaphore(%arg14 : memref<!tpu.dma_semaphore, #tpu.memory_space<semaphore_mem>>)
    %dma_wait3A_1288 = arith.constant 0 : i32
    %dma_wait3A_1289 = arith.constant 0 : i32
    %dma_wait3A_1290 = arith.constant 0 : i32
    %dma_wait3A_1291 = tpu.memref_slice %arg7[%dma_wait3A_1289, %dma_wait3A_1290] : memref<256x128xf32, #tpu.memory_space<vmem>> -> memref<128x128xf32, #tpu.memory_space<vmem>>
    %dma_wait3A_1292 = arith.constant 0 : i32
    %dma_wait3A_1293 = tpu.memref_slice %arg10[%dma_wait3A_1288, %dma_wait3A_1292] : memref<2x128xi32, #tpu.memory_space<vmem>> -> memref<1x128xi32, #tpu.memory_space<vmem>>
    %dma_wait3A_1294 = tpu.memref_squeeze %dma_wait3A_1293 : memref<1x128xi32, #tpu.memory_space<vmem>> -> memref<128xi32, #tpu.memory_space<vmem>>
    %dma_wait3A_1295 = arith.constant 0 : i32
    %dma_wait3A_1296 = arith.constant 0 : i32
    %dma_wait3A_1297 = tpu.memref_slice %arg5[%dma_wait3A_1295, %dma_wait3A_1296] : memref<65536x128xf32, #tpu.memory_space<hbm>> -> memref<65536x128xf32, #tpu.memory_space<hbm>>
    tpu.wait_indirect_dma semaphore(%arg14 : memref<!tpu.dma_semaphore, #tpu.memory_space<semaphore_mem>>) src(%dma_wait3A_1291 : memref<128x128xf32, #tpu.memory_space<vmem>>) dst(%dma_wait3A_1297 : memref<65536x128xf32, #tpu.memory_space<hbm>>)
    %dma_wait3A_1298 = arith.constant 1 : i32
    %dma_wait3A_1299 = arith.constant 128 : i32
    %dma_wait3A_1300 = arith.constant 0 : i32
    %dma_wait3A_1301 = tpu.memref_slice %arg7[%dma_wait3A_1299, %dma_wait3A_1300] : memref<256x128xf32, #tpu.memory_space<vmem>> -> memref<128x128xf32, #tpu.memory_space<vmem>>
    %dma_wait3A_1302 = arith.constant 0 : i32
    %dma_wait3A_1303 = tpu.memref_slice %arg10[%dma_wait3A_1298, %dma_wait3A_1302] : memref<2x128xi32, #tpu.memory_space<vmem>> -> memref<1x128xi32, #tpu.memory_space<vmem>>
    %dma_wait3A_1304 = tpu.memref_squeeze %dma_wait3A_1303 : memref<1x128xi32, #tpu.memory_space<vmem>> -> memref<128xi32, #tpu.memory_space<vmem>>
    %dma_wait3A_1305 = arith.constant 0 : i32
    %dma_wait3A_1306 = arith.constant 0 : i32
    %dma_wait3A_1307 = tpu.memref_slice %arg5[%dma_wait3A_1305, %dma_wait3A_1306] : memref<65536x128xf32, #tpu.memory_space<hbm>> -> memref<65536x128xf32, #tpu.memory_space<hbm>>
    tpu.wait_indirect_dma semaphore(%arg14 : memref<!tpu.dma_semaphore, #tpu.memory_space<semaphore_mem>>) src(%dma_wait3A_1301 : memref<128x128xf32, #tpu.memory_space<vmem>>) dst(%dma_wait3A_1307 : memref<65536x128xf32, #tpu.memory_space<hbm>>)
    %dma_wait3A_1308 = arith.constant 0 : i32
    %dma_wait3A_1309 = arith.constant 0 : i32
    %dma_wait3A_1310 = tpu.memref_slice %arg12[%dma_wait3A_1308, %dma_wait3A_1309] : memref<14x128xi32, #tpu.memory_space<vmem>> -> memref<1x128xi32, #tpu.memory_space<vmem>>
    %dma_wait3A_1311 = tpu.memref_squeeze %dma_wait3A_1310 : memref<1x128xi32, #tpu.memory_space<vmem>> -> memref<128xi32, #tpu.memory_space<vmem>>
    %dma_wait3A_1312 = arith.constant 0 : i32
    %dma_wait3A_1313 = arith.constant 0 : i32
    %dma_wait3A_1314 = tpu.memref_slice %arg5[%dma_wait3A_1312, %dma_wait3A_1313] : memref<65536x128xf32, #tpu.memory_space<hbm>> -> memref<65536x128xf32, #tpu.memory_space<hbm>>
    tpu.wait_indirect_dma semaphore(%arg14 : memref<!tpu.dma_semaphore, #tpu.memory_space<semaphore_mem>>) src(%arg8 : memref<128x128xf32, #tpu.memory_space<vmem>>) dst(%dma_wait3A_1314 : memref<65536x128xf32, #tpu.memory_space<hbm>>)
    %dma_wait3A_1315 = arith.constant 1 : i32
    %dma_wait3A_1316 = arith.constant 0 : i32
    %dma_wait3A_1317 = tpu.memref_slice %arg12[%dma_wait3A_1315, %dma_wait3A_1316] : memref<14x128xi32, #tpu.memory_space<vmem>> -> memref<1x128xi32, #tpu.memory_space<vmem>>
    %dma_wait3A_1318 = tpu.memref_squeeze %dma_wait3A_1317 : memref<1x128xi32, #tpu.memory_space<vmem>> -> memref<128xi32, #tpu.memory_space<vmem>>
    %dma_wait3A_1319 = arith.constant 0 : i32
    %dma_wait3A_1320 = arith.constant 0 : i32
    %dma_wait3A_1321 = tpu.memref_slice %arg5[%dma_wait3A_1319, %dma_wait3A_1320] : memref<65536x128xf32, #tpu.memory_space<hbm>> -> memref<65536x128xf32, #tpu.memory_space<hbm>>
    tpu.wait_indirect_dma semaphore(%arg14 : memref<!tpu.dma_semaphore, #tpu.memory_space<semaphore_mem>>) src(%arg8 : memref<128x128xf32, #tpu.memory_space<vmem>>) dst(%dma_wait3A_1321 : memref<65536x128xf32, #tpu.memory_space<hbm>>)
    %dma_wait3A_1322 = arith.constant 2 : i32
    %dma_wait3A_1323 = arith.constant 0 : i32
    %dma_wait3A_1324 = tpu.memref_slice %arg12[%dma_wait3A_1322, %dma_wait3A_1323] : memref<14x128xi32, #tpu.memory_space<vmem>> -> memref<1x128xi32, #tpu.memory_space<vmem>>
    %dma_wait3A_1325 = tpu.memref_squeeze %dma_wait3A_1324 : memref<1x128xi32, #tpu.memory_space<vmem>> -> memref<128xi32, #tpu.memory_space<vmem>>
    %dma_wait3A_1326 = arith.constant 0 : i32
    %dma_wait3A_1327 = arith.constant 0 : i32
    %dma_wait3A_1328 = tpu.memref_slice %arg5[%dma_wait3A_1326, %dma_wait3A_1327] : memref<65536x128xf32, #tpu.memory_space<hbm>> -> memref<65536x128xf32, #tpu.memory_space<hbm>>
    tpu.wait_indirect_dma semaphore(%arg14 : memref<!tpu.dma_semaphore, #tpu.memory_space<semaphore_mem>>) src(%arg8 : memref<128x128xf32, #tpu.memory_space<vmem>>) dst(%dma_wait3A_1328 : memref<65536x128xf32, #tpu.memory_space<hbm>>)
    %dma_wait3A_1329 = arith.constant 3 : i32
    %dma_wait3A_1330 = arith.constant 0 : i32
    %dma_wait3A_1331 = tpu.memref_slice %arg12[%dma_wait3A_1329, %dma_wait3A_1330] : memref<14x128xi32, #tpu.memory_space<vmem>> -> memref<1x128xi32, #tpu.memory_space<vmem>>
    %dma_wait3A_1332 = tpu.memref_squeeze %dma_wait3A_1331 : memref<1x128xi32, #tpu.memory_space<vmem>> -> memref<128xi32, #tpu.memory_space<vmem>>
    %dma_wait3A_1333 = arith.constant 0 : i32
    %dma_wait3A_1334 = arith.constant 0 : i32
    %dma_wait3A_1335 = tpu.memref_slice %arg5[%dma_wait3A_1333, %dma_wait3A_1334] : memref<65536x128xf32, #tpu.memory_space<hbm>> -> memref<65536x128xf32, #tpu.memory_space<hbm>>
    tpu.wait_indirect_dma semaphore(%arg14 : memref<!tpu.dma_semaphore, #tpu.memory_space<semaphore_mem>>) src(%arg8 : memref<128x128xf32, #tpu.memory_space<vmem>>) dst(%dma_wait3A_1335 : memref<65536x128xf32, #tpu.memory_space<hbm>>)
    %dma_wait3A_1336 = arith.constant 4 : i32
    %dma_wait3A_1337 = arith.constant 0 : i32
    %dma_wait3A_1338 = tpu.memref_slice %arg12[%dma_wait3A_1336, %dma_wait3A_1337] : memref<14x128xi32, #tpu.memory_space<vmem>> -> memref<1x128xi32, #tpu.memory_space<vmem>>
    %dma_wait3A_1339 = tpu.memref_squeeze %dma_wait3A_1338 : memref<1x128xi32, #tpu.memory_space<vmem>> -> memref<128xi32, #tpu.memory_space<vmem>>
    %dma_wait3A_1340 = arith.constant 0 : i32
    %dma_wait3A_1341 = arith.constant 0 : i32
    %dma_wait3A_1342 = tpu.memref_slice %arg5[%dma_wait3A_1340, %dma_wait3A_1341] : memref<65536x128xf32, #tpu.memory_space<hbm>> -> memref<65536x128xf32, #tpu.memory_space<hbm>>
    tpu.wait_indirect_dma semaphore(%arg14 : memref<!tpu.dma_semaphore, #tpu.memory_space<semaphore_mem>>) src(%arg8 : memref<128x128xf32, #tpu.memory_space<vmem>>) dst(%dma_wait3A_1342 : memref<65536x128xf32, #tpu.memory_space<hbm>>)
    %dma_wait3A_1343 = arith.constant 5 : i32
    %dma_wait3A_1344 = arith.constant 0 : i32
    %dma_wait3A_1345 = tpu.memref_slice %arg12[%dma_wait3A_1343, %dma_wait3A_1344] : memref<14x128xi32, #tpu.memory_space<vmem>> -> memref<1x128xi32, #tpu.memory_space<vmem>>
    %dma_wait3A_1346 = tpu.memref_squeeze %dma_wait3A_1345 : memref<1x128xi32, #tpu.memory_space<vmem>> -> memref<128xi32, #tpu.memory_space<vmem>>
    %dma_wait3A_1347 = arith.constant 0 : i32
    %dma_wait3A_1348 = arith.constant 0 : i32
    %dma_wait3A_1349 = tpu.memref_slice %arg5[%dma_wait3A_1347, %dma_wait3A_1348] : memref<65536x128xf32, #tpu.memory_space<hbm>> -> memref<65536x128xf32, #tpu.memory_space<hbm>>
    tpu.wait_indirect_dma semaphore(%arg14 : memref<!tpu.dma_semaphore, #tpu.memory_space<semaphore_mem>>) src(%arg8 : memref<128x128xf32, #tpu.memory_space<vmem>>) dst(%dma_wait3A_1349 : memref<65536x128xf32, #tpu.memory_space<hbm>>)
    %dma_wait3A_1350 = arith.constant 6 : i32
    %dma_wait3A_1351 = arith.constant 0 : i32
    %dma_wait3A_1352 = tpu.memref_slice %arg12[%dma_wait3A_1350, %dma_wait3A_1351] : memref<14x128xi32, #tpu.memory_space<vmem>> -> memref<1x128xi32, #tpu.memory_space<vmem>>
    %dma_wait3A_1353 = tpu.memref_squeeze %dma_wait3A_1352 : memref<1x128xi32, #tpu.memory_space<vmem>> -> memref<128xi32, #tpu.memory_space<vmem>>
    %dma_wait3A_1354 = arith.constant 0 : i32
    %dma_wait3A_1355 = arith.constant 0 : i32
    %dma_wait3A_1356 = tpu.memref_slice %arg5[%dma_wait3A_1354, %dma_wait3A_1355] : memref<65536x128xf32, #tpu.memory_space<hbm>> -> memref<65536x128xf32, #tpu.memory_space<hbm>>
    tpu.wait_indirect_dma semaphore(%arg14 : memref<!tpu.dma_semaphore, #tpu.memory_space<semaphore_mem>>) src(%arg8 : memref<128x128xf32, #tpu.memory_space<vmem>>) dst(%dma_wait3A_1356 : memref<65536x128xf32, #tpu.memory_space<hbm>>)
    %dma_wait3A_1357 = arith.constant 7 : i32
    %dma_wait3A_1358 = arith.constant 0 : i32
    %dma_wait3A_1359 = tpu.memref_slice %arg12[%dma_wait3A_1357, %dma_wait3A_1358] : memref<14x128xi32, #tpu.memory_space<vmem>> -> memref<1x128xi32, #tpu.memory_space<vmem>>
    %dma_wait3A_1360 = tpu.memref_squeeze %dma_wait3A_1359 : memref<1x128xi32, #tpu.memory_space<vmem>> -> memref<128xi32, #tpu.memory_space<vmem>>
    %dma_wait3A_1361 = arith.constant 0 : i32
    %dma_wait3A_1362 = arith.constant 0 : i32
    %dma_wait3A_1363 = tpu.memref_slice %arg5[%dma_wait3A_1361, %dma_wait3A_1362] : memref<65536x128xf32, #tpu.memory_space<hbm>> -> memref<65536x128xf32, #tpu.memory_space<hbm>>
    tpu.wait_indirect_dma semaphore(%arg14 : memref<!tpu.dma_semaphore, #tpu.memory_space<semaphore_mem>>) src(%arg8 : memref<128x128xf32, #tpu.memory_space<vmem>>) dst(%dma_wait3A_1363 : memref<65536x128xf32, #tpu.memory_space<hbm>>)
    %dma_wait3A_1364 = arith.constant 8 : i32
    %dma_wait3A_1365 = arith.constant 0 : i32
    %dma_wait3A_1366 = tpu.memref_slice %arg12[%dma_wait3A_1364, %dma_wait3A_1365] : memref<14x128xi32, #tpu.memory_space<vmem>> -> memref<1x128xi32, #tpu.memory_space<vmem>>
    %dma_wait3A_1367 = tpu.memref_squeeze %dma_wait3A_1366 : memref<1x128xi32, #tpu.memory_space<vmem>> -> memref<128xi32, #tpu.memory_space<vmem>>
    %dma_wait3A_1368 = arith.constant 0 : i32
    %dma_wait3A_1369 = arith.constant 0 : i32
    %dma_wait3A_1370 = tpu.memref_slice %arg5[%dma_wait3A_1368, %dma_wait3A_1369] : memref<65536x128xf32, #tpu.memory_space<hbm>> -> memref<65536x128xf32, #tpu.memory_space<hbm>>
    tpu.wait_indirect_dma semaphore(%arg14 : memref<!tpu.dma_semaphore, #tpu.memory_space<semaphore_mem>>) src(%arg8 : memref<128x128xf32, #tpu.memory_space<vmem>>) dst(%dma_wait3A_1370 : memref<65536x128xf32, #tpu.memory_space<hbm>>)
    %dma_wait3A_1371 = arith.constant 9 : i32
    %dma_wait3A_1372 = arith.constant 0 : i32
    %dma_wait3A_1373 = tpu.memref_slice %arg12[%dma_wait3A_1371, %dma_wait3A_1372] : memref<14x128xi32, #tpu.memory_space<vmem>> -> memref<1x128xi32, #tpu.memory_space<vmem>>
    %dma_wait3A_1374 = tpu.memref_squeeze %dma_wait3A_1373 : memref<1x128xi32, #tpu.memory_space<vmem>> -> memref<128xi32, #tpu.memory_space<vmem>>
    %dma_wait3A_1375 = arith.constant 0 : i32
    %dma_wait3A_1376 = arith.constant 0 : i32
    %dma_wait3A_1377 = tpu.memref_slice %arg5[%dma_wait3A_1375, %dma_wait3A_1376] : memref<65536x128xf32, #tpu.memory_space<hbm>> -> memref<65536x128xf32, #tpu.memory_space<hbm>>
    tpu.wait_indirect_dma semaphore(%arg14 : memref<!tpu.dma_semaphore, #tpu.memory_space<semaphore_mem>>) src(%arg8 : memref<128x128xf32, #tpu.memory_space<vmem>>) dst(%dma_wait3A_1377 : memref<65536x128xf32, #tpu.memory_space<hbm>>)
    %dma_wait3A_1378 = arith.constant 10 : i32
    %dma_wait3A_1379 = arith.constant 0 : i32
    %dma_wait3A_1380 = tpu.memref_slice %arg12[%dma_wait3A_1378, %dma_wait3A_1379] : memref<14x128xi32, #tpu.memory_space<vmem>> -> memref<1x128xi32, #tpu.memory_space<vmem>>
    %dma_wait3A_1381 = tpu.memref_squeeze %dma_wait3A_1380 : memref<1x128xi32, #tpu.memory_space<vmem>> -> memref<128xi32, #tpu.memory_space<vmem>>
    %dma_wait3A_1382 = arith.constant 0 : i32
    %dma_wait3A_1383 = arith.constant 0 : i32
    %dma_wait3A_1384 = tpu.memref_slice %arg5[%dma_wait3A_1382, %dma_wait3A_1383] : memref<65536x128xf32, #tpu.memory_space<hbm>> -> memref<65536x128xf32, #tpu.memory_space<hbm>>
    tpu.wait_indirect_dma semaphore(%arg14 : memref<!tpu.dma_semaphore, #tpu.memory_space<semaphore_mem>>) src(%arg8 : memref<128x128xf32, #tpu.memory_space<vmem>>) dst(%dma_wait3A_1384 : memref<65536x128xf32, #tpu.memory_space<hbm>>)
    %dma_wait3A_1385 = arith.constant 11 : i32
    %dma_wait3A_1386 = arith.constant 0 : i32
    %dma_wait3A_1387 = tpu.memref_slice %arg12[%dma_wait3A_1385, %dma_wait3A_1386] : memref<14x128xi32, #tpu.memory_space<vmem>> -> memref<1x128xi32, #tpu.memory_space<vmem>>
    %dma_wait3A_1388 = tpu.memref_squeeze %dma_wait3A_1387 : memref<1x128xi32, #tpu.memory_space<vmem>> -> memref<128xi32, #tpu.memory_space<vmem>>
    %dma_wait3A_1389 = arith.constant 0 : i32
    %dma_wait3A_1390 = arith.constant 0 : i32
    %dma_wait3A_1391 = tpu.memref_slice %arg5[%dma_wait3A_1389, %dma_wait3A_1390] : memref<65536x128xf32, #tpu.memory_space<hbm>> -> memref<65536x128xf32, #tpu.memory_space<hbm>>
    tpu.wait_indirect_dma semaphore(%arg14 : memref<!tpu.dma_semaphore, #tpu.memory_space<semaphore_mem>>) src(%arg8 : memref<128x128xf32, #tpu.memory_space<vmem>>) dst(%dma_wait3A_1391 : memref<65536x128xf32, #tpu.memory_space<hbm>>)
    %dma_wait3A_1392 = arith.constant 12 : i32
    %dma_wait3A_1393 = arith.constant 0 : i32
    %dma_wait3A_1394 = tpu.memref_slice %arg12[%dma_wait3A_1392, %dma_wait3A_1393] : memref<14x128xi32, #tpu.memory_space<vmem>> -> memref<1x128xi32, #tpu.memory_space<vmem>>
    %dma_wait3A_1395 = tpu.memref_squeeze %dma_wait3A_1394 : memref<1x128xi32, #tpu.memory_space<vmem>> -> memref<128xi32, #tpu.memory_space<vmem>>
    %dma_wait3A_1396 = arith.constant 0 : i32
    %dma_wait3A_1397 = arith.constant 0 : i32
    %dma_wait3A_1398 = tpu.memref_slice %arg5[%dma_wait3A_1396, %dma_wait3A_1397] : memref<65536x128xf32, #tpu.memory_space<hbm>> -> memref<65536x128xf32, #tpu.memory_space<hbm>>
    tpu.wait_indirect_dma semaphore(%arg14 : memref<!tpu.dma_semaphore, #tpu.memory_space<semaphore_mem>>) src(%arg8 : memref<128x128xf32, #tpu.memory_space<vmem>>) dst(%dma_wait3A_1398 : memref<65536x128xf32, #tpu.memory_space<hbm>>)
    %dma_wait3A_1399 = arith.constant 13 : i32
    %dma_wait3A_1400 = arith.constant 0 : i32
    %dma_wait3A_1401 = tpu.memref_slice %arg12[%dma_wait3A_1399, %dma_wait3A_1400] : memref<14x128xi32, #tpu.memory_space<vmem>> -> memref<1x128xi32, #tpu.memory_space<vmem>>
    %dma_wait3A_1402 = tpu.memref_squeeze %dma_wait3A_1401 : memref<1x128xi32, #tpu.memory_space<vmem>> -> memref<128xi32, #tpu.memory_space<vmem>>
    %dma_wait3A_1403 = arith.constant 0 : i32
    %dma_wait3A_1404 = arith.constant 0 : i32
    %dma_wait3A_1405 = tpu.memref_slice %arg5[%dma_wait3A_1403, %dma_wait3A_1404] : memref<65536x128xf32, #tpu.memory_space<hbm>> -> memref<65536x128xf32, #tpu.memory_space<hbm>>
    tpu.wait_indirect_dma semaphore(%arg14 : memref<!tpu.dma_semaphore, #tpu.memory_space<semaphore_mem>>) src(%arg8 : memref<128x128xf32, #tpu.memory_space<vmem>>) dst(%dma_wait3A_1405 : memref<65536x128xf32, #tpu.memory_space<hbm>>)
    return
  }
}

module attributes {stable_mosaic.version = 14 : i64} {
  func.func @_tc_body(%arg0: memref<1x8192xi32, #tpu.memory_space<any>>, %arg1: memref<8192x1024xf32, #tpu.memory_space<any>>, %arg2: memref<8x128x1024xf32, #tpu.memory_space<any>>, %arg3: memref<1x1024xf32, #tpu.memory_space<any>>, %arg4: memref<8192x128xf32, #tpu.memory_space<any>>, %arg5: memref<8x128x1024xf32, #tpu.memory_space<vmem>>, %arg6: memref<1x1024xf32, #tpu.memory_space<vmem>>, %arg7: memref<1x8192xi32, #tpu.memory_space<vmem>>, %arg8: memref<2x1024x1024xf32, #tpu.memory_space<vmem>>, %arg9: memref<2x1024x128xf32, #tpu.memory_space<vmem>>, %arg10: memref<!tpu.dma_semaphore, #tpu.memory_space<semaphore_mem>>, %arg11: memref<!tpu.dma_semaphore, #tpu.memory_space<semaphore_mem>>, %arg12: memref<!tpu.dma_semaphore, #tpu.memory_space<semaphore_mem>>, %arg13: memref<2x4x!tpu.dma_semaphore, #tpu.memory_space<semaphore_mem>>, %arg14: memref<2x!tpu.dma_semaphore, #tpu.memory_space<semaphore_mem>>) attributes {dimension_semantics = [], scalar_prefetch = 0 : i64, scratch_operands = 10 : i64, tpu.core_type = #tpu.core_type<tc>} {
    tpu.enqueue_dma source(%arg2 : memref<8x128x1024xf32, #tpu.memory_space<any>>) target(%arg5 : memref<8x128x1024xf32, #tpu.memory_space<vmem>>) target_semaphore(%arg10 : memref<!tpu.dma_semaphore, #tpu.memory_space<semaphore_mem>>)
    tpu.enqueue_dma source(%arg3 : memref<1x1024xf32, #tpu.memory_space<any>>) target(%arg6 : memref<1x1024xf32, #tpu.memory_space<vmem>>) target_semaphore(%arg11 : memref<!tpu.dma_semaphore, #tpu.memory_space<semaphore_mem>>)
    tpu.enqueue_dma source(%arg0 : memref<1x8192xi32, #tpu.memory_space<any>>) target(%arg7 : memref<1x8192xi32, #tpu.memory_space<vmem>>) target_semaphore(%arg12 : memref<!tpu.dma_semaphore, #tpu.memory_space<semaphore_mem>>)
    %dma_start3A = arith.constant 0 : i32
    %dma_start3A_0 = arith.constant 0 : i32
    %dma_start3A_1 = arith.constant 0 : i32
    %dma_start3A_2 = tpu.memref_slice %arg13[%dma_start3A_0, %dma_start3A_1] : memref<2x4x!tpu.dma_semaphore, #tpu.memory_space<semaphore_mem>> -> memref<1x1x!tpu.dma_semaphore, #tpu.memory_space<semaphore_mem>>
    %dma_start3A_3 = tpu.memref_squeeze %dma_start3A_2 : memref<1x1x!tpu.dma_semaphore, #tpu.memory_space<semaphore_mem>> -> memref<!tpu.dma_semaphore, #tpu.memory_space<semaphore_mem>>
    %dma_start3A_4 = arith.constant 0 : i32
    %dma_start3A_5 = arith.constant 0 : i32
    %dma_start3A_6 = tpu.memref_slice %arg8[%dma_start3A, %dma_start3A_4, %dma_start3A_5] : memref<2x1024x1024xf32, #tpu.memory_space<vmem>> -> memref<1x256x1024xf32, #tpu.memory_space<vmem>>
    %dma_start3A_7 = tpu.memref_squeeze %dma_start3A_6 : memref<1x256x1024xf32, #tpu.memory_space<vmem>> -> memref<256x1024xf32, #tpu.memory_space<vmem>>
    %dma_start3A_8 = arith.constant 0 : i32
    %dma_start3A_9 = arith.constant 0 : i32
    %dma_start3A_10 = tpu.memref_slice %arg1[%dma_start3A_8, %dma_start3A_9] : memref<8192x1024xf32, #tpu.memory_space<any>> -> memref<256x1024xf32, #tpu.memory_space<any>>
    tpu.enqueue_dma source(%dma_start3A_10 : memref<256x1024xf32, #tpu.memory_space<any>>) target(%dma_start3A_7 : memref<256x1024xf32, #tpu.memory_space<vmem>>) target_semaphore(%dma_start3A_3 : memref<!tpu.dma_semaphore, #tpu.memory_space<semaphore_mem>>)
    %dma_start3A_11 = arith.constant 0 : i32
    %dma_start3A_12 = arith.constant 0 : i32
    %dma_start3A_13 = arith.constant 1 : i32
    %dma_start3A_14 = tpu.memref_slice %arg13[%dma_start3A_12, %dma_start3A_13] : memref<2x4x!tpu.dma_semaphore, #tpu.memory_space<semaphore_mem>> -> memref<1x1x!tpu.dma_semaphore, #tpu.memory_space<semaphore_mem>>
    %dma_start3A_15 = tpu.memref_squeeze %dma_start3A_14 : memref<1x1x!tpu.dma_semaphore, #tpu.memory_space<semaphore_mem>> -> memref<!tpu.dma_semaphore, #tpu.memory_space<semaphore_mem>>
    %dma_start3A_16 = arith.constant 256 : i32
    %dma_start3A_17 = arith.constant 0 : i32
    %dma_start3A_18 = tpu.memref_slice %arg8[%dma_start3A_11, %dma_start3A_16, %dma_start3A_17] : memref<2x1024x1024xf32, #tpu.memory_space<vmem>> -> memref<1x256x1024xf32, #tpu.memory_space<vmem>>
    %dma_start3A_19 = tpu.memref_squeeze %dma_start3A_18 : memref<1x256x1024xf32, #tpu.memory_space<vmem>> -> memref<256x1024xf32, #tpu.memory_space<vmem>>
    %dma_start3A_20 = arith.constant 256 : i32
    %dma_start3A_21 = arith.constant 0 : i32
    %dma_start3A_22 = tpu.memref_slice %arg1[%dma_start3A_20, %dma_start3A_21] : memref<8192x1024xf32, #tpu.memory_space<any>> -> memref<256x1024xf32, #tpu.memory_space<any>>
    tpu.enqueue_dma source(%dma_start3A_22 : memref<256x1024xf32, #tpu.memory_space<any>>) target(%dma_start3A_19 : memref<256x1024xf32, #tpu.memory_space<vmem>>) target_semaphore(%dma_start3A_15 : memref<!tpu.dma_semaphore, #tpu.memory_space<semaphore_mem>>)
    %dma_start3A_23 = arith.constant 0 : i32
    %dma_start3A_24 = arith.constant 0 : i32
    %dma_start3A_25 = arith.constant 2 : i32
    %dma_start3A_26 = tpu.memref_slice %arg13[%dma_start3A_24, %dma_start3A_25] : memref<2x4x!tpu.dma_semaphore, #tpu.memory_space<semaphore_mem>> -> memref<1x1x!tpu.dma_semaphore, #tpu.memory_space<semaphore_mem>>
    %dma_start3A_27 = tpu.memref_squeeze %dma_start3A_26 : memref<1x1x!tpu.dma_semaphore, #tpu.memory_space<semaphore_mem>> -> memref<!tpu.dma_semaphore, #tpu.memory_space<semaphore_mem>>
    %dma_start3A_28 = arith.constant 512 : i32
    %dma_start3A_29 = arith.constant 0 : i32
    %dma_start3A_30 = tpu.memref_slice %arg8[%dma_start3A_23, %dma_start3A_28, %dma_start3A_29] : memref<2x1024x1024xf32, #tpu.memory_space<vmem>> -> memref<1x256x1024xf32, #tpu.memory_space<vmem>>
    %dma_start3A_31 = tpu.memref_squeeze %dma_start3A_30 : memref<1x256x1024xf32, #tpu.memory_space<vmem>> -> memref<256x1024xf32, #tpu.memory_space<vmem>>
    %dma_start3A_32 = arith.constant 512 : i32
    %dma_start3A_33 = arith.constant 0 : i32
    %dma_start3A_34 = tpu.memref_slice %arg1[%dma_start3A_32, %dma_start3A_33] : memref<8192x1024xf32, #tpu.memory_space<any>> -> memref<256x1024xf32, #tpu.memory_space<any>>
    tpu.enqueue_dma source(%dma_start3A_34 : memref<256x1024xf32, #tpu.memory_space<any>>) target(%dma_start3A_31 : memref<256x1024xf32, #tpu.memory_space<vmem>>) target_semaphore(%dma_start3A_27 : memref<!tpu.dma_semaphore, #tpu.memory_space<semaphore_mem>>)
    %dma_start3A_35 = arith.constant 0 : i32
    %dma_start3A_36 = arith.constant 0 : i32
    %dma_start3A_37 = arith.constant 3 : i32
    %dma_start3A_38 = tpu.memref_slice %arg13[%dma_start3A_36, %dma_start3A_37] : memref<2x4x!tpu.dma_semaphore, #tpu.memory_space<semaphore_mem>> -> memref<1x1x!tpu.dma_semaphore, #tpu.memory_space<semaphore_mem>>
    %dma_start3A_39 = tpu.memref_squeeze %dma_start3A_38 : memref<1x1x!tpu.dma_semaphore, #tpu.memory_space<semaphore_mem>> -> memref<!tpu.dma_semaphore, #tpu.memory_space<semaphore_mem>>
    %dma_start3A_40 = arith.constant 768 : i32
    %dma_start3A_41 = arith.constant 0 : i32
    %dma_start3A_42 = tpu.memref_slice %arg8[%dma_start3A_35, %dma_start3A_40, %dma_start3A_41] : memref<2x1024x1024xf32, #tpu.memory_space<vmem>> -> memref<1x256x1024xf32, #tpu.memory_space<vmem>>
    %dma_start3A_43 = tpu.memref_squeeze %dma_start3A_42 : memref<1x256x1024xf32, #tpu.memory_space<vmem>> -> memref<256x1024xf32, #tpu.memory_space<vmem>>
    %dma_start3A_44 = arith.constant 768 : i32
    %dma_start3A_45 = arith.constant 0 : i32
    %dma_start3A_46 = tpu.memref_slice %arg1[%dma_start3A_44, %dma_start3A_45] : memref<8192x1024xf32, #tpu.memory_space<any>> -> memref<256x1024xf32, #tpu.memory_space<any>>
    tpu.enqueue_dma source(%dma_start3A_46 : memref<256x1024xf32, #tpu.memory_space<any>>) target(%dma_start3A_43 : memref<256x1024xf32, #tpu.memory_space<vmem>>) target_semaphore(%dma_start3A_39 : memref<!tpu.dma_semaphore, #tpu.memory_space<semaphore_mem>>)
    %dma_start3A_47 = arith.constant 1 : i32
    %dma_start3A_48 = arith.constant 1 : i32
    %dma_start3A_49 = arith.constant 0 : i32
    %dma_start3A_50 = tpu.memref_slice %arg13[%dma_start3A_48, %dma_start3A_49] : memref<2x4x!tpu.dma_semaphore, #tpu.memory_space<semaphore_mem>> -> memref<1x1x!tpu.dma_semaphore, #tpu.memory_space<semaphore_mem>>
    %dma_start3A_51 = tpu.memref_squeeze %dma_start3A_50 : memref<1x1x!tpu.dma_semaphore, #tpu.memory_space<semaphore_mem>> -> memref<!tpu.dma_semaphore, #tpu.memory_space<semaphore_mem>>
    %dma_start3A_52 = arith.constant 0 : i32
    %dma_start3A_53 = arith.constant 0 : i32
    %dma_start3A_54 = tpu.memref_slice %arg8[%dma_start3A_47, %dma_start3A_52, %dma_start3A_53] : memref<2x1024x1024xf32, #tpu.memory_space<vmem>> -> memref<1x256x1024xf32, #tpu.memory_space<vmem>>
    %dma_start3A_55 = tpu.memref_squeeze %dma_start3A_54 : memref<1x256x1024xf32, #tpu.memory_space<vmem>> -> memref<256x1024xf32, #tpu.memory_space<vmem>>
    %dma_start3A_56 = arith.constant 1024 : i32
    %dma_start3A_57 = arith.constant 0 : i32
    %dma_start3A_58 = tpu.memref_slice %arg1[%dma_start3A_56, %dma_start3A_57] : memref<8192x1024xf32, #tpu.memory_space<any>> -> memref<256x1024xf32, #tpu.memory_space<any>>
    tpu.enqueue_dma source(%dma_start3A_58 : memref<256x1024xf32, #tpu.memory_space<any>>) target(%dma_start3A_55 : memref<256x1024xf32, #tpu.memory_space<vmem>>) target_semaphore(%dma_start3A_51 : memref<!tpu.dma_semaphore, #tpu.memory_space<semaphore_mem>>)
    %dma_start3A_59 = arith.constant 1 : i32
    %dma_start3A_60 = arith.constant 1 : i32
    %dma_start3A_61 = arith.constant 1 : i32
    %dma_start3A_62 = tpu.memref_slice %arg13[%dma_start3A_60, %dma_start3A_61] : memref<2x4x!tpu.dma_semaphore, #tpu.memory_space<semaphore_mem>> -> memref<1x1x!tpu.dma_semaphore, #tpu.memory_space<semaphore_mem>>
    %dma_start3A_63 = tpu.memref_squeeze %dma_start3A_62 : memref<1x1x!tpu.dma_semaphore, #tpu.memory_space<semaphore_mem>> -> memref<!tpu.dma_semaphore, #tpu.memory_space<semaphore_mem>>
    %dma_start3A_64 = arith.constant 256 : i32
    %dma_start3A_65 = arith.constant 0 : i32
    %dma_start3A_66 = tpu.memref_slice %arg8[%dma_start3A_59, %dma_start3A_64, %dma_start3A_65] : memref<2x1024x1024xf32, #tpu.memory_space<vmem>> -> memref<1x256x1024xf32, #tpu.memory_space<vmem>>
    %dma_start3A_67 = tpu.memref_squeeze %dma_start3A_66 : memref<1x256x1024xf32, #tpu.memory_space<vmem>> -> memref<256x1024xf32, #tpu.memory_space<vmem>>
    %dma_start3A_68 = arith.constant 1280 : i32
    %dma_start3A_69 = arith.constant 0 : i32
    %dma_start3A_70 = tpu.memref_slice %arg1[%dma_start3A_68, %dma_start3A_69] : memref<8192x1024xf32, #tpu.memory_space<any>> -> memref<256x1024xf32, #tpu.memory_space<any>>
    tpu.enqueue_dma source(%dma_start3A_70 : memref<256x1024xf32, #tpu.memory_space<any>>) target(%dma_start3A_67 : memref<256x1024xf32, #tpu.memory_space<vmem>>) target_semaphore(%dma_start3A_63 : memref<!tpu.dma_semaphore, #tpu.memory_space<semaphore_mem>>)
    %dma_start3A_71 = arith.constant 1 : i32
    %dma_start3A_72 = arith.constant 1 : i32
    %dma_start3A_73 = arith.constant 2 : i32
    %dma_start3A_74 = tpu.memref_slice %arg13[%dma_start3A_72, %dma_start3A_73] : memref<2x4x!tpu.dma_semaphore, #tpu.memory_space<semaphore_mem>> -> memref<1x1x!tpu.dma_semaphore, #tpu.memory_space<semaphore_mem>>
    %dma_start3A_75 = tpu.memref_squeeze %dma_start3A_74 : memref<1x1x!tpu.dma_semaphore, #tpu.memory_space<semaphore_mem>> -> memref<!tpu.dma_semaphore, #tpu.memory_space<semaphore_mem>>
    %dma_start3A_76 = arith.constant 512 : i32
    %dma_start3A_77 = arith.constant 0 : i32
    %dma_start3A_78 = tpu.memref_slice %arg8[%dma_start3A_71, %dma_start3A_76, %dma_start3A_77] : memref<2x1024x1024xf32, #tpu.memory_space<vmem>> -> memref<1x256x1024xf32, #tpu.memory_space<vmem>>
    %dma_start3A_79 = tpu.memref_squeeze %dma_start3A_78 : memref<1x256x1024xf32, #tpu.memory_space<vmem>> -> memref<256x1024xf32, #tpu.memory_space<vmem>>
    %dma_start3A_80 = arith.constant 1536 : i32
    %dma_start3A_81 = arith.constant 0 : i32
    %dma_start3A_82 = tpu.memref_slice %arg1[%dma_start3A_80, %dma_start3A_81] : memref<8192x1024xf32, #tpu.memory_space<any>> -> memref<256x1024xf32, #tpu.memory_space<any>>
    tpu.enqueue_dma source(%dma_start3A_82 : memref<256x1024xf32, #tpu.memory_space<any>>) target(%dma_start3A_79 : memref<256x1024xf32, #tpu.memory_space<vmem>>) target_semaphore(%dma_start3A_75 : memref<!tpu.dma_semaphore, #tpu.memory_space<semaphore_mem>>)
    %dma_start3A_83 = arith.constant 1 : i32
    %dma_start3A_84 = arith.constant 1 : i32
    %dma_start3A_85 = arith.constant 3 : i32
    %dma_start3A_86 = tpu.memref_slice %arg13[%dma_start3A_84, %dma_start3A_85] : memref<2x4x!tpu.dma_semaphore, #tpu.memory_space<semaphore_mem>> -> memref<1x1x!tpu.dma_semaphore, #tpu.memory_space<semaphore_mem>>
    %dma_start3A_87 = tpu.memref_squeeze %dma_start3A_86 : memref<1x1x!tpu.dma_semaphore, #tpu.memory_space<semaphore_mem>> -> memref<!tpu.dma_semaphore, #tpu.memory_space<semaphore_mem>>
    %dma_start3A_88 = arith.constant 768 : i32
    %dma_start3A_89 = arith.constant 0 : i32
    %dma_start3A_90 = tpu.memref_slice %arg8[%dma_start3A_83, %dma_start3A_88, %dma_start3A_89] : memref<2x1024x1024xf32, #tpu.memory_space<vmem>> -> memref<1x256x1024xf32, #tpu.memory_space<vmem>>
    %dma_start3A_91 = tpu.memref_squeeze %dma_start3A_90 : memref<1x256x1024xf32, #tpu.memory_space<vmem>> -> memref<256x1024xf32, #tpu.memory_space<vmem>>
    %dma_start3A_92 = arith.constant 1792 : i32
    %dma_start3A_93 = arith.constant 0 : i32
    %dma_start3A_94 = tpu.memref_slice %arg1[%dma_start3A_92, %dma_start3A_93] : memref<8192x1024xf32, #tpu.memory_space<any>> -> memref<256x1024xf32, #tpu.memory_space<any>>
    tpu.enqueue_dma source(%dma_start3A_94 : memref<256x1024xf32, #tpu.memory_space<any>>) target(%dma_start3A_91 : memref<256x1024xf32, #tpu.memory_space<vmem>>) target_semaphore(%dma_start3A_87 : memref<!tpu.dma_semaphore, #tpu.memory_space<semaphore_mem>>)
    tpu.wait_dma2 semaphore(%arg10 : memref<!tpu.dma_semaphore, #tpu.memory_space<semaphore_mem>>) src(%arg2 : memref<8x128x1024xf32, #tpu.memory_space<any>>) dst(%arg5 : memref<8x128x1024xf32, #tpu.memory_space<vmem>>)
    tpu.wait_dma2 semaphore(%arg11 : memref<!tpu.dma_semaphore, #tpu.memory_space<semaphore_mem>>) src(%arg3 : memref<1x1024xf32, #tpu.memory_space<any>>) dst(%arg6 : memref<1x1024xf32, #tpu.memory_space<vmem>>)
    tpu.wait_dma2 semaphore(%arg12 : memref<!tpu.dma_semaphore, #tpu.memory_space<semaphore_mem>>) src(%arg0 : memref<1x8192xi32, #tpu.memory_space<any>>) dst(%arg7 : memref<1x8192xi32, #tpu.memory_space<vmem>>)
    %get3A = arith.constant 0 : index
    %get3A_95 = arith.constant 0 : index
    %get3A_96 = arith.constant 0 : index
    %get3A_97 = vector.load %arg5[%get3A, %get3A_95, %get3A_96] : memref<8x128x1024xf32, #tpu.memory_space<vmem>>, vector<8x128x1024xf32>
    %reshape3A = vector.shape_cast %get3A_97 : vector<8x128x1024xf32> to vector<1024x1024xf32>
    %transpose3A = tpu.transpose %reshape3A, [1, 0] : vector<1024x1024xf32> -> vector<1024x1024xf32>
    %convert_element_type3A = arith.truncf %transpose3A : vector<1024x1024xf32> to vector<1024x1024xbf16>
    %dma_wait3A = arith.constant 0 : i32
    %dma_wait3A_98 = arith.constant 0 : i32
    %dma_wait3A_99 = arith.constant 0 : i32
    %dma_wait3A_100 = tpu.memref_slice %arg13[%dma_wait3A_98, %dma_wait3A_99] : memref<2x4x!tpu.dma_semaphore, #tpu.memory_space<semaphore_mem>> -> memref<1x1x!tpu.dma_semaphore, #tpu.memory_space<semaphore_mem>>
    %dma_wait3A_101 = tpu.memref_squeeze %dma_wait3A_100 : memref<1x1x!tpu.dma_semaphore, #tpu.memory_space<semaphore_mem>> -> memref<!tpu.dma_semaphore, #tpu.memory_space<semaphore_mem>>
    %dma_wait3A_102 = arith.constant 0 : i32
    %dma_wait3A_103 = arith.constant 0 : i32
    %dma_wait3A_104 = tpu.memref_slice %arg8[%dma_wait3A, %dma_wait3A_102, %dma_wait3A_103] : memref<2x1024x1024xf32, #tpu.memory_space<vmem>> -> memref<1x256x1024xf32, #tpu.memory_space<vmem>>
    %dma_wait3A_105 = tpu.memref_squeeze %dma_wait3A_104 : memref<1x256x1024xf32, #tpu.memory_space<vmem>> -> memref<256x1024xf32, #tpu.memory_space<vmem>>
    %dma_wait3A_106 = arith.constant 0 : i32
    %dma_wait3A_107 = arith.constant 0 : i32
    %dma_wait3A_108 = tpu.memref_slice %arg1[%dma_wait3A_106, %dma_wait3A_107] : memref<8192x1024xf32, #tpu.memory_space<any>> -> memref<256x1024xf32, #tpu.memory_space<any>>
    tpu.wait_dma2 semaphore(%dma_wait3A_101 : memref<!tpu.dma_semaphore, #tpu.memory_space<semaphore_mem>>) src(%dma_wait3A_108 : memref<256x1024xf32, #tpu.memory_space<any>>) dst(%dma_wait3A_105 : memref<256x1024xf32, #tpu.memory_space<vmem>>)
    %dma_wait3A_109 = arith.constant 0 : i32
    %dma_wait3A_110 = arith.constant 0 : i32
    %dma_wait3A_111 = arith.constant 1 : i32
    %dma_wait3A_112 = tpu.memref_slice %arg13[%dma_wait3A_110, %dma_wait3A_111] : memref<2x4x!tpu.dma_semaphore, #tpu.memory_space<semaphore_mem>> -> memref<1x1x!tpu.dma_semaphore, #tpu.memory_space<semaphore_mem>>
    %dma_wait3A_113 = tpu.memref_squeeze %dma_wait3A_112 : memref<1x1x!tpu.dma_semaphore, #tpu.memory_space<semaphore_mem>> -> memref<!tpu.dma_semaphore, #tpu.memory_space<semaphore_mem>>
    %dma_wait3A_114 = arith.constant 256 : i32
    %dma_wait3A_115 = arith.constant 0 : i32
    %dma_wait3A_116 = tpu.memref_slice %arg8[%dma_wait3A_109, %dma_wait3A_114, %dma_wait3A_115] : memref<2x1024x1024xf32, #tpu.memory_space<vmem>> -> memref<1x256x1024xf32, #tpu.memory_space<vmem>>
    %dma_wait3A_117 = tpu.memref_squeeze %dma_wait3A_116 : memref<1x256x1024xf32, #tpu.memory_space<vmem>> -> memref<256x1024xf32, #tpu.memory_space<vmem>>
    %dma_wait3A_118 = arith.constant 256 : i32
    %dma_wait3A_119 = arith.constant 0 : i32
    %dma_wait3A_120 = tpu.memref_slice %arg1[%dma_wait3A_118, %dma_wait3A_119] : memref<8192x1024xf32, #tpu.memory_space<any>> -> memref<256x1024xf32, #tpu.memory_space<any>>
    tpu.wait_dma2 semaphore(%dma_wait3A_113 : memref<!tpu.dma_semaphore, #tpu.memory_space<semaphore_mem>>) src(%dma_wait3A_120 : memref<256x1024xf32, #tpu.memory_space<any>>) dst(%dma_wait3A_117 : memref<256x1024xf32, #tpu.memory_space<vmem>>)
    %dma_wait3A_121 = arith.constant 0 : i32
    %dma_wait3A_122 = arith.constant 0 : i32
    %dma_wait3A_123 = arith.constant 2 : i32
    %dma_wait3A_124 = tpu.memref_slice %arg13[%dma_wait3A_122, %dma_wait3A_123] : memref<2x4x!tpu.dma_semaphore, #tpu.memory_space<semaphore_mem>> -> memref<1x1x!tpu.dma_semaphore, #tpu.memory_space<semaphore_mem>>
    %dma_wait3A_125 = tpu.memref_squeeze %dma_wait3A_124 : memref<1x1x!tpu.dma_semaphore, #tpu.memory_space<semaphore_mem>> -> memref<!tpu.dma_semaphore, #tpu.memory_space<semaphore_mem>>
    %dma_wait3A_126 = arith.constant 512 : i32
    %dma_wait3A_127 = arith.constant 0 : i32
    %dma_wait3A_128 = tpu.memref_slice %arg8[%dma_wait3A_121, %dma_wait3A_126, %dma_wait3A_127] : memref<2x1024x1024xf32, #tpu.memory_space<vmem>> -> memref<1x256x1024xf32, #tpu.memory_space<vmem>>
    %dma_wait3A_129 = tpu.memref_squeeze %dma_wait3A_128 : memref<1x256x1024xf32, #tpu.memory_space<vmem>> -> memref<256x1024xf32, #tpu.memory_space<vmem>>
    %dma_wait3A_130 = arith.constant 512 : i32
    %dma_wait3A_131 = arith.constant 0 : i32
    %dma_wait3A_132 = tpu.memref_slice %arg1[%dma_wait3A_130, %dma_wait3A_131] : memref<8192x1024xf32, #tpu.memory_space<any>> -> memref<256x1024xf32, #tpu.memory_space<any>>
    tpu.wait_dma2 semaphore(%dma_wait3A_125 : memref<!tpu.dma_semaphore, #tpu.memory_space<semaphore_mem>>) src(%dma_wait3A_132 : memref<256x1024xf32, #tpu.memory_space<any>>) dst(%dma_wait3A_129 : memref<256x1024xf32, #tpu.memory_space<vmem>>)
    %dma_wait3A_133 = arith.constant 0 : i32
    %dma_wait3A_134 = arith.constant 0 : i32
    %dma_wait3A_135 = arith.constant 3 : i32
    %dma_wait3A_136 = tpu.memref_slice %arg13[%dma_wait3A_134, %dma_wait3A_135] : memref<2x4x!tpu.dma_semaphore, #tpu.memory_space<semaphore_mem>> -> memref<1x1x!tpu.dma_semaphore, #tpu.memory_space<semaphore_mem>>
    %dma_wait3A_137 = tpu.memref_squeeze %dma_wait3A_136 : memref<1x1x!tpu.dma_semaphore, #tpu.memory_space<semaphore_mem>> -> memref<!tpu.dma_semaphore, #tpu.memory_space<semaphore_mem>>
    %dma_wait3A_138 = arith.constant 768 : i32
    %dma_wait3A_139 = arith.constant 0 : i32
    %dma_wait3A_140 = tpu.memref_slice %arg8[%dma_wait3A_133, %dma_wait3A_138, %dma_wait3A_139] : memref<2x1024x1024xf32, #tpu.memory_space<vmem>> -> memref<1x256x1024xf32, #tpu.memory_space<vmem>>
    %dma_wait3A_141 = tpu.memref_squeeze %dma_wait3A_140 : memref<1x256x1024xf32, #tpu.memory_space<vmem>> -> memref<256x1024xf32, #tpu.memory_space<vmem>>
    %dma_wait3A_142 = arith.constant 768 : i32
    %dma_wait3A_143 = arith.constant 0 : i32
    %dma_wait3A_144 = tpu.memref_slice %arg1[%dma_wait3A_142, %dma_wait3A_143] : memref<8192x1024xf32, #tpu.memory_space<any>> -> memref<256x1024xf32, #tpu.memory_space<any>>
    tpu.wait_dma2 semaphore(%dma_wait3A_137 : memref<!tpu.dma_semaphore, #tpu.memory_space<semaphore_mem>>) src(%dma_wait3A_144 : memref<256x1024xf32, #tpu.memory_space<any>>) dst(%dma_wait3A_141 : memref<256x1024xf32, #tpu.memory_space<vmem>>)
    %get3A_145 = arith.constant 0 : index
    %get3A_146 = arith.constant 0 : index
    %get3A_147 = arith.constant 0 : index
    %get3A_148 = vector.load %arg8[%get3A_145, %get3A_146, %get3A_147] : memref<2x1024x1024xf32, #tpu.memory_space<vmem>>, vector<1x1024x1024xf32>
    %get3A_149 = vector.shape_cast %get3A_148 : vector<1x1024x1024xf32> to vector<1024x1024xf32>
    %convert_element_type3A_150 = arith.truncf %get3A_149 : vector<1024x1024xf32> to vector<1024x1024xbf16>
    %dot_general3A = arith.constant dense<0.000000e+00> : vector<1024x1024xf32>
    %dot_general3A_151 = tpu.matmul %convert_element_type3A_150, %convert_element_type3A, %dot_general3A {dimension_numbers = #tpu.dot_dimension_numbers<[1], [0], [0], [1], [0, 0, 1, 1], [], []>, transpose_lhs_hint = false} : vector<1024x1024xbf16>, vector<1024x1024xbf16>, vector<1024x1024xf32> -> vector<1024x1024xf32>
    %get3A_152 = arith.constant 0 : index
    %get3A_153 = arith.constant 0 : index
    %get3A_154 = vector.load %arg6[%get3A_152, %get3A_153] : memref<1x1024xf32, #tpu.memory_space<vmem>>, vector<1x1024xf32>
    %add3A = vector.broadcast %get3A_154 : vector<1x1024xf32> to vector<1024x1024xf32>
    %add3A_155 = arith.addf %dot_general3A_151, %add3A : vector<1024x1024xf32>
    %get3A_156 = arith.constant 0 : index
    %get3A_157 = arith.constant 0 : index
    %get3A_158 = vector.load %arg7[%get3A_156, %get3A_157] : memref<1x8192xi32, #tpu.memory_space<vmem>>, vector<1x1024xi32>
    %get3A_159 = vector.shape_cast %get3A_158 : vector<1x1024xi32> to vector<1024xi32>
    %eq3A = arith.constant 0 : i32
    %eq3A_160 = vector.broadcast %eq3A : i32 to vector<1024xi32>
    %eq3A_161 = arith.cmpi eq, %get3A_159, %eq3A_160 : vector<1024xi32>
    %convert_element_type3A_162 = arith.extui %eq3A_161 : vector<1024xi1> to vector<1024xi32>
    %convert_element_type3A_163 = arith.sitofp %convert_element_type3A_162 : vector<1024xi32> to vector<1024xf32>
    %broadcast_in_dim3A = vector.shape_cast %convert_element_type3A_163 : vector<1024xf32> to vector<1024x1xf32>
    %slice3A = vector.extract_strided_slice %add3A_155 {offsets = [0, 0], sizes = [1024, 128], strides = [1, 1]} : vector<1024x1024xf32> to vector<1024x128xf32>
    %mul3A = vector.broadcast %broadcast_in_dim3A : vector<1024x1xf32> to vector<1024x128xf32>
    %mul3A_164 = arith.mulf %slice3A, %mul3A : vector<1024x128xf32>
    %eq3A_165 = arith.constant 1 : i32
    %eq3A_166 = vector.broadcast %eq3A_165 : i32 to vector<1024xi32>
    %eq3A_167 = arith.cmpi eq, %get3A_159, %eq3A_166 : vector<1024xi32>
    %convert_element_type3A_168 = arith.extui %eq3A_167 : vector<1024xi1> to vector<1024xi32>
    %convert_element_type3A_169 = arith.sitofp %convert_element_type3A_168 : vector<1024xi32> to vector<1024xf32>
    %broadcast_in_dim3A_170 = vector.shape_cast %convert_element_type3A_169 : vector<1024xf32> to vector<1024x1xf32>
    %slice3A_171 = vector.extract_strided_slice %add3A_155 {offsets = [0, 128], sizes = [1024, 128], strides = [1, 1]} : vector<1024x1024xf32> to vector<1024x128xf32>
    %mul3A_172 = vector.broadcast %broadcast_in_dim3A_170 : vector<1024x1xf32> to vector<1024x128xf32>
    %mul3A_173 = arith.mulf %slice3A_171, %mul3A_172 : vector<1024x128xf32>
    %add3A_174 = arith.addf %mul3A_164, %mul3A_173 : vector<1024x128xf32>
    %eq3A_175 = arith.constant 2 : i32
    %eq3A_176 = vector.broadcast %eq3A_175 : i32 to vector<1024xi32>
    %eq3A_177 = arith.cmpi eq, %get3A_159, %eq3A_176 : vector<1024xi32>
    %convert_element_type3A_178 = arith.extui %eq3A_177 : vector<1024xi1> to vector<1024xi32>
    %convert_element_type3A_179 = arith.sitofp %convert_element_type3A_178 : vector<1024xi32> to vector<1024xf32>
    %broadcast_in_dim3A_180 = vector.shape_cast %convert_element_type3A_179 : vector<1024xf32> to vector<1024x1xf32>
    %slice3A_181 = vector.extract_strided_slice %add3A_155 {offsets = [0, 256], sizes = [1024, 128], strides = [1, 1]} : vector<1024x1024xf32> to vector<1024x128xf32>
    %mul3A_182 = vector.broadcast %broadcast_in_dim3A_180 : vector<1024x1xf32> to vector<1024x128xf32>
    %mul3A_183 = arith.mulf %slice3A_181, %mul3A_182 : vector<1024x128xf32>
    %add3A_184 = arith.addf %add3A_174, %mul3A_183 : vector<1024x128xf32>
    %eq3A_185 = arith.constant 3 : i32
    %eq3A_186 = vector.broadcast %eq3A_185 : i32 to vector<1024xi32>
    %eq3A_187 = arith.cmpi eq, %get3A_159, %eq3A_186 : vector<1024xi32>
    %convert_element_type3A_188 = arith.extui %eq3A_187 : vector<1024xi1> to vector<1024xi32>
    %convert_element_type3A_189 = arith.sitofp %convert_element_type3A_188 : vector<1024xi32> to vector<1024xf32>
    %broadcast_in_dim3A_190 = vector.shape_cast %convert_element_type3A_189 : vector<1024xf32> to vector<1024x1xf32>
    %slice3A_191 = vector.extract_strided_slice %add3A_155 {offsets = [0, 384], sizes = [1024, 128], strides = [1, 1]} : vector<1024x1024xf32> to vector<1024x128xf32>
    %mul3A_192 = vector.broadcast %broadcast_in_dim3A_190 : vector<1024x1xf32> to vector<1024x128xf32>
    %mul3A_193 = arith.mulf %slice3A_191, %mul3A_192 : vector<1024x128xf32>
    %add3A_194 = arith.addf %add3A_184, %mul3A_193 : vector<1024x128xf32>
    %eq3A_195 = arith.constant 4 : i32
    %eq3A_196 = vector.broadcast %eq3A_195 : i32 to vector<1024xi32>
    %eq3A_197 = arith.cmpi eq, %get3A_159, %eq3A_196 : vector<1024xi32>
    %convert_element_type3A_198 = arith.extui %eq3A_197 : vector<1024xi1> to vector<1024xi32>
    %convert_element_type3A_199 = arith.sitofp %convert_element_type3A_198 : vector<1024xi32> to vector<1024xf32>
    %broadcast_in_dim3A_200 = vector.shape_cast %convert_element_type3A_199 : vector<1024xf32> to vector<1024x1xf32>
    %slice3A_201 = vector.extract_strided_slice %add3A_155 {offsets = [0, 512], sizes = [1024, 128], strides = [1, 1]} : vector<1024x1024xf32> to vector<1024x128xf32>
    %mul3A_202 = vector.broadcast %broadcast_in_dim3A_200 : vector<1024x1xf32> to vector<1024x128xf32>
    %mul3A_203 = arith.mulf %slice3A_201, %mul3A_202 : vector<1024x128xf32>
    %add3A_204 = arith.addf %add3A_194, %mul3A_203 : vector<1024x128xf32>
    %eq3A_205 = arith.constant 5 : i32
    %eq3A_206 = vector.broadcast %eq3A_205 : i32 to vector<1024xi32>
    %eq3A_207 = arith.cmpi eq, %get3A_159, %eq3A_206 : vector<1024xi32>
    %convert_element_type3A_208 = arith.extui %eq3A_207 : vector<1024xi1> to vector<1024xi32>
    %convert_element_type3A_209 = arith.sitofp %convert_element_type3A_208 : vector<1024xi32> to vector<1024xf32>
    %broadcast_in_dim3A_210 = vector.shape_cast %convert_element_type3A_209 : vector<1024xf32> to vector<1024x1xf32>
    %slice3A_211 = vector.extract_strided_slice %add3A_155 {offsets = [0, 640], sizes = [1024, 128], strides = [1, 1]} : vector<1024x1024xf32> to vector<1024x128xf32>
    %mul3A_212 = vector.broadcast %broadcast_in_dim3A_210 : vector<1024x1xf32> to vector<1024x128xf32>
    %mul3A_213 = arith.mulf %slice3A_211, %mul3A_212 : vector<1024x128xf32>
    %add3A_214 = arith.addf %add3A_204, %mul3A_213 : vector<1024x128xf32>
    %eq3A_215 = arith.constant 6 : i32
    %eq3A_216 = vector.broadcast %eq3A_215 : i32 to vector<1024xi32>
    %eq3A_217 = arith.cmpi eq, %get3A_159, %eq3A_216 : vector<1024xi32>
    %convert_element_type3A_218 = arith.extui %eq3A_217 : vector<1024xi1> to vector<1024xi32>
    %convert_element_type3A_219 = arith.sitofp %convert_element_type3A_218 : vector<1024xi32> to vector<1024xf32>
    %broadcast_in_dim3A_220 = vector.shape_cast %convert_element_type3A_219 : vector<1024xf32> to vector<1024x1xf32>
    %slice3A_221 = vector.extract_strided_slice %add3A_155 {offsets = [0, 768], sizes = [1024, 128], strides = [1, 1]} : vector<1024x1024xf32> to vector<1024x128xf32>
    %mul3A_222 = vector.broadcast %broadcast_in_dim3A_220 : vector<1024x1xf32> to vector<1024x128xf32>
    %mul3A_223 = arith.mulf %slice3A_221, %mul3A_222 : vector<1024x128xf32>
    %add3A_224 = arith.addf %add3A_214, %mul3A_223 : vector<1024x128xf32>
    %eq3A_225 = arith.constant 7 : i32
    %eq3A_226 = vector.broadcast %eq3A_225 : i32 to vector<1024xi32>
    %eq3A_227 = arith.cmpi eq, %get3A_159, %eq3A_226 : vector<1024xi32>
    %convert_element_type3A_228 = arith.extui %eq3A_227 : vector<1024xi1> to vector<1024xi32>
    %convert_element_type3A_229 = arith.sitofp %convert_element_type3A_228 : vector<1024xi32> to vector<1024xf32>
    %broadcast_in_dim3A_230 = vector.shape_cast %convert_element_type3A_229 : vector<1024xf32> to vector<1024x1xf32>
    %slice3A_231 = vector.extract_strided_slice %add3A_155 {offsets = [0, 896], sizes = [1024, 128], strides = [1, 1]} : vector<1024x1024xf32> to vector<1024x128xf32>
    %mul3A_232 = vector.broadcast %broadcast_in_dim3A_230 : vector<1024x1xf32> to vector<1024x128xf32>
    %mul3A_233 = arith.mulf %slice3A_231, %mul3A_232 : vector<1024x128xf32>
    %add3A_234 = arith.addf %add3A_224, %mul3A_233 : vector<1024x128xf32>
    %swap3A = arith.constant 0 : index
    %swap3A_235 = arith.constant 0 : index
    %swap3A_236 = arith.constant 0 : index
    %swap3A_237 = vector.load %arg9[%swap3A, %swap3A_235, %swap3A_236] : memref<2x1024x128xf32, #tpu.memory_space<vmem>>, vector<1x1024x128xf32>
    %swap3A_238 = vector.shape_cast %swap3A_237 : vector<1x1024x128xf32> to vector<1024x128xf32>
    %swap3A_239 = vector.shape_cast %add3A_234 : vector<1024x128xf32> to vector<1x1024x128xf32>
    tpu.vector_store %arg9[%swap3A, %swap3A_235, %swap3A_236], %swap3A_239 {strides = array<i32>} : memref<2x1024x128xf32, #tpu.memory_space<vmem>>, vector<1x1024x128xf32>,
    %dma_start3A_240 = arith.constant 0 : i32
    %dma_start3A_241 = arith.constant 0 : i32
    %dma_start3A_242 = tpu.memref_slice %arg14[%dma_start3A_241] : memref<2x!tpu.dma_semaphore, #tpu.memory_space<semaphore_mem>> -> memref<1x!tpu.dma_semaphore, #tpu.memory_space<semaphore_mem>>
    %dma_start3A_243 = tpu.memref_squeeze %dma_start3A_242 : memref<1x!tpu.dma_semaphore, #tpu.memory_space<semaphore_mem>> -> memref<!tpu.dma_semaphore, #tpu.memory_space<semaphore_mem>>
    %dma_start3A_244 = arith.constant 0 : i32
    %dma_start3A_245 = arith.constant 0 : i32
    %dma_start3A_246 = tpu.memref_slice %arg4[%dma_start3A_244, %dma_start3A_245] : memref<8192x128xf32, #tpu.memory_space<any>> -> memref<1024x128xf32, #tpu.memory_space<any>>
    %dma_start3A_247 = arith.constant 0 : i32
    %dma_start3A_248 = arith.constant 0 : i32
    %dma_start3A_249 = tpu.memref_slice %arg9[%dma_start3A_240, %dma_start3A_247, %dma_start3A_248] : memref<2x1024x128xf32, #tpu.memory_space<vmem>> -> memref<1x1024x128xf32, #tpu.memory_space<vmem>>
    %dma_start3A_250 = tpu.memref_squeeze %dma_start3A_249 : memref<1x1024x128xf32, #tpu.memory_space<vmem>> -> memref<1024x128xf32, #tpu.memory_space<vmem>>
    tpu.enqueue_dma source(%dma_start3A_250 : memref<1024x128xf32, #tpu.memory_space<vmem>>) target(%dma_start3A_246 : memref<1024x128xf32, #tpu.memory_space<any>>) target_semaphore(%dma_start3A_243 : memref<!tpu.dma_semaphore, #tpu.memory_space<semaphore_mem>>)
    %dma_start3A_251 = arith.constant 0 : i32
    %dma_start3A_252 = arith.constant 0 : i32
    %dma_start3A_253 = arith.constant 0 : i32
    %dma_start3A_254 = tpu.memref_slice %arg13[%dma_start3A_252, %dma_start3A_253] : memref<2x4x!tpu.dma_semaphore, #tpu.memory_space<semaphore_mem>> -> memref<1x1x!tpu.dma_semaphore, #tpu.memory_space<semaphore_mem>>
    %dma_start3A_255 = tpu.memref_squeeze %dma_start3A_254 : memref<1x1x!tpu.dma_semaphore, #tpu.memory_space<semaphore_mem>> -> memref<!tpu.dma_semaphore, #tpu.memory_space<semaphore_mem>>
    %dma_start3A_256 = arith.constant 0 : i32
    %dma_start3A_257 = arith.constant 0 : i32
    %dma_start3A_258 = tpu.memref_slice %arg8[%dma_start3A_251, %dma_start3A_256, %dma_start3A_257] : memref<2x1024x1024xf32, #tpu.memory_space<vmem>> -> memref<1x256x1024xf32, #tpu.memory_space<vmem>>
    %dma_start3A_259 = tpu.memref_squeeze %dma_start3A_258 : memref<1x256x1024xf32, #tpu.memory_space<vmem>> -> memref<256x1024xf32, #tpu.memory_space<vmem>>
    %dma_start3A_260 = arith.constant 2048 : i32
    %dma_start3A_261 = arith.constant 0 : i32
    %dma_start3A_262 = tpu.memref_slice %arg1[%dma_start3A_260, %dma_start3A_261] : memref<8192x1024xf32, #tpu.memory_space<any>> -> memref<256x1024xf32, #tpu.memory_space<any>>
    tpu.enqueue_dma source(%dma_start3A_262 : memref<256x1024xf32, #tpu.memory_space<any>>) target(%dma_start3A_259 : memref<256x1024xf32, #tpu.memory_space<vmem>>) target_semaphore(%dma_start3A_255 : memref<!tpu.dma_semaphore, #tpu.memory_space<semaphore_mem>>)
    %dma_start3A_263 = arith.constant 0 : i32
    %dma_start3A_264 = arith.constant 0 : i32
    %dma_start3A_265 = arith.constant 1 : i32
    %dma_start3A_266 = tpu.memref_slice %arg13[%dma_start3A_264, %dma_start3A_265] : memref<2x4x!tpu.dma_semaphore, #tpu.memory_space<semaphore_mem>> -> memref<1x1x!tpu.dma_semaphore, #tpu.memory_space<semaphore_mem>>
    %dma_start3A_267 = tpu.memref_squeeze %dma_start3A_266 : memref<1x1x!tpu.dma_semaphore, #tpu.memory_space<semaphore_mem>> -> memref<!tpu.dma_semaphore, #tpu.memory_space<semaphore_mem>>
    %dma_start3A_268 = arith.constant 256 : i32
    %dma_start3A_269 = arith.constant 0 : i32
    %dma_start3A_270 = tpu.memref_slice %arg8[%dma_start3A_263, %dma_start3A_268, %dma_start3A_269] : memref<2x1024x1024xf32, #tpu.memory_space<vmem>> -> memref<1x256x1024xf32, #tpu.memory_space<vmem>>
    %dma_start3A_271 = tpu.memref_squeeze %dma_start3A_270 : memref<1x256x1024xf32, #tpu.memory_space<vmem>> -> memref<256x1024xf32, #tpu.memory_space<vmem>>
    %dma_start3A_272 = arith.constant 2304 : i32
    %dma_start3A_273 = arith.constant 0 : i32
    %dma_start3A_274 = tpu.memref_slice %arg1[%dma_start3A_272, %dma_start3A_273] : memref<8192x1024xf32, #tpu.memory_space<any>> -> memref<256x1024xf32, #tpu.memory_space<any>>
    tpu.enqueue_dma source(%dma_start3A_274 : memref<256x1024xf32, #tpu.memory_space<any>>) target(%dma_start3A_271 : memref<256x1024xf32, #tpu.memory_space<vmem>>) target_semaphore(%dma_start3A_267 : memref<!tpu.dma_semaphore, #tpu.memory_space<semaphore_mem>>)
    %dma_start3A_275 = arith.constant 0 : i32
    %dma_start3A_276 = arith.constant 0 : i32
    %dma_start3A_277 = arith.constant 2 : i32
    %dma_start3A_278 = tpu.memref_slice %arg13[%dma_start3A_276, %dma_start3A_277] : memref<2x4x!tpu.dma_semaphore, #tpu.memory_space<semaphore_mem>> -> memref<1x1x!tpu.dma_semaphore, #tpu.memory_space<semaphore_mem>>
    %dma_start3A_279 = tpu.memref_squeeze %dma_start3A_278 : memref<1x1x!tpu.dma_semaphore, #tpu.memory_space<semaphore_mem>> -> memref<!tpu.dma_semaphore, #tpu.memory_space<semaphore_mem>>
    %dma_start3A_280 = arith.constant 512 : i32
    %dma_start3A_281 = arith.constant 0 : i32
    %dma_start3A_282 = tpu.memref_slice %arg8[%dma_start3A_275, %dma_start3A_280, %dma_start3A_281] : memref<2x1024x1024xf32, #tpu.memory_space<vmem>> -> memref<1x256x1024xf32, #tpu.memory_space<vmem>>
    %dma_start3A_283 = tpu.memref_squeeze %dma_start3A_282 : memref<1x256x1024xf32, #tpu.memory_space<vmem>> -> memref<256x1024xf32, #tpu.memory_space<vmem>>
    %dma_start3A_284 = arith.constant 2560 : i32
    %dma_start3A_285 = arith.constant 0 : i32
    %dma_start3A_286 = tpu.memref_slice %arg1[%dma_start3A_284, %dma_start3A_285] : memref<8192x1024xf32, #tpu.memory_space<any>> -> memref<256x1024xf32, #tpu.memory_space<any>>
    tpu.enqueue_dma source(%dma_start3A_286 : memref<256x1024xf32, #tpu.memory_space<any>>) target(%dma_start3A_283 : memref<256x1024xf32, #tpu.memory_space<vmem>>) target_semaphore(%dma_start3A_279 : memref<!tpu.dma_semaphore, #tpu.memory_space<semaphore_mem>>)
    %dma_start3A_287 = arith.constant 0 : i32
    %dma_start3A_288 = arith.constant 0 : i32
    %dma_start3A_289 = arith.constant 3 : i32
    %dma_start3A_290 = tpu.memref_slice %arg13[%dma_start3A_288, %dma_start3A_289] : memref<2x4x!tpu.dma_semaphore, #tpu.memory_space<semaphore_mem>> -> memref<1x1x!tpu.dma_semaphore, #tpu.memory_space<semaphore_mem>>
    %dma_start3A_291 = tpu.memref_squeeze %dma_start3A_290 : memref<1x1x!tpu.dma_semaphore, #tpu.memory_space<semaphore_mem>> -> memref<!tpu.dma_semaphore, #tpu.memory_space<semaphore_mem>>
    %dma_start3A_292 = arith.constant 768 : i32
    %dma_start3A_293 = arith.constant 0 : i32
    %dma_start3A_294 = tpu.memref_slice %arg8[%dma_start3A_287, %dma_start3A_292, %dma_start3A_293] : memref<2x1024x1024xf32, #tpu.memory_space<vmem>> -> memref<1x256x1024xf32, #tpu.memory_space<vmem>>
    %dma_start3A_295 = tpu.memref_squeeze %dma_start3A_294 : memref<1x256x1024xf32, #tpu.memory_space<vmem>> -> memref<256x1024xf32, #tpu.memory_space<vmem>>
    %dma_start3A_296 = arith.constant 2816 : i32
    %dma_start3A_297 = arith.constant 0 : i32
    %dma_start3A_298 = tpu.memref_slice %arg1[%dma_start3A_296, %dma_start3A_297] : memref<8192x1024xf32, #tpu.memory_space<any>> -> memref<256x1024xf32, #tpu.memory_space<any>>
    tpu.enqueue_dma source(%dma_start3A_298 : memref<256x1024xf32, #tpu.memory_space<any>>) target(%dma_start3A_295 : memref<256x1024xf32, #tpu.memory_space<vmem>>) target_semaphore(%dma_start3A_291 : memref<!tpu.dma_semaphore, #tpu.memory_space<semaphore_mem>>)
    %dma_wait3A_299 = arith.constant 1 : i32
    %dma_wait3A_300 = arith.constant 1 : i32
    %dma_wait3A_301 = arith.constant 0 : i32
    %dma_wait3A_302 = tpu.memref_slice %arg13[%dma_wait3A_300, %dma_wait3A_301] : memref<2x4x!tpu.dma_semaphore, #tpu.memory_space<semaphore_mem>> -> memref<1x1x!tpu.dma_semaphore, #tpu.memory_space<semaphore_mem>>
    %dma_wait3A_303 = tpu.memref_squeeze %dma_wait3A_302 : memref<1x1x!tpu.dma_semaphore, #tpu.memory_space<semaphore_mem>> -> memref<!tpu.dma_semaphore, #tpu.memory_space<semaphore_mem>>
    %dma_wait3A_304 = arith.constant 0 : i32
    %dma_wait3A_305 = arith.constant 0 : i32
    %dma_wait3A_306 = tpu.memref_slice %arg8[%dma_wait3A_299, %dma_wait3A_304, %dma_wait3A_305] : memref<2x1024x1024xf32, #tpu.memory_space<vmem>> -> memref<1x256x1024xf32, #tpu.memory_space<vmem>>
    %dma_wait3A_307 = tpu.memref_squeeze %dma_wait3A_306 : memref<1x256x1024xf32, #tpu.memory_space<vmem>> -> memref<256x1024xf32, #tpu.memory_space<vmem>>
    %dma_wait3A_308 = arith.constant 1024 : i32
    %dma_wait3A_309 = arith.constant 0 : i32
    %dma_wait3A_310 = tpu.memref_slice %arg1[%dma_wait3A_308, %dma_wait3A_309] : memref<8192x1024xf32, #tpu.memory_space<any>> -> memref<256x1024xf32, #tpu.memory_space<any>>
    tpu.wait_dma2 semaphore(%dma_wait3A_303 : memref<!tpu.dma_semaphore, #tpu.memory_space<semaphore_mem>>) src(%dma_wait3A_310 : memref<256x1024xf32, #tpu.memory_space<any>>) dst(%dma_wait3A_307 : memref<256x1024xf32, #tpu.memory_space<vmem>>)
    %dma_wait3A_311 = arith.constant 1 : i32
    %dma_wait3A_312 = arith.constant 1 : i32
    %dma_wait3A_313 = arith.constant 1 : i32
    %dma_wait3A_314 = tpu.memref_slice %arg13[%dma_wait3A_312, %dma_wait3A_313] : memref<2x4x!tpu.dma_semaphore, #tpu.memory_space<semaphore_mem>> -> memref<1x1x!tpu.dma_semaphore, #tpu.memory_space<semaphore_mem>>
    %dma_wait3A_315 = tpu.memref_squeeze %dma_wait3A_314 : memref<1x1x!tpu.dma_semaphore, #tpu.memory_space<semaphore_mem>> -> memref<!tpu.dma_semaphore, #tpu.memory_space<semaphore_mem>>
    %dma_wait3A_316 = arith.constant 256 : i32
    %dma_wait3A_317 = arith.constant 0 : i32
    %dma_wait3A_318 = tpu.memref_slice %arg8[%dma_wait3A_311, %dma_wait3A_316, %dma_wait3A_317] : memref<2x1024x1024xf32, #tpu.memory_space<vmem>> -> memref<1x256x1024xf32, #tpu.memory_space<vmem>>
    %dma_wait3A_319 = tpu.memref_squeeze %dma_wait3A_318 : memref<1x256x1024xf32, #tpu.memory_space<vmem>> -> memref<256x1024xf32, #tpu.memory_space<vmem>>
    %dma_wait3A_320 = arith.constant 1280 : i32
    %dma_wait3A_321 = arith.constant 0 : i32
    %dma_wait3A_322 = tpu.memref_slice %arg1[%dma_wait3A_320, %dma_wait3A_321] : memref<8192x1024xf32, #tpu.memory_space<any>> -> memref<256x1024xf32, #tpu.memory_space<any>>
    tpu.wait_dma2 semaphore(%dma_wait3A_315 : memref<!tpu.dma_semaphore, #tpu.memory_space<semaphore_mem>>) src(%dma_wait3A_322 : memref<256x1024xf32, #tpu.memory_space<any>>) dst(%dma_wait3A_319 : memref<256x1024xf32, #tpu.memory_space<vmem>>)
    %dma_wait3A_323 = arith.constant 1 : i32
    %dma_wait3A_324 = arith.constant 1 : i32
    %dma_wait3A_325 = arith.constant 2 : i32
    %dma_wait3A_326 = tpu.memref_slice %arg13[%dma_wait3A_324, %dma_wait3A_325] : memref<2x4x!tpu.dma_semaphore, #tpu.memory_space<semaphore_mem>> -> memref<1x1x!tpu.dma_semaphore, #tpu.memory_space<semaphore_mem>>
    %dma_wait3A_327 = tpu.memref_squeeze %dma_wait3A_326 : memref<1x1x!tpu.dma_semaphore, #tpu.memory_space<semaphore_mem>> -> memref<!tpu.dma_semaphore, #tpu.memory_space<semaphore_mem>>
    %dma_wait3A_328 = arith.constant 512 : i32
    %dma_wait3A_329 = arith.constant 0 : i32
    %dma_wait3A_330 = tpu.memref_slice %arg8[%dma_wait3A_323, %dma_wait3A_328, %dma_wait3A_329] : memref<2x1024x1024xf32, #tpu.memory_space<vmem>> -> memref<1x256x1024xf32, #tpu.memory_space<vmem>>
    %dma_wait3A_331 = tpu.memref_squeeze %dma_wait3A_330 : memref<1x256x1024xf32, #tpu.memory_space<vmem>> -> memref<256x1024xf32, #tpu.memory_space<vmem>>
    %dma_wait3A_332 = arith.constant 1536 : i32
    %dma_wait3A_333 = arith.constant 0 : i32
    %dma_wait3A_334 = tpu.memref_slice %arg1[%dma_wait3A_332, %dma_wait3A_333] : memref<8192x1024xf32, #tpu.memory_space<any>> -> memref<256x1024xf32, #tpu.memory_space<any>>
    tpu.wait_dma2 semaphore(%dma_wait3A_327 : memref<!tpu.dma_semaphore, #tpu.memory_space<semaphore_mem>>) src(%dma_wait3A_334 : memref<256x1024xf32, #tpu.memory_space<any>>) dst(%dma_wait3A_331 : memref<256x1024xf32, #tpu.memory_space<vmem>>)
    %dma_wait3A_335 = arith.constant 1 : i32
    %dma_wait3A_336 = arith.constant 1 : i32
    %dma_wait3A_337 = arith.constant 3 : i32
    %dma_wait3A_338 = tpu.memref_slice %arg13[%dma_wait3A_336, %dma_wait3A_337] : memref<2x4x!tpu.dma_semaphore, #tpu.memory_space<semaphore_mem>> -> memref<1x1x!tpu.dma_semaphore, #tpu.memory_space<semaphore_mem>>
    %dma_wait3A_339 = tpu.memref_squeeze %dma_wait3A_338 : memref<1x1x!tpu.dma_semaphore, #tpu.memory_space<semaphore_mem>> -> memref<!tpu.dma_semaphore, #tpu.memory_space<semaphore_mem>>
    %dma_wait3A_340 = arith.constant 768 : i32
    %dma_wait3A_341 = arith.constant 0 : i32
    %dma_wait3A_342 = tpu.memref_slice %arg8[%dma_wait3A_335, %dma_wait3A_340, %dma_wait3A_341] : memref<2x1024x1024xf32, #tpu.memory_space<vmem>> -> memref<1x256x1024xf32, #tpu.memory_space<vmem>>
    %dma_wait3A_343 = tpu.memref_squeeze %dma_wait3A_342 : memref<1x256x1024xf32, #tpu.memory_space<vmem>> -> memref<256x1024xf32, #tpu.memory_space<vmem>>
    %dma_wait3A_344 = arith.constant 1792 : i32
    %dma_wait3A_345 = arith.constant 0 : i32
    %dma_wait3A_346 = tpu.memref_slice %arg1[%dma_wait3A_344, %dma_wait3A_345] : memref<8192x1024xf32, #tpu.memory_space<any>> -> memref<256x1024xf32, #tpu.memory_space<any>>
    tpu.wait_dma2 semaphore(%dma_wait3A_339 : memref<!tpu.dma_semaphore, #tpu.memory_space<semaphore_mem>>) src(%dma_wait3A_346 : memref<256x1024xf32, #tpu.memory_space<any>>) dst(%dma_wait3A_343 : memref<256x1024xf32, #tpu.memory_space<vmem>>)
    %get3A_347 = arith.constant 1 : index
    %get3A_348 = arith.constant 0 : index
    %get3A_349 = arith.constant 0 : index
    %get3A_350 = vector.load %arg8[%get3A_347, %get3A_348, %get3A_349] : memref<2x1024x1024xf32, #tpu.memory_space<vmem>>, vector<1x1024x1024xf32>
    %get3A_351 = vector.shape_cast %get3A_350 : vector<1x1024x1024xf32> to vector<1024x1024xf32>
    %convert_element_type3A_352 = arith.truncf %get3A_351 : vector<1024x1024xf32> to vector<1024x1024xbf16>
    %dot_general3A_353 = arith.constant dense<0.000000e+00> : vector<1024x1024xf32>
    %dot_general3A_354 = tpu.matmul %convert_element_type3A_352, %convert_element_type3A, %dot_general3A_353 {dimension_numbers = #tpu.dot_dimension_numbers<[1], [0], [0], [1], [0, 0, 1, 1], [], []>, transpose_lhs_hint = false} : vector<1024x1024xbf16>, vector<1024x1024xbf16>, vector<1024x1024xf32> -> vector<1024x1024xf32>
    %get3A_355 = arith.constant 0 : index
    %get3A_356 = arith.constant 0 : index
    %get3A_357 = vector.load %arg6[%get3A_355, %get3A_356] : memref<1x1024xf32, #tpu.memory_space<vmem>>, vector<1x1024xf32>
    %add3A_358 = vector.broadcast %get3A_357 : vector<1x1024xf32> to vector<1024x1024xf32>
    %add3A_359 = arith.addf %dot_general3A_354, %add3A_358 : vector<1024x1024xf32>
    %get3A_360 = arith.constant 0 : index
    %get3A_361 = arith.constant 1024 : index
    %get3A_362 = vector.load %arg7[%get3A_360, %get3A_361] : memref<1x8192xi32, #tpu.memory_space<vmem>>, vector<1x1024xi32>
    %get3A_363 = vector.shape_cast %get3A_362 : vector<1x1024xi32> to vector<1024xi32>
    %eq3A_364 = arith.constant 0 : i32
    %eq3A_365 = vector.broadcast %eq3A_364 : i32 to vector<1024xi32>
    %eq3A_366 = arith.cmpi eq, %get3A_363, %eq3A_365 : vector<1024xi32>
    %convert_element_type3A_367 = arith.extui %eq3A_366 : vector<1024xi1> to vector<1024xi32>
    %convert_element_type3A_368 = arith.sitofp %convert_element_type3A_367 : vector<1024xi32> to vector<1024xf32>
    %broadcast_in_dim3A_369 = vector.shape_cast %convert_element_type3A_368 : vector<1024xf32> to vector<1024x1xf32>
    %slice3A_370 = vector.extract_strided_slice %add3A_359 {offsets = [0, 0], sizes = [1024, 128], strides = [1, 1]} : vector<1024x1024xf32> to vector<1024x128xf32>
    %mul3A_371 = vector.broadcast %broadcast_in_dim3A_369 : vector<1024x1xf32> to vector<1024x128xf32>
    %mul3A_372 = arith.mulf %slice3A_370, %mul3A_371 : vector<1024x128xf32>
    %eq3A_373 = arith.constant 1 : i32
    %eq3A_374 = vector.broadcast %eq3A_373 : i32 to vector<1024xi32>
    %eq3A_375 = arith.cmpi eq, %get3A_363, %eq3A_374 : vector<1024xi32>
    %convert_element_type3A_376 = arith.extui %eq3A_375 : vector<1024xi1> to vector<1024xi32>
    %convert_element_type3A_377 = arith.sitofp %convert_element_type3A_376 : vector<1024xi32> to vector<1024xf32>
    %broadcast_in_dim3A_378 = vector.shape_cast %convert_element_type3A_377 : vector<1024xf32> to vector<1024x1xf32>
    %slice3A_379 = vector.extract_strided_slice %add3A_359 {offsets = [0, 128], sizes = [1024, 128], strides = [1, 1]} : vector<1024x1024xf32> to vector<1024x128xf32>
    %mul3A_380 = vector.broadcast %broadcast_in_dim3A_378 : vector<1024x1xf32> to vector<1024x128xf32>
    %mul3A_381 = arith.mulf %slice3A_379, %mul3A_380 : vector<1024x128xf32>
    %add3A_382 = arith.addf %mul3A_372, %mul3A_381 : vector<1024x128xf32>
    %eq3A_383 = arith.constant 2 : i32
    %eq3A_384 = vector.broadcast %eq3A_383 : i32 to vector<1024xi32>
    %eq3A_385 = arith.cmpi eq, %get3A_363, %eq3A_384 : vector<1024xi32>
    %convert_element_type3A_386 = arith.extui %eq3A_385 : vector<1024xi1> to vector<1024xi32>
    %convert_element_type3A_387 = arith.sitofp %convert_element_type3A_386 : vector<1024xi32> to vector<1024xf32>
    %broadcast_in_dim3A_388 = vector.shape_cast %convert_element_type3A_387 : vector<1024xf32> to vector<1024x1xf32>
    %slice3A_389 = vector.extract_strided_slice %add3A_359 {offsets = [0, 256], sizes = [1024, 128], strides = [1, 1]} : vector<1024x1024xf32> to vector<1024x128xf32>
    %mul3A_390 = vector.broadcast %broadcast_in_dim3A_388 : vector<1024x1xf32> to vector<1024x128xf32>
    %mul3A_391 = arith.mulf %slice3A_389, %mul3A_390 : vector<1024x128xf32>
    %add3A_392 = arith.addf %add3A_382, %mul3A_391 : vector<1024x128xf32>
    %eq3A_393 = arith.constant 3 : i32
    %eq3A_394 = vector.broadcast %eq3A_393 : i32 to vector<1024xi32>
    %eq3A_395 = arith.cmpi eq, %get3A_363, %eq3A_394 : vector<1024xi32>
    %convert_element_type3A_396 = arith.extui %eq3A_395 : vector<1024xi1> to vector<1024xi32>
    %convert_element_type3A_397 = arith.sitofp %convert_element_type3A_396 : vector<1024xi32> to vector<1024xf32>
    %broadcast_in_dim3A_398 = vector.shape_cast %convert_element_type3A_397 : vector<1024xf32> to vector<1024x1xf32>
    %slice3A_399 = vector.extract_strided_slice %add3A_359 {offsets = [0, 384], sizes = [1024, 128], strides = [1, 1]} : vector<1024x1024xf32> to vector<1024x128xf32>
    %mul3A_400 = vector.broadcast %broadcast_in_dim3A_398 : vector<1024x1xf32> to vector<1024x128xf32>
    %mul3A_401 = arith.mulf %slice3A_399, %mul3A_400 : vector<1024x128xf32>
    %add3A_402 = arith.addf %add3A_392, %mul3A_401 : vector<1024x128xf32>
    %eq3A_403 = arith.constant 4 : i32
    %eq3A_404 = vector.broadcast %eq3A_403 : i32 to vector<1024xi32>
    %eq3A_405 = arith.cmpi eq, %get3A_363, %eq3A_404 : vector<1024xi32>
    %convert_element_type3A_406 = arith.extui %eq3A_405 : vector<1024xi1> to vector<1024xi32>
    %convert_element_type3A_407 = arith.sitofp %convert_element_type3A_406 : vector<1024xi32> to vector<1024xf32>
    %broadcast_in_dim3A_408 = vector.shape_cast %convert_element_type3A_407 : vector<1024xf32> to vector<1024x1xf32>
    %slice3A_409 = vector.extract_strided_slice %add3A_359 {offsets = [0, 512], sizes = [1024, 128], strides = [1, 1]} : vector<1024x1024xf32> to vector<1024x128xf32>
    %mul3A_410 = vector.broadcast %broadcast_in_dim3A_408 : vector<1024x1xf32> to vector<1024x128xf32>
    %mul3A_411 = arith.mulf %slice3A_409, %mul3A_410 : vector<1024x128xf32>
    %add3A_412 = arith.addf %add3A_402, %mul3A_411 : vector<1024x128xf32>
    %eq3A_413 = arith.constant 5 : i32
    %eq3A_414 = vector.broadcast %eq3A_413 : i32 to vector<1024xi32>
    %eq3A_415 = arith.cmpi eq, %get3A_363, %eq3A_414 : vector<1024xi32>
    %convert_element_type3A_416 = arith.extui %eq3A_415 : vector<1024xi1> to vector<1024xi32>
    %convert_element_type3A_417 = arith.sitofp %convert_element_type3A_416 : vector<1024xi32> to vector<1024xf32>
    %broadcast_in_dim3A_418 = vector.shape_cast %convert_element_type3A_417 : vector<1024xf32> to vector<1024x1xf32>
    %slice3A_419 = vector.extract_strided_slice %add3A_359 {offsets = [0, 640], sizes = [1024, 128], strides = [1, 1]} : vector<1024x1024xf32> to vector<1024x128xf32>
    %mul3A_420 = vector.broadcast %broadcast_in_dim3A_418 : vector<1024x1xf32> to vector<1024x128xf32>
    %mul3A_421 = arith.mulf %slice3A_419, %mul3A_420 : vector<1024x128xf32>
    %add3A_422 = arith.addf %add3A_412, %mul3A_421 : vector<1024x128xf32>
    %eq3A_423 = arith.constant 6 : i32
    %eq3A_424 = vector.broadcast %eq3A_423 : i32 to vector<1024xi32>
    %eq3A_425 = arith.cmpi eq, %get3A_363, %eq3A_424 : vector<1024xi32>
    %convert_element_type3A_426 = arith.extui %eq3A_425 : vector<1024xi1> to vector<1024xi32>
    %convert_element_type3A_427 = arith.sitofp %convert_element_type3A_426 : vector<1024xi32> to vector<1024xf32>
    %broadcast_in_dim3A_428 = vector.shape_cast %convert_element_type3A_427 : vector<1024xf32> to vector<1024x1xf32>
    %slice3A_429 = vector.extract_strided_slice %add3A_359 {offsets = [0, 768], sizes = [1024, 128], strides = [1, 1]} : vector<1024x1024xf32> to vector<1024x128xf32>
    %mul3A_430 = vector.broadcast %broadcast_in_dim3A_428 : vector<1024x1xf32> to vector<1024x128xf32>
    %mul3A_431 = arith.mulf %slice3A_429, %mul3A_430 : vector<1024x128xf32>
    %add3A_432 = arith.addf %add3A_422, %mul3A_431 : vector<1024x128xf32>
    %eq3A_433 = arith.constant 7 : i32
    %eq3A_434 = vector.broadcast %eq3A_433 : i32 to vector<1024xi32>
    %eq3A_435 = arith.cmpi eq, %get3A_363, %eq3A_434 : vector<1024xi32>
    %convert_element_type3A_436 = arith.extui %eq3A_435 : vector<1024xi1> to vector<1024xi32>
    %convert_element_type3A_437 = arith.sitofp %convert_element_type3A_436 : vector<1024xi32> to vector<1024xf32>
    %broadcast_in_dim3A_438 = vector.shape_cast %convert_element_type3A_437 : vector<1024xf32> to vector<1024x1xf32>
    %slice3A_439 = vector.extract_strided_slice %add3A_359 {offsets = [0, 896], sizes = [1024, 128], strides = [1, 1]} : vector<1024x1024xf32> to vector<1024x128xf32>
    %mul3A_440 = vector.broadcast %broadcast_in_dim3A_438 : vector<1024x1xf32> to vector<1024x128xf32>
    %mul3A_441 = arith.mulf %slice3A_439, %mul3A_440 : vector<1024x128xf32>
    %add3A_442 = arith.addf %add3A_432, %mul3A_441 : vector<1024x128xf32>
    %swap3A_443 = arith.constant 1 : index
    %swap3A_444 = arith.constant 0 : index
    %swap3A_445 = arith.constant 0 : index
    %swap3A_446 = vector.load %arg9[%swap3A_443, %swap3A_444, %swap3A_445] : memref<2x1024x128xf32, #tpu.memory_space<vmem>>, vector<1x1024x128xf32>
    %swap3A_447 = vector.shape_cast %swap3A_446 : vector<1x1024x128xf32> to vector<1024x128xf32>
    %swap3A_448 = vector.shape_cast %add3A_442 : vector<1024x128xf32> to vector<1x1024x128xf32>
    tpu.vector_store %arg9[%swap3A_443, %swap3A_444, %swap3A_445], %swap3A_448 {strides = array<i32>} : memref<2x1024x128xf32, #tpu.memory_space<vmem>>, vector<1x1024x128xf32>,
    %dma_start3A_449 = arith.constant 1 : i32
    %dma_start3A_450 = arith.constant 1 : i32
    %dma_start3A_451 = tpu.memref_slice %arg14[%dma_start3A_450] : memref<2x!tpu.dma_semaphore, #tpu.memory_space<semaphore_mem>> -> memref<1x!tpu.dma_semaphore, #tpu.memory_space<semaphore_mem>>
    %dma_start3A_452 = tpu.memref_squeeze %dma_start3A_451 : memref<1x!tpu.dma_semaphore, #tpu.memory_space<semaphore_mem>> -> memref<!tpu.dma_semaphore, #tpu.memory_space<semaphore_mem>>
    %dma_start3A_453 = arith.constant 1024 : i32
    %dma_start3A_454 = arith.constant 0 : i32
    %dma_start3A_455 = tpu.memref_slice %arg4[%dma_start3A_453, %dma_start3A_454] : memref<8192x128xf32, #tpu.memory_space<any>> -> memref<1024x128xf32, #tpu.memory_space<any>>
    %dma_start3A_456 = arith.constant 0 : i32
    %dma_start3A_457 = arith.constant 0 : i32
    %dma_start3A_458 = tpu.memref_slice %arg9[%dma_start3A_449, %dma_start3A_456, %dma_start3A_457] : memref<2x1024x128xf32, #tpu.memory_space<vmem>> -> memref<1x1024x128xf32, #tpu.memory_space<vmem>>
    %dma_start3A_459 = tpu.memref_squeeze %dma_start3A_458 : memref<1x1024x128xf32, #tpu.memory_space<vmem>> -> memref<1024x128xf32, #tpu.memory_space<vmem>>
    tpu.enqueue_dma source(%dma_start3A_459 : memref<1024x128xf32, #tpu.memory_space<vmem>>) target(%dma_start3A_455 : memref<1024x128xf32, #tpu.memory_space<any>>) target_semaphore(%dma_start3A_452 : memref<!tpu.dma_semaphore, #tpu.memory_space<semaphore_mem>>)
    %dma_start3A_460 = arith.constant 1 : i32
    %dma_start3A_461 = arith.constant 1 : i32
    %dma_start3A_462 = arith.constant 0 : i32
    %dma_start3A_463 = tpu.memref_slice %arg13[%dma_start3A_461, %dma_start3A_462] : memref<2x4x!tpu.dma_semaphore, #tpu.memory_space<semaphore_mem>> -> memref<1x1x!tpu.dma_semaphore, #tpu.memory_space<semaphore_mem>>
    %dma_start3A_464 = tpu.memref_squeeze %dma_start3A_463 : memref<1x1x!tpu.dma_semaphore, #tpu.memory_space<semaphore_mem>> -> memref<!tpu.dma_semaphore, #tpu.memory_space<semaphore_mem>>
    %dma_start3A_465 = arith.constant 0 : i32
    %dma_start3A_466 = arith.constant 0 : i32
    %dma_start3A_467 = tpu.memref_slice %arg8[%dma_start3A_460, %dma_start3A_465, %dma_start3A_466] : memref<2x1024x1024xf32, #tpu.memory_space<vmem>> -> memref<1x256x1024xf32, #tpu.memory_space<vmem>>
    %dma_start3A_468 = tpu.memref_squeeze %dma_start3A_467 : memref<1x256x1024xf32, #tpu.memory_space<vmem>> -> memref<256x1024xf32, #tpu.memory_space<vmem>>
    %dma_start3A_469 = arith.constant 3072 : i32
    %dma_start3A_470 = arith.constant 0 : i32
    %dma_start3A_471 = tpu.memref_slice %arg1[%dma_start3A_469, %dma_start3A_470] : memref<8192x1024xf32, #tpu.memory_space<any>> -> memref<256x1024xf32, #tpu.memory_space<any>>
    tpu.enqueue_dma source(%dma_start3A_471 : memref<256x1024xf32, #tpu.memory_space<any>>) target(%dma_start3A_468 : memref<256x1024xf32, #tpu.memory_space<vmem>>) target_semaphore(%dma_start3A_464 : memref<!tpu.dma_semaphore, #tpu.memory_space<semaphore_mem>>)
    %dma_start3A_472 = arith.constant 1 : i32
    %dma_start3A_473 = arith.constant 1 : i32
    %dma_start3A_474 = arith.constant 1 : i32
    %dma_start3A_475 = tpu.memref_slice %arg13[%dma_start3A_473, %dma_start3A_474] : memref<2x4x!tpu.dma_semaphore, #tpu.memory_space<semaphore_mem>> -> memref<1x1x!tpu.dma_semaphore, #tpu.memory_space<semaphore_mem>>
    %dma_start3A_476 = tpu.memref_squeeze %dma_start3A_475 : memref<1x1x!tpu.dma_semaphore, #tpu.memory_space<semaphore_mem>> -> memref<!tpu.dma_semaphore, #tpu.memory_space<semaphore_mem>>
    %dma_start3A_477 = arith.constant 256 : i32
    %dma_start3A_478 = arith.constant 0 : i32
    %dma_start3A_479 = tpu.memref_slice %arg8[%dma_start3A_472, %dma_start3A_477, %dma_start3A_478] : memref<2x1024x1024xf32, #tpu.memory_space<vmem>> -> memref<1x256x1024xf32, #tpu.memory_space<vmem>>
    %dma_start3A_480 = tpu.memref_squeeze %dma_start3A_479 : memref<1x256x1024xf32, #tpu.memory_space<vmem>> -> memref<256x1024xf32, #tpu.memory_space<vmem>>
    %dma_start3A_481 = arith.constant 3328 : i32
    %dma_start3A_482 = arith.constant 0 : i32
    %dma_start3A_483 = tpu.memref_slice %arg1[%dma_start3A_481, %dma_start3A_482] : memref<8192x1024xf32, #tpu.memory_space<any>> -> memref<256x1024xf32, #tpu.memory_space<any>>
    tpu.enqueue_dma source(%dma_start3A_483 : memref<256x1024xf32, #tpu.memory_space<any>>) target(%dma_start3A_480 : memref<256x1024xf32, #tpu.memory_space<vmem>>) target_semaphore(%dma_start3A_476 : memref<!tpu.dma_semaphore, #tpu.memory_space<semaphore_mem>>)
    %dma_start3A_484 = arith.constant 1 : i32
    %dma_start3A_485 = arith.constant 1 : i32
    %dma_start3A_486 = arith.constant 2 : i32
    %dma_start3A_487 = tpu.memref_slice %arg13[%dma_start3A_485, %dma_start3A_486] : memref<2x4x!tpu.dma_semaphore, #tpu.memory_space<semaphore_mem>> -> memref<1x1x!tpu.dma_semaphore, #tpu.memory_space<semaphore_mem>>
    %dma_start3A_488 = tpu.memref_squeeze %dma_start3A_487 : memref<1x1x!tpu.dma_semaphore, #tpu.memory_space<semaphore_mem>> -> memref<!tpu.dma_semaphore, #tpu.memory_space<semaphore_mem>>
    %dma_start3A_489 = arith.constant 512 : i32
    %dma_start3A_490 = arith.constant 0 : i32
    %dma_start3A_491 = tpu.memref_slice %arg8[%dma_start3A_484, %dma_start3A_489, %dma_start3A_490] : memref<2x1024x1024xf32, #tpu.memory_space<vmem>> -> memref<1x256x1024xf32, #tpu.memory_space<vmem>>
    %dma_start3A_492 = tpu.memref_squeeze %dma_start3A_491 : memref<1x256x1024xf32, #tpu.memory_space<vmem>> -> memref<256x1024xf32, #tpu.memory_space<vmem>>
    %dma_start3A_493 = arith.constant 3584 : i32
    %dma_start3A_494 = arith.constant 0 : i32
    %dma_start3A_495 = tpu.memref_slice %arg1[%dma_start3A_493, %dma_start3A_494] : memref<8192x1024xf32, #tpu.memory_space<any>> -> memref<256x1024xf32, #tpu.memory_space<any>>
    tpu.enqueue_dma source(%dma_start3A_495 : memref<256x1024xf32, #tpu.memory_space<any>>) target(%dma_start3A_492 : memref<256x1024xf32, #tpu.memory_space<vmem>>) target_semaphore(%dma_start3A_488 : memref<!tpu.dma_semaphore, #tpu.memory_space<semaphore_mem>>)
    %dma_start3A_496 = arith.constant 1 : i32
    %dma_start3A_497 = arith.constant 1 : i32
    %dma_start3A_498 = arith.constant 3 : i32
    %dma_start3A_499 = tpu.memref_slice %arg13[%dma_start3A_497, %dma_start3A_498] : memref<2x4x!tpu.dma_semaphore, #tpu.memory_space<semaphore_mem>> -> memref<1x1x!tpu.dma_semaphore, #tpu.memory_space<semaphore_mem>>
    %dma_start3A_500 = tpu.memref_squeeze %dma_start3A_499 : memref<1x1x!tpu.dma_semaphore, #tpu.memory_space<semaphore_mem>> -> memref<!tpu.dma_semaphore, #tpu.memory_space<semaphore_mem>>
    %dma_start3A_501 = arith.constant 768 : i32
    %dma_start3A_502 = arith.constant 0 : i32
    %dma_start3A_503 = tpu.memref_slice %arg8[%dma_start3A_496, %dma_start3A_501, %dma_start3A_502] : memref<2x1024x1024xf32, #tpu.memory_space<vmem>> -> memref<1x256x1024xf32, #tpu.memory_space<vmem>>
    %dma_start3A_504 = tpu.memref_squeeze %dma_start3A_503 : memref<1x256x1024xf32, #tpu.memory_space<vmem>> -> memref<256x1024xf32, #tpu.memory_space<vmem>>
    %dma_start3A_505 = arith.constant 3840 : i32
    %dma_start3A_506 = arith.constant 0 : i32
    %dma_start3A_507 = tpu.memref_slice %arg1[%dma_start3A_505, %dma_start3A_506] : memref<8192x1024xf32, #tpu.memory_space<any>> -> memref<256x1024xf32, #tpu.memory_space<any>>
    tpu.enqueue_dma source(%dma_start3A_507 : memref<256x1024xf32, #tpu.memory_space<any>>) target(%dma_start3A_504 : memref<256x1024xf32, #tpu.memory_space<vmem>>) target_semaphore(%dma_start3A_500 : memref<!tpu.dma_semaphore, #tpu.memory_space<semaphore_mem>>)
    %dma_wait3A_508 = arith.constant 0 : i32
    %dma_wait3A_509 = arith.constant 0 : i32
    %dma_wait3A_510 = arith.constant 0 : i32
    %dma_wait3A_511 = tpu.memref_slice %arg13[%dma_wait3A_509, %dma_wait3A_510] : memref<2x4x!tpu.dma_semaphore, #tpu.memory_space<semaphore_mem>> -> memref<1x1x!tpu.dma_semaphore, #tpu.memory_space<semaphore_mem>>
    %dma_wait3A_512 = tpu.memref_squeeze %dma_wait3A_511 : memref<1x1x!tpu.dma_semaphore, #tpu.memory_space<semaphore_mem>> -> memref<!tpu.dma_semaphore, #tpu.memory_space<semaphore_mem>>
    %dma_wait3A_513 = arith.constant 0 : i32
    %dma_wait3A_514 = arith.constant 0 : i32
    %dma_wait3A_515 = tpu.memref_slice %arg8[%dma_wait3A_508, %dma_wait3A_513, %dma_wait3A_514] : memref<2x1024x1024xf32, #tpu.memory_space<vmem>> -> memref<1x256x1024xf32, #tpu.memory_space<vmem>>
    %dma_wait3A_516 = tpu.memref_squeeze %dma_wait3A_515 : memref<1x256x1024xf32, #tpu.memory_space<vmem>> -> memref<256x1024xf32, #tpu.memory_space<vmem>>
    %dma_wait3A_517 = arith.constant 2048 : i32
    %dma_wait3A_518 = arith.constant 0 : i32
    %dma_wait3A_519 = tpu.memref_slice %arg1[%dma_wait3A_517, %dma_wait3A_518] : memref<8192x1024xf32, #tpu.memory_space<any>> -> memref<256x1024xf32, #tpu.memory_space<any>>
    tpu.wait_dma2 semaphore(%dma_wait3A_512 : memref<!tpu.dma_semaphore, #tpu.memory_space<semaphore_mem>>) src(%dma_wait3A_519 : memref<256x1024xf32, #tpu.memory_space<any>>) dst(%dma_wait3A_516 : memref<256x1024xf32, #tpu.memory_space<vmem>>)
    %dma_wait3A_520 = arith.constant 0 : i32
    %dma_wait3A_521 = arith.constant 0 : i32
    %dma_wait3A_522 = arith.constant 1 : i32
    %dma_wait3A_523 = tpu.memref_slice %arg13[%dma_wait3A_521, %dma_wait3A_522] : memref<2x4x!tpu.dma_semaphore, #tpu.memory_space<semaphore_mem>> -> memref<1x1x!tpu.dma_semaphore, #tpu.memory_space<semaphore_mem>>
    %dma_wait3A_524 = tpu.memref_squeeze %dma_wait3A_523 : memref<1x1x!tpu.dma_semaphore, #tpu.memory_space<semaphore_mem>> -> memref<!tpu.dma_semaphore, #tpu.memory_space<semaphore_mem>>
    %dma_wait3A_525 = arith.constant 256 : i32
    %dma_wait3A_526 = arith.constant 0 : i32
    %dma_wait3A_527 = tpu.memref_slice %arg8[%dma_wait3A_520, %dma_wait3A_525, %dma_wait3A_526] : memref<2x1024x1024xf32, #tpu.memory_space<vmem>> -> memref<1x256x1024xf32, #tpu.memory_space<vmem>>
    %dma_wait3A_528 = tpu.memref_squeeze %dma_wait3A_527 : memref<1x256x1024xf32, #tpu.memory_space<vmem>> -> memref<256x1024xf32, #tpu.memory_space<vmem>>
    %dma_wait3A_529 = arith.constant 2304 : i32
    %dma_wait3A_530 = arith.constant 0 : i32
    %dma_wait3A_531 = tpu.memref_slice %arg1[%dma_wait3A_529, %dma_wait3A_530] : memref<8192x1024xf32, #tpu.memory_space<any>> -> memref<256x1024xf32, #tpu.memory_space<any>>
    tpu.wait_dma2 semaphore(%dma_wait3A_524 : memref<!tpu.dma_semaphore, #tpu.memory_space<semaphore_mem>>) src(%dma_wait3A_531 : memref<256x1024xf32, #tpu.memory_space<any>>) dst(%dma_wait3A_528 : memref<256x1024xf32, #tpu.memory_space<vmem>>)
    %dma_wait3A_532 = arith.constant 0 : i32
    %dma_wait3A_533 = arith.constant 0 : i32
    %dma_wait3A_534 = arith.constant 2 : i32
    %dma_wait3A_535 = tpu.memref_slice %arg13[%dma_wait3A_533, %dma_wait3A_534] : memref<2x4x!tpu.dma_semaphore, #tpu.memory_space<semaphore_mem>> -> memref<1x1x!tpu.dma_semaphore, #tpu.memory_space<semaphore_mem>>
    %dma_wait3A_536 = tpu.memref_squeeze %dma_wait3A_535 : memref<1x1x!tpu.dma_semaphore, #tpu.memory_space<semaphore_mem>> -> memref<!tpu.dma_semaphore, #tpu.memory_space<semaphore_mem>>
    %dma_wait3A_537 = arith.constant 512 : i32
    %dma_wait3A_538 = arith.constant 0 : i32
    %dma_wait3A_539 = tpu.memref_slice %arg8[%dma_wait3A_532, %dma_wait3A_537, %dma_wait3A_538] : memref<2x1024x1024xf32, #tpu.memory_space<vmem>> -> memref<1x256x1024xf32, #tpu.memory_space<vmem>>
    %dma_wait3A_540 = tpu.memref_squeeze %dma_wait3A_539 : memref<1x256x1024xf32, #tpu.memory_space<vmem>> -> memref<256x1024xf32, #tpu.memory_space<vmem>>
    %dma_wait3A_541 = arith.constant 2560 : i32
    %dma_wait3A_542 = arith.constant 0 : i32
    %dma_wait3A_543 = tpu.memref_slice %arg1[%dma_wait3A_541, %dma_wait3A_542] : memref<8192x1024xf32, #tpu.memory_space<any>> -> memref<256x1024xf32, #tpu.memory_space<any>>
    tpu.wait_dma2 semaphore(%dma_wait3A_536 : memref<!tpu.dma_semaphore, #tpu.memory_space<semaphore_mem>>) src(%dma_wait3A_543 : memref<256x1024xf32, #tpu.memory_space<any>>) dst(%dma_wait3A_540 : memref<256x1024xf32, #tpu.memory_space<vmem>>)
    %dma_wait3A_544 = arith.constant 0 : i32
    %dma_wait3A_545 = arith.constant 0 : i32
    %dma_wait3A_546 = arith.constant 3 : i32
    %dma_wait3A_547 = tpu.memref_slice %arg13[%dma_wait3A_545, %dma_wait3A_546] : memref<2x4x!tpu.dma_semaphore, #tpu.memory_space<semaphore_mem>> -> memref<1x1x!tpu.dma_semaphore, #tpu.memory_space<semaphore_mem>>
    %dma_wait3A_548 = tpu.memref_squeeze %dma_wait3A_547 : memref<1x1x!tpu.dma_semaphore, #tpu.memory_space<semaphore_mem>> -> memref<!tpu.dma_semaphore, #tpu.memory_space<semaphore_mem>>
    %dma_wait3A_549 = arith.constant 768 : i32
    %dma_wait3A_550 = arith.constant 0 : i32
    %dma_wait3A_551 = tpu.memref_slice %arg8[%dma_wait3A_544, %dma_wait3A_549, %dma_wait3A_550] : memref<2x1024x1024xf32, #tpu.memory_space<vmem>> -> memref<1x256x1024xf32, #tpu.memory_space<vmem>>
    %dma_wait3A_552 = tpu.memref_squeeze %dma_wait3A_551 : memref<1x256x1024xf32, #tpu.memory_space<vmem>> -> memref<256x1024xf32, #tpu.memory_space<vmem>>
    %dma_wait3A_553 = arith.constant 2816 : i32
    %dma_wait3A_554 = arith.constant 0 : i32
    %dma_wait3A_555 = tpu.memref_slice %arg1[%dma_wait3A_553, %dma_wait3A_554] : memref<8192x1024xf32, #tpu.memory_space<any>> -> memref<256x1024xf32, #tpu.memory_space<any>>
    tpu.wait_dma2 semaphore(%dma_wait3A_548 : memref<!tpu.dma_semaphore, #tpu.memory_space<semaphore_mem>>) src(%dma_wait3A_555 : memref<256x1024xf32, #tpu.memory_space<any>>) dst(%dma_wait3A_552 : memref<256x1024xf32, #tpu.memory_space<vmem>>)
    %dma_wait3A_556 = arith.constant 0 : i32
    %dma_wait3A_557 = arith.constant 0 : i32
    %dma_wait3A_558 = tpu.memref_slice %arg14[%dma_wait3A_557] : memref<2x!tpu.dma_semaphore, #tpu.memory_space<semaphore_mem>> -> memref<1x!tpu.dma_semaphore, #tpu.memory_space<semaphore_mem>>
    %dma_wait3A_559 = tpu.memref_squeeze %dma_wait3A_558 : memref<1x!tpu.dma_semaphore, #tpu.memory_space<semaphore_mem>> -> memref<!tpu.dma_semaphore, #tpu.memory_space<semaphore_mem>>
    %dma_wait3A_560 = arith.constant 0 : i32
    %dma_wait3A_561 = arith.constant 0 : i32
    %dma_wait3A_562 = tpu.memref_slice %arg4[%dma_wait3A_560, %dma_wait3A_561] : memref<8192x128xf32, #tpu.memory_space<any>> -> memref<1024x128xf32, #tpu.memory_space<any>>
    %dma_wait3A_563 = arith.constant 0 : i32
    %dma_wait3A_564 = arith.constant 0 : i32
    %dma_wait3A_565 = tpu.memref_slice %arg9[%dma_wait3A_556, %dma_wait3A_563, %dma_wait3A_564] : memref<2x1024x128xf32, #tpu.memory_space<vmem>> -> memref<1x1024x128xf32, #tpu.memory_space<vmem>>
    %dma_wait3A_566 = tpu.memref_squeeze %dma_wait3A_565 : memref<1x1024x128xf32, #tpu.memory_space<vmem>> -> memref<1024x128xf32, #tpu.memory_space<vmem>>
    tpu.wait_dma2 semaphore(%dma_wait3A_559 : memref<!tpu.dma_semaphore, #tpu.memory_space<semaphore_mem>>) src(%dma_wait3A_566 : memref<1024x128xf32, #tpu.memory_space<vmem>>) dst(%dma_wait3A_562 : memref<1024x128xf32, #tpu.memory_space<any>>)
    %get3A_567 = arith.constant 0 : index
    %get3A_568 = arith.constant 0 : index
    %get3A_569 = arith.constant 0 : index
    %get3A_570 = vector.load %arg8[%get3A_567, %get3A_568, %get3A_569] : memref<2x1024x1024xf32, #tpu.memory_space<vmem>>, vector<1x1024x1024xf32>
    %get3A_571 = vector.shape_cast %get3A_570 : vector<1x1024x1024xf32> to vector<1024x1024xf32>
    %convert_element_type3A_572 = arith.truncf %get3A_571 : vector<1024x1024xf32> to vector<1024x1024xbf16>
    %dot_general3A_573 = arith.constant dense<0.000000e+00> : vector<1024x1024xf32>
    %dot_general3A_574 = tpu.matmul %convert_element_type3A_572, %convert_element_type3A, %dot_general3A_573 {dimension_numbers = #tpu.dot_dimension_numbers<[1], [0], [0], [1], [0, 0, 1, 1], [], []>, transpose_lhs_hint = false} : vector<1024x1024xbf16>, vector<1024x1024xbf16>, vector<1024x1024xf32> -> vector<1024x1024xf32>
    %get3A_575 = arith.constant 0 : index
    %get3A_576 = arith.constant 0 : index
    %get3A_577 = vector.load %arg6[%get3A_575, %get3A_576] : memref<1x1024xf32, #tpu.memory_space<vmem>>, vector<1x1024xf32>
    %add3A_578 = vector.broadcast %get3A_577 : vector<1x1024xf32> to vector<1024x1024xf32>
    %add3A_579 = arith.addf %dot_general3A_574, %add3A_578 : vector<1024x1024xf32>
    %get3A_580 = arith.constant 0 : index
    %get3A_581 = arith.constant 2048 : index
    %get3A_582 = vector.load %arg7[%get3A_580, %get3A_581] : memref<1x8192xi32, #tpu.memory_space<vmem>>, vector<1x1024xi32>
    %get3A_583 = vector.shape_cast %get3A_582 : vector<1x1024xi32> to vector<1024xi32>
    %eq3A_584 = arith.constant 0 : i32
    %eq3A_585 = vector.broadcast %eq3A_584 : i32 to vector<1024xi32>
    %eq3A_586 = arith.cmpi eq, %get3A_583, %eq3A_585 : vector<1024xi32>
    %convert_element_type3A_587 = arith.extui %eq3A_586 : vector<1024xi1> to vector<1024xi32>
    %convert_element_type3A_588 = arith.sitofp %convert_element_type3A_587 : vector<1024xi32> to vector<1024xf32>
    %broadcast_in_dim3A_589 = vector.shape_cast %convert_element_type3A_588 : vector<1024xf32> to vector<1024x1xf32>
    %slice3A_590 = vector.extract_strided_slice %add3A_579 {offsets = [0, 0], sizes = [1024, 128], strides = [1, 1]} : vector<1024x1024xf32> to vector<1024x128xf32>
    %mul3A_591 = vector.broadcast %broadcast_in_dim3A_589 : vector<1024x1xf32> to vector<1024x128xf32>
    %mul3A_592 = arith.mulf %slice3A_590, %mul3A_591 : vector<1024x128xf32>
    %eq3A_593 = arith.constant 1 : i32
    %eq3A_594 = vector.broadcast %eq3A_593 : i32 to vector<1024xi32>
    %eq3A_595 = arith.cmpi eq, %get3A_583, %eq3A_594 : vector<1024xi32>
    %convert_element_type3A_596 = arith.extui %eq3A_595 : vector<1024xi1> to vector<1024xi32>
    %convert_element_type3A_597 = arith.sitofp %convert_element_type3A_596 : vector<1024xi32> to vector<1024xf32>
    %broadcast_in_dim3A_598 = vector.shape_cast %convert_element_type3A_597 : vector<1024xf32> to vector<1024x1xf32>
    %slice3A_599 = vector.extract_strided_slice %add3A_579 {offsets = [0, 128], sizes = [1024, 128], strides = [1, 1]} : vector<1024x1024xf32> to vector<1024x128xf32>
    %mul3A_600 = vector.broadcast %broadcast_in_dim3A_598 : vector<1024x1xf32> to vector<1024x128xf32>
    %mul3A_601 = arith.mulf %slice3A_599, %mul3A_600 : vector<1024x128xf32>
    %add3A_602 = arith.addf %mul3A_592, %mul3A_601 : vector<1024x128xf32>
    %eq3A_603 = arith.constant 2 : i32
    %eq3A_604 = vector.broadcast %eq3A_603 : i32 to vector<1024xi32>
    %eq3A_605 = arith.cmpi eq, %get3A_583, %eq3A_604 : vector<1024xi32>
    %convert_element_type3A_606 = arith.extui %eq3A_605 : vector<1024xi1> to vector<1024xi32>
    %convert_element_type3A_607 = arith.sitofp %convert_element_type3A_606 : vector<1024xi32> to vector<1024xf32>
    %broadcast_in_dim3A_608 = vector.shape_cast %convert_element_type3A_607 : vector<1024xf32> to vector<1024x1xf32>
    %slice3A_609 = vector.extract_strided_slice %add3A_579 {offsets = [0, 256], sizes = [1024, 128], strides = [1, 1]} : vector<1024x1024xf32> to vector<1024x128xf32>
    %mul3A_610 = vector.broadcast %broadcast_in_dim3A_608 : vector<1024x1xf32> to vector<1024x128xf32>
    %mul3A_611 = arith.mulf %slice3A_609, %mul3A_610 : vector<1024x128xf32>
    %add3A_612 = arith.addf %add3A_602, %mul3A_611 : vector<1024x128xf32>
    %eq3A_613 = arith.constant 3 : i32
    %eq3A_614 = vector.broadcast %eq3A_613 : i32 to vector<1024xi32>
    %eq3A_615 = arith.cmpi eq, %get3A_583, %eq3A_614 : vector<1024xi32>
    %convert_element_type3A_616 = arith.extui %eq3A_615 : vector<1024xi1> to vector<1024xi32>
    %convert_element_type3A_617 = arith.sitofp %convert_element_type3A_616 : vector<1024xi32> to vector<1024xf32>
    %broadcast_in_dim3A_618 = vector.shape_cast %convert_element_type3A_617 : vector<1024xf32> to vector<1024x1xf32>
    %slice3A_619 = vector.extract_strided_slice %add3A_579 {offsets = [0, 384], sizes = [1024, 128], strides = [1, 1]} : vector<1024x1024xf32> to vector<1024x128xf32>
    %mul3A_620 = vector.broadcast %broadcast_in_dim3A_618 : vector<1024x1xf32> to vector<1024x128xf32>
    %mul3A_621 = arith.mulf %slice3A_619, %mul3A_620 : vector<1024x128xf32>
    %add3A_622 = arith.addf %add3A_612, %mul3A_621 : vector<1024x128xf32>
    %eq3A_623 = arith.constant 4 : i32
    %eq3A_624 = vector.broadcast %eq3A_623 : i32 to vector<1024xi32>
    %eq3A_625 = arith.cmpi eq, %get3A_583, %eq3A_624 : vector<1024xi32>
    %convert_element_type3A_626 = arith.extui %eq3A_625 : vector<1024xi1> to vector<1024xi32>
    %convert_element_type3A_627 = arith.sitofp %convert_element_type3A_626 : vector<1024xi32> to vector<1024xf32>
    %broadcast_in_dim3A_628 = vector.shape_cast %convert_element_type3A_627 : vector<1024xf32> to vector<1024x1xf32>
    %slice3A_629 = vector.extract_strided_slice %add3A_579 {offsets = [0, 512], sizes = [1024, 128], strides = [1, 1]} : vector<1024x1024xf32> to vector<1024x128xf32>
    %mul3A_630 = vector.broadcast %broadcast_in_dim3A_628 : vector<1024x1xf32> to vector<1024x128xf32>
    %mul3A_631 = arith.mulf %slice3A_629, %mul3A_630 : vector<1024x128xf32>
    %add3A_632 = arith.addf %add3A_622, %mul3A_631 : vector<1024x128xf32>
    %eq3A_633 = arith.constant 5 : i32
    %eq3A_634 = vector.broadcast %eq3A_633 : i32 to vector<1024xi32>
    %eq3A_635 = arith.cmpi eq, %get3A_583, %eq3A_634 : vector<1024xi32>
    %convert_element_type3A_636 = arith.extui %eq3A_635 : vector<1024xi1> to vector<1024xi32>
    %convert_element_type3A_637 = arith.sitofp %convert_element_type3A_636 : vector<1024xi32> to vector<1024xf32>
    %broadcast_in_dim3A_638 = vector.shape_cast %convert_element_type3A_637 : vector<1024xf32> to vector<1024x1xf32>
    %slice3A_639 = vector.extract_strided_slice %add3A_579 {offsets = [0, 640], sizes = [1024, 128], strides = [1, 1]} : vector<1024x1024xf32> to vector<1024x128xf32>
    %mul3A_640 = vector.broadcast %broadcast_in_dim3A_638 : vector<1024x1xf32> to vector<1024x128xf32>
    %mul3A_641 = arith.mulf %slice3A_639, %mul3A_640 : vector<1024x128xf32>
    %add3A_642 = arith.addf %add3A_632, %mul3A_641 : vector<1024x128xf32>
    %eq3A_643 = arith.constant 6 : i32
    %eq3A_644 = vector.broadcast %eq3A_643 : i32 to vector<1024xi32>
    %eq3A_645 = arith.cmpi eq, %get3A_583, %eq3A_644 : vector<1024xi32>
    %convert_element_type3A_646 = arith.extui %eq3A_645 : vector<1024xi1> to vector<1024xi32>
    %convert_element_type3A_647 = arith.sitofp %convert_element_type3A_646 : vector<1024xi32> to vector<1024xf32>
    %broadcast_in_dim3A_648 = vector.shape_cast %convert_element_type3A_647 : vector<1024xf32> to vector<1024x1xf32>
    %slice3A_649 = vector.extract_strided_slice %add3A_579 {offsets = [0, 768], sizes = [1024, 128], strides = [1, 1]} : vector<1024x1024xf32> to vector<1024x128xf32>
    %mul3A_650 = vector.broadcast %broadcast_in_dim3A_648 : vector<1024x1xf32> to vector<1024x128xf32>
    %mul3A_651 = arith.mulf %slice3A_649, %mul3A_650 : vector<1024x128xf32>
    %add3A_652 = arith.addf %add3A_642, %mul3A_651 : vector<1024x128xf32>
    %eq3A_653 = arith.constant 7 : i32
    %eq3A_654 = vector.broadcast %eq3A_653 : i32 to vector<1024xi32>
    %eq3A_655 = arith.cmpi eq, %get3A_583, %eq3A_654 : vector<1024xi32>
    %convert_element_type3A_656 = arith.extui %eq3A_655 : vector<1024xi1> to vector<1024xi32>
    %convert_element_type3A_657 = arith.sitofp %convert_element_type3A_656 : vector<1024xi32> to vector<1024xf32>
    %broadcast_in_dim3A_658 = vector.shape_cast %convert_element_type3A_657 : vector<1024xf32> to vector<1024x1xf32>
    %slice3A_659 = vector.extract_strided_slice %add3A_579 {offsets = [0, 896], sizes = [1024, 128], strides = [1, 1]} : vector<1024x1024xf32> to vector<1024x128xf32>
    %mul3A_660 = vector.broadcast %broadcast_in_dim3A_658 : vector<1024x1xf32> to vector<1024x128xf32>
    %mul3A_661 = arith.mulf %slice3A_659, %mul3A_660 : vector<1024x128xf32>
    %add3A_662 = arith.addf %add3A_652, %mul3A_661 : vector<1024x128xf32>
    %swap3A_663 = arith.constant 0 : index
    %swap3A_664 = arith.constant 0 : index
    %swap3A_665 = arith.constant 0 : index
    %swap3A_666 = vector.load %arg9[%swap3A_663, %swap3A_664, %swap3A_665] : memref<2x1024x128xf32, #tpu.memory_space<vmem>>, vector<1x1024x128xf32>
    %swap3A_667 = vector.shape_cast %swap3A_666 : vector<1x1024x128xf32> to vector<1024x128xf32>
    %swap3A_668 = vector.shape_cast %add3A_662 : vector<1024x128xf32> to vector<1x1024x128xf32>
    tpu.vector_store %arg9[%swap3A_663, %swap3A_664, %swap3A_665], %swap3A_668 {strides = array<i32>} : memref<2x1024x128xf32, #tpu.memory_space<vmem>>, vector<1x1024x128xf32>,
    %dma_start3A_669 = arith.constant 0 : i32
    %dma_start3A_670 = arith.constant 0 : i32
    %dma_start3A_671 = tpu.memref_slice %arg14[%dma_start3A_670] : memref<2x!tpu.dma_semaphore, #tpu.memory_space<semaphore_mem>> -> memref<1x!tpu.dma_semaphore, #tpu.memory_space<semaphore_mem>>
    %dma_start3A_672 = tpu.memref_squeeze %dma_start3A_671 : memref<1x!tpu.dma_semaphore, #tpu.memory_space<semaphore_mem>> -> memref<!tpu.dma_semaphore, #tpu.memory_space<semaphore_mem>>
    %dma_start3A_673 = arith.constant 2048 : i32
    %dma_start3A_674 = arith.constant 0 : i32
    %dma_start3A_675 = tpu.memref_slice %arg4[%dma_start3A_673, %dma_start3A_674] : memref<8192x128xf32, #tpu.memory_space<any>> -> memref<1024x128xf32, #tpu.memory_space<any>>
    %dma_start3A_676 = arith.constant 0 : i32
    %dma_start3A_677 = arith.constant 0 : i32
    %dma_start3A_678 = tpu.memref_slice %arg9[%dma_start3A_669, %dma_start3A_676, %dma_start3A_677] : memref<2x1024x128xf32, #tpu.memory_space<vmem>> -> memref<1x1024x128xf32, #tpu.memory_space<vmem>>
    %dma_start3A_679 = tpu.memref_squeeze %dma_start3A_678 : memref<1x1024x128xf32, #tpu.memory_space<vmem>> -> memref<1024x128xf32, #tpu.memory_space<vmem>>
    tpu.enqueue_dma source(%dma_start3A_679 : memref<1024x128xf32, #tpu.memory_space<vmem>>) target(%dma_start3A_675 : memref<1024x128xf32, #tpu.memory_space<any>>) target_semaphore(%dma_start3A_672 : memref<!tpu.dma_semaphore, #tpu.memory_space<semaphore_mem>>)
    %dma_start3A_680 = arith.constant 0 : i32
    %dma_start3A_681 = arith.constant 0 : i32
    %dma_start3A_682 = arith.constant 0 : i32
    %dma_start3A_683 = tpu.memref_slice %arg13[%dma_start3A_681, %dma_start3A_682] : memref<2x4x!tpu.dma_semaphore, #tpu.memory_space<semaphore_mem>> -> memref<1x1x!tpu.dma_semaphore, #tpu.memory_space<semaphore_mem>>
    %dma_start3A_684 = tpu.memref_squeeze %dma_start3A_683 : memref<1x1x!tpu.dma_semaphore, #tpu.memory_space<semaphore_mem>> -> memref<!tpu.dma_semaphore, #tpu.memory_space<semaphore_mem>>
    %dma_start3A_685 = arith.constant 0 : i32
    %dma_start3A_686 = arith.constant 0 : i32
    %dma_start3A_687 = tpu.memref_slice %arg8[%dma_start3A_680, %dma_start3A_685, %dma_start3A_686] : memref<2x1024x1024xf32, #tpu.memory_space<vmem>> -> memref<1x256x1024xf32, #tpu.memory_space<vmem>>
    %dma_start3A_688 = tpu.memref_squeeze %dma_start3A_687 : memref<1x256x1024xf32, #tpu.memory_space<vmem>> -> memref<256x1024xf32, #tpu.memory_space<vmem>>
    %dma_start3A_689 = arith.constant 4096 : i32
    %dma_start3A_690 = arith.constant 0 : i32
    %dma_start3A_691 = tpu.memref_slice %arg1[%dma_start3A_689, %dma_start3A_690] : memref<8192x1024xf32, #tpu.memory_space<any>> -> memref<256x1024xf32, #tpu.memory_space<any>>
    tpu.enqueue_dma source(%dma_start3A_691 : memref<256x1024xf32, #tpu.memory_space<any>>) target(%dma_start3A_688 : memref<256x1024xf32, #tpu.memory_space<vmem>>) target_semaphore(%dma_start3A_684 : memref<!tpu.dma_semaphore, #tpu.memory_space<semaphore_mem>>)
    %dma_start3A_692 = arith.constant 0 : i32
    %dma_start3A_693 = arith.constant 0 : i32
    %dma_start3A_694 = arith.constant 1 : i32
    %dma_start3A_695 = tpu.memref_slice %arg13[%dma_start3A_693, %dma_start3A_694] : memref<2x4x!tpu.dma_semaphore, #tpu.memory_space<semaphore_mem>> -> memref<1x1x!tpu.dma_semaphore, #tpu.memory_space<semaphore_mem>>
    %dma_start3A_696 = tpu.memref_squeeze %dma_start3A_695 : memref<1x1x!tpu.dma_semaphore, #tpu.memory_space<semaphore_mem>> -> memref<!tpu.dma_semaphore, #tpu.memory_space<semaphore_mem>>
    %dma_start3A_697 = arith.constant 256 : i32
    %dma_start3A_698 = arith.constant 0 : i32
    %dma_start3A_699 = tpu.memref_slice %arg8[%dma_start3A_692, %dma_start3A_697, %dma_start3A_698] : memref<2x1024x1024xf32, #tpu.memory_space<vmem>> -> memref<1x256x1024xf32, #tpu.memory_space<vmem>>
    %dma_start3A_700 = tpu.memref_squeeze %dma_start3A_699 : memref<1x256x1024xf32, #tpu.memory_space<vmem>> -> memref<256x1024xf32, #tpu.memory_space<vmem>>
    %dma_start3A_701 = arith.constant 4352 : i32
    %dma_start3A_702 = arith.constant 0 : i32
    %dma_start3A_703 = tpu.memref_slice %arg1[%dma_start3A_701, %dma_start3A_702] : memref<8192x1024xf32, #tpu.memory_space<any>> -> memref<256x1024xf32, #tpu.memory_space<any>>
    tpu.enqueue_dma source(%dma_start3A_703 : memref<256x1024xf32, #tpu.memory_space<any>>) target(%dma_start3A_700 : memref<256x1024xf32, #tpu.memory_space<vmem>>) target_semaphore(%dma_start3A_696 : memref<!tpu.dma_semaphore, #tpu.memory_space<semaphore_mem>>)
    %dma_start3A_704 = arith.constant 0 : i32
    %dma_start3A_705 = arith.constant 0 : i32
    %dma_start3A_706 = arith.constant 2 : i32
    %dma_start3A_707 = tpu.memref_slice %arg13[%dma_start3A_705, %dma_start3A_706] : memref<2x4x!tpu.dma_semaphore, #tpu.memory_space<semaphore_mem>> -> memref<1x1x!tpu.dma_semaphore, #tpu.memory_space<semaphore_mem>>
    %dma_start3A_708 = tpu.memref_squeeze %dma_start3A_707 : memref<1x1x!tpu.dma_semaphore, #tpu.memory_space<semaphore_mem>> -> memref<!tpu.dma_semaphore, #tpu.memory_space<semaphore_mem>>
    %dma_start3A_709 = arith.constant 512 : i32
    %dma_start3A_710 = arith.constant 0 : i32
    %dma_start3A_711 = tpu.memref_slice %arg8[%dma_start3A_704, %dma_start3A_709, %dma_start3A_710] : memref<2x1024x1024xf32, #tpu.memory_space<vmem>> -> memref<1x256x1024xf32, #tpu.memory_space<vmem>>
    %dma_start3A_712 = tpu.memref_squeeze %dma_start3A_711 : memref<1x256x1024xf32, #tpu.memory_space<vmem>> -> memref<256x1024xf32, #tpu.memory_space<vmem>>
    %dma_start3A_713 = arith.constant 4608 : i32
    %dma_start3A_714 = arith.constant 0 : i32
    %dma_start3A_715 = tpu.memref_slice %arg1[%dma_start3A_713, %dma_start3A_714] : memref<8192x1024xf32, #tpu.memory_space<any>> -> memref<256x1024xf32, #tpu.memory_space<any>>
    tpu.enqueue_dma source(%dma_start3A_715 : memref<256x1024xf32, #tpu.memory_space<any>>) target(%dma_start3A_712 : memref<256x1024xf32, #tpu.memory_space<vmem>>) target_semaphore(%dma_start3A_708 : memref<!tpu.dma_semaphore, #tpu.memory_space<semaphore_mem>>)
    %dma_start3A_716 = arith.constant 0 : i32
    %dma_start3A_717 = arith.constant 0 : i32
    %dma_start3A_718 = arith.constant 3 : i32
    %dma_start3A_719 = tpu.memref_slice %arg13[%dma_start3A_717, %dma_start3A_718] : memref<2x4x!tpu.dma_semaphore, #tpu.memory_space<semaphore_mem>> -> memref<1x1x!tpu.dma_semaphore, #tpu.memory_space<semaphore_mem>>
    %dma_start3A_720 = tpu.memref_squeeze %dma_start3A_719 : memref<1x1x!tpu.dma_semaphore, #tpu.memory_space<semaphore_mem>> -> memref<!tpu.dma_semaphore, #tpu.memory_space<semaphore_mem>>
    %dma_start3A_721 = arith.constant 768 : i32
    %dma_start3A_722 = arith.constant 0 : i32
    %dma_start3A_723 = tpu.memref_slice %arg8[%dma_start3A_716, %dma_start3A_721, %dma_start3A_722] : memref<2x1024x1024xf32, #tpu.memory_space<vmem>> -> memref<1x256x1024xf32, #tpu.memory_space<vmem>>
    %dma_start3A_724 = tpu.memref_squeeze %dma_start3A_723 : memref<1x256x1024xf32, #tpu.memory_space<vmem>> -> memref<256x1024xf32, #tpu.memory_space<vmem>>
    %dma_start3A_725 = arith.constant 4864 : i32
    %dma_start3A_726 = arith.constant 0 : i32
    %dma_start3A_727 = tpu.memref_slice %arg1[%dma_start3A_725, %dma_start3A_726] : memref<8192x1024xf32, #tpu.memory_space<any>> -> memref<256x1024xf32, #tpu.memory_space<any>>
    tpu.enqueue_dma source(%dma_start3A_727 : memref<256x1024xf32, #tpu.memory_space<any>>) target(%dma_start3A_724 : memref<256x1024xf32, #tpu.memory_space<vmem>>) target_semaphore(%dma_start3A_720 : memref<!tpu.dma_semaphore, #tpu.memory_space<semaphore_mem>>)
    %dma_wait3A_728 = arith.constant 1 : i32
    %dma_wait3A_729 = arith.constant 1 : i32
    %dma_wait3A_730 = arith.constant 0 : i32
    %dma_wait3A_731 = tpu.memref_slice %arg13[%dma_wait3A_729, %dma_wait3A_730] : memref<2x4x!tpu.dma_semaphore, #tpu.memory_space<semaphore_mem>> -> memref<1x1x!tpu.dma_semaphore, #tpu.memory_space<semaphore_mem>>
    %dma_wait3A_732 = tpu.memref_squeeze %dma_wait3A_731 : memref<1x1x!tpu.dma_semaphore, #tpu.memory_space<semaphore_mem>> -> memref<!tpu.dma_semaphore, #tpu.memory_space<semaphore_mem>>
    %dma_wait3A_733 = arith.constant 0 : i32
    %dma_wait3A_734 = arith.constant 0 : i32
    %dma_wait3A_735 = tpu.memref_slice %arg8[%dma_wait3A_728, %dma_wait3A_733, %dma_wait3A_734] : memref<2x1024x1024xf32, #tpu.memory_space<vmem>> -> memref<1x256x1024xf32, #tpu.memory_space<vmem>>
    %dma_wait3A_736 = tpu.memref_squeeze %dma_wait3A_735 : memref<1x256x1024xf32, #tpu.memory_space<vmem>> -> memref<256x1024xf32, #tpu.memory_space<vmem>>
    %dma_wait3A_737 = arith.constant 3072 : i32
    %dma_wait3A_738 = arith.constant 0 : i32
    %dma_wait3A_739 = tpu.memref_slice %arg1[%dma_wait3A_737, %dma_wait3A_738] : memref<8192x1024xf32, #tpu.memory_space<any>> -> memref<256x1024xf32, #tpu.memory_space<any>>
    tpu.wait_dma2 semaphore(%dma_wait3A_732 : memref<!tpu.dma_semaphore, #tpu.memory_space<semaphore_mem>>) src(%dma_wait3A_739 : memref<256x1024xf32, #tpu.memory_space<any>>) dst(%dma_wait3A_736 : memref<256x1024xf32, #tpu.memory_space<vmem>>)
    %dma_wait3A_740 = arith.constant 1 : i32
    %dma_wait3A_741 = arith.constant 1 : i32
    %dma_wait3A_742 = arith.constant 1 : i32
    %dma_wait3A_743 = tpu.memref_slice %arg13[%dma_wait3A_741, %dma_wait3A_742] : memref<2x4x!tpu.dma_semaphore, #tpu.memory_space<semaphore_mem>> -> memref<1x1x!tpu.dma_semaphore, #tpu.memory_space<semaphore_mem>>
    %dma_wait3A_744 = tpu.memref_squeeze %dma_wait3A_743 : memref<1x1x!tpu.dma_semaphore, #tpu.memory_space<semaphore_mem>> -> memref<!tpu.dma_semaphore, #tpu.memory_space<semaphore_mem>>
    %dma_wait3A_745 = arith.constant 256 : i32
    %dma_wait3A_746 = arith.constant 0 : i32
    %dma_wait3A_747 = tpu.memref_slice %arg8[%dma_wait3A_740, %dma_wait3A_745, %dma_wait3A_746] : memref<2x1024x1024xf32, #tpu.memory_space<vmem>> -> memref<1x256x1024xf32, #tpu.memory_space<vmem>>
    %dma_wait3A_748 = tpu.memref_squeeze %dma_wait3A_747 : memref<1x256x1024xf32, #tpu.memory_space<vmem>> -> memref<256x1024xf32, #tpu.memory_space<vmem>>
    %dma_wait3A_749 = arith.constant 3328 : i32
    %dma_wait3A_750 = arith.constant 0 : i32
    %dma_wait3A_751 = tpu.memref_slice %arg1[%dma_wait3A_749, %dma_wait3A_750] : memref<8192x1024xf32, #tpu.memory_space<any>> -> memref<256x1024xf32, #tpu.memory_space<any>>
    tpu.wait_dma2 semaphore(%dma_wait3A_744 : memref<!tpu.dma_semaphore, #tpu.memory_space<semaphore_mem>>) src(%dma_wait3A_751 : memref<256x1024xf32, #tpu.memory_space<any>>) dst(%dma_wait3A_748 : memref<256x1024xf32, #tpu.memory_space<vmem>>)
    %dma_wait3A_752 = arith.constant 1 : i32
    %dma_wait3A_753 = arith.constant 1 : i32
    %dma_wait3A_754 = arith.constant 2 : i32
    %dma_wait3A_755 = tpu.memref_slice %arg13[%dma_wait3A_753, %dma_wait3A_754] : memref<2x4x!tpu.dma_semaphore, #tpu.memory_space<semaphore_mem>> -> memref<1x1x!tpu.dma_semaphore, #tpu.memory_space<semaphore_mem>>
    %dma_wait3A_756 = tpu.memref_squeeze %dma_wait3A_755 : memref<1x1x!tpu.dma_semaphore, #tpu.memory_space<semaphore_mem>> -> memref<!tpu.dma_semaphore, #tpu.memory_space<semaphore_mem>>
    %dma_wait3A_757 = arith.constant 512 : i32
    %dma_wait3A_758 = arith.constant 0 : i32
    %dma_wait3A_759 = tpu.memref_slice %arg8[%dma_wait3A_752, %dma_wait3A_757, %dma_wait3A_758] : memref<2x1024x1024xf32, #tpu.memory_space<vmem>> -> memref<1x256x1024xf32, #tpu.memory_space<vmem>>
    %dma_wait3A_760 = tpu.memref_squeeze %dma_wait3A_759 : memref<1x256x1024xf32, #tpu.memory_space<vmem>> -> memref<256x1024xf32, #tpu.memory_space<vmem>>
    %dma_wait3A_761 = arith.constant 3584 : i32
    %dma_wait3A_762 = arith.constant 0 : i32
    %dma_wait3A_763 = tpu.memref_slice %arg1[%dma_wait3A_761, %dma_wait3A_762] : memref<8192x1024xf32, #tpu.memory_space<any>> -> memref<256x1024xf32, #tpu.memory_space<any>>
    tpu.wait_dma2 semaphore(%dma_wait3A_756 : memref<!tpu.dma_semaphore, #tpu.memory_space<semaphore_mem>>) src(%dma_wait3A_763 : memref<256x1024xf32, #tpu.memory_space<any>>) dst(%dma_wait3A_760 : memref<256x1024xf32, #tpu.memory_space<vmem>>)
    %dma_wait3A_764 = arith.constant 1 : i32
    %dma_wait3A_765 = arith.constant 1 : i32
    %dma_wait3A_766 = arith.constant 3 : i32
    %dma_wait3A_767 = tpu.memref_slice %arg13[%dma_wait3A_765, %dma_wait3A_766] : memref<2x4x!tpu.dma_semaphore, #tpu.memory_space<semaphore_mem>> -> memref<1x1x!tpu.dma_semaphore, #tpu.memory_space<semaphore_mem>>
    %dma_wait3A_768 = tpu.memref_squeeze %dma_wait3A_767 : memref<1x1x!tpu.dma_semaphore, #tpu.memory_space<semaphore_mem>> -> memref<!tpu.dma_semaphore, #tpu.memory_space<semaphore_mem>>
    %dma_wait3A_769 = arith.constant 768 : i32
    %dma_wait3A_770 = arith.constant 0 : i32
    %dma_wait3A_771 = tpu.memref_slice %arg8[%dma_wait3A_764, %dma_wait3A_769, %dma_wait3A_770] : memref<2x1024x1024xf32, #tpu.memory_space<vmem>> -> memref<1x256x1024xf32, #tpu.memory_space<vmem>>
    %dma_wait3A_772 = tpu.memref_squeeze %dma_wait3A_771 : memref<1x256x1024xf32, #tpu.memory_space<vmem>> -> memref<256x1024xf32, #tpu.memory_space<vmem>>
    %dma_wait3A_773 = arith.constant 3840 : i32
    %dma_wait3A_774 = arith.constant 0 : i32
    %dma_wait3A_775 = tpu.memref_slice %arg1[%dma_wait3A_773, %dma_wait3A_774] : memref<8192x1024xf32, #tpu.memory_space<any>> -> memref<256x1024xf32, #tpu.memory_space<any>>
    tpu.wait_dma2 semaphore(%dma_wait3A_768 : memref<!tpu.dma_semaphore, #tpu.memory_space<semaphore_mem>>) src(%dma_wait3A_775 : memref<256x1024xf32, #tpu.memory_space<any>>) dst(%dma_wait3A_772 : memref<256x1024xf32, #tpu.memory_space<vmem>>)
    %dma_wait3A_776 = arith.constant 1 : i32
    %dma_wait3A_777 = arith.constant 1 : i32
    %dma_wait3A_778 = tpu.memref_slice %arg14[%dma_wait3A_777] : memref<2x!tpu.dma_semaphore, #tpu.memory_space<semaphore_mem>> -> memref<1x!tpu.dma_semaphore, #tpu.memory_space<semaphore_mem>>
    %dma_wait3A_779 = tpu.memref_squeeze %dma_wait3A_778 : memref<1x!tpu.dma_semaphore, #tpu.memory_space<semaphore_mem>> -> memref<!tpu.dma_semaphore, #tpu.memory_space<semaphore_mem>>
    %dma_wait3A_780 = arith.constant 1024 : i32
    %dma_wait3A_781 = arith.constant 0 : i32
    %dma_wait3A_782 = tpu.memref_slice %arg4[%dma_wait3A_780, %dma_wait3A_781] : memref<8192x128xf32, #tpu.memory_space<any>> -> memref<1024x128xf32, #tpu.memory_space<any>>
    %dma_wait3A_783 = arith.constant 0 : i32
    %dma_wait3A_784 = arith.constant 0 : i32
    %dma_wait3A_785 = tpu.memref_slice %arg9[%dma_wait3A_776, %dma_wait3A_783, %dma_wait3A_784] : memref<2x1024x128xf32, #tpu.memory_space<vmem>> -> memref<1x1024x128xf32, #tpu.memory_space<vmem>>
    %dma_wait3A_786 = tpu.memref_squeeze %dma_wait3A_785 : memref<1x1024x128xf32, #tpu.memory_space<vmem>> -> memref<1024x128xf32, #tpu.memory_space<vmem>>
    tpu.wait_dma2 semaphore(%dma_wait3A_779 : memref<!tpu.dma_semaphore, #tpu.memory_space<semaphore_mem>>) src(%dma_wait3A_786 : memref<1024x128xf32, #tpu.memory_space<vmem>>) dst(%dma_wait3A_782 : memref<1024x128xf32, #tpu.memory_space<any>>)
    %get3A_787 = arith.constant 1 : index
    %get3A_788 = arith.constant 0 : index
    %get3A_789 = arith.constant 0 : index
    %get3A_790 = vector.load %arg8[%get3A_787, %get3A_788, %get3A_789] : memref<2x1024x1024xf32, #tpu.memory_space<vmem>>, vector<1x1024x1024xf32>
    %get3A_791 = vector.shape_cast %get3A_790 : vector<1x1024x1024xf32> to vector<1024x1024xf32>
    %convert_element_type3A_792 = arith.truncf %get3A_791 : vector<1024x1024xf32> to vector<1024x1024xbf16>
    %dot_general3A_793 = arith.constant dense<0.000000e+00> : vector<1024x1024xf32>
    %dot_general3A_794 = tpu.matmul %convert_element_type3A_792, %convert_element_type3A, %dot_general3A_793 {dimension_numbers = #tpu.dot_dimension_numbers<[1], [0], [0], [1], [0, 0, 1, 1], [], []>, transpose_lhs_hint = false} : vector<1024x1024xbf16>, vector<1024x1024xbf16>, vector<1024x1024xf32> -> vector<1024x1024xf32>
    %get3A_795 = arith.constant 0 : index
    %get3A_796 = arith.constant 0 : index
    %get3A_797 = vector.load %arg6[%get3A_795, %get3A_796] : memref<1x1024xf32, #tpu.memory_space<vmem>>, vector<1x1024xf32>
    %add3A_798 = vector.broadcast %get3A_797 : vector<1x1024xf32> to vector<1024x1024xf32>
    %add3A_799 = arith.addf %dot_general3A_794, %add3A_798 : vector<1024x1024xf32>
    %get3A_800 = arith.constant 0 : index
    %get3A_801 = arith.constant 3072 : index
    %get3A_802 = vector.load %arg7[%get3A_800, %get3A_801] : memref<1x8192xi32, #tpu.memory_space<vmem>>, vector<1x1024xi32>
    %get3A_803 = vector.shape_cast %get3A_802 : vector<1x1024xi32> to vector<1024xi32>
    %eq3A_804 = arith.constant 0 : i32
    %eq3A_805 = vector.broadcast %eq3A_804 : i32 to vector<1024xi32>
    %eq3A_806 = arith.cmpi eq, %get3A_803, %eq3A_805 : vector<1024xi32>
    %convert_element_type3A_807 = arith.extui %eq3A_806 : vector<1024xi1> to vector<1024xi32>
    %convert_element_type3A_808 = arith.sitofp %convert_element_type3A_807 : vector<1024xi32> to vector<1024xf32>
    %broadcast_in_dim3A_809 = vector.shape_cast %convert_element_type3A_808 : vector<1024xf32> to vector<1024x1xf32>
    %slice3A_810 = vector.extract_strided_slice %add3A_799 {offsets = [0, 0], sizes = [1024, 128], strides = [1, 1]} : vector<1024x1024xf32> to vector<1024x128xf32>
    %mul3A_811 = vector.broadcast %broadcast_in_dim3A_809 : vector<1024x1xf32> to vector<1024x128xf32>
    %mul3A_812 = arith.mulf %slice3A_810, %mul3A_811 : vector<1024x128xf32>
    %eq3A_813 = arith.constant 1 : i32
    %eq3A_814 = vector.broadcast %eq3A_813 : i32 to vector<1024xi32>
    %eq3A_815 = arith.cmpi eq, %get3A_803, %eq3A_814 : vector<1024xi32>
    %convert_element_type3A_816 = arith.extui %eq3A_815 : vector<1024xi1> to vector<1024xi32>
    %convert_element_type3A_817 = arith.sitofp %convert_element_type3A_816 : vector<1024xi32> to vector<1024xf32>
    %broadcast_in_dim3A_818 = vector.shape_cast %convert_element_type3A_817 : vector<1024xf32> to vector<1024x1xf32>
    %slice3A_819 = vector.extract_strided_slice %add3A_799 {offsets = [0, 128], sizes = [1024, 128], strides = [1, 1]} : vector<1024x1024xf32> to vector<1024x128xf32>
    %mul3A_820 = vector.broadcast %broadcast_in_dim3A_818 : vector<1024x1xf32> to vector<1024x128xf32>
    %mul3A_821 = arith.mulf %slice3A_819, %mul3A_820 : vector<1024x128xf32>
    %add3A_822 = arith.addf %mul3A_812, %mul3A_821 : vector<1024x128xf32>
    %eq3A_823 = arith.constant 2 : i32
    %eq3A_824 = vector.broadcast %eq3A_823 : i32 to vector<1024xi32>
    %eq3A_825 = arith.cmpi eq, %get3A_803, %eq3A_824 : vector<1024xi32>
    %convert_element_type3A_826 = arith.extui %eq3A_825 : vector<1024xi1> to vector<1024xi32>
    %convert_element_type3A_827 = arith.sitofp %convert_element_type3A_826 : vector<1024xi32> to vector<1024xf32>
    %broadcast_in_dim3A_828 = vector.shape_cast %convert_element_type3A_827 : vector<1024xf32> to vector<1024x1xf32>
    %slice3A_829 = vector.extract_strided_slice %add3A_799 {offsets = [0, 256], sizes = [1024, 128], strides = [1, 1]} : vector<1024x1024xf32> to vector<1024x128xf32>
    %mul3A_830 = vector.broadcast %broadcast_in_dim3A_828 : vector<1024x1xf32> to vector<1024x128xf32>
    %mul3A_831 = arith.mulf %slice3A_829, %mul3A_830 : vector<1024x128xf32>
    %add3A_832 = arith.addf %add3A_822, %mul3A_831 : vector<1024x128xf32>
    %eq3A_833 = arith.constant 3 : i32
    %eq3A_834 = vector.broadcast %eq3A_833 : i32 to vector<1024xi32>
    %eq3A_835 = arith.cmpi eq, %get3A_803, %eq3A_834 : vector<1024xi32>
    %convert_element_type3A_836 = arith.extui %eq3A_835 : vector<1024xi1> to vector<1024xi32>
    %convert_element_type3A_837 = arith.sitofp %convert_element_type3A_836 : vector<1024xi32> to vector<1024xf32>
    %broadcast_in_dim3A_838 = vector.shape_cast %convert_element_type3A_837 : vector<1024xf32> to vector<1024x1xf32>
    %slice3A_839 = vector.extract_strided_slice %add3A_799 {offsets = [0, 384], sizes = [1024, 128], strides = [1, 1]} : vector<1024x1024xf32> to vector<1024x128xf32>
    %mul3A_840 = vector.broadcast %broadcast_in_dim3A_838 : vector<1024x1xf32> to vector<1024x128xf32>
    %mul3A_841 = arith.mulf %slice3A_839, %mul3A_840 : vector<1024x128xf32>
    %add3A_842 = arith.addf %add3A_832, %mul3A_841 : vector<1024x128xf32>
    %eq3A_843 = arith.constant 4 : i32
    %eq3A_844 = vector.broadcast %eq3A_843 : i32 to vector<1024xi32>
    %eq3A_845 = arith.cmpi eq, %get3A_803, %eq3A_844 : vector<1024xi32>
    %convert_element_type3A_846 = arith.extui %eq3A_845 : vector<1024xi1> to vector<1024xi32>
    %convert_element_type3A_847 = arith.sitofp %convert_element_type3A_846 : vector<1024xi32> to vector<1024xf32>
    %broadcast_in_dim3A_848 = vector.shape_cast %convert_element_type3A_847 : vector<1024xf32> to vector<1024x1xf32>
    %slice3A_849 = vector.extract_strided_slice %add3A_799 {offsets = [0, 512], sizes = [1024, 128], strides = [1, 1]} : vector<1024x1024xf32> to vector<1024x128xf32>
    %mul3A_850 = vector.broadcast %broadcast_in_dim3A_848 : vector<1024x1xf32> to vector<1024x128xf32>
    %mul3A_851 = arith.mulf %slice3A_849, %mul3A_850 : vector<1024x128xf32>
    %add3A_852 = arith.addf %add3A_842, %mul3A_851 : vector<1024x128xf32>
    %eq3A_853 = arith.constant 5 : i32
    %eq3A_854 = vector.broadcast %eq3A_853 : i32 to vector<1024xi32>
    %eq3A_855 = arith.cmpi eq, %get3A_803, %eq3A_854 : vector<1024xi32>
    %convert_element_type3A_856 = arith.extui %eq3A_855 : vector<1024xi1> to vector<1024xi32>
    %convert_element_type3A_857 = arith.sitofp %convert_element_type3A_856 : vector<1024xi32> to vector<1024xf32>
    %broadcast_in_dim3A_858 = vector.shape_cast %convert_element_type3A_857 : vector<1024xf32> to vector<1024x1xf32>
    %slice3A_859 = vector.extract_strided_slice %add3A_799 {offsets = [0, 640], sizes = [1024, 128], strides = [1, 1]} : vector<1024x1024xf32> to vector<1024x128xf32>
    %mul3A_860 = vector.broadcast %broadcast_in_dim3A_858 : vector<1024x1xf32> to vector<1024x128xf32>
    %mul3A_861 = arith.mulf %slice3A_859, %mul3A_860 : vector<1024x128xf32>
    %add3A_862 = arith.addf %add3A_852, %mul3A_861 : vector<1024x128xf32>
    %eq3A_863 = arith.constant 6 : i32
    %eq3A_864 = vector.broadcast %eq3A_863 : i32 to vector<1024xi32>
    %eq3A_865 = arith.cmpi eq, %get3A_803, %eq3A_864 : vector<1024xi32>
    %convert_element_type3A_866 = arith.extui %eq3A_865 : vector<1024xi1> to vector<1024xi32>
    %convert_element_type3A_867 = arith.sitofp %convert_element_type3A_866 : vector<1024xi32> to vector<1024xf32>
    %broadcast_in_dim3A_868 = vector.shape_cast %convert_element_type3A_867 : vector<1024xf32> to vector<1024x1xf32>
    %slice3A_869 = vector.extract_strided_slice %add3A_799 {offsets = [0, 768], sizes = [1024, 128], strides = [1, 1]} : vector<1024x1024xf32> to vector<1024x128xf32>
    %mul3A_870 = vector.broadcast %broadcast_in_dim3A_868 : vector<1024x1xf32> to vector<1024x128xf32>
    %mul3A_871 = arith.mulf %slice3A_869, %mul3A_870 : vector<1024x128xf32>
    %add3A_872 = arith.addf %add3A_862, %mul3A_871 : vector<1024x128xf32>
    %eq3A_873 = arith.constant 7 : i32
    %eq3A_874 = vector.broadcast %eq3A_873 : i32 to vector<1024xi32>
    %eq3A_875 = arith.cmpi eq, %get3A_803, %eq3A_874 : vector<1024xi32>
    %convert_element_type3A_876 = arith.extui %eq3A_875 : vector<1024xi1> to vector<1024xi32>
    %convert_element_type3A_877 = arith.sitofp %convert_element_type3A_876 : vector<1024xi32> to vector<1024xf32>
    %broadcast_in_dim3A_878 = vector.shape_cast %convert_element_type3A_877 : vector<1024xf32> to vector<1024x1xf32>
    %slice3A_879 = vector.extract_strided_slice %add3A_799 {offsets = [0, 896], sizes = [1024, 128], strides = [1, 1]} : vector<1024x1024xf32> to vector<1024x128xf32>
    %mul3A_880 = vector.broadcast %broadcast_in_dim3A_878 : vector<1024x1xf32> to vector<1024x128xf32>
    %mul3A_881 = arith.mulf %slice3A_879, %mul3A_880 : vector<1024x128xf32>
    %add3A_882 = arith.addf %add3A_872, %mul3A_881 : vector<1024x128xf32>
    %swap3A_883 = arith.constant 1 : index
    %swap3A_884 = arith.constant 0 : index
    %swap3A_885 = arith.constant 0 : index
    %swap3A_886 = vector.load %arg9[%swap3A_883, %swap3A_884, %swap3A_885] : memref<2x1024x128xf32, #tpu.memory_space<vmem>>, vector<1x1024x128xf32>
    %swap3A_887 = vector.shape_cast %swap3A_886 : vector<1x1024x128xf32> to vector<1024x128xf32>
    %swap3A_888 = vector.shape_cast %add3A_882 : vector<1024x128xf32> to vector<1x1024x128xf32>
    tpu.vector_store %arg9[%swap3A_883, %swap3A_884, %swap3A_885], %swap3A_888 {strides = array<i32>} : memref<2x1024x128xf32, #tpu.memory_space<vmem>>, vector<1x1024x128xf32>,
    %dma_start3A_889 = arith.constant 1 : i32
    %dma_start3A_890 = arith.constant 1 : i32
    %dma_start3A_891 = tpu.memref_slice %arg14[%dma_start3A_890] : memref<2x!tpu.dma_semaphore, #tpu.memory_space<semaphore_mem>> -> memref<1x!tpu.dma_semaphore, #tpu.memory_space<semaphore_mem>>
    %dma_start3A_892 = tpu.memref_squeeze %dma_start3A_891 : memref<1x!tpu.dma_semaphore, #tpu.memory_space<semaphore_mem>> -> memref<!tpu.dma_semaphore, #tpu.memory_space<semaphore_mem>>
    %dma_start3A_893 = arith.constant 3072 : i32
    %dma_start3A_894 = arith.constant 0 : i32
    %dma_start3A_895 = tpu.memref_slice %arg4[%dma_start3A_893, %dma_start3A_894] : memref<8192x128xf32, #tpu.memory_space<any>> -> memref<1024x128xf32, #tpu.memory_space<any>>
    %dma_start3A_896 = arith.constant 0 : i32
    %dma_start3A_897 = arith.constant 0 : i32
    %dma_start3A_898 = tpu.memref_slice %arg9[%dma_start3A_889, %dma_start3A_896, %dma_start3A_897] : memref<2x1024x128xf32, #tpu.memory_space<vmem>> -> memref<1x1024x128xf32, #tpu.memory_space<vmem>>
    %dma_start3A_899 = tpu.memref_squeeze %dma_start3A_898 : memref<1x1024x128xf32, #tpu.memory_space<vmem>> -> memref<1024x128xf32, #tpu.memory_space<vmem>>
    tpu.enqueue_dma source(%dma_start3A_899 : memref<1024x128xf32, #tpu.memory_space<vmem>>) target(%dma_start3A_895 : memref<1024x128xf32, #tpu.memory_space<any>>) target_semaphore(%dma_start3A_892 : memref<!tpu.dma_semaphore, #tpu.memory_space<semaphore_mem>>)
    %dma_start3A_900 = arith.constant 1 : i32
    %dma_start3A_901 = arith.constant 1 : i32
    %dma_start3A_902 = arith.constant 0 : i32
    %dma_start3A_903 = tpu.memref_slice %arg13[%dma_start3A_901, %dma_start3A_902] : memref<2x4x!tpu.dma_semaphore, #tpu.memory_space<semaphore_mem>> -> memref<1x1x!tpu.dma_semaphore, #tpu.memory_space<semaphore_mem>>
    %dma_start3A_904 = tpu.memref_squeeze %dma_start3A_903 : memref<1x1x!tpu.dma_semaphore, #tpu.memory_space<semaphore_mem>> -> memref<!tpu.dma_semaphore, #tpu.memory_space<semaphore_mem>>
    %dma_start3A_905 = arith.constant 0 : i32
    %dma_start3A_906 = arith.constant 0 : i32
    %dma_start3A_907 = tpu.memref_slice %arg8[%dma_start3A_900, %dma_start3A_905, %dma_start3A_906] : memref<2x1024x1024xf32, #tpu.memory_space<vmem>> -> memref<1x256x1024xf32, #tpu.memory_space<vmem>>
    %dma_start3A_908 = tpu.memref_squeeze %dma_start3A_907 : memref<1x256x1024xf32, #tpu.memory_space<vmem>> -> memref<256x1024xf32, #tpu.memory_space<vmem>>
    %dma_start3A_909 = arith.constant 5120 : i32
    %dma_start3A_910 = arith.constant 0 : i32
    %dma_start3A_911 = tpu.memref_slice %arg1[%dma_start3A_909, %dma_start3A_910] : memref<8192x1024xf32, #tpu.memory_space<any>> -> memref<256x1024xf32, #tpu.memory_space<any>>
    tpu.enqueue_dma source(%dma_start3A_911 : memref<256x1024xf32, #tpu.memory_space<any>>) target(%dma_start3A_908 : memref<256x1024xf32, #tpu.memory_space<vmem>>) target_semaphore(%dma_start3A_904 : memref<!tpu.dma_semaphore, #tpu.memory_space<semaphore_mem>>)
    %dma_start3A_912 = arith.constant 1 : i32
    %dma_start3A_913 = arith.constant 1 : i32
    %dma_start3A_914 = arith.constant 1 : i32
    %dma_start3A_915 = tpu.memref_slice %arg13[%dma_start3A_913, %dma_start3A_914] : memref<2x4x!tpu.dma_semaphore, #tpu.memory_space<semaphore_mem>> -> memref<1x1x!tpu.dma_semaphore, #tpu.memory_space<semaphore_mem>>
    %dma_start3A_916 = tpu.memref_squeeze %dma_start3A_915 : memref<1x1x!tpu.dma_semaphore, #tpu.memory_space<semaphore_mem>> -> memref<!tpu.dma_semaphore, #tpu.memory_space<semaphore_mem>>
    %dma_start3A_917 = arith.constant 256 : i32
    %dma_start3A_918 = arith.constant 0 : i32
    %dma_start3A_919 = tpu.memref_slice %arg8[%dma_start3A_912, %dma_start3A_917, %dma_start3A_918] : memref<2x1024x1024xf32, #tpu.memory_space<vmem>> -> memref<1x256x1024xf32, #tpu.memory_space<vmem>>
    %dma_start3A_920 = tpu.memref_squeeze %dma_start3A_919 : memref<1x256x1024xf32, #tpu.memory_space<vmem>> -> memref<256x1024xf32, #tpu.memory_space<vmem>>
    %dma_start3A_921 = arith.constant 5376 : i32
    %dma_start3A_922 = arith.constant 0 : i32
    %dma_start3A_923 = tpu.memref_slice %arg1[%dma_start3A_921, %dma_start3A_922] : memref<8192x1024xf32, #tpu.memory_space<any>> -> memref<256x1024xf32, #tpu.memory_space<any>>
    tpu.enqueue_dma source(%dma_start3A_923 : memref<256x1024xf32, #tpu.memory_space<any>>) target(%dma_start3A_920 : memref<256x1024xf32, #tpu.memory_space<vmem>>) target_semaphore(%dma_start3A_916 : memref<!tpu.dma_semaphore, #tpu.memory_space<semaphore_mem>>)
    %dma_start3A_924 = arith.constant 1 : i32
    %dma_start3A_925 = arith.constant 1 : i32
    %dma_start3A_926 = arith.constant 2 : i32
    %dma_start3A_927 = tpu.memref_slice %arg13[%dma_start3A_925, %dma_start3A_926] : memref<2x4x!tpu.dma_semaphore, #tpu.memory_space<semaphore_mem>> -> memref<1x1x!tpu.dma_semaphore, #tpu.memory_space<semaphore_mem>>
    %dma_start3A_928 = tpu.memref_squeeze %dma_start3A_927 : memref<1x1x!tpu.dma_semaphore, #tpu.memory_space<semaphore_mem>> -> memref<!tpu.dma_semaphore, #tpu.memory_space<semaphore_mem>>
    %dma_start3A_929 = arith.constant 512 : i32
    %dma_start3A_930 = arith.constant 0 : i32
    %dma_start3A_931 = tpu.memref_slice %arg8[%dma_start3A_924, %dma_start3A_929, %dma_start3A_930] : memref<2x1024x1024xf32, #tpu.memory_space<vmem>> -> memref<1x256x1024xf32, #tpu.memory_space<vmem>>
    %dma_start3A_932 = tpu.memref_squeeze %dma_start3A_931 : memref<1x256x1024xf32, #tpu.memory_space<vmem>> -> memref<256x1024xf32, #tpu.memory_space<vmem>>
    %dma_start3A_933 = arith.constant 5632 : i32
    %dma_start3A_934 = arith.constant 0 : i32
    %dma_start3A_935 = tpu.memref_slice %arg1[%dma_start3A_933, %dma_start3A_934] : memref<8192x1024xf32, #tpu.memory_space<any>> -> memref<256x1024xf32, #tpu.memory_space<any>>
    tpu.enqueue_dma source(%dma_start3A_935 : memref<256x1024xf32, #tpu.memory_space<any>>) target(%dma_start3A_932 : memref<256x1024xf32, #tpu.memory_space<vmem>>) target_semaphore(%dma_start3A_928 : memref<!tpu.dma_semaphore, #tpu.memory_space<semaphore_mem>>)
    %dma_start3A_936 = arith.constant 1 : i32
    %dma_start3A_937 = arith.constant 1 : i32
    %dma_start3A_938 = arith.constant 3 : i32
    %dma_start3A_939 = tpu.memref_slice %arg13[%dma_start3A_937, %dma_start3A_938] : memref<2x4x!tpu.dma_semaphore, #tpu.memory_space<semaphore_mem>> -> memref<1x1x!tpu.dma_semaphore, #tpu.memory_space<semaphore_mem>>
    %dma_start3A_940 = tpu.memref_squeeze %dma_start3A_939 : memref<1x1x!tpu.dma_semaphore, #tpu.memory_space<semaphore_mem>> -> memref<!tpu.dma_semaphore, #tpu.memory_space<semaphore_mem>>
    %dma_start3A_941 = arith.constant 768 : i32
    %dma_start3A_942 = arith.constant 0 : i32
    %dma_start3A_943 = tpu.memref_slice %arg8[%dma_start3A_936, %dma_start3A_941, %dma_start3A_942] : memref<2x1024x1024xf32, #tpu.memory_space<vmem>> -> memref<1x256x1024xf32, #tpu.memory_space<vmem>>
    %dma_start3A_944 = tpu.memref_squeeze %dma_start3A_943 : memref<1x256x1024xf32, #tpu.memory_space<vmem>> -> memref<256x1024xf32, #tpu.memory_space<vmem>>
    %dma_start3A_945 = arith.constant 5888 : i32
    %dma_start3A_946 = arith.constant 0 : i32
    %dma_start3A_947 = tpu.memref_slice %arg1[%dma_start3A_945, %dma_start3A_946] : memref<8192x1024xf32, #tpu.memory_space<any>> -> memref<256x1024xf32, #tpu.memory_space<any>>
    tpu.enqueue_dma source(%dma_start3A_947 : memref<256x1024xf32, #tpu.memory_space<any>>) target(%dma_start3A_944 : memref<256x1024xf32, #tpu.memory_space<vmem>>) target_semaphore(%dma_start3A_940 : memref<!tpu.dma_semaphore, #tpu.memory_space<semaphore_mem>>)
    %dma_wait3A_948 = arith.constant 0 : i32
    %dma_wait3A_949 = arith.constant 0 : i32
    %dma_wait3A_950 = arith.constant 0 : i32
    %dma_wait3A_951 = tpu.memref_slice %arg13[%dma_wait3A_949, %dma_wait3A_950] : memref<2x4x!tpu.dma_semaphore, #tpu.memory_space<semaphore_mem>> -> memref<1x1x!tpu.dma_semaphore, #tpu.memory_space<semaphore_mem>>
    %dma_wait3A_952 = tpu.memref_squeeze %dma_wait3A_951 : memref<1x1x!tpu.dma_semaphore, #tpu.memory_space<semaphore_mem>> -> memref<!tpu.dma_semaphore, #tpu.memory_space<semaphore_mem>>
    %dma_wait3A_953 = arith.constant 0 : i32
    %dma_wait3A_954 = arith.constant 0 : i32
    %dma_wait3A_955 = tpu.memref_slice %arg8[%dma_wait3A_948, %dma_wait3A_953, %dma_wait3A_954] : memref<2x1024x1024xf32, #tpu.memory_space<vmem>> -> memref<1x256x1024xf32, #tpu.memory_space<vmem>>
    %dma_wait3A_956 = tpu.memref_squeeze %dma_wait3A_955 : memref<1x256x1024xf32, #tpu.memory_space<vmem>> -> memref<256x1024xf32, #tpu.memory_space<vmem>>
    %dma_wait3A_957 = arith.constant 4096 : i32
    %dma_wait3A_958 = arith.constant 0 : i32
    %dma_wait3A_959 = tpu.memref_slice %arg1[%dma_wait3A_957, %dma_wait3A_958] : memref<8192x1024xf32, #tpu.memory_space<any>> -> memref<256x1024xf32, #tpu.memory_space<any>>
    tpu.wait_dma2 semaphore(%dma_wait3A_952 : memref<!tpu.dma_semaphore, #tpu.memory_space<semaphore_mem>>) src(%dma_wait3A_959 : memref<256x1024xf32, #tpu.memory_space<any>>) dst(%dma_wait3A_956 : memref<256x1024xf32, #tpu.memory_space<vmem>>)
    %dma_wait3A_960 = arith.constant 0 : i32
    %dma_wait3A_961 = arith.constant 0 : i32
    %dma_wait3A_962 = arith.constant 1 : i32
    %dma_wait3A_963 = tpu.memref_slice %arg13[%dma_wait3A_961, %dma_wait3A_962] : memref<2x4x!tpu.dma_semaphore, #tpu.memory_space<semaphore_mem>> -> memref<1x1x!tpu.dma_semaphore, #tpu.memory_space<semaphore_mem>>
    %dma_wait3A_964 = tpu.memref_squeeze %dma_wait3A_963 : memref<1x1x!tpu.dma_semaphore, #tpu.memory_space<semaphore_mem>> -> memref<!tpu.dma_semaphore, #tpu.memory_space<semaphore_mem>>
    %dma_wait3A_965 = arith.constant 256 : i32
    %dma_wait3A_966 = arith.constant 0 : i32
    %dma_wait3A_967 = tpu.memref_slice %arg8[%dma_wait3A_960, %dma_wait3A_965, %dma_wait3A_966] : memref<2x1024x1024xf32, #tpu.memory_space<vmem>> -> memref<1x256x1024xf32, #tpu.memory_space<vmem>>
    %dma_wait3A_968 = tpu.memref_squeeze %dma_wait3A_967 : memref<1x256x1024xf32, #tpu.memory_space<vmem>> -> memref<256x1024xf32, #tpu.memory_space<vmem>>
    %dma_wait3A_969 = arith.constant 4352 : i32
    %dma_wait3A_970 = arith.constant 0 : i32
    %dma_wait3A_971 = tpu.memref_slice %arg1[%dma_wait3A_969, %dma_wait3A_970] : memref<8192x1024xf32, #tpu.memory_space<any>> -> memref<256x1024xf32, #tpu.memory_space<any>>
    tpu.wait_dma2 semaphore(%dma_wait3A_964 : memref<!tpu.dma_semaphore, #tpu.memory_space<semaphore_mem>>) src(%dma_wait3A_971 : memref<256x1024xf32, #tpu.memory_space<any>>) dst(%dma_wait3A_968 : memref<256x1024xf32, #tpu.memory_space<vmem>>)
    %dma_wait3A_972 = arith.constant 0 : i32
    %dma_wait3A_973 = arith.constant 0 : i32
    %dma_wait3A_974 = arith.constant 2 : i32
    %dma_wait3A_975 = tpu.memref_slice %arg13[%dma_wait3A_973, %dma_wait3A_974] : memref<2x4x!tpu.dma_semaphore, #tpu.memory_space<semaphore_mem>> -> memref<1x1x!tpu.dma_semaphore, #tpu.memory_space<semaphore_mem>>
    %dma_wait3A_976 = tpu.memref_squeeze %dma_wait3A_975 : memref<1x1x!tpu.dma_semaphore, #tpu.memory_space<semaphore_mem>> -> memref<!tpu.dma_semaphore, #tpu.memory_space<semaphore_mem>>
    %dma_wait3A_977 = arith.constant 512 : i32
    %dma_wait3A_978 = arith.constant 0 : i32
    %dma_wait3A_979 = tpu.memref_slice %arg8[%dma_wait3A_972, %dma_wait3A_977, %dma_wait3A_978] : memref<2x1024x1024xf32, #tpu.memory_space<vmem>> -> memref<1x256x1024xf32, #tpu.memory_space<vmem>>
    %dma_wait3A_980 = tpu.memref_squeeze %dma_wait3A_979 : memref<1x256x1024xf32, #tpu.memory_space<vmem>> -> memref<256x1024xf32, #tpu.memory_space<vmem>>
    %dma_wait3A_981 = arith.constant 4608 : i32
    %dma_wait3A_982 = arith.constant 0 : i32
    %dma_wait3A_983 = tpu.memref_slice %arg1[%dma_wait3A_981, %dma_wait3A_982] : memref<8192x1024xf32, #tpu.memory_space<any>> -> memref<256x1024xf32, #tpu.memory_space<any>>
    tpu.wait_dma2 semaphore(%dma_wait3A_976 : memref<!tpu.dma_semaphore, #tpu.memory_space<semaphore_mem>>) src(%dma_wait3A_983 : memref<256x1024xf32, #tpu.memory_space<any>>) dst(%dma_wait3A_980 : memref<256x1024xf32, #tpu.memory_space<vmem>>)
    %dma_wait3A_984 = arith.constant 0 : i32
    %dma_wait3A_985 = arith.constant 0 : i32
    %dma_wait3A_986 = arith.constant 3 : i32
    %dma_wait3A_987 = tpu.memref_slice %arg13[%dma_wait3A_985, %dma_wait3A_986] : memref<2x4x!tpu.dma_semaphore, #tpu.memory_space<semaphore_mem>> -> memref<1x1x!tpu.dma_semaphore, #tpu.memory_space<semaphore_mem>>
    %dma_wait3A_988 = tpu.memref_squeeze %dma_wait3A_987 : memref<1x1x!tpu.dma_semaphore, #tpu.memory_space<semaphore_mem>> -> memref<!tpu.dma_semaphore, #tpu.memory_space<semaphore_mem>>
    %dma_wait3A_989 = arith.constant 768 : i32
    %dma_wait3A_990 = arith.constant 0 : i32
    %dma_wait3A_991 = tpu.memref_slice %arg8[%dma_wait3A_984, %dma_wait3A_989, %dma_wait3A_990] : memref<2x1024x1024xf32, #tpu.memory_space<vmem>> -> memref<1x256x1024xf32, #tpu.memory_space<vmem>>
    %dma_wait3A_992 = tpu.memref_squeeze %dma_wait3A_991 : memref<1x256x1024xf32, #tpu.memory_space<vmem>> -> memref<256x1024xf32, #tpu.memory_space<vmem>>
    %dma_wait3A_993 = arith.constant 4864 : i32
    %dma_wait3A_994 = arith.constant 0 : i32
    %dma_wait3A_995 = tpu.memref_slice %arg1[%dma_wait3A_993, %dma_wait3A_994] : memref<8192x1024xf32, #tpu.memory_space<any>> -> memref<256x1024xf32, #tpu.memory_space<any>>
    tpu.wait_dma2 semaphore(%dma_wait3A_988 : memref<!tpu.dma_semaphore, #tpu.memory_space<semaphore_mem>>) src(%dma_wait3A_995 : memref<256x1024xf32, #tpu.memory_space<any>>) dst(%dma_wait3A_992 : memref<256x1024xf32, #tpu.memory_space<vmem>>)
    %dma_wait3A_996 = arith.constant 0 : i32
    %dma_wait3A_997 = arith.constant 0 : i32
    %dma_wait3A_998 = tpu.memref_slice %arg14[%dma_wait3A_997] : memref<2x!tpu.dma_semaphore, #tpu.memory_space<semaphore_mem>> -> memref<1x!tpu.dma_semaphore, #tpu.memory_space<semaphore_mem>>
    %dma_wait3A_999 = tpu.memref_squeeze %dma_wait3A_998 : memref<1x!tpu.dma_semaphore, #tpu.memory_space<semaphore_mem>> -> memref<!tpu.dma_semaphore, #tpu.memory_space<semaphore_mem>>
    %dma_wait3A_1000 = arith.constant 2048 : i32
    %dma_wait3A_1001 = arith.constant 0 : i32
    %dma_wait3A_1002 = tpu.memref_slice %arg4[%dma_wait3A_1000, %dma_wait3A_1001] : memref<8192x128xf32, #tpu.memory_space<any>> -> memref<1024x128xf32, #tpu.memory_space<any>>
    %dma_wait3A_1003 = arith.constant 0 : i32
    %dma_wait3A_1004 = arith.constant 0 : i32
    %dma_wait3A_1005 = tpu.memref_slice %arg9[%dma_wait3A_996, %dma_wait3A_1003, %dma_wait3A_1004] : memref<2x1024x128xf32, #tpu.memory_space<vmem>> -> memref<1x1024x128xf32, #tpu.memory_space<vmem>>
    %dma_wait3A_1006 = tpu.memref_squeeze %dma_wait3A_1005 : memref<1x1024x128xf32, #tpu.memory_space<vmem>> -> memref<1024x128xf32, #tpu.memory_space<vmem>>
    tpu.wait_dma2 semaphore(%dma_wait3A_999 : memref<!tpu.dma_semaphore, #tpu.memory_space<semaphore_mem>>) src(%dma_wait3A_1006 : memref<1024x128xf32, #tpu.memory_space<vmem>>) dst(%dma_wait3A_1002 : memref<1024x128xf32, #tpu.memory_space<any>>)
    %get3A_1007 = arith.constant 0 : index
    %get3A_1008 = arith.constant 0 : index
    %get3A_1009 = arith.constant 0 : index
    %get3A_1010 = vector.load %arg8[%get3A_1007, %get3A_1008, %get3A_1009] : memref<2x1024x1024xf32, #tpu.memory_space<vmem>>, vector<1x1024x1024xf32>
    %get3A_1011 = vector.shape_cast %get3A_1010 : vector<1x1024x1024xf32> to vector<1024x1024xf32>
    %convert_element_type3A_1012 = arith.truncf %get3A_1011 : vector<1024x1024xf32> to vector<1024x1024xbf16>
    %dot_general3A_1013 = arith.constant dense<0.000000e+00> : vector<1024x1024xf32>
    %dot_general3A_1014 = tpu.matmul %convert_element_type3A_1012, %convert_element_type3A, %dot_general3A_1013 {dimension_numbers = #tpu.dot_dimension_numbers<[1], [0], [0], [1], [0, 0, 1, 1], [], []>, transpose_lhs_hint = false} : vector<1024x1024xbf16>, vector<1024x1024xbf16>, vector<1024x1024xf32> -> vector<1024x1024xf32>
    %get3A_1015 = arith.constant 0 : index
    %get3A_1016 = arith.constant 0 : index
    %get3A_1017 = vector.load %arg6[%get3A_1015, %get3A_1016] : memref<1x1024xf32, #tpu.memory_space<vmem>>, vector<1x1024xf32>
    %add3A_1018 = vector.broadcast %get3A_1017 : vector<1x1024xf32> to vector<1024x1024xf32>
    %add3A_1019 = arith.addf %dot_general3A_1014, %add3A_1018 : vector<1024x1024xf32>
    %get3A_1020 = arith.constant 0 : index
    %get3A_1021 = arith.constant 4096 : index
    %get3A_1022 = vector.load %arg7[%get3A_1020, %get3A_1021] : memref<1x8192xi32, #tpu.memory_space<vmem>>, vector<1x1024xi32>
    %get3A_1023 = vector.shape_cast %get3A_1022 : vector<1x1024xi32> to vector<1024xi32>
    %eq3A_1024 = arith.constant 0 : i32
    %eq3A_1025 = vector.broadcast %eq3A_1024 : i32 to vector<1024xi32>
    %eq3A_1026 = arith.cmpi eq, %get3A_1023, %eq3A_1025 : vector<1024xi32>
    %convert_element_type3A_1027 = arith.extui %eq3A_1026 : vector<1024xi1> to vector<1024xi32>
    %convert_element_type3A_1028 = arith.sitofp %convert_element_type3A_1027 : vector<1024xi32> to vector<1024xf32>
    %broadcast_in_dim3A_1029 = vector.shape_cast %convert_element_type3A_1028 : vector<1024xf32> to vector<1024x1xf32>
    %slice3A_1030 = vector.extract_strided_slice %add3A_1019 {offsets = [0, 0], sizes = [1024, 128], strides = [1, 1]} : vector<1024x1024xf32> to vector<1024x128xf32>
    %mul3A_1031 = vector.broadcast %broadcast_in_dim3A_1029 : vector<1024x1xf32> to vector<1024x128xf32>
    %mul3A_1032 = arith.mulf %slice3A_1030, %mul3A_1031 : vector<1024x128xf32>
    %eq3A_1033 = arith.constant 1 : i32
    %eq3A_1034 = vector.broadcast %eq3A_1033 : i32 to vector<1024xi32>
    %eq3A_1035 = arith.cmpi eq, %get3A_1023, %eq3A_1034 : vector<1024xi32>
    %convert_element_type3A_1036 = arith.extui %eq3A_1035 : vector<1024xi1> to vector<1024xi32>
    %convert_element_type3A_1037 = arith.sitofp %convert_element_type3A_1036 : vector<1024xi32> to vector<1024xf32>
    %broadcast_in_dim3A_1038 = vector.shape_cast %convert_element_type3A_1037 : vector<1024xf32> to vector<1024x1xf32>
    %slice3A_1039 = vector.extract_strided_slice %add3A_1019 {offsets = [0, 128], sizes = [1024, 128], strides = [1, 1]} : vector<1024x1024xf32> to vector<1024x128xf32>
    %mul3A_1040 = vector.broadcast %broadcast_in_dim3A_1038 : vector<1024x1xf32> to vector<1024x128xf32>
    %mul3A_1041 = arith.mulf %slice3A_1039, %mul3A_1040 : vector<1024x128xf32>
    %add3A_1042 = arith.addf %mul3A_1032, %mul3A_1041 : vector<1024x128xf32>
    %eq3A_1043 = arith.constant 2 : i32
    %eq3A_1044 = vector.broadcast %eq3A_1043 : i32 to vector<1024xi32>
    %eq3A_1045 = arith.cmpi eq, %get3A_1023, %eq3A_1044 : vector<1024xi32>
    %convert_element_type3A_1046 = arith.extui %eq3A_1045 : vector<1024xi1> to vector<1024xi32>
    %convert_element_type3A_1047 = arith.sitofp %convert_element_type3A_1046 : vector<1024xi32> to vector<1024xf32>
    %broadcast_in_dim3A_1048 = vector.shape_cast %convert_element_type3A_1047 : vector<1024xf32> to vector<1024x1xf32>
    %slice3A_1049 = vector.extract_strided_slice %add3A_1019 {offsets = [0, 256], sizes = [1024, 128], strides = [1, 1]} : vector<1024x1024xf32> to vector<1024x128xf32>
    %mul3A_1050 = vector.broadcast %broadcast_in_dim3A_1048 : vector<1024x1xf32> to vector<1024x128xf32>
    %mul3A_1051 = arith.mulf %slice3A_1049, %mul3A_1050 : vector<1024x128xf32>
    %add3A_1052 = arith.addf %add3A_1042, %mul3A_1051 : vector<1024x128xf32>
    %eq3A_1053 = arith.constant 3 : i32
    %eq3A_1054 = vector.broadcast %eq3A_1053 : i32 to vector<1024xi32>
    %eq3A_1055 = arith.cmpi eq, %get3A_1023, %eq3A_1054 : vector<1024xi32>
    %convert_element_type3A_1056 = arith.extui %eq3A_1055 : vector<1024xi1> to vector<1024xi32>
    %convert_element_type3A_1057 = arith.sitofp %convert_element_type3A_1056 : vector<1024xi32> to vector<1024xf32>
    %broadcast_in_dim3A_1058 = vector.shape_cast %convert_element_type3A_1057 : vector<1024xf32> to vector<1024x1xf32>
    %slice3A_1059 = vector.extract_strided_slice %add3A_1019 {offsets = [0, 384], sizes = [1024, 128], strides = [1, 1]} : vector<1024x1024xf32> to vector<1024x128xf32>
    %mul3A_1060 = vector.broadcast %broadcast_in_dim3A_1058 : vector<1024x1xf32> to vector<1024x128xf32>
    %mul3A_1061 = arith.mulf %slice3A_1059, %mul3A_1060 : vector<1024x128xf32>
    %add3A_1062 = arith.addf %add3A_1052, %mul3A_1061 : vector<1024x128xf32>
    %eq3A_1063 = arith.constant 4 : i32
    %eq3A_1064 = vector.broadcast %eq3A_1063 : i32 to vector<1024xi32>
    %eq3A_1065 = arith.cmpi eq, %get3A_1023, %eq3A_1064 : vector<1024xi32>
    %convert_element_type3A_1066 = arith.extui %eq3A_1065 : vector<1024xi1> to vector<1024xi32>
    %convert_element_type3A_1067 = arith.sitofp %convert_element_type3A_1066 : vector<1024xi32> to vector<1024xf32>
    %broadcast_in_dim3A_1068 = vector.shape_cast %convert_element_type3A_1067 : vector<1024xf32> to vector<1024x1xf32>
    %slice3A_1069 = vector.extract_strided_slice %add3A_1019 {offsets = [0, 512], sizes = [1024, 128], strides = [1, 1]} : vector<1024x1024xf32> to vector<1024x128xf32>
    %mul3A_1070 = vector.broadcast %broadcast_in_dim3A_1068 : vector<1024x1xf32> to vector<1024x128xf32>
    %mul3A_1071 = arith.mulf %slice3A_1069, %mul3A_1070 : vector<1024x128xf32>
    %add3A_1072 = arith.addf %add3A_1062, %mul3A_1071 : vector<1024x128xf32>
    %eq3A_1073 = arith.constant 5 : i32
    %eq3A_1074 = vector.broadcast %eq3A_1073 : i32 to vector<1024xi32>
    %eq3A_1075 = arith.cmpi eq, %get3A_1023, %eq3A_1074 : vector<1024xi32>
    %convert_element_type3A_1076 = arith.extui %eq3A_1075 : vector<1024xi1> to vector<1024xi32>
    %convert_element_type3A_1077 = arith.sitofp %convert_element_type3A_1076 : vector<1024xi32> to vector<1024xf32>
    %broadcast_in_dim3A_1078 = vector.shape_cast %convert_element_type3A_1077 : vector<1024xf32> to vector<1024x1xf32>
    %slice3A_1079 = vector.extract_strided_slice %add3A_1019 {offsets = [0, 640], sizes = [1024, 128], strides = [1, 1]} : vector<1024x1024xf32> to vector<1024x128xf32>
    %mul3A_1080 = vector.broadcast %broadcast_in_dim3A_1078 : vector<1024x1xf32> to vector<1024x128xf32>
    %mul3A_1081 = arith.mulf %slice3A_1079, %mul3A_1080 : vector<1024x128xf32>
    %add3A_1082 = arith.addf %add3A_1072, %mul3A_1081 : vector<1024x128xf32>
    %eq3A_1083 = arith.constant 6 : i32
    %eq3A_1084 = vector.broadcast %eq3A_1083 : i32 to vector<1024xi32>
    %eq3A_1085 = arith.cmpi eq, %get3A_1023, %eq3A_1084 : vector<1024xi32>
    %convert_element_type3A_1086 = arith.extui %eq3A_1085 : vector<1024xi1> to vector<1024xi32>
    %convert_element_type3A_1087 = arith.sitofp %convert_element_type3A_1086 : vector<1024xi32> to vector<1024xf32>
    %broadcast_in_dim3A_1088 = vector.shape_cast %convert_element_type3A_1087 : vector<1024xf32> to vector<1024x1xf32>
    %slice3A_1089 = vector.extract_strided_slice %add3A_1019 {offsets = [0, 768], sizes = [1024, 128], strides = [1, 1]} : vector<1024x1024xf32> to vector<1024x128xf32>
    %mul3A_1090 = vector.broadcast %broadcast_in_dim3A_1088 : vector<1024x1xf32> to vector<1024x128xf32>
    %mul3A_1091 = arith.mulf %slice3A_1089, %mul3A_1090 : vector<1024x128xf32>
    %add3A_1092 = arith.addf %add3A_1082, %mul3A_1091 : vector<1024x128xf32>
    %eq3A_1093 = arith.constant 7 : i32
    %eq3A_1094 = vector.broadcast %eq3A_1093 : i32 to vector<1024xi32>
    %eq3A_1095 = arith.cmpi eq, %get3A_1023, %eq3A_1094 : vector<1024xi32>
    %convert_element_type3A_1096 = arith.extui %eq3A_1095 : vector<1024xi1> to vector<1024xi32>
    %convert_element_type3A_1097 = arith.sitofp %convert_element_type3A_1096 : vector<1024xi32> to vector<1024xf32>
    %broadcast_in_dim3A_1098 = vector.shape_cast %convert_element_type3A_1097 : vector<1024xf32> to vector<1024x1xf32>
    %slice3A_1099 = vector.extract_strided_slice %add3A_1019 {offsets = [0, 896], sizes = [1024, 128], strides = [1, 1]} : vector<1024x1024xf32> to vector<1024x128xf32>
    %mul3A_1100 = vector.broadcast %broadcast_in_dim3A_1098 : vector<1024x1xf32> to vector<1024x128xf32>
    %mul3A_1101 = arith.mulf %slice3A_1099, %mul3A_1100 : vector<1024x128xf32>
    %add3A_1102 = arith.addf %add3A_1092, %mul3A_1101 : vector<1024x128xf32>
    %swap3A_1103 = arith.constant 0 : index
    %swap3A_1104 = arith.constant 0 : index
    %swap3A_1105 = arith.constant 0 : index
    %swap3A_1106 = vector.load %arg9[%swap3A_1103, %swap3A_1104, %swap3A_1105] : memref<2x1024x128xf32, #tpu.memory_space<vmem>>, vector<1x1024x128xf32>
    %swap3A_1107 = vector.shape_cast %swap3A_1106 : vector<1x1024x128xf32> to vector<1024x128xf32>
    %swap3A_1108 = vector.shape_cast %add3A_1102 : vector<1024x128xf32> to vector<1x1024x128xf32>
    tpu.vector_store %arg9[%swap3A_1103, %swap3A_1104, %swap3A_1105], %swap3A_1108 {strides = array<i32>} : memref<2x1024x128xf32, #tpu.memory_space<vmem>>, vector<1x1024x128xf32>,
    %dma_start3A_1109 = arith.constant 0 : i32
    %dma_start3A_1110 = arith.constant 0 : i32
    %dma_start3A_1111 = tpu.memref_slice %arg14[%dma_start3A_1110] : memref<2x!tpu.dma_semaphore, #tpu.memory_space<semaphore_mem>> -> memref<1x!tpu.dma_semaphore, #tpu.memory_space<semaphore_mem>>
    %dma_start3A_1112 = tpu.memref_squeeze %dma_start3A_1111 : memref<1x!tpu.dma_semaphore, #tpu.memory_space<semaphore_mem>> -> memref<!tpu.dma_semaphore, #tpu.memory_space<semaphore_mem>>
    %dma_start3A_1113 = arith.constant 4096 : i32
    %dma_start3A_1114 = arith.constant 0 : i32
    %dma_start3A_1115 = tpu.memref_slice %arg4[%dma_start3A_1113, %dma_start3A_1114] : memref<8192x128xf32, #tpu.memory_space<any>> -> memref<1024x128xf32, #tpu.memory_space<any>>
    %dma_start3A_1116 = arith.constant 0 : i32
    %dma_start3A_1117 = arith.constant 0 : i32
    %dma_start3A_1118 = tpu.memref_slice %arg9[%dma_start3A_1109, %dma_start3A_1116, %dma_start3A_1117] : memref<2x1024x128xf32, #tpu.memory_space<vmem>> -> memref<1x1024x128xf32, #tpu.memory_space<vmem>>
    %dma_start3A_1119 = tpu.memref_squeeze %dma_start3A_1118 : memref<1x1024x128xf32, #tpu.memory_space<vmem>> -> memref<1024x128xf32, #tpu.memory_space<vmem>>
    tpu.enqueue_dma source(%dma_start3A_1119 : memref<1024x128xf32, #tpu.memory_space<vmem>>) target(%dma_start3A_1115 : memref<1024x128xf32, #tpu.memory_space<any>>) target_semaphore(%dma_start3A_1112 : memref<!tpu.dma_semaphore, #tpu.memory_space<semaphore_mem>>)
    %dma_start3A_1120 = arith.constant 0 : i32
    %dma_start3A_1121 = arith.constant 0 : i32
    %dma_start3A_1122 = arith.constant 0 : i32
    %dma_start3A_1123 = tpu.memref_slice %arg13[%dma_start3A_1121, %dma_start3A_1122] : memref<2x4x!tpu.dma_semaphore, #tpu.memory_space<semaphore_mem>> -> memref<1x1x!tpu.dma_semaphore, #tpu.memory_space<semaphore_mem>>
    %dma_start3A_1124 = tpu.memref_squeeze %dma_start3A_1123 : memref<1x1x!tpu.dma_semaphore, #tpu.memory_space<semaphore_mem>> -> memref<!tpu.dma_semaphore, #tpu.memory_space<semaphore_mem>>
    %dma_start3A_1125 = arith.constant 0 : i32
    %dma_start3A_1126 = arith.constant 0 : i32
    %dma_start3A_1127 = tpu.memref_slice %arg8[%dma_start3A_1120, %dma_start3A_1125, %dma_start3A_1126] : memref<2x1024x1024xf32, #tpu.memory_space<vmem>> -> memref<1x256x1024xf32, #tpu.memory_space<vmem>>
    %dma_start3A_1128 = tpu.memref_squeeze %dma_start3A_1127 : memref<1x256x1024xf32, #tpu.memory_space<vmem>> -> memref<256x1024xf32, #tpu.memory_space<vmem>>
    %dma_start3A_1129 = arith.constant 6144 : i32
    %dma_start3A_1130 = arith.constant 0 : i32
    %dma_start3A_1131 = tpu.memref_slice %arg1[%dma_start3A_1129, %dma_start3A_1130] : memref<8192x1024xf32, #tpu.memory_space<any>> -> memref<256x1024xf32, #tpu.memory_space<any>>
    tpu.enqueue_dma source(%dma_start3A_1131 : memref<256x1024xf32, #tpu.memory_space<any>>) target(%dma_start3A_1128 : memref<256x1024xf32, #tpu.memory_space<vmem>>) target_semaphore(%dma_start3A_1124 : memref<!tpu.dma_semaphore, #tpu.memory_space<semaphore_mem>>)
    %dma_start3A_1132 = arith.constant 0 : i32
    %dma_start3A_1133 = arith.constant 0 : i32
    %dma_start3A_1134 = arith.constant 1 : i32
    %dma_start3A_1135 = tpu.memref_slice %arg13[%dma_start3A_1133, %dma_start3A_1134] : memref<2x4x!tpu.dma_semaphore, #tpu.memory_space<semaphore_mem>> -> memref<1x1x!tpu.dma_semaphore, #tpu.memory_space<semaphore_mem>>
    %dma_start3A_1136 = tpu.memref_squeeze %dma_start3A_1135 : memref<1x1x!tpu.dma_semaphore, #tpu.memory_space<semaphore_mem>> -> memref<!tpu.dma_semaphore, #tpu.memory_space<semaphore_mem>>
    %dma_start3A_1137 = arith.constant 256 : i32
    %dma_start3A_1138 = arith.constant 0 : i32
    %dma_start3A_1139 = tpu.memref_slice %arg8[%dma_start3A_1132, %dma_start3A_1137, %dma_start3A_1138] : memref<2x1024x1024xf32, #tpu.memory_space<vmem>> -> memref<1x256x1024xf32, #tpu.memory_space<vmem>>
    %dma_start3A_1140 = tpu.memref_squeeze %dma_start3A_1139 : memref<1x256x1024xf32, #tpu.memory_space<vmem>> -> memref<256x1024xf32, #tpu.memory_space<vmem>>
    %dma_start3A_1141 = arith.constant 6400 : i32
    %dma_start3A_1142 = arith.constant 0 : i32
    %dma_start3A_1143 = tpu.memref_slice %arg1[%dma_start3A_1141, %dma_start3A_1142] : memref<8192x1024xf32, #tpu.memory_space<any>> -> memref<256x1024xf32, #tpu.memory_space<any>>
    tpu.enqueue_dma source(%dma_start3A_1143 : memref<256x1024xf32, #tpu.memory_space<any>>) target(%dma_start3A_1140 : memref<256x1024xf32, #tpu.memory_space<vmem>>) target_semaphore(%dma_start3A_1136 : memref<!tpu.dma_semaphore, #tpu.memory_space<semaphore_mem>>)
    %dma_start3A_1144 = arith.constant 0 : i32
    %dma_start3A_1145 = arith.constant 0 : i32
    %dma_start3A_1146 = arith.constant 2 : i32
    %dma_start3A_1147 = tpu.memref_slice %arg13[%dma_start3A_1145, %dma_start3A_1146] : memref<2x4x!tpu.dma_semaphore, #tpu.memory_space<semaphore_mem>> -> memref<1x1x!tpu.dma_semaphore, #tpu.memory_space<semaphore_mem>>
    %dma_start3A_1148 = tpu.memref_squeeze %dma_start3A_1147 : memref<1x1x!tpu.dma_semaphore, #tpu.memory_space<semaphore_mem>> -> memref<!tpu.dma_semaphore, #tpu.memory_space<semaphore_mem>>
    %dma_start3A_1149 = arith.constant 512 : i32
    %dma_start3A_1150 = arith.constant 0 : i32
    %dma_start3A_1151 = tpu.memref_slice %arg8[%dma_start3A_1144, %dma_start3A_1149, %dma_start3A_1150] : memref<2x1024x1024xf32, #tpu.memory_space<vmem>> -> memref<1x256x1024xf32, #tpu.memory_space<vmem>>
    %dma_start3A_1152 = tpu.memref_squeeze %dma_start3A_1151 : memref<1x256x1024xf32, #tpu.memory_space<vmem>> -> memref<256x1024xf32, #tpu.memory_space<vmem>>
    %dma_start3A_1153 = arith.constant 6656 : i32
    %dma_start3A_1154 = arith.constant 0 : i32
    %dma_start3A_1155 = tpu.memref_slice %arg1[%dma_start3A_1153, %dma_start3A_1154] : memref<8192x1024xf32, #tpu.memory_space<any>> -> memref<256x1024xf32, #tpu.memory_space<any>>
    tpu.enqueue_dma source(%dma_start3A_1155 : memref<256x1024xf32, #tpu.memory_space<any>>) target(%dma_start3A_1152 : memref<256x1024xf32, #tpu.memory_space<vmem>>) target_semaphore(%dma_start3A_1148 : memref<!tpu.dma_semaphore, #tpu.memory_space<semaphore_mem>>)
    %dma_start3A_1156 = arith.constant 0 : i32
    %dma_start3A_1157 = arith.constant 0 : i32
    %dma_start3A_1158 = arith.constant 3 : i32
    %dma_start3A_1159 = tpu.memref_slice %arg13[%dma_start3A_1157, %dma_start3A_1158] : memref<2x4x!tpu.dma_semaphore, #tpu.memory_space<semaphore_mem>> -> memref<1x1x!tpu.dma_semaphore, #tpu.memory_space<semaphore_mem>>
    %dma_start3A_1160 = tpu.memref_squeeze %dma_start3A_1159 : memref<1x1x!tpu.dma_semaphore, #tpu.memory_space<semaphore_mem>> -> memref<!tpu.dma_semaphore, #tpu.memory_space<semaphore_mem>>
    %dma_start3A_1161 = arith.constant 768 : i32
    %dma_start3A_1162 = arith.constant 0 : i32
    %dma_start3A_1163 = tpu.memref_slice %arg8[%dma_start3A_1156, %dma_start3A_1161, %dma_start3A_1162] : memref<2x1024x1024xf32, #tpu.memory_space<vmem>> -> memref<1x256x1024xf32, #tpu.memory_space<vmem>>
    %dma_start3A_1164 = tpu.memref_squeeze %dma_start3A_1163 : memref<1x256x1024xf32, #tpu.memory_space<vmem>> -> memref<256x1024xf32, #tpu.memory_space<vmem>>
    %dma_start3A_1165 = arith.constant 6912 : i32
    %dma_start3A_1166 = arith.constant 0 : i32
    %dma_start3A_1167 = tpu.memref_slice %arg1[%dma_start3A_1165, %dma_start3A_1166] : memref<8192x1024xf32, #tpu.memory_space<any>> -> memref<256x1024xf32, #tpu.memory_space<any>>
    tpu.enqueue_dma source(%dma_start3A_1167 : memref<256x1024xf32, #tpu.memory_space<any>>) target(%dma_start3A_1164 : memref<256x1024xf32, #tpu.memory_space<vmem>>) target_semaphore(%dma_start3A_1160 : memref<!tpu.dma_semaphore, #tpu.memory_space<semaphore_mem>>)
    %dma_wait3A_1168 = arith.constant 1 : i32
    %dma_wait3A_1169 = arith.constant 1 : i32
    %dma_wait3A_1170 = arith.constant 0 : i32
    %dma_wait3A_1171 = tpu.memref_slice %arg13[%dma_wait3A_1169, %dma_wait3A_1170] : memref<2x4x!tpu.dma_semaphore, #tpu.memory_space<semaphore_mem>> -> memref<1x1x!tpu.dma_semaphore, #tpu.memory_space<semaphore_mem>>
    %dma_wait3A_1172 = tpu.memref_squeeze %dma_wait3A_1171 : memref<1x1x!tpu.dma_semaphore, #tpu.memory_space<semaphore_mem>> -> memref<!tpu.dma_semaphore, #tpu.memory_space<semaphore_mem>>
    %dma_wait3A_1173 = arith.constant 0 : i32
    %dma_wait3A_1174 = arith.constant 0 : i32
    %dma_wait3A_1175 = tpu.memref_slice %arg8[%dma_wait3A_1168, %dma_wait3A_1173, %dma_wait3A_1174] : memref<2x1024x1024xf32, #tpu.memory_space<vmem>> -> memref<1x256x1024xf32, #tpu.memory_space<vmem>>
    %dma_wait3A_1176 = tpu.memref_squeeze %dma_wait3A_1175 : memref<1x256x1024xf32, #tpu.memory_space<vmem>> -> memref<256x1024xf32, #tpu.memory_space<vmem>>
    %dma_wait3A_1177 = arith.constant 5120 : i32
    %dma_wait3A_1178 = arith.constant 0 : i32
    %dma_wait3A_1179 = tpu.memref_slice %arg1[%dma_wait3A_1177, %dma_wait3A_1178] : memref<8192x1024xf32, #tpu.memory_space<any>> -> memref<256x1024xf32, #tpu.memory_space<any>>
    tpu.wait_dma2 semaphore(%dma_wait3A_1172 : memref<!tpu.dma_semaphore, #tpu.memory_space<semaphore_mem>>) src(%dma_wait3A_1179 : memref<256x1024xf32, #tpu.memory_space<any>>) dst(%dma_wait3A_1176 : memref<256x1024xf32, #tpu.memory_space<vmem>>)
    %dma_wait3A_1180 = arith.constant 1 : i32
    %dma_wait3A_1181 = arith.constant 1 : i32
    %dma_wait3A_1182 = arith.constant 1 : i32
    %dma_wait3A_1183 = tpu.memref_slice %arg13[%dma_wait3A_1181, %dma_wait3A_1182] : memref<2x4x!tpu.dma_semaphore, #tpu.memory_space<semaphore_mem>> -> memref<1x1x!tpu.dma_semaphore, #tpu.memory_space<semaphore_mem>>
    %dma_wait3A_1184 = tpu.memref_squeeze %dma_wait3A_1183 : memref<1x1x!tpu.dma_semaphore, #tpu.memory_space<semaphore_mem>> -> memref<!tpu.dma_semaphore, #tpu.memory_space<semaphore_mem>>
    %dma_wait3A_1185 = arith.constant 256 : i32
    %dma_wait3A_1186 = arith.constant 0 : i32
    %dma_wait3A_1187 = tpu.memref_slice %arg8[%dma_wait3A_1180, %dma_wait3A_1185, %dma_wait3A_1186] : memref<2x1024x1024xf32, #tpu.memory_space<vmem>> -> memref<1x256x1024xf32, #tpu.memory_space<vmem>>
    %dma_wait3A_1188 = tpu.memref_squeeze %dma_wait3A_1187 : memref<1x256x1024xf32, #tpu.memory_space<vmem>> -> memref<256x1024xf32, #tpu.memory_space<vmem>>
    %dma_wait3A_1189 = arith.constant 5376 : i32
    %dma_wait3A_1190 = arith.constant 0 : i32
    %dma_wait3A_1191 = tpu.memref_slice %arg1[%dma_wait3A_1189, %dma_wait3A_1190] : memref<8192x1024xf32, #tpu.memory_space<any>> -> memref<256x1024xf32, #tpu.memory_space<any>>
    tpu.wait_dma2 semaphore(%dma_wait3A_1184 : memref<!tpu.dma_semaphore, #tpu.memory_space<semaphore_mem>>) src(%dma_wait3A_1191 : memref<256x1024xf32, #tpu.memory_space<any>>) dst(%dma_wait3A_1188 : memref<256x1024xf32, #tpu.memory_space<vmem>>)
    %dma_wait3A_1192 = arith.constant 1 : i32
    %dma_wait3A_1193 = arith.constant 1 : i32
    %dma_wait3A_1194 = arith.constant 2 : i32
    %dma_wait3A_1195 = tpu.memref_slice %arg13[%dma_wait3A_1193, %dma_wait3A_1194] : memref<2x4x!tpu.dma_semaphore, #tpu.memory_space<semaphore_mem>> -> memref<1x1x!tpu.dma_semaphore, #tpu.memory_space<semaphore_mem>>
    %dma_wait3A_1196 = tpu.memref_squeeze %dma_wait3A_1195 : memref<1x1x!tpu.dma_semaphore, #tpu.memory_space<semaphore_mem>> -> memref<!tpu.dma_semaphore, #tpu.memory_space<semaphore_mem>>
    %dma_wait3A_1197 = arith.constant 512 : i32
    %dma_wait3A_1198 = arith.constant 0 : i32
    %dma_wait3A_1199 = tpu.memref_slice %arg8[%dma_wait3A_1192, %dma_wait3A_1197, %dma_wait3A_1198] : memref<2x1024x1024xf32, #tpu.memory_space<vmem>> -> memref<1x256x1024xf32, #tpu.memory_space<vmem>>
    %dma_wait3A_1200 = tpu.memref_squeeze %dma_wait3A_1199 : memref<1x256x1024xf32, #tpu.memory_space<vmem>> -> memref<256x1024xf32, #tpu.memory_space<vmem>>
    %dma_wait3A_1201 = arith.constant 5632 : i32
    %dma_wait3A_1202 = arith.constant 0 : i32
    %dma_wait3A_1203 = tpu.memref_slice %arg1[%dma_wait3A_1201, %dma_wait3A_1202] : memref<8192x1024xf32, #tpu.memory_space<any>> -> memref<256x1024xf32, #tpu.memory_space<any>>
    tpu.wait_dma2 semaphore(%dma_wait3A_1196 : memref<!tpu.dma_semaphore, #tpu.memory_space<semaphore_mem>>) src(%dma_wait3A_1203 : memref<256x1024xf32, #tpu.memory_space<any>>) dst(%dma_wait3A_1200 : memref<256x1024xf32, #tpu.memory_space<vmem>>)
    %dma_wait3A_1204 = arith.constant 1 : i32
    %dma_wait3A_1205 = arith.constant 1 : i32
    %dma_wait3A_1206 = arith.constant 3 : i32
    %dma_wait3A_1207 = tpu.memref_slice %arg13[%dma_wait3A_1205, %dma_wait3A_1206] : memref<2x4x!tpu.dma_semaphore, #tpu.memory_space<semaphore_mem>> -> memref<1x1x!tpu.dma_semaphore, #tpu.memory_space<semaphore_mem>>
    %dma_wait3A_1208 = tpu.memref_squeeze %dma_wait3A_1207 : memref<1x1x!tpu.dma_semaphore, #tpu.memory_space<semaphore_mem>> -> memref<!tpu.dma_semaphore, #tpu.memory_space<semaphore_mem>>
    %dma_wait3A_1209 = arith.constant 768 : i32
    %dma_wait3A_1210 = arith.constant 0 : i32
    %dma_wait3A_1211 = tpu.memref_slice %arg8[%dma_wait3A_1204, %dma_wait3A_1209, %dma_wait3A_1210] : memref<2x1024x1024xf32, #tpu.memory_space<vmem>> -> memref<1x256x1024xf32, #tpu.memory_space<vmem>>
    %dma_wait3A_1212 = tpu.memref_squeeze %dma_wait3A_1211 : memref<1x256x1024xf32, #tpu.memory_space<vmem>> -> memref<256x1024xf32, #tpu.memory_space<vmem>>
    %dma_wait3A_1213 = arith.constant 5888 : i32
    %dma_wait3A_1214 = arith.constant 0 : i32
    %dma_wait3A_1215 = tpu.memref_slice %arg1[%dma_wait3A_1213, %dma_wait3A_1214] : memref<8192x1024xf32, #tpu.memory_space<any>> -> memref<256x1024xf32, #tpu.memory_space<any>>
    tpu.wait_dma2 semaphore(%dma_wait3A_1208 : memref<!tpu.dma_semaphore, #tpu.memory_space<semaphore_mem>>) src(%dma_wait3A_1215 : memref<256x1024xf32, #tpu.memory_space<any>>) dst(%dma_wait3A_1212 : memref<256x1024xf32, #tpu.memory_space<vmem>>)
    %dma_wait3A_1216 = arith.constant 1 : i32
    %dma_wait3A_1217 = arith.constant 1 : i32
    %dma_wait3A_1218 = tpu.memref_slice %arg14[%dma_wait3A_1217] : memref<2x!tpu.dma_semaphore, #tpu.memory_space<semaphore_mem>> -> memref<1x!tpu.dma_semaphore, #tpu.memory_space<semaphore_mem>>
    %dma_wait3A_1219 = tpu.memref_squeeze %dma_wait3A_1218 : memref<1x!tpu.dma_semaphore, #tpu.memory_space<semaphore_mem>> -> memref<!tpu.dma_semaphore, #tpu.memory_space<semaphore_mem>>
    %dma_wait3A_1220 = arith.constant 3072 : i32
    %dma_wait3A_1221 = arith.constant 0 : i32
    %dma_wait3A_1222 = tpu.memref_slice %arg4[%dma_wait3A_1220, %dma_wait3A_1221] : memref<8192x128xf32, #tpu.memory_space<any>> -> memref<1024x128xf32, #tpu.memory_space<any>>
    %dma_wait3A_1223 = arith.constant 0 : i32
    %dma_wait3A_1224 = arith.constant 0 : i32
    %dma_wait3A_1225 = tpu.memref_slice %arg9[%dma_wait3A_1216, %dma_wait3A_1223, %dma_wait3A_1224] : memref<2x1024x128xf32, #tpu.memory_space<vmem>> -> memref<1x1024x128xf32, #tpu.memory_space<vmem>>
    %dma_wait3A_1226 = tpu.memref_squeeze %dma_wait3A_1225 : memref<1x1024x128xf32, #tpu.memory_space<vmem>> -> memref<1024x128xf32, #tpu.memory_space<vmem>>
    tpu.wait_dma2 semaphore(%dma_wait3A_1219 : memref<!tpu.dma_semaphore, #tpu.memory_space<semaphore_mem>>) src(%dma_wait3A_1226 : memref<1024x128xf32, #tpu.memory_space<vmem>>) dst(%dma_wait3A_1222 : memref<1024x128xf32, #tpu.memory_space<any>>)
    %get3A_1227 = arith.constant 1 : index
    %get3A_1228 = arith.constant 0 : index
    %get3A_1229 = arith.constant 0 : index
    %get3A_1230 = vector.load %arg8[%get3A_1227, %get3A_1228, %get3A_1229] : memref<2x1024x1024xf32, #tpu.memory_space<vmem>>, vector<1x1024x1024xf32>
    %get3A_1231 = vector.shape_cast %get3A_1230 : vector<1x1024x1024xf32> to vector<1024x1024xf32>
    %convert_element_type3A_1232 = arith.truncf %get3A_1231 : vector<1024x1024xf32> to vector<1024x1024xbf16>
    %dot_general3A_1233 = arith.constant dense<0.000000e+00> : vector<1024x1024xf32>
    %dot_general3A_1234 = tpu.matmul %convert_element_type3A_1232, %convert_element_type3A, %dot_general3A_1233 {dimension_numbers = #tpu.dot_dimension_numbers<[1], [0], [0], [1], [0, 0, 1, 1], [], []>, transpose_lhs_hint = false} : vector<1024x1024xbf16>, vector<1024x1024xbf16>, vector<1024x1024xf32> -> vector<1024x1024xf32>
    %get3A_1235 = arith.constant 0 : index
    %get3A_1236 = arith.constant 0 : index
    %get3A_1237 = vector.load %arg6[%get3A_1235, %get3A_1236] : memref<1x1024xf32, #tpu.memory_space<vmem>>, vector<1x1024xf32>
    %add3A_1238 = vector.broadcast %get3A_1237 : vector<1x1024xf32> to vector<1024x1024xf32>
    %add3A_1239 = arith.addf %dot_general3A_1234, %add3A_1238 : vector<1024x1024xf32>
    %get3A_1240 = arith.constant 0 : index
    %get3A_1241 = arith.constant 5120 : index
    %get3A_1242 = vector.load %arg7[%get3A_1240, %get3A_1241] : memref<1x8192xi32, #tpu.memory_space<vmem>>, vector<1x1024xi32>
    %get3A_1243 = vector.shape_cast %get3A_1242 : vector<1x1024xi32> to vector<1024xi32>
    %eq3A_1244 = arith.constant 0 : i32
    %eq3A_1245 = vector.broadcast %eq3A_1244 : i32 to vector<1024xi32>
    %eq3A_1246 = arith.cmpi eq, %get3A_1243, %eq3A_1245 : vector<1024xi32>
    %convert_element_type3A_1247 = arith.extui %eq3A_1246 : vector<1024xi1> to vector<1024xi32>
    %convert_element_type3A_1248 = arith.sitofp %convert_element_type3A_1247 : vector<1024xi32> to vector<1024xf32>
    %broadcast_in_dim3A_1249 = vector.shape_cast %convert_element_type3A_1248 : vector<1024xf32> to vector<1024x1xf32>
    %slice3A_1250 = vector.extract_strided_slice %add3A_1239 {offsets = [0, 0], sizes = [1024, 128], strides = [1, 1]} : vector<1024x1024xf32> to vector<1024x128xf32>
    %mul3A_1251 = vector.broadcast %broadcast_in_dim3A_1249 : vector<1024x1xf32> to vector<1024x128xf32>
    %mul3A_1252 = arith.mulf %slice3A_1250, %mul3A_1251 : vector<1024x128xf32>
    %eq3A_1253 = arith.constant 1 : i32
    %eq3A_1254 = vector.broadcast %eq3A_1253 : i32 to vector<1024xi32>
    %eq3A_1255 = arith.cmpi eq, %get3A_1243, %eq3A_1254 : vector<1024xi32>
    %convert_element_type3A_1256 = arith.extui %eq3A_1255 : vector<1024xi1> to vector<1024xi32>
    %convert_element_type3A_1257 = arith.sitofp %convert_element_type3A_1256 : vector<1024xi32> to vector<1024xf32>
    %broadcast_in_dim3A_1258 = vector.shape_cast %convert_element_type3A_1257 : vector<1024xf32> to vector<1024x1xf32>
    %slice3A_1259 = vector.extract_strided_slice %add3A_1239 {offsets = [0, 128], sizes = [1024, 128], strides = [1, 1]} : vector<1024x1024xf32> to vector<1024x128xf32>
    %mul3A_1260 = vector.broadcast %broadcast_in_dim3A_1258 : vector<1024x1xf32> to vector<1024x128xf32>
    %mul3A_1261 = arith.mulf %slice3A_1259, %mul3A_1260 : vector<1024x128xf32>
    %add3A_1262 = arith.addf %mul3A_1252, %mul3A_1261 : vector<1024x128xf32>
    %eq3A_1263 = arith.constant 2 : i32
    %eq3A_1264 = vector.broadcast %eq3A_1263 : i32 to vector<1024xi32>
    %eq3A_1265 = arith.cmpi eq, %get3A_1243, %eq3A_1264 : vector<1024xi32>
    %convert_element_type3A_1266 = arith.extui %eq3A_1265 : vector<1024xi1> to vector<1024xi32>
    %convert_element_type3A_1267 = arith.sitofp %convert_element_type3A_1266 : vector<1024xi32> to vector<1024xf32>
    %broadcast_in_dim3A_1268 = vector.shape_cast %convert_element_type3A_1267 : vector<1024xf32> to vector<1024x1xf32>
    %slice3A_1269 = vector.extract_strided_slice %add3A_1239 {offsets = [0, 256], sizes = [1024, 128], strides = [1, 1]} : vector<1024x1024xf32> to vector<1024x128xf32>
    %mul3A_1270 = vector.broadcast %broadcast_in_dim3A_1268 : vector<1024x1xf32> to vector<1024x128xf32>
    %mul3A_1271 = arith.mulf %slice3A_1269, %mul3A_1270 : vector<1024x128xf32>
    %add3A_1272 = arith.addf %add3A_1262, %mul3A_1271 : vector<1024x128xf32>
    %eq3A_1273 = arith.constant 3 : i32
    %eq3A_1274 = vector.broadcast %eq3A_1273 : i32 to vector<1024xi32>
    %eq3A_1275 = arith.cmpi eq, %get3A_1243, %eq3A_1274 : vector<1024xi32>
    %convert_element_type3A_1276 = arith.extui %eq3A_1275 : vector<1024xi1> to vector<1024xi32>
    %convert_element_type3A_1277 = arith.sitofp %convert_element_type3A_1276 : vector<1024xi32> to vector<1024xf32>
    %broadcast_in_dim3A_1278 = vector.shape_cast %convert_element_type3A_1277 : vector<1024xf32> to vector<1024x1xf32>
    %slice3A_1279 = vector.extract_strided_slice %add3A_1239 {offsets = [0, 384], sizes = [1024, 128], strides = [1, 1]} : vector<1024x1024xf32> to vector<1024x128xf32>
    %mul3A_1280 = vector.broadcast %broadcast_in_dim3A_1278 : vector<1024x1xf32> to vector<1024x128xf32>
    %mul3A_1281 = arith.mulf %slice3A_1279, %mul3A_1280 : vector<1024x128xf32>
    %add3A_1282 = arith.addf %add3A_1272, %mul3A_1281 : vector<1024x128xf32>
    %eq3A_1283 = arith.constant 4 : i32
    %eq3A_1284 = vector.broadcast %eq3A_1283 : i32 to vector<1024xi32>
    %eq3A_1285 = arith.cmpi eq, %get3A_1243, %eq3A_1284 : vector<1024xi32>
    %convert_element_type3A_1286 = arith.extui %eq3A_1285 : vector<1024xi1> to vector<1024xi32>
    %convert_element_type3A_1287 = arith.sitofp %convert_element_type3A_1286 : vector<1024xi32> to vector<1024xf32>
    %broadcast_in_dim3A_1288 = vector.shape_cast %convert_element_type3A_1287 : vector<1024xf32> to vector<1024x1xf32>
    %slice3A_1289 = vector.extract_strided_slice %add3A_1239 {offsets = [0, 512], sizes = [1024, 128], strides = [1, 1]} : vector<1024x1024xf32> to vector<1024x128xf32>
    %mul3A_1290 = vector.broadcast %broadcast_in_dim3A_1288 : vector<1024x1xf32> to vector<1024x128xf32>
    %mul3A_1291 = arith.mulf %slice3A_1289, %mul3A_1290 : vector<1024x128xf32>
    %add3A_1292 = arith.addf %add3A_1282, %mul3A_1291 : vector<1024x128xf32>
    %eq3A_1293 = arith.constant 5 : i32
    %eq3A_1294 = vector.broadcast %eq3A_1293 : i32 to vector<1024xi32>
    %eq3A_1295 = arith.cmpi eq, %get3A_1243, %eq3A_1294 : vector<1024xi32>
    %convert_element_type3A_1296 = arith.extui %eq3A_1295 : vector<1024xi1> to vector<1024xi32>
    %convert_element_type3A_1297 = arith.sitofp %convert_element_type3A_1296 : vector<1024xi32> to vector<1024xf32>
    %broadcast_in_dim3A_1298 = vector.shape_cast %convert_element_type3A_1297 : vector<1024xf32> to vector<1024x1xf32>
    %slice3A_1299 = vector.extract_strided_slice %add3A_1239 {offsets = [0, 640], sizes = [1024, 128], strides = [1, 1]} : vector<1024x1024xf32> to vector<1024x128xf32>
    %mul3A_1300 = vector.broadcast %broadcast_in_dim3A_1298 : vector<1024x1xf32> to vector<1024x128xf32>
    %mul3A_1301 = arith.mulf %slice3A_1299, %mul3A_1300 : vector<1024x128xf32>
    %add3A_1302 = arith.addf %add3A_1292, %mul3A_1301 : vector<1024x128xf32>
    %eq3A_1303 = arith.constant 6 : i32
    %eq3A_1304 = vector.broadcast %eq3A_1303 : i32 to vector<1024xi32>
    %eq3A_1305 = arith.cmpi eq, %get3A_1243, %eq3A_1304 : vector<1024xi32>
    %convert_element_type3A_1306 = arith.extui %eq3A_1305 : vector<1024xi1> to vector<1024xi32>
    %convert_element_type3A_1307 = arith.sitofp %convert_element_type3A_1306 : vector<1024xi32> to vector<1024xf32>
    %broadcast_in_dim3A_1308 = vector.shape_cast %convert_element_type3A_1307 : vector<1024xf32> to vector<1024x1xf32>
    %slice3A_1309 = vector.extract_strided_slice %add3A_1239 {offsets = [0, 768], sizes = [1024, 128], strides = [1, 1]} : vector<1024x1024xf32> to vector<1024x128xf32>
    %mul3A_1310 = vector.broadcast %broadcast_in_dim3A_1308 : vector<1024x1xf32> to vector<1024x128xf32>
    %mul3A_1311 = arith.mulf %slice3A_1309, %mul3A_1310 : vector<1024x128xf32>
    %add3A_1312 = arith.addf %add3A_1302, %mul3A_1311 : vector<1024x128xf32>
    %eq3A_1313 = arith.constant 7 : i32
    %eq3A_1314 = vector.broadcast %eq3A_1313 : i32 to vector<1024xi32>
    %eq3A_1315 = arith.cmpi eq, %get3A_1243, %eq3A_1314 : vector<1024xi32>
    %convert_element_type3A_1316 = arith.extui %eq3A_1315 : vector<1024xi1> to vector<1024xi32>
    %convert_element_type3A_1317 = arith.sitofp %convert_element_type3A_1316 : vector<1024xi32> to vector<1024xf32>
    %broadcast_in_dim3A_1318 = vector.shape_cast %convert_element_type3A_1317 : vector<1024xf32> to vector<1024x1xf32>
    %slice3A_1319 = vector.extract_strided_slice %add3A_1239 {offsets = [0, 896], sizes = [1024, 128], strides = [1, 1]} : vector<1024x1024xf32> to vector<1024x128xf32>
    %mul3A_1320 = vector.broadcast %broadcast_in_dim3A_1318 : vector<1024x1xf32> to vector<1024x128xf32>
    %mul3A_1321 = arith.mulf %slice3A_1319, %mul3A_1320 : vector<1024x128xf32>
    %add3A_1322 = arith.addf %add3A_1312, %mul3A_1321 : vector<1024x128xf32>
    %swap3A_1323 = arith.constant 1 : index
    %swap3A_1324 = arith.constant 0 : index
    %swap3A_1325 = arith.constant 0 : index
    %swap3A_1326 = vector.load %arg9[%swap3A_1323, %swap3A_1324, %swap3A_1325] : memref<2x1024x128xf32, #tpu.memory_space<vmem>>, vector<1x1024x128xf32>
    %swap3A_1327 = vector.shape_cast %swap3A_1326 : vector<1x1024x128xf32> to vector<1024x128xf32>
    %swap3A_1328 = vector.shape_cast %add3A_1322 : vector<1024x128xf32> to vector<1x1024x128xf32>
    tpu.vector_store %arg9[%swap3A_1323, %swap3A_1324, %swap3A_1325], %swap3A_1328 {strides = array<i32>} : memref<2x1024x128xf32, #tpu.memory_space<vmem>>, vector<1x1024x128xf32>,
    %dma_start3A_1329 = arith.constant 1 : i32
    %dma_start3A_1330 = arith.constant 1 : i32
    %dma_start3A_1331 = tpu.memref_slice %arg14[%dma_start3A_1330] : memref<2x!tpu.dma_semaphore, #tpu.memory_space<semaphore_mem>> -> memref<1x!tpu.dma_semaphore, #tpu.memory_space<semaphore_mem>>
    %dma_start3A_1332 = tpu.memref_squeeze %dma_start3A_1331 : memref<1x!tpu.dma_semaphore, #tpu.memory_space<semaphore_mem>> -> memref<!tpu.dma_semaphore, #tpu.memory_space<semaphore_mem>>
    %dma_start3A_1333 = arith.constant 5120 : i32
    %dma_start3A_1334 = arith.constant 0 : i32
    %dma_start3A_1335 = tpu.memref_slice %arg4[%dma_start3A_1333, %dma_start3A_1334] : memref<8192x128xf32, #tpu.memory_space<any>> -> memref<1024x128xf32, #tpu.memory_space<any>>
    %dma_start3A_1336 = arith.constant 0 : i32
    %dma_start3A_1337 = arith.constant 0 : i32
    %dma_start3A_1338 = tpu.memref_slice %arg9[%dma_start3A_1329, %dma_start3A_1336, %dma_start3A_1337] : memref<2x1024x128xf32, #tpu.memory_space<vmem>> -> memref<1x1024x128xf32, #tpu.memory_space<vmem>>
    %dma_start3A_1339 = tpu.memref_squeeze %dma_start3A_1338 : memref<1x1024x128xf32, #tpu.memory_space<vmem>> -> memref<1024x128xf32, #tpu.memory_space<vmem>>
    tpu.enqueue_dma source(%dma_start3A_1339 : memref<1024x128xf32, #tpu.memory_space<vmem>>) target(%dma_start3A_1335 : memref<1024x128xf32, #tpu.memory_space<any>>) target_semaphore(%dma_start3A_1332 : memref<!tpu.dma_semaphore, #tpu.memory_space<semaphore_mem>>)
    %dma_start3A_1340 = arith.constant 1 : i32
    %dma_start3A_1341 = arith.constant 1 : i32
    %dma_start3A_1342 = arith.constant 0 : i32
    %dma_start3A_1343 = tpu.memref_slice %arg13[%dma_start3A_1341, %dma_start3A_1342] : memref<2x4x!tpu.dma_semaphore, #tpu.memory_space<semaphore_mem>> -> memref<1x1x!tpu.dma_semaphore, #tpu.memory_space<semaphore_mem>>
    %dma_start3A_1344 = tpu.memref_squeeze %dma_start3A_1343 : memref<1x1x!tpu.dma_semaphore, #tpu.memory_space<semaphore_mem>> -> memref<!tpu.dma_semaphore, #tpu.memory_space<semaphore_mem>>
    %dma_start3A_1345 = arith.constant 0 : i32
    %dma_start3A_1346 = arith.constant 0 : i32
    %dma_start3A_1347 = tpu.memref_slice %arg8[%dma_start3A_1340, %dma_start3A_1345, %dma_start3A_1346] : memref<2x1024x1024xf32, #tpu.memory_space<vmem>> -> memref<1x256x1024xf32, #tpu.memory_space<vmem>>
    %dma_start3A_1348 = tpu.memref_squeeze %dma_start3A_1347 : memref<1x256x1024xf32, #tpu.memory_space<vmem>> -> memref<256x1024xf32, #tpu.memory_space<vmem>>
    %dma_start3A_1349 = arith.constant 7168 : i32
    %dma_start3A_1350 = arith.constant 0 : i32
    %dma_start3A_1351 = tpu.memref_slice %arg1[%dma_start3A_1349, %dma_start3A_1350] : memref<8192x1024xf32, #tpu.memory_space<any>> -> memref<256x1024xf32, #tpu.memory_space<any>>
    tpu.enqueue_dma source(%dma_start3A_1351 : memref<256x1024xf32, #tpu.memory_space<any>>) target(%dma_start3A_1348 : memref<256x1024xf32, #tpu.memory_space<vmem>>) target_semaphore(%dma_start3A_1344 : memref<!tpu.dma_semaphore, #tpu.memory_space<semaphore_mem>>)
    %dma_start3A_1352 = arith.constant 1 : i32
    %dma_start3A_1353 = arith.constant 1 : i32
    %dma_start3A_1354 = arith.constant 1 : i32
    %dma_start3A_1355 = tpu.memref_slice %arg13[%dma_start3A_1353, %dma_start3A_1354] : memref<2x4x!tpu.dma_semaphore, #tpu.memory_space<semaphore_mem>> -> memref<1x1x!tpu.dma_semaphore, #tpu.memory_space<semaphore_mem>>
    %dma_start3A_1356 = tpu.memref_squeeze %dma_start3A_1355 : memref<1x1x!tpu.dma_semaphore, #tpu.memory_space<semaphore_mem>> -> memref<!tpu.dma_semaphore, #tpu.memory_space<semaphore_mem>>
    %dma_start3A_1357 = arith.constant 256 : i32
    %dma_start3A_1358 = arith.constant 0 : i32
    %dma_start3A_1359 = tpu.memref_slice %arg8[%dma_start3A_1352, %dma_start3A_1357, %dma_start3A_1358] : memref<2x1024x1024xf32, #tpu.memory_space<vmem>> -> memref<1x256x1024xf32, #tpu.memory_space<vmem>>
    %dma_start3A_1360 = tpu.memref_squeeze %dma_start3A_1359 : memref<1x256x1024xf32, #tpu.memory_space<vmem>> -> memref<256x1024xf32, #tpu.memory_space<vmem>>
    %dma_start3A_1361 = arith.constant 7424 : i32
    %dma_start3A_1362 = arith.constant 0 : i32
    %dma_start3A_1363 = tpu.memref_slice %arg1[%dma_start3A_1361, %dma_start3A_1362] : memref<8192x1024xf32, #tpu.memory_space<any>> -> memref<256x1024xf32, #tpu.memory_space<any>>
    tpu.enqueue_dma source(%dma_start3A_1363 : memref<256x1024xf32, #tpu.memory_space<any>>) target(%dma_start3A_1360 : memref<256x1024xf32, #tpu.memory_space<vmem>>) target_semaphore(%dma_start3A_1356 : memref<!tpu.dma_semaphore, #tpu.memory_space<semaphore_mem>>)
    %dma_start3A_1364 = arith.constant 1 : i32
    %dma_start3A_1365 = arith.constant 1 : i32
    %dma_start3A_1366 = arith.constant 2 : i32
    %dma_start3A_1367 = tpu.memref_slice %arg13[%dma_start3A_1365, %dma_start3A_1366] : memref<2x4x!tpu.dma_semaphore, #tpu.memory_space<semaphore_mem>> -> memref<1x1x!tpu.dma_semaphore, #tpu.memory_space<semaphore_mem>>
    %dma_start3A_1368 = tpu.memref_squeeze %dma_start3A_1367 : memref<1x1x!tpu.dma_semaphore, #tpu.memory_space<semaphore_mem>> -> memref<!tpu.dma_semaphore, #tpu.memory_space<semaphore_mem>>
    %dma_start3A_1369 = arith.constant 512 : i32
    %dma_start3A_1370 = arith.constant 0 : i32
    %dma_start3A_1371 = tpu.memref_slice %arg8[%dma_start3A_1364, %dma_start3A_1369, %dma_start3A_1370] : memref<2x1024x1024xf32, #tpu.memory_space<vmem>> -> memref<1x256x1024xf32, #tpu.memory_space<vmem>>
    %dma_start3A_1372 = tpu.memref_squeeze %dma_start3A_1371 : memref<1x256x1024xf32, #tpu.memory_space<vmem>> -> memref<256x1024xf32, #tpu.memory_space<vmem>>
    %dma_start3A_1373 = arith.constant 7680 : i32
    %dma_start3A_1374 = arith.constant 0 : i32
    %dma_start3A_1375 = tpu.memref_slice %arg1[%dma_start3A_1373, %dma_start3A_1374] : memref<8192x1024xf32, #tpu.memory_space<any>> -> memref<256x1024xf32, #tpu.memory_space<any>>
    tpu.enqueue_dma source(%dma_start3A_1375 : memref<256x1024xf32, #tpu.memory_space<any>>) target(%dma_start3A_1372 : memref<256x1024xf32, #tpu.memory_space<vmem>>) target_semaphore(%dma_start3A_1368 : memref<!tpu.dma_semaphore, #tpu.memory_space<semaphore_mem>>)
    %dma_start3A_1376 = arith.constant 1 : i32
    %dma_start3A_1377 = arith.constant 1 : i32
    %dma_start3A_1378 = arith.constant 3 : i32
    %dma_start3A_1379 = tpu.memref_slice %arg13[%dma_start3A_1377, %dma_start3A_1378] : memref<2x4x!tpu.dma_semaphore, #tpu.memory_space<semaphore_mem>> -> memref<1x1x!tpu.dma_semaphore, #tpu.memory_space<semaphore_mem>>
    %dma_start3A_1380 = tpu.memref_squeeze %dma_start3A_1379 : memref<1x1x!tpu.dma_semaphore, #tpu.memory_space<semaphore_mem>> -> memref<!tpu.dma_semaphore, #tpu.memory_space<semaphore_mem>>
    %dma_start3A_1381 = arith.constant 768 : i32
    %dma_start3A_1382 = arith.constant 0 : i32
    %dma_start3A_1383 = tpu.memref_slice %arg8[%dma_start3A_1376, %dma_start3A_1381, %dma_start3A_1382] : memref<2x1024x1024xf32, #tpu.memory_space<vmem>> -> memref<1x256x1024xf32, #tpu.memory_space<vmem>>
    %dma_start3A_1384 = tpu.memref_squeeze %dma_start3A_1383 : memref<1x256x1024xf32, #tpu.memory_space<vmem>> -> memref<256x1024xf32, #tpu.memory_space<vmem>>
    %dma_start3A_1385 = arith.constant 7936 : i32
    %dma_start3A_1386 = arith.constant 0 : i32
    %dma_start3A_1387 = tpu.memref_slice %arg1[%dma_start3A_1385, %dma_start3A_1386] : memref<8192x1024xf32, #tpu.memory_space<any>> -> memref<256x1024xf32, #tpu.memory_space<any>>
    tpu.enqueue_dma source(%dma_start3A_1387 : memref<256x1024xf32, #tpu.memory_space<any>>) target(%dma_start3A_1384 : memref<256x1024xf32, #tpu.memory_space<vmem>>) target_semaphore(%dma_start3A_1380 : memref<!tpu.dma_semaphore, #tpu.memory_space<semaphore_mem>>)
    %dma_wait3A_1388 = arith.constant 0 : i32
    %dma_wait3A_1389 = arith.constant 0 : i32
    %dma_wait3A_1390 = arith.constant 0 : i32
    %dma_wait3A_1391 = tpu.memref_slice %arg13[%dma_wait3A_1389, %dma_wait3A_1390] : memref<2x4x!tpu.dma_semaphore, #tpu.memory_space<semaphore_mem>> -> memref<1x1x!tpu.dma_semaphore, #tpu.memory_space<semaphore_mem>>
    %dma_wait3A_1392 = tpu.memref_squeeze %dma_wait3A_1391 : memref<1x1x!tpu.dma_semaphore, #tpu.memory_space<semaphore_mem>> -> memref<!tpu.dma_semaphore, #tpu.memory_space<semaphore_mem>>
    %dma_wait3A_1393 = arith.constant 0 : i32
    %dma_wait3A_1394 = arith.constant 0 : i32
    %dma_wait3A_1395 = tpu.memref_slice %arg8[%dma_wait3A_1388, %dma_wait3A_1393, %dma_wait3A_1394] : memref<2x1024x1024xf32, #tpu.memory_space<vmem>> -> memref<1x256x1024xf32, #tpu.memory_space<vmem>>
    %dma_wait3A_1396 = tpu.memref_squeeze %dma_wait3A_1395 : memref<1x256x1024xf32, #tpu.memory_space<vmem>> -> memref<256x1024xf32, #tpu.memory_space<vmem>>
    %dma_wait3A_1397 = arith.constant 6144 : i32
    %dma_wait3A_1398 = arith.constant 0 : i32
    %dma_wait3A_1399 = tpu.memref_slice %arg1[%dma_wait3A_1397, %dma_wait3A_1398] : memref<8192x1024xf32, #tpu.memory_space<any>> -> memref<256x1024xf32, #tpu.memory_space<any>>
    tpu.wait_dma2 semaphore(%dma_wait3A_1392 : memref<!tpu.dma_semaphore, #tpu.memory_space<semaphore_mem>>) src(%dma_wait3A_1399 : memref<256x1024xf32, #tpu.memory_space<any>>) dst(%dma_wait3A_1396 : memref<256x1024xf32, #tpu.memory_space<vmem>>)
    %dma_wait3A_1400 = arith.constant 0 : i32
    %dma_wait3A_1401 = arith.constant 0 : i32
    %dma_wait3A_1402 = arith.constant 1 : i32
    %dma_wait3A_1403 = tpu.memref_slice %arg13[%dma_wait3A_1401, %dma_wait3A_1402] : memref<2x4x!tpu.dma_semaphore, #tpu.memory_space<semaphore_mem>> -> memref<1x1x!tpu.dma_semaphore, #tpu.memory_space<semaphore_mem>>
    %dma_wait3A_1404 = tpu.memref_squeeze %dma_wait3A_1403 : memref<1x1x!tpu.dma_semaphore, #tpu.memory_space<semaphore_mem>> -> memref<!tpu.dma_semaphore, #tpu.memory_space<semaphore_mem>>
    %dma_wait3A_1405 = arith.constant 256 : i32
    %dma_wait3A_1406 = arith.constant 0 : i32
    %dma_wait3A_1407 = tpu.memref_slice %arg8[%dma_wait3A_1400, %dma_wait3A_1405, %dma_wait3A_1406] : memref<2x1024x1024xf32, #tpu.memory_space<vmem>> -> memref<1x256x1024xf32, #tpu.memory_space<vmem>>
    %dma_wait3A_1408 = tpu.memref_squeeze %dma_wait3A_1407 : memref<1x256x1024xf32, #tpu.memory_space<vmem>> -> memref<256x1024xf32, #tpu.memory_space<vmem>>
    %dma_wait3A_1409 = arith.constant 6400 : i32
    %dma_wait3A_1410 = arith.constant 0 : i32
    %dma_wait3A_1411 = tpu.memref_slice %arg1[%dma_wait3A_1409, %dma_wait3A_1410] : memref<8192x1024xf32, #tpu.memory_space<any>> -> memref<256x1024xf32, #tpu.memory_space<any>>
    tpu.wait_dma2 semaphore(%dma_wait3A_1404 : memref<!tpu.dma_semaphore, #tpu.memory_space<semaphore_mem>>) src(%dma_wait3A_1411 : memref<256x1024xf32, #tpu.memory_space<any>>) dst(%dma_wait3A_1408 : memref<256x1024xf32, #tpu.memory_space<vmem>>)
    %dma_wait3A_1412 = arith.constant 0 : i32
    %dma_wait3A_1413 = arith.constant 0 : i32
    %dma_wait3A_1414 = arith.constant 2 : i32
    %dma_wait3A_1415 = tpu.memref_slice %arg13[%dma_wait3A_1413, %dma_wait3A_1414] : memref<2x4x!tpu.dma_semaphore, #tpu.memory_space<semaphore_mem>> -> memref<1x1x!tpu.dma_semaphore, #tpu.memory_space<semaphore_mem>>
    %dma_wait3A_1416 = tpu.memref_squeeze %dma_wait3A_1415 : memref<1x1x!tpu.dma_semaphore, #tpu.memory_space<semaphore_mem>> -> memref<!tpu.dma_semaphore, #tpu.memory_space<semaphore_mem>>
    %dma_wait3A_1417 = arith.constant 512 : i32
    %dma_wait3A_1418 = arith.constant 0 : i32
    %dma_wait3A_1419 = tpu.memref_slice %arg8[%dma_wait3A_1412, %dma_wait3A_1417, %dma_wait3A_1418] : memref<2x1024x1024xf32, #tpu.memory_space<vmem>> -> memref<1x256x1024xf32, #tpu.memory_space<vmem>>
    %dma_wait3A_1420 = tpu.memref_squeeze %dma_wait3A_1419 : memref<1x256x1024xf32, #tpu.memory_space<vmem>> -> memref<256x1024xf32, #tpu.memory_space<vmem>>
    %dma_wait3A_1421 = arith.constant 6656 : i32
    %dma_wait3A_1422 = arith.constant 0 : i32
    %dma_wait3A_1423 = tpu.memref_slice %arg1[%dma_wait3A_1421, %dma_wait3A_1422] : memref<8192x1024xf32, #tpu.memory_space<any>> -> memref<256x1024xf32, #tpu.memory_space<any>>
    tpu.wait_dma2 semaphore(%dma_wait3A_1416 : memref<!tpu.dma_semaphore, #tpu.memory_space<semaphore_mem>>) src(%dma_wait3A_1423 : memref<256x1024xf32, #tpu.memory_space<any>>) dst(%dma_wait3A_1420 : memref<256x1024xf32, #tpu.memory_space<vmem>>)
    %dma_wait3A_1424 = arith.constant 0 : i32
    %dma_wait3A_1425 = arith.constant 0 : i32
    %dma_wait3A_1426 = arith.constant 3 : i32
    %dma_wait3A_1427 = tpu.memref_slice %arg13[%dma_wait3A_1425, %dma_wait3A_1426] : memref<2x4x!tpu.dma_semaphore, #tpu.memory_space<semaphore_mem>> -> memref<1x1x!tpu.dma_semaphore, #tpu.memory_space<semaphore_mem>>
    %dma_wait3A_1428 = tpu.memref_squeeze %dma_wait3A_1427 : memref<1x1x!tpu.dma_semaphore, #tpu.memory_space<semaphore_mem>> -> memref<!tpu.dma_semaphore, #tpu.memory_space<semaphore_mem>>
    %dma_wait3A_1429 = arith.constant 768 : i32
    %dma_wait3A_1430 = arith.constant 0 : i32
    %dma_wait3A_1431 = tpu.memref_slice %arg8[%dma_wait3A_1424, %dma_wait3A_1429, %dma_wait3A_1430] : memref<2x1024x1024xf32, #tpu.memory_space<vmem>> -> memref<1x256x1024xf32, #tpu.memory_space<vmem>>
    %dma_wait3A_1432 = tpu.memref_squeeze %dma_wait3A_1431 : memref<1x256x1024xf32, #tpu.memory_space<vmem>> -> memref<256x1024xf32, #tpu.memory_space<vmem>>
    %dma_wait3A_1433 = arith.constant 6912 : i32
    %dma_wait3A_1434 = arith.constant 0 : i32
    %dma_wait3A_1435 = tpu.memref_slice %arg1[%dma_wait3A_1433, %dma_wait3A_1434] : memref<8192x1024xf32, #tpu.memory_space<any>> -> memref<256x1024xf32, #tpu.memory_space<any>>
    tpu.wait_dma2 semaphore(%dma_wait3A_1428 : memref<!tpu.dma_semaphore, #tpu.memory_space<semaphore_mem>>) src(%dma_wait3A_1435 : memref<256x1024xf32, #tpu.memory_space<any>>) dst(%dma_wait3A_1432 : memref<256x1024xf32, #tpu.memory_space<vmem>>)
    %dma_wait3A_1436 = arith.constant 0 : i32
    %dma_wait3A_1437 = arith.constant 0 : i32
    %dma_wait3A_1438 = tpu.memref_slice %arg14[%dma_wait3A_1437] : memref<2x!tpu.dma_semaphore, #tpu.memory_space<semaphore_mem>> -> memref<1x!tpu.dma_semaphore, #tpu.memory_space<semaphore_mem>>
    %dma_wait3A_1439 = tpu.memref_squeeze %dma_wait3A_1438 : memref<1x!tpu.dma_semaphore, #tpu.memory_space<semaphore_mem>> -> memref<!tpu.dma_semaphore, #tpu.memory_space<semaphore_mem>>
    %dma_wait3A_1440 = arith.constant 4096 : i32
    %dma_wait3A_1441 = arith.constant 0 : i32
    %dma_wait3A_1442 = tpu.memref_slice %arg4[%dma_wait3A_1440, %dma_wait3A_1441] : memref<8192x128xf32, #tpu.memory_space<any>> -> memref<1024x128xf32, #tpu.memory_space<any>>
    %dma_wait3A_1443 = arith.constant 0 : i32
    %dma_wait3A_1444 = arith.constant 0 : i32
    %dma_wait3A_1445 = tpu.memref_slice %arg9[%dma_wait3A_1436, %dma_wait3A_1443, %dma_wait3A_1444] : memref<2x1024x128xf32, #tpu.memory_space<vmem>> -> memref<1x1024x128xf32, #tpu.memory_space<vmem>>
    %dma_wait3A_1446 = tpu.memref_squeeze %dma_wait3A_1445 : memref<1x1024x128xf32, #tpu.memory_space<vmem>> -> memref<1024x128xf32, #tpu.memory_space<vmem>>
    tpu.wait_dma2 semaphore(%dma_wait3A_1439 : memref<!tpu.dma_semaphore, #tpu.memory_space<semaphore_mem>>) src(%dma_wait3A_1446 : memref<1024x128xf32, #tpu.memory_space<vmem>>) dst(%dma_wait3A_1442 : memref<1024x128xf32, #tpu.memory_space<any>>)
    %get3A_1447 = arith.constant 0 : index
    %get3A_1448 = arith.constant 0 : index
    %get3A_1449 = arith.constant 0 : index
    %get3A_1450 = vector.load %arg8[%get3A_1447, %get3A_1448, %get3A_1449] : memref<2x1024x1024xf32, #tpu.memory_space<vmem>>, vector<1x1024x1024xf32>
    %get3A_1451 = vector.shape_cast %get3A_1450 : vector<1x1024x1024xf32> to vector<1024x1024xf32>
    %convert_element_type3A_1452 = arith.truncf %get3A_1451 : vector<1024x1024xf32> to vector<1024x1024xbf16>
    %dot_general3A_1453 = arith.constant dense<0.000000e+00> : vector<1024x1024xf32>
    %dot_general3A_1454 = tpu.matmul %convert_element_type3A_1452, %convert_element_type3A, %dot_general3A_1453 {dimension_numbers = #tpu.dot_dimension_numbers<[1], [0], [0], [1], [0, 0, 1, 1], [], []>, transpose_lhs_hint = false} : vector<1024x1024xbf16>, vector<1024x1024xbf16>, vector<1024x1024xf32> -> vector<1024x1024xf32>
    %get3A_1455 = arith.constant 0 : index
    %get3A_1456 = arith.constant 0 : index
    %get3A_1457 = vector.load %arg6[%get3A_1455, %get3A_1456] : memref<1x1024xf32, #tpu.memory_space<vmem>>, vector<1x1024xf32>
    %add3A_1458 = vector.broadcast %get3A_1457 : vector<1x1024xf32> to vector<1024x1024xf32>
    %add3A_1459 = arith.addf %dot_general3A_1454, %add3A_1458 : vector<1024x1024xf32>
    %get3A_1460 = arith.constant 0 : index
    %get3A_1461 = arith.constant 6144 : index
    %get3A_1462 = vector.load %arg7[%get3A_1460, %get3A_1461] : memref<1x8192xi32, #tpu.memory_space<vmem>>, vector<1x1024xi32>
    %get3A_1463 = vector.shape_cast %get3A_1462 : vector<1x1024xi32> to vector<1024xi32>
    %eq3A_1464 = arith.constant 0 : i32
    %eq3A_1465 = vector.broadcast %eq3A_1464 : i32 to vector<1024xi32>
    %eq3A_1466 = arith.cmpi eq, %get3A_1463, %eq3A_1465 : vector<1024xi32>
    %convert_element_type3A_1467 = arith.extui %eq3A_1466 : vector<1024xi1> to vector<1024xi32>
    %convert_element_type3A_1468 = arith.sitofp %convert_element_type3A_1467 : vector<1024xi32> to vector<1024xf32>
    %broadcast_in_dim3A_1469 = vector.shape_cast %convert_element_type3A_1468 : vector<1024xf32> to vector<1024x1xf32>
    %slice3A_1470 = vector.extract_strided_slice %add3A_1459 {offsets = [0, 0], sizes = [1024, 128], strides = [1, 1]} : vector<1024x1024xf32> to vector<1024x128xf32>
    %mul3A_1471 = vector.broadcast %broadcast_in_dim3A_1469 : vector<1024x1xf32> to vector<1024x128xf32>
    %mul3A_1472 = arith.mulf %slice3A_1470, %mul3A_1471 : vector<1024x128xf32>
    %eq3A_1473 = arith.constant 1 : i32
    %eq3A_1474 = vector.broadcast %eq3A_1473 : i32 to vector<1024xi32>
    %eq3A_1475 = arith.cmpi eq, %get3A_1463, %eq3A_1474 : vector<1024xi32>
    %convert_element_type3A_1476 = arith.extui %eq3A_1475 : vector<1024xi1> to vector<1024xi32>
    %convert_element_type3A_1477 = arith.sitofp %convert_element_type3A_1476 : vector<1024xi32> to vector<1024xf32>
    %broadcast_in_dim3A_1478 = vector.shape_cast %convert_element_type3A_1477 : vector<1024xf32> to vector<1024x1xf32>
    %slice3A_1479 = vector.extract_strided_slice %add3A_1459 {offsets = [0, 128], sizes = [1024, 128], strides = [1, 1]} : vector<1024x1024xf32> to vector<1024x128xf32>
    %mul3A_1480 = vector.broadcast %broadcast_in_dim3A_1478 : vector<1024x1xf32> to vector<1024x128xf32>
    %mul3A_1481 = arith.mulf %slice3A_1479, %mul3A_1480 : vector<1024x128xf32>
    %add3A_1482 = arith.addf %mul3A_1472, %mul3A_1481 : vector<1024x128xf32>
    %eq3A_1483 = arith.constant 2 : i32
    %eq3A_1484 = vector.broadcast %eq3A_1483 : i32 to vector<1024xi32>
    %eq3A_1485 = arith.cmpi eq, %get3A_1463, %eq3A_1484 : vector<1024xi32>
    %convert_element_type3A_1486 = arith.extui %eq3A_1485 : vector<1024xi1> to vector<1024xi32>
    %convert_element_type3A_1487 = arith.sitofp %convert_element_type3A_1486 : vector<1024xi32> to vector<1024xf32>
    %broadcast_in_dim3A_1488 = vector.shape_cast %convert_element_type3A_1487 : vector<1024xf32> to vector<1024x1xf32>
    %slice3A_1489 = vector.extract_strided_slice %add3A_1459 {offsets = [0, 256], sizes = [1024, 128], strides = [1, 1]} : vector<1024x1024xf32> to vector<1024x128xf32>
    %mul3A_1490 = vector.broadcast %broadcast_in_dim3A_1488 : vector<1024x1xf32> to vector<1024x128xf32>
    %mul3A_1491 = arith.mulf %slice3A_1489, %mul3A_1490 : vector<1024x128xf32>
    %add3A_1492 = arith.addf %add3A_1482, %mul3A_1491 : vector<1024x128xf32>
    %eq3A_1493 = arith.constant 3 : i32
    %eq3A_1494 = vector.broadcast %eq3A_1493 : i32 to vector<1024xi32>
    %eq3A_1495 = arith.cmpi eq, %get3A_1463, %eq3A_1494 : vector<1024xi32>
    %convert_element_type3A_1496 = arith.extui %eq3A_1495 : vector<1024xi1> to vector<1024xi32>
    %convert_element_type3A_1497 = arith.sitofp %convert_element_type3A_1496 : vector<1024xi32> to vector<1024xf32>
    %broadcast_in_dim3A_1498 = vector.shape_cast %convert_element_type3A_1497 : vector<1024xf32> to vector<1024x1xf32>
    %slice3A_1499 = vector.extract_strided_slice %add3A_1459 {offsets = [0, 384], sizes = [1024, 128], strides = [1, 1]} : vector<1024x1024xf32> to vector<1024x128xf32>
    %mul3A_1500 = vector.broadcast %broadcast_in_dim3A_1498 : vector<1024x1xf32> to vector<1024x128xf32>
    %mul3A_1501 = arith.mulf %slice3A_1499, %mul3A_1500 : vector<1024x128xf32>
    %add3A_1502 = arith.addf %add3A_1492, %mul3A_1501 : vector<1024x128xf32>
    %eq3A_1503 = arith.constant 4 : i32
    %eq3A_1504 = vector.broadcast %eq3A_1503 : i32 to vector<1024xi32>
    %eq3A_1505 = arith.cmpi eq, %get3A_1463, %eq3A_1504 : vector<1024xi32>
    %convert_element_type3A_1506 = arith.extui %eq3A_1505 : vector<1024xi1> to vector<1024xi32>
    %convert_element_type3A_1507 = arith.sitofp %convert_element_type3A_1506 : vector<1024xi32> to vector<1024xf32>
    %broadcast_in_dim3A_1508 = vector.shape_cast %convert_element_type3A_1507 : vector<1024xf32> to vector<1024x1xf32>
    %slice3A_1509 = vector.extract_strided_slice %add3A_1459 {offsets = [0, 512], sizes = [1024, 128], strides = [1, 1]} : vector<1024x1024xf32> to vector<1024x128xf32>
    %mul3A_1510 = vector.broadcast %broadcast_in_dim3A_1508 : vector<1024x1xf32> to vector<1024x128xf32>
    %mul3A_1511 = arith.mulf %slice3A_1509, %mul3A_1510 : vector<1024x128xf32>
    %add3A_1512 = arith.addf %add3A_1502, %mul3A_1511 : vector<1024x128xf32>
    %eq3A_1513 = arith.constant 5 : i32
    %eq3A_1514 = vector.broadcast %eq3A_1513 : i32 to vector<1024xi32>
    %eq3A_1515 = arith.cmpi eq, %get3A_1463, %eq3A_1514 : vector<1024xi32>
    %convert_element_type3A_1516 = arith.extui %eq3A_1515 : vector<1024xi1> to vector<1024xi32>
    %convert_element_type3A_1517 = arith.sitofp %convert_element_type3A_1516 : vector<1024xi32> to vector<1024xf32>
    %broadcast_in_dim3A_1518 = vector.shape_cast %convert_element_type3A_1517 : vector<1024xf32> to vector<1024x1xf32>
    %slice3A_1519 = vector.extract_strided_slice %add3A_1459 {offsets = [0, 640], sizes = [1024, 128], strides = [1, 1]} : vector<1024x1024xf32> to vector<1024x128xf32>
    %mul3A_1520 = vector.broadcast %broadcast_in_dim3A_1518 : vector<1024x1xf32> to vector<1024x128xf32>
    %mul3A_1521 = arith.mulf %slice3A_1519, %mul3A_1520 : vector<1024x128xf32>
    %add3A_1522 = arith.addf %add3A_1512, %mul3A_1521 : vector<1024x128xf32>
    %eq3A_1523 = arith.constant 6 : i32
    %eq3A_1524 = vector.broadcast %eq3A_1523 : i32 to vector<1024xi32>
    %eq3A_1525 = arith.cmpi eq, %get3A_1463, %eq3A_1524 : vector<1024xi32>
    %convert_element_type3A_1526 = arith.extui %eq3A_1525 : vector<1024xi1> to vector<1024xi32>
    %convert_element_type3A_1527 = arith.sitofp %convert_element_type3A_1526 : vector<1024xi32> to vector<1024xf32>
    %broadcast_in_dim3A_1528 = vector.shape_cast %convert_element_type3A_1527 : vector<1024xf32> to vector<1024x1xf32>
    %slice3A_1529 = vector.extract_strided_slice %add3A_1459 {offsets = [0, 768], sizes = [1024, 128], strides = [1, 1]} : vector<1024x1024xf32> to vector<1024x128xf32>
    %mul3A_1530 = vector.broadcast %broadcast_in_dim3A_1528 : vector<1024x1xf32> to vector<1024x128xf32>
    %mul3A_1531 = arith.mulf %slice3A_1529, %mul3A_1530 : vector<1024x128xf32>
    %add3A_1532 = arith.addf %add3A_1522, %mul3A_1531 : vector<1024x128xf32>
    %eq3A_1533 = arith.constant 7 : i32
    %eq3A_1534 = vector.broadcast %eq3A_1533 : i32 to vector<1024xi32>
    %eq3A_1535 = arith.cmpi eq, %get3A_1463, %eq3A_1534 : vector<1024xi32>
    %convert_element_type3A_1536 = arith.extui %eq3A_1535 : vector<1024xi1> to vector<1024xi32>
    %convert_element_type3A_1537 = arith.sitofp %convert_element_type3A_1536 : vector<1024xi32> to vector<1024xf32>
    %broadcast_in_dim3A_1538 = vector.shape_cast %convert_element_type3A_1537 : vector<1024xf32> to vector<1024x1xf32>
    %slice3A_1539 = vector.extract_strided_slice %add3A_1459 {offsets = [0, 896], sizes = [1024, 128], strides = [1, 1]} : vector<1024x1024xf32> to vector<1024x128xf32>
    %mul3A_1540 = vector.broadcast %broadcast_in_dim3A_1538 : vector<1024x1xf32> to vector<1024x128xf32>
    %mul3A_1541 = arith.mulf %slice3A_1539, %mul3A_1540 : vector<1024x128xf32>
    %add3A_1542 = arith.addf %add3A_1532, %mul3A_1541 : vector<1024x128xf32>
    %swap3A_1543 = arith.constant 0 : index
    %swap3A_1544 = arith.constant 0 : index
    %swap3A_1545 = arith.constant 0 : index
    %swap3A_1546 = vector.load %arg9[%swap3A_1543, %swap3A_1544, %swap3A_1545] : memref<2x1024x128xf32, #tpu.memory_space<vmem>>, vector<1x1024x128xf32>
    %swap3A_1547 = vector.shape_cast %swap3A_1546 : vector<1x1024x128xf32> to vector<1024x128xf32>
    %swap3A_1548 = vector.shape_cast %add3A_1542 : vector<1024x128xf32> to vector<1x1024x128xf32>
    tpu.vector_store %arg9[%swap3A_1543, %swap3A_1544, %swap3A_1545], %swap3A_1548 {strides = array<i32>} : memref<2x1024x128xf32, #tpu.memory_space<vmem>>, vector<1x1024x128xf32>,
    %dma_start3A_1549 = arith.constant 0 : i32
    %dma_start3A_1550 = arith.constant 0 : i32
    %dma_start3A_1551 = tpu.memref_slice %arg14[%dma_start3A_1550] : memref<2x!tpu.dma_semaphore, #tpu.memory_space<semaphore_mem>> -> memref<1x!tpu.dma_semaphore, #tpu.memory_space<semaphore_mem>>
    %dma_start3A_1552 = tpu.memref_squeeze %dma_start3A_1551 : memref<1x!tpu.dma_semaphore, #tpu.memory_space<semaphore_mem>> -> memref<!tpu.dma_semaphore, #tpu.memory_space<semaphore_mem>>
    %dma_start3A_1553 = arith.constant 6144 : i32
    %dma_start3A_1554 = arith.constant 0 : i32
    %dma_start3A_1555 = tpu.memref_slice %arg4[%dma_start3A_1553, %dma_start3A_1554] : memref<8192x128xf32, #tpu.memory_space<any>> -> memref<1024x128xf32, #tpu.memory_space<any>>
    %dma_start3A_1556 = arith.constant 0 : i32
    %dma_start3A_1557 = arith.constant 0 : i32
    %dma_start3A_1558 = tpu.memref_slice %arg9[%dma_start3A_1549, %dma_start3A_1556, %dma_start3A_1557] : memref<2x1024x128xf32, #tpu.memory_space<vmem>> -> memref<1x1024x128xf32, #tpu.memory_space<vmem>>
    %dma_start3A_1559 = tpu.memref_squeeze %dma_start3A_1558 : memref<1x1024x128xf32, #tpu.memory_space<vmem>> -> memref<1024x128xf32, #tpu.memory_space<vmem>>
    tpu.enqueue_dma source(%dma_start3A_1559 : memref<1024x128xf32, #tpu.memory_space<vmem>>) target(%dma_start3A_1555 : memref<1024x128xf32, #tpu.memory_space<any>>) target_semaphore(%dma_start3A_1552 : memref<!tpu.dma_semaphore, #tpu.memory_space<semaphore_mem>>)
    %dma_wait3A_1560 = arith.constant 1 : i32
    %dma_wait3A_1561 = arith.constant 1 : i32
    %dma_wait3A_1562 = arith.constant 0 : i32
    %dma_wait3A_1563 = tpu.memref_slice %arg13[%dma_wait3A_1561, %dma_wait3A_1562] : memref<2x4x!tpu.dma_semaphore, #tpu.memory_space<semaphore_mem>> -> memref<1x1x!tpu.dma_semaphore, #tpu.memory_space<semaphore_mem>>
    %dma_wait3A_1564 = tpu.memref_squeeze %dma_wait3A_1563 : memref<1x1x!tpu.dma_semaphore, #tpu.memory_space<semaphore_mem>> -> memref<!tpu.dma_semaphore, #tpu.memory_space<semaphore_mem>>
    %dma_wait3A_1565 = arith.constant 0 : i32
    %dma_wait3A_1566 = arith.constant 0 : i32
    %dma_wait3A_1567 = tpu.memref_slice %arg8[%dma_wait3A_1560, %dma_wait3A_1565, %dma_wait3A_1566] : memref<2x1024x1024xf32, #tpu.memory_space<vmem>> -> memref<1x256x1024xf32, #tpu.memory_space<vmem>>
    %dma_wait3A_1568 = tpu.memref_squeeze %dma_wait3A_1567 : memref<1x256x1024xf32, #tpu.memory_space<vmem>> -> memref<256x1024xf32, #tpu.memory_space<vmem>>
    %dma_wait3A_1569 = arith.constant 7168 : i32
    %dma_wait3A_1570 = arith.constant 0 : i32
    %dma_wait3A_1571 = tpu.memref_slice %arg1[%dma_wait3A_1569, %dma_wait3A_1570] : memref<8192x1024xf32, #tpu.memory_space<any>> -> memref<256x1024xf32, #tpu.memory_space<any>>
    tpu.wait_dma2 semaphore(%dma_wait3A_1564 : memref<!tpu.dma_semaphore, #tpu.memory_space<semaphore_mem>>) src(%dma_wait3A_1571 : memref<256x1024xf32, #tpu.memory_space<any>>) dst(%dma_wait3A_1568 : memref<256x1024xf32, #tpu.memory_space<vmem>>)
    %dma_wait3A_1572 = arith.constant 1 : i32
    %dma_wait3A_1573 = arith.constant 1 : i32
    %dma_wait3A_1574 = arith.constant 1 : i32
    %dma_wait3A_1575 = tpu.memref_slice %arg13[%dma_wait3A_1573, %dma_wait3A_1574] : memref<2x4x!tpu.dma_semaphore, #tpu.memory_space<semaphore_mem>> -> memref<1x1x!tpu.dma_semaphore, #tpu.memory_space<semaphore_mem>>
    %dma_wait3A_1576 = tpu.memref_squeeze %dma_wait3A_1575 : memref<1x1x!tpu.dma_semaphore, #tpu.memory_space<semaphore_mem>> -> memref<!tpu.dma_semaphore, #tpu.memory_space<semaphore_mem>>
    %dma_wait3A_1577 = arith.constant 256 : i32
    %dma_wait3A_1578 = arith.constant 0 : i32
    %dma_wait3A_1579 = tpu.memref_slice %arg8[%dma_wait3A_1572, %dma_wait3A_1577, %dma_wait3A_1578] : memref<2x1024x1024xf32, #tpu.memory_space<vmem>> -> memref<1x256x1024xf32, #tpu.memory_space<vmem>>
    %dma_wait3A_1580 = tpu.memref_squeeze %dma_wait3A_1579 : memref<1x256x1024xf32, #tpu.memory_space<vmem>> -> memref<256x1024xf32, #tpu.memory_space<vmem>>
    %dma_wait3A_1581 = arith.constant 7424 : i32
    %dma_wait3A_1582 = arith.constant 0 : i32
    %dma_wait3A_1583 = tpu.memref_slice %arg1[%dma_wait3A_1581, %dma_wait3A_1582] : memref<8192x1024xf32, #tpu.memory_space<any>> -> memref<256x1024xf32, #tpu.memory_space<any>>
    tpu.wait_dma2 semaphore(%dma_wait3A_1576 : memref<!tpu.dma_semaphore, #tpu.memory_space<semaphore_mem>>) src(%dma_wait3A_1583 : memref<256x1024xf32, #tpu.memory_space<any>>) dst(%dma_wait3A_1580 : memref<256x1024xf32, #tpu.memory_space<vmem>>)
    %dma_wait3A_1584 = arith.constant 1 : i32
    %dma_wait3A_1585 = arith.constant 1 : i32
    %dma_wait3A_1586 = arith.constant 2 : i32
    %dma_wait3A_1587 = tpu.memref_slice %arg13[%dma_wait3A_1585, %dma_wait3A_1586] : memref<2x4x!tpu.dma_semaphore, #tpu.memory_space<semaphore_mem>> -> memref<1x1x!tpu.dma_semaphore, #tpu.memory_space<semaphore_mem>>
    %dma_wait3A_1588 = tpu.memref_squeeze %dma_wait3A_1587 : memref<1x1x!tpu.dma_semaphore, #tpu.memory_space<semaphore_mem>> -> memref<!tpu.dma_semaphore, #tpu.memory_space<semaphore_mem>>
    %dma_wait3A_1589 = arith.constant 512 : i32
    %dma_wait3A_1590 = arith.constant 0 : i32
    %dma_wait3A_1591 = tpu.memref_slice %arg8[%dma_wait3A_1584, %dma_wait3A_1589, %dma_wait3A_1590] : memref<2x1024x1024xf32, #tpu.memory_space<vmem>> -> memref<1x256x1024xf32, #tpu.memory_space<vmem>>
    %dma_wait3A_1592 = tpu.memref_squeeze %dma_wait3A_1591 : memref<1x256x1024xf32, #tpu.memory_space<vmem>> -> memref<256x1024xf32, #tpu.memory_space<vmem>>
    %dma_wait3A_1593 = arith.constant 7680 : i32
    %dma_wait3A_1594 = arith.constant 0 : i32
    %dma_wait3A_1595 = tpu.memref_slice %arg1[%dma_wait3A_1593, %dma_wait3A_1594] : memref<8192x1024xf32, #tpu.memory_space<any>> -> memref<256x1024xf32, #tpu.memory_space<any>>
    tpu.wait_dma2 semaphore(%dma_wait3A_1588 : memref<!tpu.dma_semaphore, #tpu.memory_space<semaphore_mem>>) src(%dma_wait3A_1595 : memref<256x1024xf32, #tpu.memory_space<any>>) dst(%dma_wait3A_1592 : memref<256x1024xf32, #tpu.memory_space<vmem>>)
    %dma_wait3A_1596 = arith.constant 1 : i32
    %dma_wait3A_1597 = arith.constant 1 : i32
    %dma_wait3A_1598 = arith.constant 3 : i32
    %dma_wait3A_1599 = tpu.memref_slice %arg13[%dma_wait3A_1597, %dma_wait3A_1598] : memref<2x4x!tpu.dma_semaphore, #tpu.memory_space<semaphore_mem>> -> memref<1x1x!tpu.dma_semaphore, #tpu.memory_space<semaphore_mem>>
    %dma_wait3A_1600 = tpu.memref_squeeze %dma_wait3A_1599 : memref<1x1x!tpu.dma_semaphore, #tpu.memory_space<semaphore_mem>> -> memref<!tpu.dma_semaphore, #tpu.memory_space<semaphore_mem>>
    %dma_wait3A_1601 = arith.constant 768 : i32
    %dma_wait3A_1602 = arith.constant 0 : i32
    %dma_wait3A_1603 = tpu.memref_slice %arg8[%dma_wait3A_1596, %dma_wait3A_1601, %dma_wait3A_1602] : memref<2x1024x1024xf32, #tpu.memory_space<vmem>> -> memref<1x256x1024xf32, #tpu.memory_space<vmem>>
    %dma_wait3A_1604 = tpu.memref_squeeze %dma_wait3A_1603 : memref<1x256x1024xf32, #tpu.memory_space<vmem>> -> memref<256x1024xf32, #tpu.memory_space<vmem>>
    %dma_wait3A_1605 = arith.constant 7936 : i32
    %dma_wait3A_1606 = arith.constant 0 : i32
    %dma_wait3A_1607 = tpu.memref_slice %arg1[%dma_wait3A_1605, %dma_wait3A_1606] : memref<8192x1024xf32, #tpu.memory_space<any>> -> memref<256x1024xf32, #tpu.memory_space<any>>
    tpu.wait_dma2 semaphore(%dma_wait3A_1600 : memref<!tpu.dma_semaphore, #tpu.memory_space<semaphore_mem>>) src(%dma_wait3A_1607 : memref<256x1024xf32, #tpu.memory_space<any>>) dst(%dma_wait3A_1604 : memref<256x1024xf32, #tpu.memory_space<vmem>>)
    %dma_wait3A_1608 = arith.constant 1 : i32
    %dma_wait3A_1609 = arith.constant 1 : i32
    %dma_wait3A_1610 = tpu.memref_slice %arg14[%dma_wait3A_1609] : memref<2x!tpu.dma_semaphore, #tpu.memory_space<semaphore_mem>> -> memref<1x!tpu.dma_semaphore, #tpu.memory_space<semaphore_mem>>
    %dma_wait3A_1611 = tpu.memref_squeeze %dma_wait3A_1610 : memref<1x!tpu.dma_semaphore, #tpu.memory_space<semaphore_mem>> -> memref<!tpu.dma_semaphore, #tpu.memory_space<semaphore_mem>>
    %dma_wait3A_1612 = arith.constant 5120 : i32
    %dma_wait3A_1613 = arith.constant 0 : i32
    %dma_wait3A_1614 = tpu.memref_slice %arg4[%dma_wait3A_1612, %dma_wait3A_1613] : memref<8192x128xf32, #tpu.memory_space<any>> -> memref<1024x128xf32, #tpu.memory_space<any>>
    %dma_wait3A_1615 = arith.constant 0 : i32
    %dma_wait3A_1616 = arith.constant 0 : i32
    %dma_wait3A_1617 = tpu.memref_slice %arg9[%dma_wait3A_1608, %dma_wait3A_1615, %dma_wait3A_1616] : memref<2x1024x128xf32, #tpu.memory_space<vmem>> -> memref<1x1024x128xf32, #tpu.memory_space<vmem>>
    %dma_wait3A_1618 = tpu.memref_squeeze %dma_wait3A_1617 : memref<1x1024x128xf32, #tpu.memory_space<vmem>> -> memref<1024x128xf32, #tpu.memory_space<vmem>>
    tpu.wait_dma2 semaphore(%dma_wait3A_1611 : memref<!tpu.dma_semaphore, #tpu.memory_space<semaphore_mem>>) src(%dma_wait3A_1618 : memref<1024x128xf32, #tpu.memory_space<vmem>>) dst(%dma_wait3A_1614 : memref<1024x128xf32, #tpu.memory_space<any>>)
    %get3A_1619 = arith.constant 1 : index
    %get3A_1620 = arith.constant 0 : index
    %get3A_1621 = arith.constant 0 : index
    %get3A_1622 = vector.load %arg8[%get3A_1619, %get3A_1620, %get3A_1621] : memref<2x1024x1024xf32, #tpu.memory_space<vmem>>, vector<1x1024x1024xf32>
    %get3A_1623 = vector.shape_cast %get3A_1622 : vector<1x1024x1024xf32> to vector<1024x1024xf32>
    %convert_element_type3A_1624 = arith.truncf %get3A_1623 : vector<1024x1024xf32> to vector<1024x1024xbf16>
    %dot_general3A_1625 = arith.constant dense<0.000000e+00> : vector<1024x1024xf32>
    %dot_general3A_1626 = tpu.matmul %convert_element_type3A_1624, %convert_element_type3A, %dot_general3A_1625 {dimension_numbers = #tpu.dot_dimension_numbers<[1], [0], [0], [1], [0, 0, 1, 1], [], []>, transpose_lhs_hint = false} : vector<1024x1024xbf16>, vector<1024x1024xbf16>, vector<1024x1024xf32> -> vector<1024x1024xf32>
    %get3A_1627 = arith.constant 0 : index
    %get3A_1628 = arith.constant 0 : index
    %get3A_1629 = vector.load %arg6[%get3A_1627, %get3A_1628] : memref<1x1024xf32, #tpu.memory_space<vmem>>, vector<1x1024xf32>
    %add3A_1630 = vector.broadcast %get3A_1629 : vector<1x1024xf32> to vector<1024x1024xf32>
    %add3A_1631 = arith.addf %dot_general3A_1626, %add3A_1630 : vector<1024x1024xf32>
    %get3A_1632 = arith.constant 0 : index
    %get3A_1633 = arith.constant 7168 : index
    %get3A_1634 = vector.load %arg7[%get3A_1632, %get3A_1633] : memref<1x8192xi32, #tpu.memory_space<vmem>>, vector<1x1024xi32>
    %get3A_1635 = vector.shape_cast %get3A_1634 : vector<1x1024xi32> to vector<1024xi32>
    %eq3A_1636 = arith.constant 0 : i32
    %eq3A_1637 = vector.broadcast %eq3A_1636 : i32 to vector<1024xi32>
    %eq3A_1638 = arith.cmpi eq, %get3A_1635, %eq3A_1637 : vector<1024xi32>
    %convert_element_type3A_1639 = arith.extui %eq3A_1638 : vector<1024xi1> to vector<1024xi32>
    %convert_element_type3A_1640 = arith.sitofp %convert_element_type3A_1639 : vector<1024xi32> to vector<1024xf32>
    %broadcast_in_dim3A_1641 = vector.shape_cast %convert_element_type3A_1640 : vector<1024xf32> to vector<1024x1xf32>
    %slice3A_1642 = vector.extract_strided_slice %add3A_1631 {offsets = [0, 0], sizes = [1024, 128], strides = [1, 1]} : vector<1024x1024xf32> to vector<1024x128xf32>
    %mul3A_1643 = vector.broadcast %broadcast_in_dim3A_1641 : vector<1024x1xf32> to vector<1024x128xf32>
    %mul3A_1644 = arith.mulf %slice3A_1642, %mul3A_1643 : vector<1024x128xf32>
    %eq3A_1645 = arith.constant 1 : i32
    %eq3A_1646 = vector.broadcast %eq3A_1645 : i32 to vector<1024xi32>
    %eq3A_1647 = arith.cmpi eq, %get3A_1635, %eq3A_1646 : vector<1024xi32>
    %convert_element_type3A_1648 = arith.extui %eq3A_1647 : vector<1024xi1> to vector<1024xi32>
    %convert_element_type3A_1649 = arith.sitofp %convert_element_type3A_1648 : vector<1024xi32> to vector<1024xf32>
    %broadcast_in_dim3A_1650 = vector.shape_cast %convert_element_type3A_1649 : vector<1024xf32> to vector<1024x1xf32>
    %slice3A_1651 = vector.extract_strided_slice %add3A_1631 {offsets = [0, 128], sizes = [1024, 128], strides = [1, 1]} : vector<1024x1024xf32> to vector<1024x128xf32>
    %mul3A_1652 = vector.broadcast %broadcast_in_dim3A_1650 : vector<1024x1xf32> to vector<1024x128xf32>
    %mul3A_1653 = arith.mulf %slice3A_1651, %mul3A_1652 : vector<1024x128xf32>
    %add3A_1654 = arith.addf %mul3A_1644, %mul3A_1653 : vector<1024x128xf32>
    %eq3A_1655 = arith.constant 2 : i32
    %eq3A_1656 = vector.broadcast %eq3A_1655 : i32 to vector<1024xi32>
    %eq3A_1657 = arith.cmpi eq, %get3A_1635, %eq3A_1656 : vector<1024xi32>
    %convert_element_type3A_1658 = arith.extui %eq3A_1657 : vector<1024xi1> to vector<1024xi32>
    %convert_element_type3A_1659 = arith.sitofp %convert_element_type3A_1658 : vector<1024xi32> to vector<1024xf32>
    %broadcast_in_dim3A_1660 = vector.shape_cast %convert_element_type3A_1659 : vector<1024xf32> to vector<1024x1xf32>
    %slice3A_1661 = vector.extract_strided_slice %add3A_1631 {offsets = [0, 256], sizes = [1024, 128], strides = [1, 1]} : vector<1024x1024xf32> to vector<1024x128xf32>
    %mul3A_1662 = vector.broadcast %broadcast_in_dim3A_1660 : vector<1024x1xf32> to vector<1024x128xf32>
    %mul3A_1663 = arith.mulf %slice3A_1661, %mul3A_1662 : vector<1024x128xf32>
    %add3A_1664 = arith.addf %add3A_1654, %mul3A_1663 : vector<1024x128xf32>
    %eq3A_1665 = arith.constant 3 : i32
    %eq3A_1666 = vector.broadcast %eq3A_1665 : i32 to vector<1024xi32>
    %eq3A_1667 = arith.cmpi eq, %get3A_1635, %eq3A_1666 : vector<1024xi32>
    %convert_element_type3A_1668 = arith.extui %eq3A_1667 : vector<1024xi1> to vector<1024xi32>
    %convert_element_type3A_1669 = arith.sitofp %convert_element_type3A_1668 : vector<1024xi32> to vector<1024xf32>
    %broadcast_in_dim3A_1670 = vector.shape_cast %convert_element_type3A_1669 : vector<1024xf32> to vector<1024x1xf32>
    %slice3A_1671 = vector.extract_strided_slice %add3A_1631 {offsets = [0, 384], sizes = [1024, 128], strides = [1, 1]} : vector<1024x1024xf32> to vector<1024x128xf32>
    %mul3A_1672 = vector.broadcast %broadcast_in_dim3A_1670 : vector<1024x1xf32> to vector<1024x128xf32>
    %mul3A_1673 = arith.mulf %slice3A_1671, %mul3A_1672 : vector<1024x128xf32>
    %add3A_1674 = arith.addf %add3A_1664, %mul3A_1673 : vector<1024x128xf32>
    %eq3A_1675 = arith.constant 4 : i32
    %eq3A_1676 = vector.broadcast %eq3A_1675 : i32 to vector<1024xi32>
    %eq3A_1677 = arith.cmpi eq, %get3A_1635, %eq3A_1676 : vector<1024xi32>
    %convert_element_type3A_1678 = arith.extui %eq3A_1677 : vector<1024xi1> to vector<1024xi32>
    %convert_element_type3A_1679 = arith.sitofp %convert_element_type3A_1678 : vector<1024xi32> to vector<1024xf32>
    %broadcast_in_dim3A_1680 = vector.shape_cast %convert_element_type3A_1679 : vector<1024xf32> to vector<1024x1xf32>
    %slice3A_1681 = vector.extract_strided_slice %add3A_1631 {offsets = [0, 512], sizes = [1024, 128], strides = [1, 1]} : vector<1024x1024xf32> to vector<1024x128xf32>
    %mul3A_1682 = vector.broadcast %broadcast_in_dim3A_1680 : vector<1024x1xf32> to vector<1024x128xf32>
    %mul3A_1683 = arith.mulf %slice3A_1681, %mul3A_1682 : vector<1024x128xf32>
    %add3A_1684 = arith.addf %add3A_1674, %mul3A_1683 : vector<1024x128xf32>
    %eq3A_1685 = arith.constant 5 : i32
    %eq3A_1686 = vector.broadcast %eq3A_1685 : i32 to vector<1024xi32>
    %eq3A_1687 = arith.cmpi eq, %get3A_1635, %eq3A_1686 : vector<1024xi32>
    %convert_element_type3A_1688 = arith.extui %eq3A_1687 : vector<1024xi1> to vector<1024xi32>
    %convert_element_type3A_1689 = arith.sitofp %convert_element_type3A_1688 : vector<1024xi32> to vector<1024xf32>
    %broadcast_in_dim3A_1690 = vector.shape_cast %convert_element_type3A_1689 : vector<1024xf32> to vector<1024x1xf32>
    %slice3A_1691 = vector.extract_strided_slice %add3A_1631 {offsets = [0, 640], sizes = [1024, 128], strides = [1, 1]} : vector<1024x1024xf32> to vector<1024x128xf32>
    %mul3A_1692 = vector.broadcast %broadcast_in_dim3A_1690 : vector<1024x1xf32> to vector<1024x128xf32>
    %mul3A_1693 = arith.mulf %slice3A_1691, %mul3A_1692 : vector<1024x128xf32>
    %add3A_1694 = arith.addf %add3A_1684, %mul3A_1693 : vector<1024x128xf32>
    %eq3A_1695 = arith.constant 6 : i32
    %eq3A_1696 = vector.broadcast %eq3A_1695 : i32 to vector<1024xi32>
    %eq3A_1697 = arith.cmpi eq, %get3A_1635, %eq3A_1696 : vector<1024xi32>
    %convert_element_type3A_1698 = arith.extui %eq3A_1697 : vector<1024xi1> to vector<1024xi32>
    %convert_element_type3A_1699 = arith.sitofp %convert_element_type3A_1698 : vector<1024xi32> to vector<1024xf32>
    %broadcast_in_dim3A_1700 = vector.shape_cast %convert_element_type3A_1699 : vector<1024xf32> to vector<1024x1xf32>
    %slice3A_1701 = vector.extract_strided_slice %add3A_1631 {offsets = [0, 768], sizes = [1024, 128], strides = [1, 1]} : vector<1024x1024xf32> to vector<1024x128xf32>
    %mul3A_1702 = vector.broadcast %broadcast_in_dim3A_1700 : vector<1024x1xf32> to vector<1024x128xf32>
    %mul3A_1703 = arith.mulf %slice3A_1701, %mul3A_1702 : vector<1024x128xf32>
    %add3A_1704 = arith.addf %add3A_1694, %mul3A_1703 : vector<1024x128xf32>
    %eq3A_1705 = arith.constant 7 : i32
    %eq3A_1706 = vector.broadcast %eq3A_1705 : i32 to vector<1024xi32>
    %eq3A_1707 = arith.cmpi eq, %get3A_1635, %eq3A_1706 : vector<1024xi32>
    %convert_element_type3A_1708 = arith.extui %eq3A_1707 : vector<1024xi1> to vector<1024xi32>
    %convert_element_type3A_1709 = arith.sitofp %convert_element_type3A_1708 : vector<1024xi32> to vector<1024xf32>
    %broadcast_in_dim3A_1710 = vector.shape_cast %convert_element_type3A_1709 : vector<1024xf32> to vector<1024x1xf32>
    %slice3A_1711 = vector.extract_strided_slice %add3A_1631 {offsets = [0, 896], sizes = [1024, 128], strides = [1, 1]} : vector<1024x1024xf32> to vector<1024x128xf32>
    %mul3A_1712 = vector.broadcast %broadcast_in_dim3A_1710 : vector<1024x1xf32> to vector<1024x128xf32>
    %mul3A_1713 = arith.mulf %slice3A_1711, %mul3A_1712 : vector<1024x128xf32>
    %add3A_1714 = arith.addf %add3A_1704, %mul3A_1713 : vector<1024x128xf32>
    %swap3A_1715 = arith.constant 1 : index
    %swap3A_1716 = arith.constant 0 : index
    %swap3A_1717 = arith.constant 0 : index
    %swap3A_1718 = vector.load %arg9[%swap3A_1715, %swap3A_1716, %swap3A_1717] : memref<2x1024x128xf32, #tpu.memory_space<vmem>>, vector<1x1024x128xf32>
    %swap3A_1719 = vector.shape_cast %swap3A_1718 : vector<1x1024x128xf32> to vector<1024x128xf32>
    %swap3A_1720 = vector.shape_cast %add3A_1714 : vector<1024x128xf32> to vector<1x1024x128xf32>
    tpu.vector_store %arg9[%swap3A_1715, %swap3A_1716, %swap3A_1717], %swap3A_1720 {strides = array<i32>} : memref<2x1024x128xf32, #tpu.memory_space<vmem>>, vector<1x1024x128xf32>,
    %dma_start3A_1721 = arith.constant 1 : i32
    %dma_start3A_1722 = arith.constant 1 : i32
    %dma_start3A_1723 = tpu.memref_slice %arg14[%dma_start3A_1722] : memref<2x!tpu.dma_semaphore, #tpu.memory_space<semaphore_mem>> -> memref<1x!tpu.dma_semaphore, #tpu.memory_space<semaphore_mem>>
    %dma_start3A_1724 = tpu.memref_squeeze %dma_start3A_1723 : memref<1x!tpu.dma_semaphore, #tpu.memory_space<semaphore_mem>> -> memref<!tpu.dma_semaphore, #tpu.memory_space<semaphore_mem>>
    %dma_start3A_1725 = arith.constant 7168 : i32
    %dma_start3A_1726 = arith.constant 0 : i32
    %dma_start3A_1727 = tpu.memref_slice %arg4[%dma_start3A_1725, %dma_start3A_1726] : memref<8192x128xf32, #tpu.memory_space<any>> -> memref<1024x128xf32, #tpu.memory_space<any>>
    %dma_start3A_1728 = arith.constant 0 : i32
    %dma_start3A_1729 = arith.constant 0 : i32
    %dma_start3A_1730 = tpu.memref_slice %arg9[%dma_start3A_1721, %dma_start3A_1728, %dma_start3A_1729] : memref<2x1024x128xf32, #tpu.memory_space<vmem>> -> memref<1x1024x128xf32, #tpu.memory_space<vmem>>
    %dma_start3A_1731 = tpu.memref_squeeze %dma_start3A_1730 : memref<1x1024x128xf32, #tpu.memory_space<vmem>> -> memref<1024x128xf32, #tpu.memory_space<vmem>>
    tpu.enqueue_dma source(%dma_start3A_1731 : memref<1024x128xf32, #tpu.memory_space<vmem>>) target(%dma_start3A_1727 : memref<1024x128xf32, #tpu.memory_space<any>>) target_semaphore(%dma_start3A_1724 : memref<!tpu.dma_semaphore, #tpu.memory_space<semaphore_mem>>)
    %dma_wait3A_1732 = arith.constant 0 : i32
    %dma_wait3A_1733 = arith.constant 0 : i32
    %dma_wait3A_1734 = tpu.memref_slice %arg14[%dma_wait3A_1733] : memref<2x!tpu.dma_semaphore, #tpu.memory_space<semaphore_mem>> -> memref<1x!tpu.dma_semaphore, #tpu.memory_space<semaphore_mem>>
    %dma_wait3A_1735 = tpu.memref_squeeze %dma_wait3A_1734 : memref<1x!tpu.dma_semaphore, #tpu.memory_space<semaphore_mem>> -> memref<!tpu.dma_semaphore, #tpu.memory_space<semaphore_mem>>
    %dma_wait3A_1736 = arith.constant 6144 : i32
    %dma_wait3A_1737 = arith.constant 0 : i32
    %dma_wait3A_1738 = tpu.memref_slice %arg4[%dma_wait3A_1736, %dma_wait3A_1737] : memref<8192x128xf32, #tpu.memory_space<any>> -> memref<1024x128xf32, #tpu.memory_space<any>>
    %dma_wait3A_1739 = arith.constant 0 : i32
    %dma_wait3A_1740 = arith.constant 0 : i32
    %dma_wait3A_1741 = tpu.memref_slice %arg9[%dma_wait3A_1732, %dma_wait3A_1739, %dma_wait3A_1740] : memref<2x1024x128xf32, #tpu.memory_space<vmem>> -> memref<1x1024x128xf32, #tpu.memory_space<vmem>>
    %dma_wait3A_1742 = tpu.memref_squeeze %dma_wait3A_1741 : memref<1x1024x128xf32, #tpu.memory_space<vmem>> -> memref<1024x128xf32, #tpu.memory_space<vmem>>
    tpu.wait_dma2 semaphore(%dma_wait3A_1735 : memref<!tpu.dma_semaphore, #tpu.memory_space<semaphore_mem>>) src(%dma_wait3A_1742 : memref<1024x128xf32, #tpu.memory_space<vmem>>) dst(%dma_wait3A_1738 : memref<1024x128xf32, #tpu.memory_space<any>>)
    %dma_wait3A_1743 = arith.constant 1 : i32
    %dma_wait3A_1744 = arith.constant 1 : i32
    %dma_wait3A_1745 = tpu.memref_slice %arg14[%dma_wait3A_1744] : memref<2x!tpu.dma_semaphore, #tpu.memory_space<semaphore_mem>> -> memref<1x!tpu.dma_semaphore, #tpu.memory_space<semaphore_mem>>
    %dma_wait3A_1746 = tpu.memref_squeeze %dma_wait3A_1745 : memref<1x!tpu.dma_semaphore, #tpu.memory_space<semaphore_mem>> -> memref<!tpu.dma_semaphore, #tpu.memory_space<semaphore_mem>>
    %dma_wait3A_1747 = arith.constant 7168 : i32
    %dma_wait3A_1748 = arith.constant 0 : i32
    %dma_wait3A_1749 = tpu.memref_slice %arg4[%dma_wait3A_1747, %dma_wait3A_1748] : memref<8192x128xf32, #tpu.memory_space<any>> -> memref<1024x128xf32, #tpu.memory_space<any>>
    %dma_wait3A_1750 = arith.constant 0 : i32
    %dma_wait3A_1751 = arith.constant 0 : i32
    %dma_wait3A_1752 = tpu.memref_slice %arg9[%dma_wait3A_1743, %dma_wait3A_1750, %dma_wait3A_1751] : memref<2x1024x128xf32, #tpu.memory_space<vmem>> -> memref<1x1024x128xf32, #tpu.memory_space<vmem>>
    %dma_wait3A_1753 = tpu.memref_squeeze %dma_wait3A_1752 : memref<1x1024x128xf32, #tpu.memory_space<vmem>> -> memref<1024x128xf32, #tpu.memory_space<vmem>>
    tpu.wait_dma2 semaphore(%dma_wait3A_1746 : memref<!tpu.dma_semaphore, #tpu.memory_space<semaphore_mem>>) src(%dma_wait3A_1753 : memref<1024x128xf32, #tpu.memory_space<vmem>>) dst(%dma_wait3A_1749 : memref<1024x128xf32, #tpu.memory_space<any>>)
    return
  }
}

</mosaic_0001>

<sc_bundles>
// kernel: kernel.4.cloned.1.call-start
scs
__scs_entry_jumppad:
0x0: {  	(pc) =	sbr.rel $0x88, $3  }
0x1: {  	(tag) =	ssettag $0x0;
	lr =	simm.s32 $0x1  }
0x2: {  	[smem:$0x3F9D] =	sst lr;
	_ =	strace $0xD0000000  }
0x3: {  	_ = 	snop  }
0x4: {  	_ = 	snop  }
0x5: {  	_ = 	snop  }
0x6: {  	_ = 	snop  }
0x7: {  	_ = 	snop  }
__scs_overlays_trampoline_lowered:
0x8: {  	[smem:$0x3FAC] =	sst s0  }
0x9: {  	[smem:$0x3FAD] =	sst s1  }
0xa: {  	[smem:$0x3FAE] =	sst s2  }
0xb: {  	[smem:$0x3FAF] =	sst s3  }
0xc: {  	[smem:$0x3FB0] =	sst s4  }
0xd: {  	[smem:$0x3FB1] =	sst s5  }
0xe: {  	[smem:$0x3FB2] =	sst s6  }
0xf: {  	[smem:$0x3FB3] =	sst s7  }
0x10: {  	[smem:$0x3FB4] =	sst s8  }
0x11: {  	[smem:$0x3FB5] =	sst s9;
	s0 =	simm.s32 @!p0 $0x0  }
0x12: {  	s1 =	sld [smem:$0x3F9B];
	s0 =	simm.s32 @p0 $0x1  }
0x13: {  	[smem:$0x3FB6] =	sst s0;
	s0 =	simm.s32 @!p1 $0x0  }
0x14: {  	s2 =	sld [smem:$0x3F9A];
	s0 =	simm.s32 @p1 $0x1  }
0x15: {  	[smem:$0x3FB7] =	sst s0;
	s0 =	simm.s32 @!p2 $0x0  }
0x16: {  	s3 =	sld [smem:$0x3FDB];
	s0 =	simm.s32 @p2 $0x1  }
0x17: {  	s4 =	simm.s32 $0x1BF5;
	[smem:$0x3FB9] =	sst s0  }
0x18: {  	s0 =	sld [smem:$0x3F9C];
	_ =	swait.ge [sflag:s4], $0x0  }
0x19: {  	s7 =	sld [smem:$0x3F9D]  }
0x1a: {  	s8 =	sadd.s32 $0xFFFFE003, lr  }
0x1b: {  	s9 =	sadd.s32 $0xFFFFFEF7, lr;
	s5 =	simm.s32 $0xFFFFFFFF;
	p2 =	slt.u32 s8, $0xFFFFF086  }
0x1c: {  	p1 =	slt.u32 s9, $0xF7A;
	s5 =	simm.s32 @!p2 $0x0  }
0x1d: {  	s5 =	simm.s32 @p1 $0x1;
	p0 =	seq.s32 s7, s2  }
0x1e: {  	s7 =	smul.u32 @!p0 $0xF7A, s2;
	p2 =	seq.s32 @!p0 s5, $0x0  }
0x1f: {  	s9 =	smul.u32 $0xF7A, s1;
	s8 =	simm.s32 @!p0 $0x1BF5;
	p2 =	por !p2, p0  }
0x20: {  	[sflag:s8] =	ssyncset.s32 @!p0 $0xFFFFF086;
	s6 =	sadd.s32 @!p0 s3, s7;
	s7 =	simm.s32 @!p0 $0x108  }
0x21: {  	s3 =	sadd.s32 s3, s9;
	s6 =	sadd.s32 @!p0 $0x88, s6;
	s7 =	simm.s32 @p2 $0x1082  }
0x22: {  	[simem:s7], [sflag:s8] =	dma.local @!p0 [hbm:s6], $0xF7A  }
0x23: {  	s9 =	sor.u32 $0xD0000000, s2;
	s6 =	simm.s32 $0x108;
	_ =	swait.ge @!p0 [sflag:s8], $0x0  }
0x24: {  	s3 =	sadd.s32 $0x88, s3;
	s6 =	simm.s32 @!p1 $0x1082;
	[sflag:s4] =	ssyncset.s32 $0xFFFFF086  }
0x25: {  	[simem:s6], [sflag:s4] =	dma.local [hbm:s3], $0xF7A  }
0x26: {  	[smem:$0x3F9D] =	sst s1;
	(tag) =	ssettag s2;
	_ =	strace s9  }
0x27: {  	s1 =	sld [smem:$0x3FAD]  }
0x28: {  	s2 =	sld [smem:$0x3FAE]  }
0x29: {  	s4 =	sld [smem:$0x3FB0]  }
0x2a: {  	p0 =	seq.s32 s5, $0x0;
	s5 =	sld [smem:$0x3FB1]  }
0x2b: {  	s6 =	sld [smem:$0x3FB2]  }
0x2c: {  	s7 =	sld [smem:$0x3FB3]  }
0x2d: {  	s3 =	simm.s32 $0x108;
	s8 =	sld [smem:$0x3FB4]  }
0x2e: {  	s3 =	simm.s32 @!p0 $0x1082;
	s9 =	sld [smem:$0x3FB5]  }
0x2f: {  	lr =	sadd.s32 s0, s3;
	s0 =	sld [smem:$0x3FAC]  }
0x30: {  	s3 =	sld [smem:$0x3FAF]  }
0x31: {  	[smem:$0x3FB8] =	sst s10  }
0x32: {  	s10 =	sld [smem:$0x3FB6];
	_ =	sdelay $0x3  }
0x33: {  	p0 =	seq.s32 s10, $0x1;
	s10 =	sld [smem:$0x3FB8];
	_ =	sdelay $0x3  }
0x34: {  	[smem:$0x3FB8] =	sst s10  }
0x35: {  	s10 =	sld [smem:$0x3FB7];
	_ =	sdelay $0x3  }
0x36: {  	p1 =	seq.s32 s10, $0x1;
	s10 =	sld [smem:$0x3FB8];
	_ =	sdelay $0x3  }
0x37: {  	[smem:$0x3FB8] =	sst s10  }
0x38: {  	s10 =	sld [smem:$0x3FB9]  }
0x39: {  	_ = 	snop;
	(pc) =	sbr.ind lr, $3  }
0x3a: {  	_ = 	snop  }
0x3b: {  	_ = 	snop  }
0x3c: {  	p2 =	seq.s32 s10, $0x1;
	s10 =	sld [smem:$0x3FB8]  }
0x3d: {  	_ =	shalt  }
0x3e: {  	_ =	shalt  }
0x3f: {  	_ =	shalt  }
0x40: {  	_ =	shalt  }
0x41: {  	_ =	shalt  }
0x42: {  	_ =	shalt  }
0x43: {  	_ =	shalt  }
0x44: {  	_ =	shalt  }
0x45: {  	_ =	shalt  }
0x46: {  	_ =	shalt  }
0x47: {  	_ =	shalt  }
0x48: {  	_ =	shalt  }
0x49: {  	_ =	shalt  }
0x4a: {  	_ =	shalt  }
0x4b: {  	_ =	shalt  }
0x4c: {  	_ =	shalt  }
0x4d: {  	_ =	shalt  }
0x4e: {  	_ =	shalt  }
0x4f: {  	_ =	shalt  }
0x50: {  	_ =	shalt  }
0x51: {  	_ =	shalt  }
0x52: {  	_ =	shalt  }
0x53: {  	_ =	shalt  }
0x54: {  	_ =	shalt  }
0x55: {  	_ =	shalt  }
0x56: {  	_ =	shalt  }
0x57: {  	_ =	shalt  }
0x58: {  	_ =	shalt  }
0x59: {  	_ =	shalt  }
0x5a: {  	_ =	shalt  }
0x5b: {  	_ =	shalt  }
0x5c: {  	_ =	shalt  }
0x5d: {  	_ =	shalt  }
0x5e: {  	_ =	shalt  }
0x5f: {  	_ =	shalt  }
0x60: {  	_ =	shalt  }
0x61: {  	_ =	shalt  }
0x62: {  	_ =	shalt  }
0x63: {  	_ =	shalt  }
0x64: {  	_ =	shalt  }
0x65: {  	_ =	shalt  }
0x66: {  	_ =	shalt  }
0x67: {  	_ =	shalt  }
0x68: {  	_ =	shalt  }
0x69: {  	_ =	shalt  }
0x6a: {  	_ =	shalt  }
0x6b: {  	_ =	shalt  }
0x6c: {  	_ =	shalt  }
0x6d: {  	_ =	shalt  }
0x6e: {  	_ =	shalt  }
0x6f: {  	_ =	shalt  }
0x70: {  	_ =	shalt  }
0x71: {  	_ =	shalt  }
0x72: {  	_ =	shalt  }
0x73: {  	_ =	shalt  }
0x74: {  	_ =	shalt  }
0x75: {  	_ =	shalt  }
0x76: {  	_ =	shalt  }
0x77: {  	_ =	shalt  }
0x78: {  	_ =	shalt  }
0x79: {  	_ =	shalt  }
0x7a: {  	_ =	shalt  }
0x7b: {  	_ =	shalt  }
0x7c: {  	_ =	shalt  }
0x7d: {  	_ =	shalt  }
0x7e: {  	_ =	shalt  }
0x7f: {  	_ =	shalt  }
0x80: {  	_ =	shalt  }
0x81: {  	_ =	shalt  }
0x82: {  	_ =	shalt  }
0x83: {  	_ =	shalt  }
0x84: {  	_ =	shalt  }
0x85: {  	_ =	shalt  }
0x86: {  	_ =	shalt  }
0x87: {  	_ =	shalt  }
.Lfunc_end0:
.L_simem_size_0:
called_computation_lowered:
.L_overlay_start_0:
0x88: {  	s2 =	sld [smem:$0x3FD9]  }
0x89: {  	s3 =	sld [smem:$0x3FFE];
	_ =	sdelay $0x1  }
0x8a: {  	s1 =	srdreg.scid  }
0x8b: {  	s0 =	sand.u32 $0x1, s1  }
0x8c: {  	s17 =	sshll.u32 s0, $0xA;
	s2 =	sadd.s32 s3, s2  }
0x8d: {  	s2 =	sadd.s32 s2, s17  }
0x8e: {  	[smem:$0x3FC4] =	sst s2  }
0x8f: {  	_ = 	snop  }
0x90: {  	s2 =	sld [smem:$0x3FD0];
	(tm) =	ssettm $0x1  }
0x91: {  	s18 =	sld [smem:$0x3FFB];
	_ =	sdelay $0x3  }
0x92: {  	_ =	strace s18  }
0x93: {  	s3 =	sld [smem:$0x3FFC];
	_ =	sdelay $0x3  }
0x94: {  	_ =	strace s3  }
0x95: {  	s3 =	sld [smem:$0x3FFD];
	_ =	sdelay $0x3  }
0x96: {  	_ =	strace s3  }
0x97: {  	_ =	strace $0x8FFFFFFF  }
0x98: {  	s19 =	sld [smem:$0x3FDB];
	_ =	sdelay $0x1  }
0x99: {  	s4 =	simm.s32 $_scs_section_size  }
0x9a: {  	s5 =	simm.s32 $_size__tile_overlayer_lowered;
	s6 =	simm.s32 $_tile_overlayer_lowered  }
0x9b: {  	s22 =	simm.s32 $0x1BFF;
	s21 =	sshll.u32 s6, $0x1;
	s3 =	sadd.s32 s4, s19  }
0x9c: {  	s7 =	simm.s32 $0x0;
	s20 =	sshll.u32 s5, $0x1;
	s5 =	sadd.s32 s21, s3  }
0x9d: {  	[timem:s7], [sflag:s22] =	dma.local [hbm:s5], s20  }
0x9e: {  	_ =	swait.ge [sflag:s22], s20  }
0x9f: {  	s4 =	ssub.s32 $0x0, s20;
	[sflag:s22] =	ssyncset.done $0x0  }
0xa0: {  	[sflag:s22] =	ssyncadd.s32 s4;
	_ =	sdelay $0x1  }
0xa1: {  	s23 =	simm.s32 $0x1B8B  }
0xa2: {  	_ =	swait.ge [sflag:s23], $0x1  }
0xa3: {  	[sflag:s23] =	ssyncset.done $0x0  }
0xa4: {  	s25 =	simm.s32 $0x1B8E;
	s24 =	sld [smem:$0x3FFE];
	[sflag:s23] =	ssyncadd.s32 $0xFFFFFFFF  }
0xa5: {  	s26 =	simm.s32 $execute0_lowered;
	[smem:$0x3FD2] =	sst s25  }
0xa6: {  	s5 =	sshll.u32 s26, $0x1;
	_ =	strace $0x80000046;
	[dreg:$0x1] =	wrdreg $0xFFFFFFFF  }
0xa7: {  	s28 =	simm.s32 $_size_execute0_lowered;
	s3 =	sadd.s32 s3, s5;
	[dreg:$0x0] =	wrdreg $0x0  }
0xa8: {  	s5 =	sshll.u32 s28, $0x1;
	[dreg:$0x2] =	wrdreg s3  }
0xa9: {  	[dreg:$0x3] =	wrdreg s5  }
0xaa: {  	[dreg:$0x4] =	wrdreg $0xC0  }
0xab: {  	_ =	task [dreg:s7], $0x5FFFF  }
0xac: {  	[dreg:$0x1] =	wrdreg $0xFFFFFFFF  }
0xad: {  	[dreg:$0x0] =	wrdreg $0x60  }
0xae: {  	[dreg:$0x2] =	wrdreg s24  }
0xaf: {  	[dreg:$0x3] =	wrdreg s2  }
0xb0: {  	[dreg:$0x4] =	wrdreg $0x9  }
0xb1: {  	_ =	task.clear_ibuf [dreg:s7], $0x5FFFF;
	_ =	strace $0x90000046  }
0xb2: {  	s29 =	simm.s32 $0x9;
	_ =	strace $0x80000048  }
0xb3: {  	_ =	swait.ge [sflag:s29], $0x1  }
0xb4: {  	[sflag:s29] =	ssyncadd.s32 $0xFFFFFFFF  }
0xb5: {  	_ =	strace $0x90000048  }
0xb6: {  	_ =	sfence  }
0xb7: {  	s30 =	sld [smem:$0x0];
	_ =	sdelay $0x2  }
0xb8: {  	s31 =	sshll.u32 s1, $0xD;
	s1 =	sshrl.u32 s1, $0x2  }
0xb9: {  	s3 =	sand.u32 $0x4000, s31;
	s1 =	sadd.s32 s1, s30  }
0xba: {  	s0 =	sor.u32 s3, s0;
	s1 =	sshll.u32 s1, $0x11  }
0xbb: {  	s0 =	sor.u32 s1, s0  }
0xbc: {  	s0 =	sadd.s32 $0x8F2B, s0  }
0xbd: {  	[sflag:s0] =	ssyncadd.remote.s32 $0x1  }
0xbe: {  	_ =	sfence.sel $0xFFFF  }
0xbf: {  	[dreg:$0x0] =	wrdreg $0xFFFFFFFF;
	(pc) =	sbr.abs _section_cstart, $3  }
0xc0: {  	[dreg:$0x1] =	wrdreg $0xFFFFFFFF  }
0xc1: {  	_ =	task.clear_ibuf [dreg:s7], $0x2FFFF;
	_ =	strace $0x9FFFFFFF  }
0xc2: {  	(tm) =	ssettm $0x7FFFFFFF  }
0xc3: {  	_ =	shalt  }
tec
execute0_lowered:
.L_overlay_start_1:
0x0: {  	(tag) =	ssettag $0x1  }
0x1: {  	s0 =	rddreg [dreg:$0x0]  }
0x2: {  	s2 =	rddreg [dreg:$0x1];
	s1 =	srdreg.scid  }
0x3: {  	s4 =	stileid.u32;
	s3 =	simm.s32 $0x0;
	s9 =	simm.s32 $0x3  }
0x4: {  	s10 =	simm.s32 $0x8100;
	s11 =	simm.s32 $0x100;
	s12 =	simm.s32 $0x1  }
0x5: {  	s13 =	simm.s32 $0x80;
	s18 =	simm.s32 $0xCB00;
	s19 =	simm.s32 $0xCB80  }
0x6: {  	s20 =	simm.s32 $0xCC00;
	s21 =	simm.s32 $0xCC80;
	s22 =	simm.s32 $0xCD00  }
0x7: {  	s23 =	simm.s32 $0xCD80;
	s24 =	simm.s32 $0xCE00;
	s25 =	simm.s32 $0xCE80  }
0x8: {  	s28 =	simm.s32 $0xCF80;
	s29 =	simm.s32 $0xD000;
	s30 =	simm.s32 $0xD080  }
0x9: {  	s31 =	simm.s32 $0xD100;
	s1 =	sand.u32 $0x1, s1;
	s4 =	sshll.u32 s4, $0x9  }
0xa: {  	[smem:$0x7FF] =	sst s3;
	s5 =	sshll.u32 s1, $0x8;
	s1 =	ssub.s32 $0x2, s1  }
0xb: {  	_ =	strace $0x80000047;
	s15 =	sor.u32 s5, s4;
	s6 =	sshrl.u32 s1, $0x1  }
0xc: {  	s4 =	sshll.u32 s15, $0x4;
	s5 =	sshrl.u32 s15, $0x3;
	s26 =	ssub.s32 s1, s6  }
0xd: {  	v0 =	vlaneseq.u32;
	s1 =	simm.s32 $0x0;
	s4 =	sadd.s32 s4, s0;
	s7 =	sadd.s32 s5, s0  }
0xe: {  	v1 =	vimm.s32 $0x2000;
	v2 =	vimm.s32 $0x4000;
	v3 =	vimm.s32 $0x6000;
	s5 =	sadd.s32 $0x20E00, s0;
	s8 =	smax.u32 s26, $0x1;
	s26 =	simm.s32 $0xCF00  }
0xf: {  	v4 =	vimm.s32 $0x8000;
	v5 =	vimm.s32 $0xA000;
	v6 =	vimm.s32 $0xC000;
	s0 =	simm.s32 $0x2;
	s6 =	sadd.s32 $0xA00, s7;
	s7 =	sadd.s32 $0xE00, s4  }
.LBB2_1:
0x10: {  	[tilespmem:s3], [sflag:$0x3] =	stream.linear.gather [hbm4b:s6+s3], $0x100, $0x38;
	[tilespmem:$0xD280] =	vst v63  }
0x11: {  	_ =	swait.ge [sflag:s9], $0x100  }
0x12: {  	[sflag:s9] =	ssyncset.done $0x0  }
0x13: {  	[sflag:s9] =	ssyncadd.s32 $0xFFFFFF00  }
0x14: {  	[tilespmem:s10], [sflag:$0x3] =	stream.linear.gather [hbm4b:s5+s3], $0x4000, $0x38;
	[tilespmem:$0xD280] =	vst v63  }
0x15: {  	_ =	swait.ge [sflag:s9], $0x4000  }
0x16: {  	[sflag:s9] =	ssyncset.done $0x0  }
0x17: {  	s4 =	simm.s32 $0x0;
	[sflag:s9] =	ssyncadd.s32 $0xFFFFC000  }
0x18: {  	[tilespmem:s11], [sflag:$0x1] =	stream.linear.gather [hbm4b:s7+s3], $0x8000, $0x38;
	[tilespmem:$0xD280] =	vst v63  }
0x19: {  	v7 =	vld [tilespmem:s4+$0x0];
	_ =	sdelay $0x3  }
0x1a: {  	s16 =	simm.s32 $0x40;
	s14 =	smov.u32 s15  }
.LBB2_2:
0x1b: {  	s17 =	sshra.s32 s16, $0x2;
	p0 =	sne.s32 s16, $0x3C0;
	s16 =	sadd.s32 $0x40, s16;
	v8 =	vshll.u32 v7, $0xD  }
.Ltmp0:
0x1c: {  	v7 =	vld [tilespmem:s17+$0x0];
	v8 =	vadd.s32 s14, v8;
	(pc) =	sbr.rel @p0 .LBB2_2-.Ltmp0, $3  }
0x1d: {  	v8 =	vadd.s32 v0, v8  }
0x1e: {  	[tilespmem:s4+$0xC100] =	vst v8;
	s4 =	smov.u32 s17;
	_ =	sdelay $0x1  }
0x1f: {  	s14 =	sadd.s32 $0x10, s14  }
0x20: {  	v7 =	vshll.u32 v7, $0xD  }
0x21: {  	v7 =	vadd.s32 s14, v7  }
0x22: {  	v7 =	vadd.s32 v0, v7  }
0x23: {  	s17 =	simm.s32 $0x0;
	[tilespmem:s4+$0xC100] =	vst v7  }
0x24: {  	v7 =	vld [tilespmem:s17+$0x0];
	_ =	sdelay $0x4  }
0x25: {  	vm0 =	vgt.s32 v7, $0x0  }
0x26: {  	v8 =	vor.u32 s15, v0;
	vm1 =	vlt.s32 v7, $0x2;
	v9 =	vsel vm0, $0x0, v1  }
0x27: {  	s14 =	simm.s32 $0xC330;
	vm11 =	vlt.s32 v7, $0x3;
	v10 =	vsel vm1, $0x4000, v1;
	v9 =	vor.u32 v8, v9  }
0x28: {  	vm12 =	vlt.s32 v7, $0x4;
	v11 =	vsel vm11, $0x6000, v2;
	v10 =	vor.u32 v8, v10;
	[tilespmem:s14+$0xFFFFFFD0] =	vst v9  }
0x29: {  	vm13 =	vlt.s32 v7, $0x5;
	v59 =	vsel vm12, $0x8000, v3;
	v58 =	vor.u32 v8, v11;
	[tilespmem:s14+$0xFFFFFFE0] =	vst v10  }
0x2a: {  	vm14 =	vlt.s32 v7, $0x6;
	v60 =	vsel vm13, $0xA000, v4;
	v61 =	vor.u32 v8, v59;
	[tilespmem:s14+$0xFFFFFFF0] =	vst v58  }
0x2b: {  	vm15 =	vlt.s32 v7, $0x7;
	v62 =	vsel vm14, $0xC000, v5;
	v11 =	vor.u32 v8, v60;
	[tilespmem:s14+$0x0] =	vst v61  }
0x2c: {  	v63 =	vsel vm15, $0xE000, v6;
	v7 =	vor.u32 v8, v62;
	[tilespmem:s14+$0x10] =	vst v11  }
0x2d: {  	[tilespmem:s14+$0x20] =	vst v7;
	v7 =	vor.u32 v8, v63  }
0x2e: {  	s16 =	simm.s32 $0x80;
	s4 =	smov.u32 s15;
	s17 =	simm.s32 $0x10;
	[tilespmem:s14+$0x30] =	vst v7  }
.LBB2_4:
0x2f: {  	p0 =	sne.s32 s16, $0x3C0;
	v7 =	vld [tilespmem:s17+$0x0];
	_ =	sdelay $0x2  }
0x30: {  	s4 =	sadd.s32 $0x10, s4  }
0x31: {  	v8 =	vor.u32 s4, v0  }
0x32: {  	vm0 =	vgt.s32 v7, $0x0;
	vm1 =	vlt.s32 v7, $0x2;
	vm2 =	vlt.s32 v7, $0x3  }
0x33: {  	v9 =	vsel vm0, $0x0, v1;
	v10 =	vsel vm1, $0x4000, v1;
	v11 =	vsel vm2, $0x6000, v2  }
0x34: {  	s14 =	sadd.s32 $0x70, s14;
	v9 =	vor.u32 v8, v9;
	v10 =	vor.u32 v8, v10;
	v11 =	vor.u32 v8, v11  }
0x35: {  	vm0 =	vlt.s32 v7, $0x4;
	vm1 =	vlt.s32 v7, $0x5;
	vm2 =	vlt.s32 v7, $0x6;
	[tilespmem:s14+$0xFFFFFFD0] =	vst v9  }
0x36: {  	v12 =	vsel vm2, $0xC000, v5;
	v9 =	vsel vm0, $0x8000, v3;
	[tilespmem:s14+$0xFFFFFFE0] =	vst v10;
	v10 =	vsel vm1, $0xA000, v4  }
.Ltmp1:
0x37: {  	v9 =	vor.u32 v8, v9;
	[tilespmem:s14+$0xFFFFFFF0] =	vst v11;
	v10 =	vor.u32 v8, v10;
	v11 =	vor.u32 v8, v12;
	(pc) =	sbr.rel @p0 .LBB2_4-.Ltmp1, $4  }
0x38: {  	vm0 =	vlt.s32 v7, $0x7;
	[tilespmem:s14+$0x0] =	vst v9  }
0x39: {  	v7 =	vsel vm0, $0xE000, v6;
	[tilespmem:s14+$0x10] =	vst v10  }
0x3a: {  	v7 =	vor.u32 v8, v7;
	[tilespmem:s14+$0x20] =	vst v11  }
0x3b: {  	s17 =	sshra.s32 s16, $0x2;
	s16 =	sadd.s32 $0x40, s16;
	[tilespmem:s14+$0x30] =	vst v7  }
0x3c: {  	v7 =	vld [tilespmem:s17+$0x0];
	_ =	sdelay $0x4  }
0x3d: {  	s4 =	sadd.s32 $0x10, s4;
	vm0 =	vgt.s32 v7, $0x0  }
0x3e: {  	v8 =	vor.u32 s4, v0;
	vm1 =	vlt.s32 v7, $0x2;
	v9 =	vsel vm0, $0x0, v1  }
0x3f: {  	s16 =	sadd.s32 $0x70, s14;
	vm11 =	vlt.s32 v7, $0x3;
	v10 =	vsel vm1, $0x4000, v1;
	v9 =	vor.u32 v8, v9  }
0x40: {  	vm12 =	vlt.s32 v7, $0x4;
	v11 =	vsel vm11, $0x6000, v2;
	v10 =	vor.u32 v8, v10;
	[tilespmem:s16+$0xFFFFFFD0] =	vst v9  }
0x41: {  	vm13 =	vlt.s32 v7, $0x5;
	v36 =	vsel vm12, $0x8000, v3;
	v35 =	vor.u32 v8, v11;
	[tilespmem:s16+$0xFFFFFFE0] =	vst v10  }
0x42: {  	vm14 =	vlt.s32 v7, $0x6;
	v37 =	vsel vm13, $0xA000, v4;
	v38 =	vor.u32 v8, v36;
	[tilespmem:s16+$0xFFFFFFF0] =	vst v35  }
0x43: {  	vm15 =	vlt.s32 v7, $0x7;
	v39 =	vsel vm14, $0xC000, v5;
	v11 =	vor.u32 v8, v37;
	[tilespmem:s16+$0x0] =	vst v38  }
0x44: {  	v40 =	vsel vm15, $0xE000, v6;
	v7 =	vor.u32 v8, v39;
	[tilespmem:s16+$0x10] =	vst v11  }
0x45: {  	[tilespmem:s16+$0x20] =	vst v7;
	v7 =	vor.u32 v8, v40  }
0x46: {  	[tilespmem:s16+$0x30] =	vst v7  }
0x47: {  	v7 =	vld [tilespmem:$0xC100]  }
0x48: {  	v8 =	vld [tilespmem:$0xC110]  }
0x49: {  	v41 =	vld [tilespmem:$0xC120]  }
0x4a: {  	v42 =	vld [tilespmem:$0xC130]  }
0x4b: {  	v11 =	vld [tilespmem:$0xC140]  }
0x4c: {  	v43 =	vld [tilespmem:$0xC170];
	[tilespmem:$0xC200] =	vst v7  }
0x4d: {  	v7 =	vld [tilespmem:$0xC150];
	[tilespmem:$0xC210] =	vst v8  }
0x4e: {  	v8 =	vld [tilespmem:$0xC160];
	[tilespmem:$0xC220] =	vst v41  }
0x4f: {  	v44 =	vld [tilespmem:$0xC180];
	[tilespmem:$0xC230] =	vst v42  }
0x50: {  	v45 =	vld [tilespmem:$0xC190];
	[tilespmem:$0xC240] =	vst v11  }
0x51: {  	v46 =	vld [tilespmem:$0xC1C0];
	[tilespmem:$0xC270] =	vst v43  }
0x52: {  	[tilespmem:$0xC250] =	vst v7;
	v7 =	vld [tilespmem:$0xC1A0]  }
0x53: {  	[tilespmem:$0xC260] =	vst v8;
	v8 =	vld [tilespmem:$0xC1B0]  }
0x54: {  	v47 =	vld [tilespmem:$0xC1D0];
	[tilespmem:$0xC280] =	vst v44  }
0x55: {  	v48 =	vld [tilespmem:$0xC1E0];
	[tilespmem:$0xC290] =	vst v45  }
0x56: {  	v49 =	vld [tilespmem:$0xC310];
	[tilespmem:$0xC2C0] =	vst v46  }
0x57: {  	[tilespmem:$0xC2A0] =	vst v7;
	v7 =	vld [tilespmem:$0xC1F0]  }
0x58: {  	[tilespmem:$0xC2B0] =	vst v8;
	v8 =	vld [tilespmem:$0xC300]  }
0x59: {  	v50 =	vld [tilespmem:$0xC320];
	[tilespmem:$0xC2D0] =	vst v47  }
0x5a: {  	v51 =	vld [tilespmem:$0xC330];
	[tilespmem:$0xC2E0] =	vst v48  }
0x5b: {  	v52 =	vld [tilespmem:$0xC360];
	[tilespmem:$0xCA90] =	vst v49  }
0x5c: {  	[tilespmem:$0xC2F0] =	vst v7;
	v7 =	vld [tilespmem:$0xC340]  }
0x5d: {  	[tilespmem:$0xCA80] =	vst v8;
	v8 =	vld [tilespmem:$0xC350]  }
0x5e: {  	v53 =	vld [tilespmem:$0xC370];
	[tilespmem:$0xCAA0] =	vst v50  }
0x5f: {  	v54 =	vld [tilespmem:$0xC380];
	[tilespmem:$0xCAB0] =	vst v51  }
0x60: {  	v55 =	vld [tilespmem:$0xC3B0];
	[tilespmem:$0xCAE0] =	vst v52  }
0x61: {  	[tilespmem:$0xCAC0] =	vst v7;
	v7 =	vld [tilespmem:$0xC390]  }
0x62: {  	[tilespmem:$0xCAD0] =	vst v8;
	v8 =	vld [tilespmem:$0xC3A0]  }
0x63: {  	v56 =	vld [tilespmem:$0xC3C0];
	[tilespmem:$0xCAF0] =	vst v53  }
0x64: {  	v57 =	vld [tilespmem:$0xC3D0];
	[tilespmem:$0xCB00] =	vst v54  }
0x65: {  	v58 =	vld [tilespmem:$0xC400];
	[tilespmem:$0xCB30] =	vst v55  }
0x66: {  	[tilespmem:$0xCB10] =	vst v7;
	v7 =	vld [tilespmem:$0xC3E0]  }
0x67: {  	[tilespmem:$0xCB20] =	vst v8;
	v8 =	vld [tilespmem:$0xC3F0]  }
0x68: {  	v59 =	vld [tilespmem:$0xC410];
	[tilespmem:$0xCB40] =	vst v56  }
0x69: {  	v60 =	vld [tilespmem:$0xC420];
	[tilespmem:$0xCB50] =	vst v57  }
0x6a: {  	v61 =	vld [tilespmem:$0xC450];
	[tilespmem:$0xCB80] =	vst v58  }
0x6b: {  	[tilespmem:$0xCB60] =	vst v7;
	v7 =	vld [tilespmem:$0xC430]  }
0x6c: {  	[tilespmem:$0xCB70] =	vst v8;
	v8 =	vld [tilespmem:$0xC440]  }
0x6d: {  	v62 =	vld [tilespmem:$0xC460];
	[tilespmem:$0xCB90] =	vst v59  }
0x6e: {  	v63 =	vld [tilespmem:$0xC470];
	[tilespmem:$0xCBA0] =	vst v60  }
0x6f: {  	v12 =	vld [tilespmem:$0xC4A0];
	[tilespmem:$0xCBD0] =	vst v61  }
0x70: {  	[tilespmem:$0xCBB0] =	vst v7;
	v7 =	vld [tilespmem:$0xC480]  }
0x71: {  	[tilespmem:$0xCBC0] =	vst v8;
	v8 =	vld [tilespmem:$0xC490]  }
0x72: {  	v13 =	vld [tilespmem:$0xC4B0];
	[tilespmem:$0xCBE0] =	vst v62  }
0x73: {  	v14 =	vld [tilespmem:$0xC4C0];
	[tilespmem:$0xCBF0] =	vst v63  }
0x74: {  	v15 =	vld [tilespmem:$0xC4F0];
	[tilespmem:$0xCC20] =	vst v12  }
0x75: {  	[tilespmem:$0xCC00] =	vst v7;
	v7 =	vld [tilespmem:$0xC4D0]  }
0x76: {  	[tilespmem:$0xCC10] =	vst v8;
	v8 =	vld [tilespmem:$0xC4E0]  }
0x77: {  	v16 =	vld [tilespmem:$0xC500];
	[tilespmem:$0xCC30] =	vst v13  }
0x78: {  	v17 =	vld [tilespmem:$0xC510];
	[tilespmem:$0xCC40] =	vst v14  }
0x79: {  	v18 =	vld [tilespmem:$0xC540];
	[tilespmem:$0xCC70] =	vst v15  }
0x7a: {  	[tilespmem:$0xCC50] =	vst v7;
	v7 =	vld [tilespmem:$0xC520]  }
0x7b: {  	[tilespmem:$0xCC60] =	vst v8;
	v8 =	vld [tilespmem:$0xC530]  }
0x7c: {  	v19 =	vld [tilespmem:$0xC550];
	[tilespmem:$0xCC80] =	vst v16  }
0x7d: {  	v20 =	vld [tilespmem:$0xC560];
	[tilespmem:$0xCC90] =	vst v17  }
0x7e: {  	v21 =	vld [tilespmem:$0xC590];
	[tilespmem:$0xCCC0] =	vst v18  }
0x7f: {  	[tilespmem:$0xCCA0] =	vst v7;
	v7 =	vld [tilespmem:$0xC570]  }
0x80: {  	[tilespmem:$0xCCB0] =	vst v8;
	v8 =	vld [tilespmem:$0xC580]  }
0x81: {  	v22 =	vld [tilespmem:$0xC5A0];
	[tilespmem:$0xCCD0] =	vst v19  }
0x82: {  	v23 =	vld [tilespmem:$0xC5B0];
	[tilespmem:$0xCCE0] =	vst v20  }
0x83: {  	v24 =	vld [tilespmem:$0xC5E0];
	[tilespmem:$0xCD10] =	vst v21  }
0x84: {  	[tilespmem:$0xCCF0] =	vst v7;
	v7 =	vld [tilespmem:$0xC5C0]  }
0x85: {  	[tilespmem:$0xCD00] =	vst v8;
	v8 =	vld [tilespmem:$0xC5D0]  }
0x86: {  	v25 =	vld [tilespmem:$0xC5F0];
	[tilespmem:$0xCD20] =	vst v22  }
0x87: {  	v26 =	vld [tilespmem:$0xC600];
	[tilespmem:$0xCD30] =	vst v23  }
0x88: {  	v27 =	vld [tilespmem:$0xC630];
	[tilespmem:$0xCD60] =	vst v24  }
0x89: {  	[tilespmem:$0xCD40] =	vst v7;
	v7 =	vld [tilespmem:$0xC610]  }
0x8a: {  	[tilespmem:$0xCD50] =	vst v8;
	v8 =	vld [tilespmem:$0xC620]  }
0x8b: {  	v28 =	vld [tilespmem:$0xC640];
	[tilespmem:$0xCD70] =	vst v25  }
0x8c: {  	v29 =	vld [tilespmem:$0xC650];
	[tilespmem:$0xCD80] =	vst v26  }
0x8d: {  	v30 =	vld [tilespmem:$0xC680];
	[tilespmem:$0xCDB0] =	vst v27  }
0x8e: {  	[tilespmem:$0xCD90] =	vst v7;
	v7 =	vld [tilespmem:$0xC660]  }
0x8f: {  	[tilespmem:$0xCDA0] =	vst v8;
	v8 =	vld [tilespmem:$0xC670]  }
0x90: {  	v31 =	vld [tilespmem:$0xC690];
	[tilespmem:$0xCDC0] =	vst v28  }
0x91: {  	v32 =	vld [tilespmem:$0xC6A0];
	[tilespmem:$0xCDD0] =	vst v29  }
0x92: {  	v33 =	vld [tilespmem:$0xC6D0];
	[tilespmem:$0xCE00] =	vst v30  }
0x93: {  	[tilespmem:$0xCDE0] =	vst v7;
	v7 =	vld [tilespmem:$0xC6B0]  }
0x94: {  	[tilespmem:$0xCDF0] =	vst v8;
	v8 =	vld [tilespmem:$0xC6C0]  }
0x95: {  	v34 =	vld [tilespmem:$0xC6E0];
	[tilespmem:$0xCE10] =	vst v31  }
0x96: {  	v35 =	vld [tilespmem:$0xC6F0];
	[tilespmem:$0xCE20] =	vst v32  }
0x97: {  	v36 =	vld [tilespmem:$0xC720];
	[tilespmem:$0xCE50] =	vst v33  }
0x98: {  	[tilespmem:$0xCE30] =	vst v7;
	v7 =	vld [tilespmem:$0xC700]  }
0x99: {  	[tilespmem:$0xCE40] =	vst v8;
	v8 =	vld [tilespmem:$0xC710]  }
0x9a: {  	v37 =	vld [tilespmem:$0xC730];
	[tilespmem:$0xCE60] =	vst v34  }
0x9b: {  	v38 =	vld [tilespmem:$0xC740];
	[tilespmem:$0xCE70] =	vst v35  }
0x9c: {  	v39 =	vld [tilespmem:$0xC770];
	[tilespmem:$0xCEA0] =	vst v36  }
0x9d: {  	[tilespmem:$0xCE80] =	vst v7;
	v7 =	vld [tilespmem:$0xC750]  }
0x9e: {  	[tilespmem:$0xCE90] =	vst v8;
	v8 =	vld [tilespmem:$0xC760]  }
0x9f: {  	v40 =	vld [tilespmem:$0xC780];
	[tilespmem:$0xCEB0] =	vst v37  }
0xa0: {  	[tilespmem:$0xCEC0] =	vst v38;
	v41 =	vld [tilespmem:$0xC790]  }
0xa1: {  	[tilespmem:$0xCEF0] =	vst v39;
	v42 =	vld [tilespmem:$0xC7C0]  }
0xa2: {  	[tilespmem:$0xCED0] =	vst v7;
	v7 =	vld [tilespmem:$0xC7A0]  }
0xa3: {  	[tilespmem:$0xCEE0] =	vst v8;
	v8 =	vld [tilespmem:$0xC7B0]  }
0xa4: {  	[tilespmem:$0xCF00] =	vst v40;
	v43 =	vld [tilespmem:$0xC7D0]  }
0xa5: {  	v44 =	vld [tilespmem:$0xC7E0];
	[tilespmem:$0xCF10] =	vst v41  }
0xa6: {  	v45 =	vld [tilespmem:$0xC810];
	[tilespmem:$0xCF40] =	vst v42  }
0xa7: {  	[tilespmem:$0xCF20] =	vst v7;
	v7 =	vld [tilespmem:$0xC7F0]  }
0xa8: {  	[tilespmem:$0xCF30] =	vst v8;
	v8 =	vld [tilespmem:$0xC800]  }
0xa9: {  	v46 =	vld [tilespmem:$0xC820];
	[tilespmem:$0xCF50] =	vst v43  }
0xaa: {  	v47 =	vld [tilespmem:$0xC830];
	[tilespmem:$0xCF60] =	vst v44  }
0xab: {  	v48 =	vld [tilespmem:$0xC860];
	[tilespmem:$0xCF90] =	vst v45  }
0xac: {  	[tilespmem:$0xCF70] =	vst v7;
	v7 =	vld [tilespmem:$0xC840]  }
0xad: {  	[tilespmem:$0xCF80] =	vst v8;
	v8 =	vld [tilespmem:$0xC850]  }
0xae: {  	v49 =	vld [tilespmem:$0xC870];
	[tilespmem:$0xCFA0] =	vst v46  }
0xaf: {  	v50 =	vld [tilespmem:$0xC880];
	[tilespmem:$0xCFB0] =	vst v47  }
0xb0: {  	v51 =	vld [tilespmem:$0xC8B0];
	[tilespmem:$0xCFE0] =	vst v48  }
0xb1: {  	[tilespmem:$0xCFC0] =	vst v7;
	v7 =	vld [tilespmem:$0xC890]  }
0xb2: {  	[tilespmem:$0xCFD0] =	vst v8;
	v8 =	vld [tilespmem:$0xC8A0]  }
0xb3: {  	v52 =	vld [tilespmem:$0xC8C0];
	[tilespmem:$0xCFF0] =	vst v49  }
0xb4: {  	v53 =	vld [tilespmem:$0xC8D0];
	[tilespmem:$0xD000] =	vst v50  }
0xb5: {  	v54 =	vld [tilespmem:$0xC900];
	[tilespmem:$0xD030] =	vst v51  }
0xb6: {  	[tilespmem:$0xD010] =	vst v7;
	v7 =	vld [tilespmem:$0xC8E0]  }
0xb7: {  	[tilespmem:$0xD020] =	vst v8;
	v8 =	vld [tilespmem:$0xC8F0]  }
0xb8: {  	v55 =	vld [tilespmem:$0xC910];
	[tilespmem:$0xD040] =	vst v52  }
0xb9: {  	v56 =	vld [tilespmem:$0xC920];
	[tilespmem:$0xD050] =	vst v53  }
0xba: {  	v57 =	vld [tilespmem:$0xC950];
	[tilespmem:$0xD080] =	vst v54  }
0xbb: {  	[tilespmem:$0xD060] =	vst v7;
	v7 =	vld [tilespmem:$0xC930]  }
0xbc: {  	[tilespmem:$0xD070] =	vst v8;
	v8 =	vld [tilespmem:$0xC940]  }
0xbd: {  	v58 =	vld [tilespmem:$0xC960];
	[tilespmem:$0xD090] =	vst v55  }
0xbe: {  	v59 =	vld [tilespmem:$0xC970];
	[tilespmem:$0xD0A0] =	vst v56  }
0xbf: {  	v60 =	vld [tilespmem:$0xC9A0];
	[tilespmem:$0xD0D0] =	vst v57  }
0xc0: {  	[tilespmem:$0xD0B0] =	vst v7;
	v7 =	vld [tilespmem:$0xC980]  }
0xc1: {  	[tilespmem:$0xD0C0] =	vst v8;
	v8 =	vld [tilespmem:$0xC990]  }
0xc2: {  	v61 =	vld [tilespmem:$0xC9B0];
	[tilespmem:$0xD0E0] =	vst v58  }
0xc3: {  	v62 =	vld [tilespmem:$0xC9C0];
	[tilespmem:$0xD0F0] =	vst v59  }
0xc4: {  	v63 =	vld [tilespmem:$0xC9F0];
	[tilespmem:$0xD120] =	vst v60  }
0xc5: {  	[tilespmem:$0xD100] =	vst v7;
	v7 =	vld [tilespmem:$0xC9D0]  }
0xc6: {  	[tilespmem:$0xD110] =	vst v8;
	v8 =	vld [tilespmem:$0xC9E0]  }
0xc7: {  	[tilespmem:$0xD130] =	vst v61  }
0xc8: {  	[tilespmem:$0xD140] =	vst v62  }
0xc9: {  	[tilespmem:$0xD170] =	vst v63  }
0xca: {  	[tilespmem:$0xD150] =	vst v7  }
0xcb: {  	[tilespmem:$0xD160] =	vst v8  }
0xcc: {  	_ =	swait.ge [sflag:s12], $0x8000  }
0xcd: {  	[sflag:s12] =	ssyncset.done $0x0  }
0xce: {  	s17 =	simm.s32 $0xC200;
	[sflag:s12] =	ssyncadd.s32 $0xFFFF8000  }
0xcf: {  	[hbm4b:s2+s13] =	stream.indirect.scatter [tilespmem:s11], [sflag:$0x2], $0x80, s17, s13, $0xb8;
	[tilespmem:$0xD280] =	vst v63  }
0xd0: {  	s14 =	simm.s32 $0xC280;
	s16 =	simm.s32 $0x4100  }
0xd1: {  	[hbm4b:s2+s13] =	stream.indirect.scatter [tilespmem:s16], [sflag:$0x2], $0x80, s14, s13, $0xb8;
	[tilespmem:$0xD280] =	vst v63  }
0xd2: {  	s17 =	simm.s32 $0xCA80  }
0xd3: {  	[hbm4b:s2+s13] =	stream.indirect.scatter [tilespmem:s10], [sflag:$0x2], $0x80, s17, s13, $0xb8;
	[tilespmem:$0xD280] =	vst v63  }
0xd4: {  	_ = 	snop  }
0xd5: {  	[hbm4b:s2+s13] =	stream.indirect.scatter [tilespmem:s10], [sflag:$0x2], $0x80, s18, s13, $0xb8;
	[tilespmem:$0xD280] =	vst v63  }
0xd6: {  	_ = 	snop  }
0xd7: {  	[hbm4b:s2+s13] =	stream.indirect.scatter [tilespmem:s10], [sflag:$0x2], $0x80, s19, s13, $0xb8;
	[tilespmem:$0xD280] =	vst v63  }
0xd8: {  	_ = 	snop  }
0xd9: {  	[hbm4b:s2+s13] =	stream.indirect.scatter [tilespmem:s10], [sflag:$0x2], $0x80, s20, s13, $0xb8;
	[tilespmem:$0xD280] =	vst v63  }
0xda: {  	_ = 	snop  }
0xdb: {  	[hbm4b:s2+s13] =	stream.indirect.scatter [tilespmem:s10], [sflag:$0x2], $0x80, s21, s13, $0xb8;
	[tilespmem:$0xD280] =	vst v63  }
0xdc: {  	_ = 	snop  }
0xdd: {  	[hbm4b:s2+s13] =	stream.indirect.scatter [tilespmem:s10], [sflag:$0x2], $0x80, s22, s13, $0xb8;
	[tilespmem:$0xD280] =	vst v63  }
0xde: {  	_ = 	snop  }
0xdf: {  	[hbm4b:s2+s13] =	stream.indirect.scatter [tilespmem:s10], [sflag:$0x2], $0x80, s23, s13, $0xb8;
	[tilespmem:$0xD280] =	vst v63  }
0xe0: {  	_ = 	snop  }
0xe1: {  	[hbm4b:s2+s13] =	stream.indirect.scatter [tilespmem:s10], [sflag:$0x2], $0x80, s24, s13, $0xb8;
	[tilespmem:$0xD280] =	vst v63  }
0xe2: {  	_ = 	snop  }
0xe3: {  	[hbm4b:s2+s13] =	stream.indirect.scatter [tilespmem:s10], [sflag:$0x2], $0x80, s25, s13, $0xb8;
	[tilespmem:$0xD280] =	vst v63  }
0xe4: {  	_ = 	snop  }
0xe5: {  	[hbm4b:s2+s13] =	stream.indirect.scatter [tilespmem:s10], [sflag:$0x2], $0x80, s26, s13, $0xb8;
	[tilespmem:$0xD280] =	vst v63  }
0xe6: {  	_ = 	snop  }
0xe7: {  	[hbm4b:s2+s13] =	stream.indirect.scatter [tilespmem:s10], [sflag:$0x2], $0x80, s28, s13, $0xb8;
	[tilespmem:$0xD280] =	vst v63  }
0xe8: {  	_ = 	snop  }
0xe9: {  	[hbm4b:s2+s13] =	stream.indirect.scatter [tilespmem:s10], [sflag:$0x2], $0x80, s29, s13, $0xb8;
	[tilespmem:$0xD280] =	vst v63  }
0xea: {  	_ = 	snop  }
0xeb: {  	[hbm4b:s2+s13] =	stream.indirect.scatter [tilespmem:s10], [sflag:$0x2], $0x80, s30, s13, $0xb8;
	[tilespmem:$0xD280] =	vst v63  }
0xec: {  	_ = 	snop  }
0xed: {  	[hbm4b:s2+s13] =	stream.indirect.scatter [tilespmem:s10], [sflag:$0x2], $0x80, s31, s13, $0xb8;
	[tilespmem:$0xD280] =	vst v63  }
0xee: {  	_ =	swait.ge [sflag:s0], $0x4000  }
0xef: {  	[sflag:s0] =	ssyncset.done $0x0  }
0xf0: {  	[sflag:s0] =	ssyncadd.s32 $0xFFFFC000  }
0xf1: {  	_ =	swait.ge [sflag:s0], $0x4000  }
0xf2: {  	[sflag:s0] =	ssyncset.done $0x0  }
0xf3: {  	[sflag:s0] =	ssyncadd.s32 $0xFFFFC000  }
0xf4: {  	_ =	swait.ge [sflag:s0], $0x4000  }
0xf5: {  	[sflag:s0] =	ssyncset.done $0x0  }
0xf6: {  	[sflag:s0] =	ssyncadd.s32 $0xFFFFC000  }
0xf7: {  	_ =	swait.ge [sflag:s0], $0x4000  }
0xf8: {  	[sflag:s0] =	ssyncset.done $0x0  }
0xf9: {  	[sflag:s0] =	ssyncadd.s32 $0xFFFFC000  }
0xfa: {  	_ =	swait.ge [sflag:s0], $0x4000  }
0xfb: {  	[sflag:s0] =	ssyncset.done $0x0  }
0xfc: {  	[sflag:s0] =	ssyncadd.s32 $0xFFFFC000  }
0xfd: {  	_ =	swait.ge [sflag:s0], $0x4000  }
0xfe: {  	[sflag:s0] =	ssyncset.done $0x0  }
0xff: {  	[sflag:s0] =	ssyncadd.s32 $0xFFFFC000  }
0x100: {  	_ =	swait.ge [sflag:s0], $0x4000  }
0x101: {  	[sflag:s0] =	ssyncset.done $0x0  }
0x102: {  	[sflag:s0] =	ssyncadd.s32 $0xFFFFC000  }
0x103: {  	_ =	swait.ge [sflag:s0], $0x4000  }
0x104: {  	[sflag:s0] =	ssyncset.done $0x0  }
0x105: {  	[sflag:s0] =	ssyncadd.s32 $0xFFFFC000  }
0x106: {  	_ =	swait.ge [sflag:s0], $0x4000  }
0x107: {  	[sflag:s0] =	ssyncset.done $0x0  }
0x108: {  	[sflag:s0] =	ssyncadd.s32 $0xFFFFC000  }
0x109: {  	_ =	swait.ge [sflag:s0], $0x4000  }
0x10a: {  	[sflag:s0] =	ssyncset.done $0x0  }
0x10b: {  	[sflag:s0] =	ssyncadd.s32 $0xFFFFC000  }
0x10c: {  	_ =	swait.ge [sflag:s0], $0x4000  }
0x10d: {  	[sflag:s0] =	ssyncset.done $0x0  }
0x10e: {  	[sflag:s0] =	ssyncadd.s32 $0xFFFFC000  }
0x10f: {  	_ =	swait.ge [sflag:s0], $0x4000  }
0x110: {  	[sflag:s0] =	ssyncset.done $0x0  }
0x111: {  	[sflag:s0] =	ssyncadd.s32 $0xFFFFC000  }
0x112: {  	_ =	swait.ge [sflag:s0], $0x4000  }
0x113: {  	[sflag:s0] =	ssyncset.done $0x0  }
0x114: {  	[sflag:s0] =	ssyncadd.s32 $0xFFFFC000  }
0x115: {  	_ =	swait.ge [sflag:s0], $0x4000  }
0x116: {  	[sflag:s0] =	ssyncset.done $0x0  }
0x117: {  	s1 =	sadd.s32 $0x1, s1;
	[sflag:s0] =	ssyncadd.s32 $0xFFFFC000  }
0x118: {  	p0 =	sne.s32 s1, s8;
	_ =	swait.ge [sflag:s0], $0x4000  }
.Ltmp2:
0x119: {  	[sflag:s0] =	ssyncset.done $0x0;
	(pc) =	sbr.rel @p0 .LBB2_1-.Ltmp2, $4  }
0x11a: {  	[sflag:s0] =	ssyncadd.s32 $0xFFFFC000  }
0x11b: {  	_ =	swait.ge [sflag:s0], $0x4000  }
0x11c: {  	[sflag:s0] =	ssyncset.done $0x0  }
0x11d: {  	[sflag:s0] =	ssyncadd.s32 $0xFFFFC000  }
0x11e: {  	_ =	sfence.sel $0x180000  }
0x11f: {  	[bflag:$0x0] =	sbarrier.arrive $0xFFFF  }
0x120: {  	_ =	strace $0x90000047  }
0x121: {  	s0 =	stileid.u32;
	[bflag:$0x2] =	sbarrier.arrive $0xFFFF  }
0x122: {  	p0 =	sne.s32 s0, $0x0;
	s0 =	rddreg [dreg:$0x2]  }
0x123: {  	s0 =	sadd.s32 @!p0 $0x100000, s0  }
0x124: {  	[sflag:s0] =	ssyncadd.tile.s32 @!p0 $0x1;
	_ =	shalt  }
.Lfunc_end2:
_tile_overlayer_lowered:
.L_overlay_start_2:
0x125: {  	(tag) =	ssettag $0x2  }
0x126: {  	s0 =	rddreg [dreg:$0x0];
	s2 =	stileid.u32  }
0x127: {  	s1 =	rddreg [dreg:$0x1];
	p0 =	sne.s32 s2, $0x0  }
0x128: {  	s3 =	rddreg [dreg:$0x2];
	[bflag:$0x3] =	sbarrier.arrive $0xFFFF;
	s2 =	simm.s32 @!p0 $0x1C03  }
0x129: {  	[timem:s3], [sflag:s2] =	dma.local @!p0 [hbm:s0], s1  }
0x12a: {  	s0 =	simm.s32 @!p0 $0x3  }
0x12b: {  	_ =	swait.ge @!p0 [sflag:s0], s1  }
0x12c: {  	s1 =	ssub.s32 @!p0 $0x0, s1;
	[sflag:s0] =	ssyncset.done @!p0 $0x0  }
0x12d: {  	[sflag:s0] =	ssyncadd.s32 @!p0 s1  }
0x12e: {  	[bflag:$0x3] =	sbarrier.arrive $0xFFFF  }
0x12f: {  	_ =	shalt  }

</sc_bundles>
